<compile_context>
chip_gen: v7x
topology: tpu7x:2x2x1
jax: 0.10.2.dev20260603
libtpu: 0.0.44.dev20260713+nightly
codegen_flags: <defaults>
</compile_context>

<pallas_src>
import jax
import jax.numpy as jnp
from jax import lax
from jax.experimental import pallas as pl
from jax.experimental.pallas import tpu as pltpu
from jax.experimental.pallas import tpu_sc as plsc

N = 10000
D = 256
E = 160000
L = 16
NC = 2
NS = 16
NW = NC * NS
C = 128
NCHUNKS = E // C
NCW = (NCHUNKS + NW - 1) // NW
JB = D // 32


def _normalize_body(z_ref, out_ref):
    z = z_ref[...]
    ss = jnp.sum(z * z, axis=1, keepdims=True)
    inv = 1.0 / jnp.maximum(jnp.sqrt(ss), 1e-8)
    zn = (z * inv).astype(jnp.bfloat16)
    lo = jax.lax.bitcast_convert_type(
        zn[:, : D // 2], jnp.uint16).astype(jnp.uint32)
    hi = jax.lax.bitcast_convert_type(
        zn[:, D // 2:], jnp.uint16).astype(jnp.uint32)
    w = lo | (hi << 16)
    out_ref[...] = jax.lax.bitcast_convert_type(w, jnp.int32)


def _normalize(z):
    return pl.pallas_call(
        _normalize_body,
        out_shape=jax.ShapeDtypeStruct((N, D // 2), jnp.int32),
    )(z)


def _sc_body(zn_hbm, src_hbm, dst_hbm, out_hbm,
             i0, i1, a0, a1, b0, b1, p_v, out_v, sem0, sem1):
    wid = lax.axis_index("s") * NC + lax.axis_index("c")
    bufs = ((i0, a0, b0, sem0), (i1, a1, b1, sem1))

    def chunk_base(k):
        ci = jnp.minimum(wid + k * NW, NCHUNKS - 1)
        return ci * C

    def issue(k, b):
        iv, av, bv, sem = bufs[b]
        cb = chunk_base(k)
        pltpu.sync_copy(src_hbm.at[pl.ds(cb, C)], iv.at[pl.ds(0, C)])
        pltpu.sync_copy(dst_hbm.at[pl.ds(cb, C)], iv.at[pl.ds(C, C)])
        pltpu.async_copy(zn_hbm.at[iv.at[pl.ds(0, C)]], av, sem)
        pltpu.async_copy(zn_hbm.at[iv.at[pl.ds(C, C)]], bv, sem)

    def wait(b):
        iv, av, bv, sem = bufs[b]
        pltpu.make_async_copy(zn_hbm.at[iv.at[pl.ds(0, C)]], av, sem).wait()
        pltpu.make_async_copy(zn_hbm.at[iv.at[pl.ds(C, C)]], bv, sem).wait()

    lanes = lax.iota(jnp.int32, L)

    def compute(k, b):
        iv, av, bv, sem = bufs[b]
        cb = chunk_base(k)

        @plsc.parallel_loop(0, C, unroll=8)
        def edge_body(e):
            prods = []
            for j in range(JB):
                va = plsc.bitcast(av[e, pl.ds(j * L, L)], jnp.bfloat16)
                vb = plsc.bitcast(bv[e, pl.ds(j * L, L)], jnp.bfloat16)
                pm = va * vb
                m_lo, m_hi = plsc.unpack(pm, format=plsc.PackFormat.INTERLEAVED)
                prods.append(m_lo + m_hi)
            while len(prods) > 1:
                prods = [a + b for a, b in zip(prods[::2], prods[1::2])]
            plsc.store_scatter(p_v, [lanes + e * (L + 1)], prods[0])

        for g in range(C // L):
            base_idx = (lanes + g * L) * (L + 1)
            acc = plsc.load_gather(p_v, [base_idx])
            for d in range(1, L):
                acc = acc + plsc.load_gather(p_v, [base_idx + d])
            sig = 1.0 / (1.0 + jnp.exp(-acc))
            out_v[pl.ds(g * L, L)] = sig

        pltpu.sync_copy(out_v, out_hbm.at[pl.ds(cb, C)])

    issue(0, 0)

    def step(i, _):
        k0 = 2 * i
        k1 = 2 * i + 1
        wait(0)
        issue(k1, 1)
        compute(k0, 0)
        wait(1)

        @pl.when(k1 < NCW - 1)
        def _():
            issue(k1 + 1, 0)

        compute(k1, 1)
        return 0

    lax.fori_loop(0, NCW // 2, step, 0)


def _sc_decode(zn, src, dst):
    mesh = plsc.VectorSubcoreMesh(core_axis_name="c", subcore_axis_name="s")
    return pl.kernel(
        _sc_body,
        out_type=jax.ShapeDtypeStruct((E,), jnp.float32),
        mesh=mesh,
        scratch_types=[
            pltpu.VMEM((2 * C,), jnp.int32),
            pltpu.VMEM((2 * C,), jnp.int32),
            pltpu.VMEM((C, D // 2), jnp.int32),
            pltpu.VMEM((C, D // 2), jnp.int32),
            pltpu.VMEM((C, D // 2), jnp.int32),
            pltpu.VMEM((C, D // 2), jnp.int32),
            pltpu.VMEM((C * (L + 1),), jnp.float32),
            pltpu.VMEM((C,), jnp.float32),
            pltpu.SemaphoreType.DMA,
            pltpu.SemaphoreType.DMA,
        ],
        compiler_params=pltpu.CompilerParams(needs_layout_passes=False),
    )(zn, src, dst)


def kernel(z, edge_index):
    src = edge_index[0].astype(jnp.int32)
    dst = edge_index[1].astype(jnp.int32)
    zn = _normalize(z)
    return _sc_decode(zn, src, dst)

# --- scband reference (transcript-rebuilt; emitter-appended) ---
"""Pipeline reference for scband-cosine-sim-hash-decoder-74105365725422 (READ-ONLY COPY).

The authoritative reference and input builder live on the scoring server;
editing this copy changes nothing except your own understanding.
"""

import jax, jax.numpy as jnp
import numpy as np


def setup_inputs(seed: int = 0) -> dict:
    key = jax.random.key(seed)
    k1, k2 = jax.random.split(key)
    z = jax.random.normal(k1, (10000, 256), dtype=jnp.float32)
    edge_index = jax.random.randint(k2, (2, 160000), 0, 10000, dtype=jnp.int64)
    return {"z": z, "edge_index": edge_index}


def reference(z, edge_index):
    # Faithful translation of CosineSimDecoder.forward (inherited by CosineSimHashDecoder)
    # a, b = z[edge_index[0]], z[edge_index[1]]
    a = jnp.take(z, edge_index[0], axis=0)
    b = jnp.take(z, edge_index[1], axis=0)
    # F.cosine_similarity(a, b, dim=1) with default eps=1e-8:
    # dot(a,b) / (max(||a||, eps) * max(||b||, eps))
    eps = 1e-8
    dot = jnp.sum(a * b, axis=1)
    na = jnp.maximum(jnp.linalg.norm(a, axis=1), eps)
    nb = jnp.maximum(jnp.linalg.norm(b, axis=1), eps)
    value = dot / (na * nb)
    # sigmoid=True default
    return jax.nn.sigmoid(value)

if __name__ == "__main__":
    import jax
    _d = setup_inputs()
    print(jax.jit(kernel)(*tuple(_d.values())))

</pallas_src>

<mosaic_0001>
#map = affine_map<(d0, d1) -> (0, 0)>
#map1 = affine_map<(d0, d1) -> (0)>
module attributes {stable_mosaic.version = 14 : i64} {
  func.func @_sc_body(%arg0: i32, %arg1: i32, %arg2: memref<10000x128xi32, #tpu.memory_space<hbm>>, %arg3: memref<160000xi32, #tpu.memory_space<hbm>>, %arg4: memref<160000xi32, #tpu.memory_space<hbm>>, %arg5: memref<160000xf32, #tpu.memory_space<hbm>>, %arg6: memref<256xi32, #tpu.memory_space<vmem>>, %arg7: memref<256xi32, #tpu.memory_space<vmem>>, %arg8: memref<128x128xi32, #tpu.memory_space<vmem>>, %arg9: memref<128x128xi32, #tpu.memory_space<vmem>>, %arg10: memref<128x128xi32, #tpu.memory_space<vmem>>, %arg11: memref<128x128xi32, #tpu.memory_space<vmem>>, %arg12: memref<2176xf32, #tpu.memory_space<vmem>>, %arg13: memref<128xf32, #tpu.memory_space<vmem>>, %arg14: memref<!tpu.dma_semaphore, #tpu.memory_space<semaphore_mem>>, %arg15: memref<!tpu.dma_semaphore, #tpu.memory_space<semaphore_mem>>) attributes {dimension_semantics = [#tpu.dimension_semantics<core_parallel>, #tpu.dimension_semantics<subcore_parallel>], iteration_bounds = array<i64: 2, 16>, scalar_prefetch = 0 : i64, scratch_operands = 10 : i64, tpu.core_type = #tpu.core_type<sc_vector_subcore>, window_params = [{transform_indices = #map}, {transform_indices = #map1}, {transform_indices = #map1}, {transform_indices = #map1}]} {
    %mul3A = arith.constant 2 : i32
    %mul3A_0 = arith.muli %arg1, %mul3A : i32
    %add3A = arith.addi %mul3A_0, %arg0 : i32
    %iota3A = tpu.iota {dimensions = array<i32: 0>} : vector<16xi32>
    %add3A_1 = arith.constant 0 : i32
    %add3A_2 = arith.addi %add3A, %add3A_1 : i32
    %min3A = arith.constant 1249 : i32
    %min3A_3 = arith.minsi %add3A_2, %min3A : i32
    %mul3A_4 = arith.constant 128 : i32
    %mul3A_5 = arith.muli %min3A_3, %mul3A_4 : i32
    "tpu.region"() ({
      %run_scoped3A = tpu.sem_alloc : memref<!tpu.dma_semaphore, #tpu.memory_space<semaphore_mem>>
      %dma_start3A_21 = arith.constant 0 : i32
      %dma_start3A_22 = tpu.memref_slice %arg6[%dma_start3A_21] : memref<256xi32, #tpu.memory_space<vmem>> -> memref<128xi32, #tpu.memory_space<vmem>>
      %dma_start3A_23 = tpu.memref_slice %arg3[%mul3A_5] : memref<160000xi32, #tpu.memory_space<hbm>> -> memref<128xi32, #tpu.memory_space<hbm>>
      %dma_start3A_24 = arith.constant 0 : i32
      %dma_start3A_25 = tpu.memref_slice %arg6[%dma_start3A_24] : memref<256xi32, #tpu.memory_space<vmem>> -> memref<128xi32, #tpu.memory_space<vmem>>
      %dma_start3A_26 = tpu.memref_slice %arg3[%mul3A_5] : memref<160000xi32, #tpu.memory_space<hbm>> -> memref<128xi32, #tpu.memory_space<hbm>>
      tpu.enqueue_dma source(%dma_start3A_26 : memref<128xi32, #tpu.memory_space<hbm>>) target(%dma_start3A_25 : memref<128xi32, #tpu.memory_space<vmem>>) target_semaphore(%run_scoped3A : memref<!tpu.dma_semaphore, #tpu.memory_space<semaphore_mem>>)
      %dma_wait3A = arith.constant 0 : i32
      %dma_wait3A_27 = tpu.memref_slice %arg6[%dma_wait3A] : memref<256xi32, #tpu.memory_space<vmem>> -> memref<128xi32, #tpu.memory_space<vmem>>
      %dma_wait3A_28 = tpu.memref_slice %arg3[%mul3A_5] : memref<160000xi32, #tpu.memory_space<hbm>> -> memref<128xi32, #tpu.memory_space<hbm>>
      %dma_wait3A_29 = arith.constant 0 : i32
      %dma_wait3A_30 = tpu.memref_slice %arg6[%dma_wait3A_29] : memref<256xi32, #tpu.memory_space<vmem>> -> memref<128xi32, #tpu.memory_space<vmem>>
      %dma_wait3A_31 = tpu.memref_slice %arg3[%mul3A_5] : memref<160000xi32, #tpu.memory_space<hbm>> -> memref<128xi32, #tpu.memory_space<hbm>>
      tpu.wait_dma2 semaphore(%run_scoped3A : memref<!tpu.dma_semaphore, #tpu.memory_space<semaphore_mem>>) src(%dma_wait3A_31 : memref<128xi32, #tpu.memory_space<hbm>>) dst(%dma_wait3A_30 : memref<128xi32, #tpu.memory_space<vmem>>)
      tpu.yield
    }) : () -> ()
    "tpu.region"() ({
      %run_scoped3A = tpu.sem_alloc : memref<!tpu.dma_semaphore, #tpu.memory_space<semaphore_mem>>
      %dma_start3A_21 = arith.constant 128 : i32
      %dma_start3A_22 = tpu.memref_slice %arg6[%dma_start3A_21] : memref<256xi32, #tpu.memory_space<vmem>> -> memref<128xi32, #tpu.memory_space<vmem>>
      %dma_start3A_23 = tpu.memref_slice %arg4[%mul3A_5] : memref<160000xi32, #tpu.memory_space<hbm>> -> memref<128xi32, #tpu.memory_space<hbm>>
      %dma_start3A_24 = arith.constant 128 : i32
      %dma_start3A_25 = tpu.memref_slice %arg6[%dma_start3A_24] : memref<256xi32, #tpu.memory_space<vmem>> -> memref<128xi32, #tpu.memory_space<vmem>>
      %dma_start3A_26 = tpu.memref_slice %arg4[%mul3A_5] : memref<160000xi32, #tpu.memory_space<hbm>> -> memref<128xi32, #tpu.memory_space<hbm>>
      tpu.enqueue_dma source(%dma_start3A_26 : memref<128xi32, #tpu.memory_space<hbm>>) target(%dma_start3A_25 : memref<128xi32, #tpu.memory_space<vmem>>) target_semaphore(%run_scoped3A : memref<!tpu.dma_semaphore, #tpu.memory_space<semaphore_mem>>)
      %dma_wait3A = arith.constant 128 : i32
      %dma_wait3A_27 = tpu.memref_slice %arg6[%dma_wait3A] : memref<256xi32, #tpu.memory_space<vmem>> -> memref<128xi32, #tpu.memory_space<vmem>>
      %dma_wait3A_28 = tpu.memref_slice %arg4[%mul3A_5] : memref<160000xi32, #tpu.memory_space<hbm>> -> memref<128xi32, #tpu.memory_space<hbm>>
      %dma_wait3A_29 = arith.constant 128 : i32
      %dma_wait3A_30 = tpu.memref_slice %arg6[%dma_wait3A_29] : memref<256xi32, #tpu.memory_space<vmem>> -> memref<128xi32, #tpu.memory_space<vmem>>
      %dma_wait3A_31 = tpu.memref_slice %arg4[%mul3A_5] : memref<160000xi32, #tpu.memory_space<hbm>> -> memref<128xi32, #tpu.memory_space<hbm>>
      tpu.wait_dma2 semaphore(%run_scoped3A : memref<!tpu.dma_semaphore, #tpu.memory_space<semaphore_mem>>) src(%dma_wait3A_31 : memref<128xi32, #tpu.memory_space<hbm>>) dst(%dma_wait3A_30 : memref<128xi32, #tpu.memory_space<vmem>>)
      tpu.yield
    }) : () -> ()
    %dma_start3A = arith.constant 0 : i32
    %dma_start3A_6 = tpu.memref_slice %arg6[%dma_start3A] : memref<256xi32, #tpu.memory_space<vmem>> -> memref<128xi32, #tpu.memory_space<vmem>>
    %dma_start3A_7 = arith.constant 0 : i32
    %dma_start3A_8 = arith.constant 0 : i32
    %dma_start3A_9 = tpu.memref_slice %arg2[%dma_start3A_7, %dma_start3A_8] : memref<10000x128xi32, #tpu.memory_space<hbm>> -> memref<10000x128xi32, #tpu.memory_space<hbm>>
    tpu.enqueue_indirect_dma source(%dma_start3A_9 : memref<10000x128xi32, #tpu.memory_space<hbm>>) target(%arg8 : memref<128x128xi32, #tpu.memory_space<vmem>>) offsets(%dma_start3A_6 : memref<128xi32, #tpu.memory_space<vmem>>) semaphore(%arg14 : memref<!tpu.dma_semaphore, #tpu.memory_space<semaphore_mem>>)
    %dma_start3A_10 = arith.constant 128 : i32
    %dma_start3A_11 = tpu.memref_slice %arg6[%dma_start3A_10] : memref<256xi32, #tpu.memory_space<vmem>> -> memref<128xi32, #tpu.memory_space<vmem>>
    %dma_start3A_12 = arith.constant 0 : i32
    %dma_start3A_13 = arith.constant 0 : i32
    %dma_start3A_14 = tpu.memref_slice %arg2[%dma_start3A_12, %dma_start3A_13] : memref<10000x128xi32, #tpu.memory_space<hbm>> -> memref<10000x128xi32, #tpu.memory_space<hbm>>
    tpu.enqueue_indirect_dma source(%dma_start3A_14 : memref<10000x128xi32, #tpu.memory_space<hbm>>) target(%arg10 : memref<128x128xi32, #tpu.memory_space<vmem>>) offsets(%dma_start3A_11 : memref<128xi32, #tpu.memory_space<vmem>>) semaphore(%arg14 : memref<!tpu.dma_semaphore, #tpu.memory_space<semaphore_mem>>)
    %scan3A = arith.constant 0 : i32
    %scan3A_15 = arith.constant 0 : i32
    %scan3A_16 = arith.constant 20 : i32
    %scan3A_17 = arith.addi %scan3A_15, %scan3A_16 : i32
    %scan3A_18 = arith.constant 1 : i32
    %scan3A_19 = scf.for %scan3A_21 = %scan3A_15 to %scan3A_17 step %scan3A_18 iter_args(%scan3A_22 = %scan3A) -> (i32)  : i32 {
      %mul3A_23 = arith.constant 2 : i32
      %mul3A_24 = arith.muli %mul3A_23, %scan3A_21 : i32
      %mul3A_25 = arith.constant 2 : i32
      %mul3A_26 = arith.muli %mul3A_25, %scan3A_21 : i32
      %add3A_27 = arith.constant 1 : i32
      %add3A_28 = arith.addi %mul3A_26, %add3A_27 : i32
      %dma_wait3A = arith.constant 0 : i32
      %dma_wait3A_29 = tpu.memref_slice %arg6[%dma_wait3A] : memref<256xi32, #tpu.memory_space<vmem>> -> memref<128xi32, #tpu.memory_space<vmem>>
      %dma_wait3A_30 = arith.constant 0 : i32
      %dma_wait3A_31 = arith.constant 0 : i32
      %dma_wait3A_32 = tpu.memref_slice %arg2[%dma_wait3A_30, %dma_wait3A_31] : memref<10000x128xi32, #tpu.memory_space<hbm>> -> memref<10000x128xi32, #tpu.memory_space<hbm>>
      tpu.wait_indirect_dma semaphore(%arg14 : memref<!tpu.dma_semaphore, #tpu.memory_space<semaphore_mem>>) src(%dma_wait3A_32 : memref<10000x128xi32, #tpu.memory_space<hbm>>) dst(%arg8 : memref<128x128xi32, #tpu.memory_space<vmem>>)
      %dma_wait3A_33 = arith.constant 128 : i32
      %dma_wait3A_34 = tpu.memref_slice %arg6[%dma_wait3A_33] : memref<256xi32, #tpu.memory_space<vmem>> -> memref<128xi32, #tpu.memory_space<vmem>>
      %dma_wait3A_35 = arith.constant 0 : i32
      %dma_wait3A_36 = arith.constant 0 : i32
      %dma_wait3A_37 = tpu.memref_slice %arg2[%dma_wait3A_35, %dma_wait3A_36] : memref<10000x128xi32, #tpu.memory_space<hbm>> -> memref<10000x128xi32, #tpu.memory_space<hbm>>
      tpu.wait_indirect_dma semaphore(%arg14 : memref<!tpu.dma_semaphore, #tpu.memory_space<semaphore_mem>>) src(%dma_wait3A_37 : memref<10000x128xi32, #tpu.memory_space<hbm>>) dst(%arg10 : memref<128x128xi32, #tpu.memory_space<vmem>>)
      %mul3A_38 = arith.constant 32 : i32
      %mul3A_39 = arith.muli %add3A_28, %mul3A_38 : i32
      %add3A_40 = arith.addi %add3A, %mul3A_39 : i32
      %min3A_41 = arith.constant 1249 : i32
      %min3A_42 = arith.minsi %add3A_40, %min3A_41 : i32
      %mul3A_43 = arith.constant 128 : i32
      %mul3A_44 = arith.muli %min3A_42, %mul3A_43 : i32
      "tpu.region"() ({
        %run_scoped3A = tpu.sem_alloc : memref<!tpu.dma_semaphore, #tpu.memory_space<semaphore_mem>>
        %dma_start3A_1586 = arith.constant 0 : i32
        %dma_start3A_1587 = tpu.memref_slice %arg7[%dma_start3A_1586] : memref<256xi32, #tpu.memory_space<vmem>> -> memref<128xi32, #tpu.memory_space<vmem>>
        %dma_start3A_1588 = tpu.memref_slice %arg3[%mul3A_44] : memref<160000xi32, #tpu.memory_space<hbm>> -> memref<128xi32, #tpu.memory_space<hbm>>
        %dma_start3A_1589 = arith.constant 0 : i32
        %dma_start3A_1590 = tpu.memref_slice %arg7[%dma_start3A_1589] : memref<256xi32, #tpu.memory_space<vmem>> -> memref<128xi32, #tpu.memory_space<vmem>>
        %dma_start3A_1591 = tpu.memref_slice %arg3[%mul3A_44] : memref<160000xi32, #tpu.memory_space<hbm>> -> memref<128xi32, #tpu.memory_space<hbm>>
        tpu.enqueue_dma source(%dma_start3A_1591 : memref<128xi32, #tpu.memory_space<hbm>>) target(%dma_start3A_1590 : memref<128xi32, #tpu.memory_space<vmem>>) target_semaphore(%run_scoped3A : memref<!tpu.dma_semaphore, #tpu.memory_space<semaphore_mem>>)
        %dma_wait3A_1592 = arith.constant 0 : i32
        %dma_wait3A_1593 = tpu.memref_slice %arg7[%dma_wait3A_1592] : memref<256xi32, #tpu.memory_space<vmem>> -> memref<128xi32, #tpu.memory_space<vmem>>
        %dma_wait3A_1594 = tpu.memref_slice %arg3[%mul3A_44] : memref<160000xi32, #tpu.memory_space<hbm>> -> memref<128xi32, #tpu.memory_space<hbm>>
        %dma_wait3A_1595 = arith.constant 0 : i32
        %dma_wait3A_1596 = tpu.memref_slice %arg7[%dma_wait3A_1595] : memref<256xi32, #tpu.memory_space<vmem>> -> memref<128xi32, #tpu.memory_space<vmem>>
        %dma_wait3A_1597 = tpu.memref_slice %arg3[%mul3A_44] : memref<160000xi32, #tpu.memory_space<hbm>> -> memref<128xi32, #tpu.memory_space<hbm>>
        tpu.wait_dma2 semaphore(%run_scoped3A : memref<!tpu.dma_semaphore, #tpu.memory_space<semaphore_mem>>) src(%dma_wait3A_1597 : memref<128xi32, #tpu.memory_space<hbm>>) dst(%dma_wait3A_1596 : memref<128xi32, #tpu.memory_space<vmem>>)
        tpu.yield
      }) : () -> ()
      "tpu.region"() ({
        %run_scoped3A = tpu.sem_alloc : memref<!tpu.dma_semaphore, #tpu.memory_space<semaphore_mem>>
        %dma_start3A_1586 = arith.constant 128 : i32
        %dma_start3A_1587 = tpu.memref_slice %arg7[%dma_start3A_1586] : memref<256xi32, #tpu.memory_space<vmem>> -> memref<128xi32, #tpu.memory_space<vmem>>
        %dma_start3A_1588 = tpu.memref_slice %arg4[%mul3A_44] : memref<160000xi32, #tpu.memory_space<hbm>> -> memref<128xi32, #tpu.memory_space<hbm>>
        %dma_start3A_1589 = arith.constant 128 : i32
        %dma_start3A_1590 = tpu.memref_slice %arg7[%dma_start3A_1589] : memref<256xi32, #tpu.memory_space<vmem>> -> memref<128xi32, #tpu.memory_space<vmem>>
        %dma_start3A_1591 = tpu.memref_slice %arg4[%mul3A_44] : memref<160000xi32, #tpu.memory_space<hbm>> -> memref<128xi32, #tpu.memory_space<hbm>>
        tpu.enqueue_dma source(%dma_start3A_1591 : memref<128xi32, #tpu.memory_space<hbm>>) target(%dma_start3A_1590 : memref<128xi32, #tpu.memory_space<vmem>>) target_semaphore(%run_scoped3A : memref<!tpu.dma_semaphore, #tpu.memory_space<semaphore_mem>>)
        %dma_wait3A_1592 = arith.constant 128 : i32
        %dma_wait3A_1593 = tpu.memref_slice %arg7[%dma_wait3A_1592] : memref<256xi32, #tpu.memory_space<vmem>> -> memref<128xi32, #tpu.memory_space<vmem>>
        %dma_wait3A_1594 = tpu.memref_slice %arg4[%mul3A_44] : memref<160000xi32, #tpu.memory_space<hbm>> -> memref<128xi32, #tpu.memory_space<hbm>>
        %dma_wait3A_1595 = arith.constant 128 : i32
        %dma_wait3A_1596 = tpu.memref_slice %arg7[%dma_wait3A_1595] : memref<256xi32, #tpu.memory_space<vmem>> -> memref<128xi32, #tpu.memory_space<vmem>>
        %dma_wait3A_1597 = tpu.memref_slice %arg4[%mul3A_44] : memref<160000xi32, #tpu.memory_space<hbm>> -> memref<128xi32, #tpu.memory_space<hbm>>
        tpu.wait_dma2 semaphore(%run_scoped3A : memref<!tpu.dma_semaphore, #tpu.memory_space<semaphore_mem>>) src(%dma_wait3A_1597 : memref<128xi32, #tpu.memory_space<hbm>>) dst(%dma_wait3A_1596 : memref<128xi32, #tpu.memory_space<vmem>>)
        tpu.yield
      }) : () -> ()
      %dma_start3A_45 = arith.constant 0 : i32
      %dma_start3A_46 = tpu.memref_slice %arg7[%dma_start3A_45] : memref<256xi32, #tpu.memory_space<vmem>> -> memref<128xi32, #tpu.memory_space<vmem>>
      %dma_start3A_47 = arith.constant 0 : i32
      %dma_start3A_48 = arith.constant 0 : i32
      %dma_start3A_49 = tpu.memref_slice %arg2[%dma_start3A_47, %dma_start3A_48] : memref<10000x128xi32, #tpu.memory_space<hbm>> -> memref<10000x128xi32, #tpu.memory_space<hbm>>
      tpu.enqueue_indirect_dma source(%dma_start3A_49 : memref<10000x128xi32, #tpu.memory_space<hbm>>) target(%arg9 : memref<128x128xi32, #tpu.memory_space<vmem>>) offsets(%dma_start3A_46 : memref<128xi32, #tpu.memory_space<vmem>>) semaphore(%arg15 : memref<!tpu.dma_semaphore, #tpu.memory_space<semaphore_mem>>)
      %dma_start3A_50 = arith.constant 128 : i32
      %dma_start3A_51 = tpu.memref_slice %arg7[%dma_start3A_50] : memref<256xi32, #tpu.memory_space<vmem>> -> memref<128xi32, #tpu.memory_space<vmem>>
      %dma_start3A_52 = arith.constant 0 : i32
      %dma_start3A_53 = arith.constant 0 : i32
      %dma_start3A_54 = tpu.memref_slice %arg2[%dma_start3A_52, %dma_start3A_53] : memref<10000x128xi32, #tpu.memory_space<hbm>> -> memref<10000x128xi32, #tpu.memory_space<hbm>>
      tpu.enqueue_indirect_dma source(%dma_start3A_54 : memref<10000x128xi32, #tpu.memory_space<hbm>>) target(%arg11 : memref<128x128xi32, #tpu.memory_space<vmem>>) offsets(%dma_start3A_51 : memref<128xi32, #tpu.memory_space<vmem>>) semaphore(%arg15 : memref<!tpu.dma_semaphore, #tpu.memory_space<semaphore_mem>>)
      %mul3A_55 = arith.constant 32 : i32
      %mul3A_56 = arith.muli %mul3A_24, %mul3A_55 : i32
      %add3A_57 = arith.addi %add3A, %mul3A_56 : i32
      %min3A_58 = arith.constant 1249 : i32
      %min3A_59 = arith.minsi %add3A_57, %min3A_58 : i32
      %mul3A_60 = arith.constant 128 : i32
      %mul3A_61 = arith.muli %min3A_59, %mul3A_60 : i32
      %parallel_loop3A = arith.constant 0 : i32
      %parallel_loop3A_62 = arith.constant 128 : i32
      %parallel_loop3A_63 = arith.constant 1 : i32
      scf.for %parallel_loop3A_1586 = %parallel_loop3A to %parallel_loop3A_62 step %parallel_loop3A_63  : i32 {
        %parallel_loop3A_1587 = arith.index_cast %parallel_loop3A_1586 : i32 to index
        %parallel_loop3A_1588 = arith.constant 0 : index
        %parallel_loop3A_1589 = tpu.vector_load %arg8[%parallel_loop3A_1587, %parallel_loop3A_1588] {strides = array<i32>} : memref<128x128xi32, #tpu.memory_space<vmem>>, vector<16xi32>,
        %parallel_loop3A_1590 = vector.bitcast %parallel_loop3A_1589 : vector<16xi32> to vector<32xbf16>
        %parallel_loop3A_1591 = arith.index_cast %parallel_loop3A_1586 : i32 to index
        %parallel_loop3A_1592 = arith.constant 0 : index
        %parallel_loop3A_1593 = tpu.vector_load %arg10[%parallel_loop3A_1591, %parallel_loop3A_1592] {strides = array<i32>} : memref<128x128xi32, #tpu.memory_space<vmem>>, vector<16xi32>,
        %parallel_loop3A_1594 = vector.bitcast %parallel_loop3A_1593 : vector<16xi32> to vector<32xbf16>
        %parallel_loop3A_1595 = arith.mulf %parallel_loop3A_1590, %parallel_loop3A_1594 : vector<32xbf16>
        %parallel_loop3A_1596 = tpu.unpack_subelements %parallel_loop3A_1595, 0 {pack_format = #tpu.pack_format<interleaved>} : vector<32xbf16> -> vector<16xf32>
        %parallel_loop3A_1597 = tpu.unpack_subelements %parallel_loop3A_1595, 1 {pack_format = #tpu.pack_format<interleaved>} : vector<32xbf16> -> vector<16xf32>
        %parallel_loop3A_1598 = arith.addf %parallel_loop3A_1596, %parallel_loop3A_1597 : vector<16xf32>
        %parallel_loop3A_1599 = arith.index_cast %parallel_loop3A_1586 : i32 to index
        %parallel_loop3A_1600 = arith.constant 16 : index
        %parallel_loop3A_1601 = tpu.vector_load %arg8[%parallel_loop3A_1599, %parallel_loop3A_1600] {strides = array<i32>} : memref<128x128xi32, #tpu.memory_space<vmem>>, vector<16xi32>,
        %parallel_loop3A_1602 = vector.bitcast %parallel_loop3A_1601 : vector<16xi32> to vector<32xbf16>
        %parallel_loop3A_1603 = arith.index_cast %parallel_loop3A_1586 : i32 to index
        %parallel_loop3A_1604 = arith.constant 16 : index
        %parallel_loop3A_1605 = tpu.vector_load %arg10[%parallel_loop3A_1603, %parallel_loop3A_1604] {strides = array<i32>} : memref<128x128xi32, #tpu.memory_space<vmem>>, vector<16xi32>,
        %parallel_loop3A_1606 = vector.bitcast %parallel_loop3A_1605 : vector<16xi32> to vector<32xbf16>
        %parallel_loop3A_1607 = arith.mulf %parallel_loop3A_1602, %parallel_loop3A_1606 : vector<32xbf16>
        %parallel_loop3A_1608 = tpu.unpack_subelements %parallel_loop3A_1607, 0 {pack_format = #tpu.pack_format<interleaved>} : vector<32xbf16> -> vector<16xf32>
        %parallel_loop3A_1609 = tpu.unpack_subelements %parallel_loop3A_1607, 1 {pack_format = #tpu.pack_format<interleaved>} : vector<32xbf16> -> vector<16xf32>
        %parallel_loop3A_1610 = arith.addf %parallel_loop3A_1608, %parallel_loop3A_1609 : vector<16xf32>
        %parallel_loop3A_1611 = arith.index_cast %parallel_loop3A_1586 : i32 to index
        %parallel_loop3A_1612 = arith.constant 32 : index
        %parallel_loop3A_1613 = tpu.vector_load %arg8[%parallel_loop3A_1611, %parallel_loop3A_1612] {strides = array<i32>} : memref<128x128xi32, #tpu.memory_space<vmem>>, vector<16xi32>,
        %parallel_loop3A_1614 = vector.bitcast %parallel_loop3A_1613 : vector<16xi32> to vector<32xbf16>
        %parallel_loop3A_1615 = arith.index_cast %parallel_loop3A_1586 : i32 to index
        %parallel_loop3A_1616 = arith.constant 32 : index
        %parallel_loop3A_1617 = tpu.vector_load %arg10[%parallel_loop3A_1615, %parallel_loop3A_1616] {strides = array<i32>} : memref<128x128xi32, #tpu.memory_space<vmem>>, vector<16xi32>,
        %parallel_loop3A_1618 = vector.bitcast %parallel_loop3A_1617 : vector<16xi32> to vector<32xbf16>
        %parallel_loop3A_1619 = arith.mulf %parallel_loop3A_1614, %parallel_loop3A_1618 : vector<32xbf16>
        %parallel_loop3A_1620 = tpu.unpack_subelements %parallel_loop3A_1619, 0 {pack_format = #tpu.pack_format<interleaved>} : vector<32xbf16> -> vector<16xf32>
        %parallel_loop3A_1621 = tpu.unpack_subelements %parallel_loop3A_1619, 1 {pack_format = #tpu.pack_format<interleaved>} : vector<32xbf16> -> vector<16xf32>
        %parallel_loop3A_1622 = arith.addf %parallel_loop3A_1620, %parallel_loop3A_1621 : vector<16xf32>
        %parallel_loop3A_1623 = arith.index_cast %parallel_loop3A_1586 : i32 to index
        %parallel_loop3A_1624 = arith.constant 48 : index
        %parallel_loop3A_1625 = tpu.vector_load %arg8[%parallel_loop3A_1623, %parallel_loop3A_1624] {strides = array<i32>} : memref<128x128xi32, #tpu.memory_space<vmem>>, vector<16xi32>,
        %parallel_loop3A_1626 = vector.bitcast %parallel_loop3A_1625 : vector<16xi32> to vector<32xbf16>
        %parallel_loop3A_1627 = arith.index_cast %parallel_loop3A_1586 : i32 to index
        %parallel_loop3A_1628 = arith.constant 48 : index
        %parallel_loop3A_1629 = tpu.vector_load %arg10[%parallel_loop3A_1627, %parallel_loop3A_1628] {strides = array<i32>} : memref<128x128xi32, #tpu.memory_space<vmem>>, vector<16xi32>,
        %parallel_loop3A_1630 = vector.bitcast %parallel_loop3A_1629 : vector<16xi32> to vector<32xbf16>
        %parallel_loop3A_1631 = arith.mulf %parallel_loop3A_1626, %parallel_loop3A_1630 : vector<32xbf16>
        %parallel_loop3A_1632 = tpu.unpack_subelements %parallel_loop3A_1631, 0 {pack_format = #tpu.pack_format<interleaved>} : vector<32xbf16> -> vector<16xf32>
        %parallel_loop3A_1633 = tpu.unpack_subelements %parallel_loop3A_1631, 1 {pack_format = #tpu.pack_format<interleaved>} : vector<32xbf16> -> vector<16xf32>
        %parallel_loop3A_1634 = arith.addf %parallel_loop3A_1632, %parallel_loop3A_1633 : vector<16xf32>
        %parallel_loop3A_1635 = arith.index_cast %parallel_loop3A_1586 : i32 to index
        %parallel_loop3A_1636 = arith.constant 64 : index
        %parallel_loop3A_1637 = tpu.vector_load %arg8[%parallel_loop3A_1635, %parallel_loop3A_1636] {strides = array<i32>} : memref<128x128xi32, #tpu.memory_space<vmem>>, vector<16xi32>,
        %parallel_loop3A_1638 = vector.bitcast %parallel_loop3A_1637 : vector<16xi32> to vector<32xbf16>
        %parallel_loop3A_1639 = arith.index_cast %parallel_loop3A_1586 : i32 to index
        %parallel_loop3A_1640 = arith.constant 64 : index
        %parallel_loop3A_1641 = tpu.vector_load %arg10[%parallel_loop3A_1639, %parallel_loop3A_1640] {strides = array<i32>} : memref<128x128xi32, #tpu.memory_space<vmem>>, vector<16xi32>,
        %parallel_loop3A_1642 = vector.bitcast %parallel_loop3A_1641 : vector<16xi32> to vector<32xbf16>
        %parallel_loop3A_1643 = arith.mulf %parallel_loop3A_1638, %parallel_loop3A_1642 : vector<32xbf16>
        %parallel_loop3A_1644 = tpu.unpack_subelements %parallel_loop3A_1643, 0 {pack_format = #tpu.pack_format<interleaved>} : vector<32xbf16> -> vector<16xf32>
        %parallel_loop3A_1645 = tpu.unpack_subelements %parallel_loop3A_1643, 1 {pack_format = #tpu.pack_format<interleaved>} : vector<32xbf16> -> vector<16xf32>
        %parallel_loop3A_1646 = arith.addf %parallel_loop3A_1644, %parallel_loop3A_1645 : vector<16xf32>
        %parallel_loop3A_1647 = arith.index_cast %parallel_loop3A_1586 : i32 to index
        %parallel_loop3A_1648 = arith.constant 80 : index
        %parallel_loop3A_1649 = tpu.vector_load %arg8[%parallel_loop3A_1647, %parallel_loop3A_1648] {strides = array<i32>} : memref<128x128xi32, #tpu.memory_space<vmem>>, vector<16xi32>,
        %parallel_loop3A_1650 = vector.bitcast %parallel_loop3A_1649 : vector<16xi32> to vector<32xbf16>
        %parallel_loop3A_1651 = arith.index_cast %parallel_loop3A_1586 : i32 to index
        %parallel_loop3A_1652 = arith.constant 80 : index
        %parallel_loop3A_1653 = tpu.vector_load %arg10[%parallel_loop3A_1651, %parallel_loop3A_1652] {strides = array<i32>} : memref<128x128xi32, #tpu.memory_space<vmem>>, vector<16xi32>,
        %parallel_loop3A_1654 = vector.bitcast %parallel_loop3A_1653 : vector<16xi32> to vector<32xbf16>
        %parallel_loop3A_1655 = arith.mulf %parallel_loop3A_1650, %parallel_loop3A_1654 : vector<32xbf16>
        %parallel_loop3A_1656 = tpu.unpack_subelements %parallel_loop3A_1655, 0 {pack_format = #tpu.pack_format<interleaved>} : vector<32xbf16> -> vector<16xf32>
        %parallel_loop3A_1657 = tpu.unpack_subelements %parallel_loop3A_1655, 1 {pack_format = #tpu.pack_format<interleaved>} : vector<32xbf16> -> vector<16xf32>
        %parallel_loop3A_1658 = arith.addf %parallel_loop3A_1656, %parallel_loop3A_1657 : vector<16xf32>
        %parallel_loop3A_1659 = arith.index_cast %parallel_loop3A_1586 : i32 to index
        %parallel_loop3A_1660 = arith.constant 96 : index
        %parallel_loop3A_1661 = tpu.vector_load %arg8[%parallel_loop3A_1659, %parallel_loop3A_1660] {strides = array<i32>} : memref<128x128xi32, #tpu.memory_space<vmem>>, vector<16xi32>,
        %parallel_loop3A_1662 = vector.bitcast %parallel_loop3A_1661 : vector<16xi32> to vector<32xbf16>
        %parallel_loop3A_1663 = arith.index_cast %parallel_loop3A_1586 : i32 to index
        %parallel_loop3A_1664 = arith.constant 96 : index
        %parallel_loop3A_1665 = tpu.vector_load %arg10[%parallel_loop3A_1663, %parallel_loop3A_1664] {strides = array<i32>} : memref<128x128xi32, #tpu.memory_space<vmem>>, vector<16xi32>,
        %parallel_loop3A_1666 = vector.bitcast %parallel_loop3A_1665 : vector<16xi32> to vector<32xbf16>
        %parallel_loop3A_1667 = arith.mulf %parallel_loop3A_1662, %parallel_loop3A_1666 : vector<32xbf16>
        %parallel_loop3A_1668 = tpu.unpack_subelements %parallel_loop3A_1667, 0 {pack_format = #tpu.pack_format<interleaved>} : vector<32xbf16> -> vector<16xf32>
        %parallel_loop3A_1669 = tpu.unpack_subelements %parallel_loop3A_1667, 1 {pack_format = #tpu.pack_format<interleaved>} : vector<32xbf16> -> vector<16xf32>
        %parallel_loop3A_1670 = arith.addf %parallel_loop3A_1668, %parallel_loop3A_1669 : vector<16xf32>
        %parallel_loop3A_1671 = arith.index_cast %parallel_loop3A_1586 : i32 to index
        %parallel_loop3A_1672 = arith.constant 112 : index
        %parallel_loop3A_1673 = tpu.vector_load %arg8[%parallel_loop3A_1671, %parallel_loop3A_1672] {strides = array<i32>} : memref<128x128xi32, #tpu.memory_space<vmem>>, vector<16xi32>,
        %parallel_loop3A_1674 = vector.bitcast %parallel_loop3A_1673 : vector<16xi32> to vector<32xbf16>
        %parallel_loop3A_1675 = arith.index_cast %parallel_loop3A_1586 : i32 to index
        %parallel_loop3A_1676 = arith.constant 112 : index
        %parallel_loop3A_1677 = tpu.vector_load %arg10[%parallel_loop3A_1675, %parallel_loop3A_1676] {strides = array<i32>} : memref<128x128xi32, #tpu.memory_space<vmem>>, vector<16xi32>,
        %parallel_loop3A_1678 = vector.bitcast %parallel_loop3A_1677 : vector<16xi32> to vector<32xbf16>
        %parallel_loop3A_1679 = arith.mulf %parallel_loop3A_1674, %parallel_loop3A_1678 : vector<32xbf16>
        %parallel_loop3A_1680 = tpu.unpack_subelements %parallel_loop3A_1679, 0 {pack_format = #tpu.pack_format<interleaved>} : vector<32xbf16> -> vector<16xf32>
        %parallel_loop3A_1681 = tpu.unpack_subelements %parallel_loop3A_1679, 1 {pack_format = #tpu.pack_format<interleaved>} : vector<32xbf16> -> vector<16xf32>
        %parallel_loop3A_1682 = arith.addf %parallel_loop3A_1680, %parallel_loop3A_1681 : vector<16xf32>
        %parallel_loop3A_1683 = arith.addf %parallel_loop3A_1598, %parallel_loop3A_1610 : vector<16xf32>
        %parallel_loop3A_1684 = arith.addf %parallel_loop3A_1622, %parallel_loop3A_1634 : vector<16xf32>
        %parallel_loop3A_1685 = arith.addf %parallel_loop3A_1646, %parallel_loop3A_1658 : vector<16xf32>
        %parallel_loop3A_1686 = arith.addf %parallel_loop3A_1670, %parallel_loop3A_1682 : vector<16xf32>
        %parallel_loop3A_1687 = arith.addf %parallel_loop3A_1683, %parallel_loop3A_1684 : vector<16xf32>
        %parallel_loop3A_1688 = arith.addf %parallel_loop3A_1685, %parallel_loop3A_1686 : vector<16xf32>
        %parallel_loop3A_1689 = arith.addf %parallel_loop3A_1687, %parallel_loop3A_1688 : vector<16xf32>
        %parallel_loop3A_1690 = arith.constant 17 : i32
        %parallel_loop3A_1691 = arith.muli %parallel_loop3A_1586, %parallel_loop3A_1690 : i32
        %parallel_loop3A_1692 = vector.broadcast %parallel_loop3A_1691 : i32 to vector<16xi32>
        %parallel_loop3A_1693 = arith.addi %iota3A, %parallel_loop3A_1692 : vector<16xi32>
        tpu.vector_store_idx %arg12[%parallel_loop3A_1693], %parallel_loop3A_1689 : memref<2176xf32, #tpu.memory_space<vmem>>[vector<16xi32>], vector<16xf32>,
      } {sc.loop_unroll_factor = 8 : i64, sc.parallel_access}
      %add3A_64 = arith.constant 0 : i32
      %add3A_65 = vector.broadcast %add3A_64 : i32 to vector<16xi32>
      %add3A_66 = arith.addi %iota3A, %add3A_65 : vector<16xi32>
      %mul3A_67 = arith.constant 17 : i32
      %mul3A_68 = vector.broadcast %mul3A_67 : i32 to vector<16xi32>
      %mul3A_69 = arith.muli %add3A_66, %mul3A_68 : vector<16xi32>
      %gather3A = tpu.vector_load_idx %arg12[%mul3A_69] : memref<2176xf32, #tpu.memory_space<vmem>>[vector<16xi32>], vector<16xf32>,
      %add3A_70 = arith.constant 1 : i32
      %add3A_71 = vector.broadcast %add3A_70 : i32 to vector<16xi32>
      %add3A_72 = arith.addi %mul3A_69, %add3A_71 : vector<16xi32>
      %gather3A_73 = tpu.vector_load_idx %arg12[%add3A_72] : memref<2176xf32, #tpu.memory_space<vmem>>[vector<16xi32>], vector<16xf32>,
      %add3A_74 = arith.addf %gather3A, %gather3A_73 : vector<16xf32>
      %add3A_75 = arith.constant 2 : i32
      %add3A_76 = vector.broadcast %add3A_75 : i32 to vector<16xi32>
      %add3A_77 = arith.addi %mul3A_69, %add3A_76 : vector<16xi32>
      %gather3A_78 = tpu.vector_load_idx %arg12[%add3A_77] : memref<2176xf32, #tpu.memory_space<vmem>>[vector<16xi32>], vector<16xf32>,
      %add3A_79 = arith.addf %add3A_74, %gather3A_78 : vector<16xf32>
      %add3A_80 = arith.constant 3 : i32
      %add3A_81 = vector.broadcast %add3A_80 : i32 to vector<16xi32>
      %add3A_82 = arith.addi %mul3A_69, %add3A_81 : vector<16xi32>
      %gather3A_83 = tpu.vector_load_idx %arg12[%add3A_82] : memref<2176xf32, #tpu.memory_space<vmem>>[vector<16xi32>], vector<16xf32>,
      %add3A_84 = arith.addf %add3A_79, %gather3A_83 : vector<16xf32>
      %add3A_85 = arith.constant 4 : i32
      %add3A_86 = vector.broadcast %add3A_85 : i32 to vector<16xi32>
      %add3A_87 = arith.addi %mul3A_69, %add3A_86 : vector<16xi32>
      %gather3A_88 = tpu.vector_load_idx %arg12[%add3A_87] : memref<2176xf32, #tpu.memory_space<vmem>>[vector<16xi32>], vector<16xf32>,
      %add3A_89 = arith.addf %add3A_84, %gather3A_88 : vector<16xf32>
      %add3A_90 = arith.constant 5 : i32
      %add3A_91 = vector.broadcast %add3A_90 : i32 to vector<16xi32>
      %add3A_92 = arith.addi %mul3A_69, %add3A_91 : vector<16xi32>
      %gather3A_93 = tpu.vector_load_idx %arg12[%add3A_92] : memref<2176xf32, #tpu.memory_space<vmem>>[vector<16xi32>], vector<16xf32>,
      %add3A_94 = arith.addf %add3A_89, %gather3A_93 : vector<16xf32>
      %add3A_95 = arith.constant 6 : i32
      %add3A_96 = vector.broadcast %add3A_95 : i32 to vector<16xi32>
      %add3A_97 = arith.addi %mul3A_69, %add3A_96 : vector<16xi32>
      %gather3A_98 = tpu.vector_load_idx %arg12[%add3A_97] : memref<2176xf32, #tpu.memory_space<vmem>>[vector<16xi32>], vector<16xf32>,
      %add3A_99 = arith.addf %add3A_94, %gather3A_98 : vector<16xf32>
      %add3A_100 = arith.constant 7 : i32
      %add3A_101 = vector.broadcast %add3A_100 : i32 to vector<16xi32>
      %add3A_102 = arith.addi %mul3A_69, %add3A_101 : vector<16xi32>
      %gather3A_103 = tpu.vector_load_idx %arg12[%add3A_102] : memref<2176xf32, #tpu.memory_space<vmem>>[vector<16xi32>], vector<16xf32>,
      %add3A_104 = arith.addf %add3A_99, %gather3A_103 : vector<16xf32>
      %add3A_105 = arith.constant 8 : i32
      %add3A_106 = vector.broadcast %add3A_105 : i32 to vector<16xi32>
      %add3A_107 = arith.addi %mul3A_69, %add3A_106 : vector<16xi32>
      %gather3A_108 = tpu.vector_load_idx %arg12[%add3A_107] : memref<2176xf32, #tpu.memory_space<vmem>>[vector<16xi32>], vector<16xf32>,
      %add3A_109 = arith.addf %add3A_104, %gather3A_108 : vector<16xf32>
      %add3A_110 = arith.constant 9 : i32
      %add3A_111 = vector.broadcast %add3A_110 : i32 to vector<16xi32>
      %add3A_112 = arith.addi %mul3A_69, %add3A_111 : vector<16xi32>
      %gather3A_113 = tpu.vector_load_idx %arg12[%add3A_112] : memref<2176xf32, #tpu.memory_space<vmem>>[vector<16xi32>], vector<16xf32>,
      %add3A_114 = arith.addf %add3A_109, %gather3A_113 : vector<16xf32>
      %add3A_115 = arith.constant 10 : i32
      %add3A_116 = vector.broadcast %add3A_115 : i32 to vector<16xi32>
      %add3A_117 = arith.addi %mul3A_69, %add3A_116 : vector<16xi32>
      %gather3A_118 = tpu.vector_load_idx %arg12[%add3A_117] : memref<2176xf32, #tpu.memory_space<vmem>>[vector<16xi32>], vector<16xf32>,
      %add3A_119 = arith.addf %add3A_114, %gather3A_118 : vector<16xf32>
      %add3A_120 = arith.constant 11 : i32
      %add3A_121 = vector.broadcast %add3A_120 : i32 to vector<16xi32>
      %add3A_122 = arith.addi %mul3A_69, %add3A_121 : vector<16xi32>
      %gather3A_123 = tpu.vector_load_idx %arg12[%add3A_122] : memref<2176xf32, #tpu.memory_space<vmem>>[vector<16xi32>], vector<16xf32>,
      %add3A_124 = arith.addf %add3A_119, %gather3A_123 : vector<16xf32>
      %add3A_125 = arith.constant 12 : i32
      %add3A_126 = vector.broadcast %add3A_125 : i32 to vector<16xi32>
      %add3A_127 = arith.addi %mul3A_69, %add3A_126 : vector<16xi32>
      %gather3A_128 = tpu.vector_load_idx %arg12[%add3A_127] : memref<2176xf32, #tpu.memory_space<vmem>>[vector<16xi32>], vector<16xf32>,
      %add3A_129 = arith.addf %add3A_124, %gather3A_128 : vector<16xf32>
      %add3A_130 = arith.constant 13 : i32
      %add3A_131 = vector.broadcast %add3A_130 : i32 to vector<16xi32>
      %add3A_132 = arith.addi %mul3A_69, %add3A_131 : vector<16xi32>
      %gather3A_133 = tpu.vector_load_idx %arg12[%add3A_132] : memref<2176xf32, #tpu.memory_space<vmem>>[vector<16xi32>], vector<16xf32>,
      %add3A_134 = arith.addf %add3A_129, %gather3A_133 : vector<16xf32>
      %add3A_135 = arith.constant 14 : i32
      %add3A_136 = vector.broadcast %add3A_135 : i32 to vector<16xi32>
      %add3A_137 = arith.addi %mul3A_69, %add3A_136 : vector<16xi32>
      %gather3A_138 = tpu.vector_load_idx %arg12[%add3A_137] : memref<2176xf32, #tpu.memory_space<vmem>>[vector<16xi32>], vector<16xf32>,
      %add3A_139 = arith.addf %add3A_134, %gather3A_138 : vector<16xf32>
      %add3A_140 = arith.constant 15 : i32
      %add3A_141 = vector.broadcast %add3A_140 : i32 to vector<16xi32>
      %add3A_142 = arith.addi %mul3A_69, %add3A_141 : vector<16xi32>
      %gather3A_143 = tpu.vector_load_idx %arg12[%add3A_142] : memref<2176xf32, #tpu.memory_space<vmem>>[vector<16xi32>], vector<16xf32>,
      %add3A_144 = arith.addf %add3A_139, %gather3A_143 : vector<16xf32>
      %neg3A = arith.constant 0.000000e+00 : f32
      %neg3A_145 = vector.broadcast %neg3A : f32 to vector<16xf32>
      %neg3A_146 = arith.subf %neg3A_145, %add3A_144 : vector<16xf32>
      %exp3A = math.exp %neg3A_146 : vector<16xf32>
      %add3A_147 = arith.constant 1.000000e+00 : f32
      %add3A_148 = vector.broadcast %add3A_147 : f32 to vector<16xf32>
      %add3A_149 = arith.addf %add3A_148, %exp3A : vector<16xf32>
      %div3A = arith.constant 1.000000e+00 : f32
      %div3A_150 = vector.broadcast %div3A : f32 to vector<16xf32>
      %div3A_151 = arith.divf %div3A_150, %add3A_149 : vector<16xf32>
      %swap3A = arith.constant 0 : index
      %swap3A_152 = tpu.vector_load %arg13[%swap3A] {strides = array<i32>} : memref<128xf32, #tpu.memory_space<vmem>>, vector<16xf32>,
      tpu.vector_store %arg13[%swap3A], %div3A_151 {strides = array<i32>} : memref<128xf32, #tpu.memory_space<vmem>>, vector<16xf32>,
      %add3A_153 = arith.constant 16 : i32
      %add3A_154 = vector.broadcast %add3A_153 : i32 to vector<16xi32>
      %add3A_155 = arith.addi %iota3A, %add3A_154 : vector<16xi32>
      %mul3A_156 = arith.constant 17 : i32
      %mul3A_157 = vector.broadcast %mul3A_156 : i32 to vector<16xi32>
      %mul3A_158 = arith.muli %add3A_155, %mul3A_157 : vector<16xi32>
      %gather3A_159 = tpu.vector_load_idx %arg12[%mul3A_158] : memref<2176xf32, #tpu.memory_space<vmem>>[vector<16xi32>], vector<16xf32>,
      %add3A_160 = arith.constant 1 : i32
      %add3A_161 = vector.broadcast %add3A_160 : i32 to vector<16xi32>
      %add3A_162 = arith.addi %mul3A_158, %add3A_161 : vector<16xi32>
      %gather3A_163 = tpu.vector_load_idx %arg12[%add3A_162] : memref<2176xf32, #tpu.memory_space<vmem>>[vector<16xi32>], vector<16xf32>,
      %add3A_164 = arith.addf %gather3A_159, %gather3A_163 : vector<16xf32>
      %add3A_165 = arith.constant 2 : i32
      %add3A_166 = vector.broadcast %add3A_165 : i32 to vector<16xi32>
      %add3A_167 = arith.addi %mul3A_158, %add3A_166 : vector<16xi32>
      %gather3A_168 = tpu.vector_load_idx %arg12[%add3A_167] : memref<2176xf32, #tpu.memory_space<vmem>>[vector<16xi32>], vector<16xf32>,
      %add3A_169 = arith.addf %add3A_164, %gather3A_168 : vector<16xf32>
      %add3A_170 = arith.constant 3 : i32
      %add3A_171 = vector.broadcast %add3A_170 : i32 to vector<16xi32>
      %add3A_172 = arith.addi %mul3A_158, %add3A_171 : vector<16xi32>
      %gather3A_173 = tpu.vector_load_idx %arg12[%add3A_172] : memref<2176xf32, #tpu.memory_space<vmem>>[vector<16xi32>], vector<16xf32>,
      %add3A_174 = arith.addf %add3A_169, %gather3A_173 : vector<16xf32>
      %add3A_175 = arith.constant 4 : i32
      %add3A_176 = vector.broadcast %add3A_175 : i32 to vector<16xi32>
      %add3A_177 = arith.addi %mul3A_158, %add3A_176 : vector<16xi32>
      %gather3A_178 = tpu.vector_load_idx %arg12[%add3A_177] : memref<2176xf32, #tpu.memory_space<vmem>>[vector<16xi32>], vector<16xf32>,
      %add3A_179 = arith.addf %add3A_174, %gather3A_178 : vector<16xf32>
      %add3A_180 = arith.constant 5 : i32
      %add3A_181 = vector.broadcast %add3A_180 : i32 to vector<16xi32>
      %add3A_182 = arith.addi %mul3A_158, %add3A_181 : vector<16xi32>
      %gather3A_183 = tpu.vector_load_idx %arg12[%add3A_182] : memref<2176xf32, #tpu.memory_space<vmem>>[vector<16xi32>], vector<16xf32>,
      %add3A_184 = arith.addf %add3A_179, %gather3A_183 : vector<16xf32>
      %add3A_185 = arith.constant 6 : i32
      %add3A_186 = vector.broadcast %add3A_185 : i32 to vector<16xi32>
      %add3A_187 = arith.addi %mul3A_158, %add3A_186 : vector<16xi32>
      %gather3A_188 = tpu.vector_load_idx %arg12[%add3A_187] : memref<2176xf32, #tpu.memory_space<vmem>>[vector<16xi32>], vector<16xf32>,
      %add3A_189 = arith.addf %add3A_184, %gather3A_188 : vector<16xf32>
      %add3A_190 = arith.constant 7 : i32
      %add3A_191 = vector.broadcast %add3A_190 : i32 to vector<16xi32>
      %add3A_192 = arith.addi %mul3A_158, %add3A_191 : vector<16xi32>
      %gather3A_193 = tpu.vector_load_idx %arg12[%add3A_192] : memref<2176xf32, #tpu.memory_space<vmem>>[vector<16xi32>], vector<16xf32>,
      %add3A_194 = arith.addf %add3A_189, %gather3A_193 : vector<16xf32>
      %add3A_195 = arith.constant 8 : i32
      %add3A_196 = vector.broadcast %add3A_195 : i32 to vector<16xi32>
      %add3A_197 = arith.addi %mul3A_158, %add3A_196 : vector<16xi32>
      %gather3A_198 = tpu.vector_load_idx %arg12[%add3A_197] : memref<2176xf32, #tpu.memory_space<vmem>>[vector<16xi32>], vector<16xf32>,
      %add3A_199 = arith.addf %add3A_194, %gather3A_198 : vector<16xf32>
      %add3A_200 = arith.constant 9 : i32
      %add3A_201 = vector.broadcast %add3A_200 : i32 to vector<16xi32>
      %add3A_202 = arith.addi %mul3A_158, %add3A_201 : vector<16xi32>
      %gather3A_203 = tpu.vector_load_idx %arg12[%add3A_202] : memref<2176xf32, #tpu.memory_space<vmem>>[vector<16xi32>], vector<16xf32>,
      %add3A_204 = arith.addf %add3A_199, %gather3A_203 : vector<16xf32>
      %add3A_205 = arith.constant 10 : i32
      %add3A_206 = vector.broadcast %add3A_205 : i32 to vector<16xi32>
      %add3A_207 = arith.addi %mul3A_158, %add3A_206 : vector<16xi32>
      %gather3A_208 = tpu.vector_load_idx %arg12[%add3A_207] : memref<2176xf32, #tpu.memory_space<vmem>>[vector<16xi32>], vector<16xf32>,
      %add3A_209 = arith.addf %add3A_204, %gather3A_208 : vector<16xf32>
      %add3A_210 = arith.constant 11 : i32
      %add3A_211 = vector.broadcast %add3A_210 : i32 to vector<16xi32>
      %add3A_212 = arith.addi %mul3A_158, %add3A_211 : vector<16xi32>
      %gather3A_213 = tpu.vector_load_idx %arg12[%add3A_212] : memref<2176xf32, #tpu.memory_space<vmem>>[vector<16xi32>], vector<16xf32>,
      %add3A_214 = arith.addf %add3A_209, %gather3A_213 : vector<16xf32>
      %add3A_215 = arith.constant 12 : i32
      %add3A_216 = vector.broadcast %add3A_215 : i32 to vector<16xi32>
      %add3A_217 = arith.addi %mul3A_158, %add3A_216 : vector<16xi32>
      %gather3A_218 = tpu.vector_load_idx %arg12[%add3A_217] : memref<2176xf32, #tpu.memory_space<vmem>>[vector<16xi32>], vector<16xf32>,
      %add3A_219 = arith.addf %add3A_214, %gather3A_218 : vector<16xf32>
      %add3A_220 = arith.constant 13 : i32
      %add3A_221 = vector.broadcast %add3A_220 : i32 to vector<16xi32>
      %add3A_222 = arith.addi %mul3A_158, %add3A_221 : vector<16xi32>
      %gather3A_223 = tpu.vector_load_idx %arg12[%add3A_222] : memref<2176xf32, #tpu.memory_space<vmem>>[vector<16xi32>], vector<16xf32>,
      %add3A_224 = arith.addf %add3A_219, %gather3A_223 : vector<16xf32>
      %add3A_225 = arith.constant 14 : i32
      %add3A_226 = vector.broadcast %add3A_225 : i32 to vector<16xi32>
      %add3A_227 = arith.addi %mul3A_158, %add3A_226 : vector<16xi32>
      %gather3A_228 = tpu.vector_load_idx %arg12[%add3A_227] : memref<2176xf32, #tpu.memory_space<vmem>>[vector<16xi32>], vector<16xf32>,
      %add3A_229 = arith.addf %add3A_224, %gather3A_228 : vector<16xf32>
      %add3A_230 = arith.constant 15 : i32
      %add3A_231 = vector.broadcast %add3A_230 : i32 to vector<16xi32>
      %add3A_232 = arith.addi %mul3A_158, %add3A_231 : vector<16xi32>
      %gather3A_233 = tpu.vector_load_idx %arg12[%add3A_232] : memref<2176xf32, #tpu.memory_space<vmem>>[vector<16xi32>], vector<16xf32>,
      %add3A_234 = arith.addf %add3A_229, %gather3A_233 : vector<16xf32>
      %neg3A_235 = arith.constant 0.000000e+00 : f32
      %neg3A_236 = vector.broadcast %neg3A_235 : f32 to vector<16xf32>
      %neg3A_237 = arith.subf %neg3A_236, %add3A_234 : vector<16xf32>
      %exp3A_238 = math.exp %neg3A_237 : vector<16xf32>
      %add3A_239 = arith.constant 1.000000e+00 : f32
      %add3A_240 = vector.broadcast %add3A_239 : f32 to vector<16xf32>
      %add3A_241 = arith.addf %add3A_240, %exp3A_238 : vector<16xf32>
      %div3A_242 = arith.constant 1.000000e+00 : f32
      %div3A_243 = vector.broadcast %div3A_242 : f32 to vector<16xf32>
      %div3A_244 = arith.divf %div3A_243, %add3A_241 : vector<16xf32>
      %swap3A_245 = arith.constant 16 : index
      %swap3A_246 = tpu.vector_load %arg13[%swap3A_245] {strides = array<i32>} : memref<128xf32, #tpu.memory_space<vmem>>, vector<16xf32>,
      tpu.vector_store %arg13[%swap3A_245], %div3A_244 {strides = array<i32>} : memref<128xf32, #tpu.memory_space<vmem>>, vector<16xf32>,
      %add3A_247 = arith.constant 32 : i32
      %add3A_248 = vector.broadcast %add3A_247 : i32 to vector<16xi32>
      %add3A_249 = arith.addi %iota3A, %add3A_248 : vector<16xi32>
      %mul3A_250 = arith.constant 17 : i32
      %mul3A_251 = vector.broadcast %mul3A_250 : i32 to vector<16xi32>
      %mul3A_252 = arith.muli %add3A_249, %mul3A_251 : vector<16xi32>
      %gather3A_253 = tpu.vector_load_idx %arg12[%mul3A_252] : memref<2176xf32, #tpu.memory_space<vmem>>[vector<16xi32>], vector<16xf32>,
      %add3A_254 = arith.constant 1 : i32
      %add3A_255 = vector.broadcast %add3A_254 : i32 to vector<16xi32>
      %add3A_256 = arith.addi %mul3A_252, %add3A_255 : vector<16xi32>
      %gather3A_257 = tpu.vector_load_idx %arg12[%add3A_256] : memref<2176xf32, #tpu.memory_space<vmem>>[vector<16xi32>], vector<16xf32>,
      %add3A_258 = arith.addf %gather3A_253, %gather3A_257 : vector<16xf32>
      %add3A_259 = arith.constant 2 : i32
      %add3A_260 = vector.broadcast %add3A_259 : i32 to vector<16xi32>
      %add3A_261 = arith.addi %mul3A_252, %add3A_260 : vector<16xi32>
      %gather3A_262 = tpu.vector_load_idx %arg12[%add3A_261] : memref<2176xf32, #tpu.memory_space<vmem>>[vector<16xi32>], vector<16xf32>,
      %add3A_263 = arith.addf %add3A_258, %gather3A_262 : vector<16xf32>
      %add3A_264 = arith.constant 3 : i32
      %add3A_265 = vector.broadcast %add3A_264 : i32 to vector<16xi32>
      %add3A_266 = arith.addi %mul3A_252, %add3A_265 : vector<16xi32>
      %gather3A_267 = tpu.vector_load_idx %arg12[%add3A_266] : memref<2176xf32, #tpu.memory_space<vmem>>[vector<16xi32>], vector<16xf32>,
      %add3A_268 = arith.addf %add3A_263, %gather3A_267 : vector<16xf32>
      %add3A_269 = arith.constant 4 : i32
      %add3A_270 = vector.broadcast %add3A_269 : i32 to vector<16xi32>
      %add3A_271 = arith.addi %mul3A_252, %add3A_270 : vector<16xi32>
      %gather3A_272 = tpu.vector_load_idx %arg12[%add3A_271] : memref<2176xf32, #tpu.memory_space<vmem>>[vector<16xi32>], vector<16xf32>,
      %add3A_273 = arith.addf %add3A_268, %gather3A_272 : vector<16xf32>
      %add3A_274 = arith.constant 5 : i32
      %add3A_275 = vector.broadcast %add3A_274 : i32 to vector<16xi32>
      %add3A_276 = arith.addi %mul3A_252, %add3A_275 : vector<16xi32>
      %gather3A_277 = tpu.vector_load_idx %arg12[%add3A_276] : memref<2176xf32, #tpu.memory_space<vmem>>[vector<16xi32>], vector<16xf32>,
      %add3A_278 = arith.addf %add3A_273, %gather3A_277 : vector<16xf32>
      %add3A_279 = arith.constant 6 : i32
      %add3A_280 = vector.broadcast %add3A_279 : i32 to vector<16xi32>
      %add3A_281 = arith.addi %mul3A_252, %add3A_280 : vector<16xi32>
      %gather3A_282 = tpu.vector_load_idx %arg12[%add3A_281] : memref<2176xf32, #tpu.memory_space<vmem>>[vector<16xi32>], vector<16xf32>,
      %add3A_283 = arith.addf %add3A_278, %gather3A_282 : vector<16xf32>
      %add3A_284 = arith.constant 7 : i32
      %add3A_285 = vector.broadcast %add3A_284 : i32 to vector<16xi32>
      %add3A_286 = arith.addi %mul3A_252, %add3A_285 : vector<16xi32>
      %gather3A_287 = tpu.vector_load_idx %arg12[%add3A_286] : memref<2176xf32, #tpu.memory_space<vmem>>[vector<16xi32>], vector<16xf32>,
      %add3A_288 = arith.addf %add3A_283, %gather3A_287 : vector<16xf32>
      %add3A_289 = arith.constant 8 : i32
      %add3A_290 = vector.broadcast %add3A_289 : i32 to vector<16xi32>
      %add3A_291 = arith.addi %mul3A_252, %add3A_290 : vector<16xi32>
      %gather3A_292 = tpu.vector_load_idx %arg12[%add3A_291] : memref<2176xf32, #tpu.memory_space<vmem>>[vector<16xi32>], vector<16xf32>,
      %add3A_293 = arith.addf %add3A_288, %gather3A_292 : vector<16xf32>
      %add3A_294 = arith.constant 9 : i32
      %add3A_295 = vector.broadcast %add3A_294 : i32 to vector<16xi32>
      %add3A_296 = arith.addi %mul3A_252, %add3A_295 : vector<16xi32>
      %gather3A_297 = tpu.vector_load_idx %arg12[%add3A_296] : memref<2176xf32, #tpu.memory_space<vmem>>[vector<16xi32>], vector<16xf32>,
      %add3A_298 = arith.addf %add3A_293, %gather3A_297 : vector<16xf32>
      %add3A_299 = arith.constant 10 : i32
      %add3A_300 = vector.broadcast %add3A_299 : i32 to vector<16xi32>
      %add3A_301 = arith.addi %mul3A_252, %add3A_300 : vector<16xi32>
      %gather3A_302 = tpu.vector_load_idx %arg12[%add3A_301] : memref<2176xf32, #tpu.memory_space<vmem>>[vector<16xi32>], vector<16xf32>,
      %add3A_303 = arith.addf %add3A_298, %gather3A_302 : vector<16xf32>
      %add3A_304 = arith.constant 11 : i32
      %add3A_305 = vector.broadcast %add3A_304 : i32 to vector<16xi32>
      %add3A_306 = arith.addi %mul3A_252, %add3A_305 : vector<16xi32>
      %gather3A_307 = tpu.vector_load_idx %arg12[%add3A_306] : memref<2176xf32, #tpu.memory_space<vmem>>[vector<16xi32>], vector<16xf32>,
      %add3A_308 = arith.addf %add3A_303, %gather3A_307 : vector<16xf32>
      %add3A_309 = arith.constant 12 : i32
      %add3A_310 = vector.broadcast %add3A_309 : i32 to vector<16xi32>
      %add3A_311 = arith.addi %mul3A_252, %add3A_310 : vector<16xi32>
      %gather3A_312 = tpu.vector_load_idx %arg12[%add3A_311] : memref<2176xf32, #tpu.memory_space<vmem>>[vector<16xi32>], vector<16xf32>,
      %add3A_313 = arith.addf %add3A_308, %gather3A_312 : vector<16xf32>
      %add3A_314 = arith.constant 13 : i32
      %add3A_315 = vector.broadcast %add3A_314 : i32 to vector<16xi32>
      %add3A_316 = arith.addi %mul3A_252, %add3A_315 : vector<16xi32>
      %gather3A_317 = tpu.vector_load_idx %arg12[%add3A_316] : memref<2176xf32, #tpu.memory_space<vmem>>[vector<16xi32>], vector<16xf32>,
      %add3A_318 = arith.addf %add3A_313, %gather3A_317 : vector<16xf32>
      %add3A_319 = arith.constant 14 : i32
      %add3A_320 = vector.broadcast %add3A_319 : i32 to vector<16xi32>
      %add3A_321 = arith.addi %mul3A_252, %add3A_320 : vector<16xi32>
      %gather3A_322 = tpu.vector_load_idx %arg12[%add3A_321] : memref<2176xf32, #tpu.memory_space<vmem>>[vector<16xi32>], vector<16xf32>,
      %add3A_323 = arith.addf %add3A_318, %gather3A_322 : vector<16xf32>
      %add3A_324 = arith.constant 15 : i32
      %add3A_325 = vector.broadcast %add3A_324 : i32 to vector<16xi32>
      %add3A_326 = arith.addi %mul3A_252, %add3A_325 : vector<16xi32>
      %gather3A_327 = tpu.vector_load_idx %arg12[%add3A_326] : memref<2176xf32, #tpu.memory_space<vmem>>[vector<16xi32>], vector<16xf32>,
      %add3A_328 = arith.addf %add3A_323, %gather3A_327 : vector<16xf32>
      %neg3A_329 = arith.constant 0.000000e+00 : f32
      %neg3A_330 = vector.broadcast %neg3A_329 : f32 to vector<16xf32>
      %neg3A_331 = arith.subf %neg3A_330, %add3A_328 : vector<16xf32>
      %exp3A_332 = math.exp %neg3A_331 : vector<16xf32>
      %add3A_333 = arith.constant 1.000000e+00 : f32
      %add3A_334 = vector.broadcast %add3A_333 : f32 to vector<16xf32>
      %add3A_335 = arith.addf %add3A_334, %exp3A_332 : vector<16xf32>
      %div3A_336 = arith.constant 1.000000e+00 : f32
      %div3A_337 = vector.broadcast %div3A_336 : f32 to vector<16xf32>
      %div3A_338 = arith.divf %div3A_337, %add3A_335 : vector<16xf32>
      %swap3A_339 = arith.constant 32 : index
      %swap3A_340 = tpu.vector_load %arg13[%swap3A_339] {strides = array<i32>} : memref<128xf32, #tpu.memory_space<vmem>>, vector<16xf32>,
      tpu.vector_store %arg13[%swap3A_339], %div3A_338 {strides = array<i32>} : memref<128xf32, #tpu.memory_space<vmem>>, vector<16xf32>,
      %add3A_341 = arith.constant 48 : i32
      %add3A_342 = vector.broadcast %add3A_341 : i32 to vector<16xi32>
      %add3A_343 = arith.addi %iota3A, %add3A_342 : vector<16xi32>
      %mul3A_344 = arith.constant 17 : i32
      %mul3A_345 = vector.broadcast %mul3A_344 : i32 to vector<16xi32>
      %mul3A_346 = arith.muli %add3A_343, %mul3A_345 : vector<16xi32>
      %gather3A_347 = tpu.vector_load_idx %arg12[%mul3A_346] : memref<2176xf32, #tpu.memory_space<vmem>>[vector<16xi32>], vector<16xf32>,
      %add3A_348 = arith.constant 1 : i32
      %add3A_349 = vector.broadcast %add3A_348 : i32 to vector<16xi32>
      %add3A_350 = arith.addi %mul3A_346, %add3A_349 : vector<16xi32>
      %gather3A_351 = tpu.vector_load_idx %arg12[%add3A_350] : memref<2176xf32, #tpu.memory_space<vmem>>[vector<16xi32>], vector<16xf32>,
      %add3A_352 = arith.addf %gather3A_347, %gather3A_351 : vector<16xf32>
      %add3A_353 = arith.constant 2 : i32
      %add3A_354 = vector.broadcast %add3A_353 : i32 to vector<16xi32>
      %add3A_355 = arith.addi %mul3A_346, %add3A_354 : vector<16xi32>
      %gather3A_356 = tpu.vector_load_idx %arg12[%add3A_355] : memref<2176xf32, #tpu.memory_space<vmem>>[vector<16xi32>], vector<16xf32>,
      %add3A_357 = arith.addf %add3A_352, %gather3A_356 : vector<16xf32>
      %add3A_358 = arith.constant 3 : i32
      %add3A_359 = vector.broadcast %add3A_358 : i32 to vector<16xi32>
      %add3A_360 = arith.addi %mul3A_346, %add3A_359 : vector<16xi32>
      %gather3A_361 = tpu.vector_load_idx %arg12[%add3A_360] : memref<2176xf32, #tpu.memory_space<vmem>>[vector<16xi32>], vector<16xf32>,
      %add3A_362 = arith.addf %add3A_357, %gather3A_361 : vector<16xf32>
      %add3A_363 = arith.constant 4 : i32
      %add3A_364 = vector.broadcast %add3A_363 : i32 to vector<16xi32>
      %add3A_365 = arith.addi %mul3A_346, %add3A_364 : vector<16xi32>
      %gather3A_366 = tpu.vector_load_idx %arg12[%add3A_365] : memref<2176xf32, #tpu.memory_space<vmem>>[vector<16xi32>], vector<16xf32>,
      %add3A_367 = arith.addf %add3A_362, %gather3A_366 : vector<16xf32>
      %add3A_368 = arith.constant 5 : i32
      %add3A_369 = vector.broadcast %add3A_368 : i32 to vector<16xi32>
      %add3A_370 = arith.addi %mul3A_346, %add3A_369 : vector<16xi32>
      %gather3A_371 = tpu.vector_load_idx %arg12[%add3A_370] : memref<2176xf32, #tpu.memory_space<vmem>>[vector<16xi32>], vector<16xf32>,
      %add3A_372 = arith.addf %add3A_367, %gather3A_371 : vector<16xf32>
      %add3A_373 = arith.constant 6 : i32
      %add3A_374 = vector.broadcast %add3A_373 : i32 to vector<16xi32>
      %add3A_375 = arith.addi %mul3A_346, %add3A_374 : vector<16xi32>
      %gather3A_376 = tpu.vector_load_idx %arg12[%add3A_375] : memref<2176xf32, #tpu.memory_space<vmem>>[vector<16xi32>], vector<16xf32>,
      %add3A_377 = arith.addf %add3A_372, %gather3A_376 : vector<16xf32>
      %add3A_378 = arith.constant 7 : i32
      %add3A_379 = vector.broadcast %add3A_378 : i32 to vector<16xi32>
      %add3A_380 = arith.addi %mul3A_346, %add3A_379 : vector<16xi32>
      %gather3A_381 = tpu.vector_load_idx %arg12[%add3A_380] : memref<2176xf32, #tpu.memory_space<vmem>>[vector<16xi32>], vector<16xf32>,
      %add3A_382 = arith.addf %add3A_377, %gather3A_381 : vector<16xf32>
      %add3A_383 = arith.constant 8 : i32
      %add3A_384 = vector.broadcast %add3A_383 : i32 to vector<16xi32>
      %add3A_385 = arith.addi %mul3A_346, %add3A_384 : vector<16xi32>
      %gather3A_386 = tpu.vector_load_idx %arg12[%add3A_385] : memref<2176xf32, #tpu.memory_space<vmem>>[vector<16xi32>], vector<16xf32>,
      %add3A_387 = arith.addf %add3A_382, %gather3A_386 : vector<16xf32>
      %add3A_388 = arith.constant 9 : i32
      %add3A_389 = vector.broadcast %add3A_388 : i32 to vector<16xi32>
      %add3A_390 = arith.addi %mul3A_346, %add3A_389 : vector<16xi32>
      %gather3A_391 = tpu.vector_load_idx %arg12[%add3A_390] : memref<2176xf32, #tpu.memory_space<vmem>>[vector<16xi32>], vector<16xf32>,
      %add3A_392 = arith.addf %add3A_387, %gather3A_391 : vector<16xf32>
      %add3A_393 = arith.constant 10 : i32
      %add3A_394 = vector.broadcast %add3A_393 : i32 to vector<16xi32>
      %add3A_395 = arith.addi %mul3A_346, %add3A_394 : vector<16xi32>
      %gather3A_396 = tpu.vector_load_idx %arg12[%add3A_395] : memref<2176xf32, #tpu.memory_space<vmem>>[vector<16xi32>], vector<16xf32>,
      %add3A_397 = arith.addf %add3A_392, %gather3A_396 : vector<16xf32>
      %add3A_398 = arith.constant 11 : i32
      %add3A_399 = vector.broadcast %add3A_398 : i32 to vector<16xi32>
      %add3A_400 = arith.addi %mul3A_346, %add3A_399 : vector<16xi32>
      %gather3A_401 = tpu.vector_load_idx %arg12[%add3A_400] : memref<2176xf32, #tpu.memory_space<vmem>>[vector<16xi32>], vector<16xf32>,
      %add3A_402 = arith.addf %add3A_397, %gather3A_401 : vector<16xf32>
      %add3A_403 = arith.constant 12 : i32
      %add3A_404 = vector.broadcast %add3A_403 : i32 to vector<16xi32>
      %add3A_405 = arith.addi %mul3A_346, %add3A_404 : vector<16xi32>
      %gather3A_406 = tpu.vector_load_idx %arg12[%add3A_405] : memref<2176xf32, #tpu.memory_space<vmem>>[vector<16xi32>], vector<16xf32>,
      %add3A_407 = arith.addf %add3A_402, %gather3A_406 : vector<16xf32>
      %add3A_408 = arith.constant 13 : i32
      %add3A_409 = vector.broadcast %add3A_408 : i32 to vector<16xi32>
      %add3A_410 = arith.addi %mul3A_346, %add3A_409 : vector<16xi32>
      %gather3A_411 = tpu.vector_load_idx %arg12[%add3A_410] : memref<2176xf32, #tpu.memory_space<vmem>>[vector<16xi32>], vector<16xf32>,
      %add3A_412 = arith.addf %add3A_407, %gather3A_411 : vector<16xf32>
      %add3A_413 = arith.constant 14 : i32
      %add3A_414 = vector.broadcast %add3A_413 : i32 to vector<16xi32>
      %add3A_415 = arith.addi %mul3A_346, %add3A_414 : vector<16xi32>
      %gather3A_416 = tpu.vector_load_idx %arg12[%add3A_415] : memref<2176xf32, #tpu.memory_space<vmem>>[vector<16xi32>], vector<16xf32>,
      %add3A_417 = arith.addf %add3A_412, %gather3A_416 : vector<16xf32>
      %add3A_418 = arith.constant 15 : i32
      %add3A_419 = vector.broadcast %add3A_418 : i32 to vector<16xi32>
      %add3A_420 = arith.addi %mul3A_346, %add3A_419 : vector<16xi32>
      %gather3A_421 = tpu.vector_load_idx %arg12[%add3A_420] : memref<2176xf32, #tpu.memory_space<vmem>>[vector<16xi32>], vector<16xf32>,
      %add3A_422 = arith.addf %add3A_417, %gather3A_421 : vector<16xf32>
      %neg3A_423 = arith.constant 0.000000e+00 : f32
      %neg3A_424 = vector.broadcast %neg3A_423 : f32 to vector<16xf32>
      %neg3A_425 = arith.subf %neg3A_424, %add3A_422 : vector<16xf32>
      %exp3A_426 = math.exp %neg3A_425 : vector<16xf32>
      %add3A_427 = arith.constant 1.000000e+00 : f32
      %add3A_428 = vector.broadcast %add3A_427 : f32 to vector<16xf32>
      %add3A_429 = arith.addf %add3A_428, %exp3A_426 : vector<16xf32>
      %div3A_430 = arith.constant 1.000000e+00 : f32
      %div3A_431 = vector.broadcast %div3A_430 : f32 to vector<16xf32>
      %div3A_432 = arith.divf %div3A_431, %add3A_429 : vector<16xf32>
      %swap3A_433 = arith.constant 48 : index
      %swap3A_434 = tpu.vector_load %arg13[%swap3A_433] {strides = array<i32>} : memref<128xf32, #tpu.memory_space<vmem>>, vector<16xf32>,
      tpu.vector_store %arg13[%swap3A_433], %div3A_432 {strides = array<i32>} : memref<128xf32, #tpu.memory_space<vmem>>, vector<16xf32>,
      %add3A_435 = arith.constant 64 : i32
      %add3A_436 = vector.broadcast %add3A_435 : i32 to vector<16xi32>
      %add3A_437 = arith.addi %iota3A, %add3A_436 : vector<16xi32>
      %mul3A_438 = arith.constant 17 : i32
      %mul3A_439 = vector.broadcast %mul3A_438 : i32 to vector<16xi32>
      %mul3A_440 = arith.muli %add3A_437, %mul3A_439 : vector<16xi32>
      %gather3A_441 = tpu.vector_load_idx %arg12[%mul3A_440] : memref<2176xf32, #tpu.memory_space<vmem>>[vector<16xi32>], vector<16xf32>,
      %add3A_442 = arith.constant 1 : i32
      %add3A_443 = vector.broadcast %add3A_442 : i32 to vector<16xi32>
      %add3A_444 = arith.addi %mul3A_440, %add3A_443 : vector<16xi32>
      %gather3A_445 = tpu.vector_load_idx %arg12[%add3A_444] : memref<2176xf32, #tpu.memory_space<vmem>>[vector<16xi32>], vector<16xf32>,
      %add3A_446 = arith.addf %gather3A_441, %gather3A_445 : vector<16xf32>
      %add3A_447 = arith.constant 2 : i32
      %add3A_448 = vector.broadcast %add3A_447 : i32 to vector<16xi32>
      %add3A_449 = arith.addi %mul3A_440, %add3A_448 : vector<16xi32>
      %gather3A_450 = tpu.vector_load_idx %arg12[%add3A_449] : memref<2176xf32, #tpu.memory_space<vmem>>[vector<16xi32>], vector<16xf32>,
      %add3A_451 = arith.addf %add3A_446, %gather3A_450 : vector<16xf32>
      %add3A_452 = arith.constant 3 : i32
      %add3A_453 = vector.broadcast %add3A_452 : i32 to vector<16xi32>
      %add3A_454 = arith.addi %mul3A_440, %add3A_453 : vector<16xi32>
      %gather3A_455 = tpu.vector_load_idx %arg12[%add3A_454] : memref<2176xf32, #tpu.memory_space<vmem>>[vector<16xi32>], vector<16xf32>,
      %add3A_456 = arith.addf %add3A_451, %gather3A_455 : vector<16xf32>
      %add3A_457 = arith.constant 4 : i32
      %add3A_458 = vector.broadcast %add3A_457 : i32 to vector<16xi32>
      %add3A_459 = arith.addi %mul3A_440, %add3A_458 : vector<16xi32>
      %gather3A_460 = tpu.vector_load_idx %arg12[%add3A_459] : memref<2176xf32, #tpu.memory_space<vmem>>[vector<16xi32>], vector<16xf32>,
      %add3A_461 = arith.addf %add3A_456, %gather3A_460 : vector<16xf32>
      %add3A_462 = arith.constant 5 : i32
      %add3A_463 = vector.broadcast %add3A_462 : i32 to vector<16xi32>
      %add3A_464 = arith.addi %mul3A_440, %add3A_463 : vector<16xi32>
      %gather3A_465 = tpu.vector_load_idx %arg12[%add3A_464] : memref<2176xf32, #tpu.memory_space<vmem>>[vector<16xi32>], vector<16xf32>,
      %add3A_466 = arith.addf %add3A_461, %gather3A_465 : vector<16xf32>
      %add3A_467 = arith.constant 6 : i32
      %add3A_468 = vector.broadcast %add3A_467 : i32 to vector<16xi32>
      %add3A_469 = arith.addi %mul3A_440, %add3A_468 : vector<16xi32>
      %gather3A_470 = tpu.vector_load_idx %arg12[%add3A_469] : memref<2176xf32, #tpu.memory_space<vmem>>[vector<16xi32>], vector<16xf32>,
      %add3A_471 = arith.addf %add3A_466, %gather3A_470 : vector<16xf32>
      %add3A_472 = arith.constant 7 : i32
      %add3A_473 = vector.broadcast %add3A_472 : i32 to vector<16xi32>
      %add3A_474 = arith.addi %mul3A_440, %add3A_473 : vector<16xi32>
      %gather3A_475 = tpu.vector_load_idx %arg12[%add3A_474] : memref<2176xf32, #tpu.memory_space<vmem>>[vector<16xi32>], vector<16xf32>,
      %add3A_476 = arith.addf %add3A_471, %gather3A_475 : vector<16xf32>
      %add3A_477 = arith.constant 8 : i32
      %add3A_478 = vector.broadcast %add3A_477 : i32 to vector<16xi32>
      %add3A_479 = arith.addi %mul3A_440, %add3A_478 : vector<16xi32>
      %gather3A_480 = tpu.vector_load_idx %arg12[%add3A_479] : memref<2176xf32, #tpu.memory_space<vmem>>[vector<16xi32>], vector<16xf32>,
      %add3A_481 = arith.addf %add3A_476, %gather3A_480 : vector<16xf32>
      %add3A_482 = arith.constant 9 : i32
      %add3A_483 = vector.broadcast %add3A_482 : i32 to vector<16xi32>
      %add3A_484 = arith.addi %mul3A_440, %add3A_483 : vector<16xi32>
      %gather3A_485 = tpu.vector_load_idx %arg12[%add3A_484] : memref<2176xf32, #tpu.memory_space<vmem>>[vector<16xi32>], vector<16xf32>,
      %add3A_486 = arith.addf %add3A_481, %gather3A_485 : vector<16xf32>
      %add3A_487 = arith.constant 10 : i32
      %add3A_488 = vector.broadcast %add3A_487 : i32 to vector<16xi32>
      %add3A_489 = arith.addi %mul3A_440, %add3A_488 : vector<16xi32>
      %gather3A_490 = tpu.vector_load_idx %arg12[%add3A_489] : memref<2176xf32, #tpu.memory_space<vmem>>[vector<16xi32>], vector<16xf32>,
      %add3A_491 = arith.addf %add3A_486, %gather3A_490 : vector<16xf32>
      %add3A_492 = arith.constant 11 : i32
      %add3A_493 = vector.broadcast %add3A_492 : i32 to vector<16xi32>
      %add3A_494 = arith.addi %mul3A_440, %add3A_493 : vector<16xi32>
      %gather3A_495 = tpu.vector_load_idx %arg12[%add3A_494] : memref<2176xf32, #tpu.memory_space<vmem>>[vector<16xi32>], vector<16xf32>,
      %add3A_496 = arith.addf %add3A_491, %gather3A_495 : vector<16xf32>
      %add3A_497 = arith.constant 12 : i32
      %add3A_498 = vector.broadcast %add3A_497 : i32 to vector<16xi32>
      %add3A_499 = arith.addi %mul3A_440, %add3A_498 : vector<16xi32>
      %gather3A_500 = tpu.vector_load_idx %arg12[%add3A_499] : memref<2176xf32, #tpu.memory_space<vmem>>[vector<16xi32>], vector<16xf32>,
      %add3A_501 = arith.addf %add3A_496, %gather3A_500 : vector<16xf32>
      %add3A_502 = arith.constant 13 : i32
      %add3A_503 = vector.broadcast %add3A_502 : i32 to vector<16xi32>
      %add3A_504 = arith.addi %mul3A_440, %add3A_503 : vector<16xi32>
      %gather3A_505 = tpu.vector_load_idx %arg12[%add3A_504] : memref<2176xf32, #tpu.memory_space<vmem>>[vector<16xi32>], vector<16xf32>,
      %add3A_506 = arith.addf %add3A_501, %gather3A_505 : vector<16xf32>
      %add3A_507 = arith.constant 14 : i32
      %add3A_508 = vector.broadcast %add3A_507 : i32 to vector<16xi32>
      %add3A_509 = arith.addi %mul3A_440, %add3A_508 : vector<16xi32>
      %gather3A_510 = tpu.vector_load_idx %arg12[%add3A_509] : memref<2176xf32, #tpu.memory_space<vmem>>[vector<16xi32>], vector<16xf32>,
      %add3A_511 = arith.addf %add3A_506, %gather3A_510 : vector<16xf32>
      %add3A_512 = arith.constant 15 : i32
      %add3A_513 = vector.broadcast %add3A_512 : i32 to vector<16xi32>
      %add3A_514 = arith.addi %mul3A_440, %add3A_513 : vector<16xi32>
      %gather3A_515 = tpu.vector_load_idx %arg12[%add3A_514] : memref<2176xf32, #tpu.memory_space<vmem>>[vector<16xi32>], vector<16xf32>,
      %add3A_516 = arith.addf %add3A_511, %gather3A_515 : vector<16xf32>
      %neg3A_517 = arith.constant 0.000000e+00 : f32
      %neg3A_518 = vector.broadcast %neg3A_517 : f32 to vector<16xf32>
      %neg3A_519 = arith.subf %neg3A_518, %add3A_516 : vector<16xf32>
      %exp3A_520 = math.exp %neg3A_519 : vector<16xf32>
      %add3A_521 = arith.constant 1.000000e+00 : f32
      %add3A_522 = vector.broadcast %add3A_521 : f32 to vector<16xf32>
      %add3A_523 = arith.addf %add3A_522, %exp3A_520 : vector<16xf32>
      %div3A_524 = arith.constant 1.000000e+00 : f32
      %div3A_525 = vector.broadcast %div3A_524 : f32 to vector<16xf32>
      %div3A_526 = arith.divf %div3A_525, %add3A_523 : vector<16xf32>
      %swap3A_527 = arith.constant 64 : index
      %swap3A_528 = tpu.vector_load %arg13[%swap3A_527] {strides = array<i32>} : memref<128xf32, #tpu.memory_space<vmem>>, vector<16xf32>,
      tpu.vector_store %arg13[%swap3A_527], %div3A_526 {strides = array<i32>} : memref<128xf32, #tpu.memory_space<vmem>>, vector<16xf32>,
      %add3A_529 = arith.constant 80 : i32
      %add3A_530 = vector.broadcast %add3A_529 : i32 to vector<16xi32>
      %add3A_531 = arith.addi %iota3A, %add3A_530 : vector<16xi32>
      %mul3A_532 = arith.constant 17 : i32
      %mul3A_533 = vector.broadcast %mul3A_532 : i32 to vector<16xi32>
      %mul3A_534 = arith.muli %add3A_531, %mul3A_533 : vector<16xi32>
      %gather3A_535 = tpu.vector_load_idx %arg12[%mul3A_534] : memref<2176xf32, #tpu.memory_space<vmem>>[vector<16xi32>], vector<16xf32>,
      %add3A_536 = arith.constant 1 : i32
      %add3A_537 = vector.broadcast %add3A_536 : i32 to vector<16xi32>
      %add3A_538 = arith.addi %mul3A_534, %add3A_537 : vector<16xi32>
      %gather3A_539 = tpu.vector_load_idx %arg12[%add3A_538] : memref<2176xf32, #tpu.memory_space<vmem>>[vector<16xi32>], vector<16xf32>,
      %add3A_540 = arith.addf %gather3A_535, %gather3A_539 : vector<16xf32>
      %add3A_541 = arith.constant 2 : i32
      %add3A_542 = vector.broadcast %add3A_541 : i32 to vector<16xi32>
      %add3A_543 = arith.addi %mul3A_534, %add3A_542 : vector<16xi32>
      %gather3A_544 = tpu.vector_load_idx %arg12[%add3A_543] : memref<2176xf32, #tpu.memory_space<vmem>>[vector<16xi32>], vector<16xf32>,
      %add3A_545 = arith.addf %add3A_540, %gather3A_544 : vector<16xf32>
      %add3A_546 = arith.constant 3 : i32
      %add3A_547 = vector.broadcast %add3A_546 : i32 to vector<16xi32>
      %add3A_548 = arith.addi %mul3A_534, %add3A_547 : vector<16xi32>
      %gather3A_549 = tpu.vector_load_idx %arg12[%add3A_548] : memref<2176xf32, #tpu.memory_space<vmem>>[vector<16xi32>], vector<16xf32>,
      %add3A_550 = arith.addf %add3A_545, %gather3A_549 : vector<16xf32>
      %add3A_551 = arith.constant 4 : i32
      %add3A_552 = vector.broadcast %add3A_551 : i32 to vector<16xi32>
      %add3A_553 = arith.addi %mul3A_534, %add3A_552 : vector<16xi32>
      %gather3A_554 = tpu.vector_load_idx %arg12[%add3A_553] : memref<2176xf32, #tpu.memory_space<vmem>>[vector<16xi32>], vector<16xf32>,
      %add3A_555 = arith.addf %add3A_550, %gather3A_554 : vector<16xf32>
      %add3A_556 = arith.constant 5 : i32
      %add3A_557 = vector.broadcast %add3A_556 : i32 to vector<16xi32>
      %add3A_558 = arith.addi %mul3A_534, %add3A_557 : vector<16xi32>
      %gather3A_559 = tpu.vector_load_idx %arg12[%add3A_558] : memref<2176xf32, #tpu.memory_space<vmem>>[vector<16xi32>], vector<16xf32>,
      %add3A_560 = arith.addf %add3A_555, %gather3A_559 : vector<16xf32>
      %add3A_561 = arith.constant 6 : i32
      %add3A_562 = vector.broadcast %add3A_561 : i32 to vector<16xi32>
      %add3A_563 = arith.addi %mul3A_534, %add3A_562 : vector<16xi32>
      %gather3A_564 = tpu.vector_load_idx %arg12[%add3A_563] : memref<2176xf32, #tpu.memory_space<vmem>>[vector<16xi32>], vector<16xf32>,
      %add3A_565 = arith.addf %add3A_560, %gather3A_564 : vector<16xf32>
      %add3A_566 = arith.constant 7 : i32
      %add3A_567 = vector.broadcast %add3A_566 : i32 to vector<16xi32>
      %add3A_568 = arith.addi %mul3A_534, %add3A_567 : vector<16xi32>
      %gather3A_569 = tpu.vector_load_idx %arg12[%add3A_568] : memref<2176xf32, #tpu.memory_space<vmem>>[vector<16xi32>], vector<16xf32>,
      %add3A_570 = arith.addf %add3A_565, %gather3A_569 : vector<16xf32>
      %add3A_571 = arith.constant 8 : i32
      %add3A_572 = vector.broadcast %add3A_571 : i32 to vector<16xi32>
      %add3A_573 = arith.addi %mul3A_534, %add3A_572 : vector<16xi32>
      %gather3A_574 = tpu.vector_load_idx %arg12[%add3A_573] : memref<2176xf32, #tpu.memory_space<vmem>>[vector<16xi32>], vector<16xf32>,
      %add3A_575 = arith.addf %add3A_570, %gather3A_574 : vector<16xf32>
      %add3A_576 = arith.constant 9 : i32
      %add3A_577 = vector.broadcast %add3A_576 : i32 to vector<16xi32>
      %add3A_578 = arith.addi %mul3A_534, %add3A_577 : vector<16xi32>
      %gather3A_579 = tpu.vector_load_idx %arg12[%add3A_578] : memref<2176xf32, #tpu.memory_space<vmem>>[vector<16xi32>], vector<16xf32>,
      %add3A_580 = arith.addf %add3A_575, %gather3A_579 : vector<16xf32>
      %add3A_581 = arith.constant 10 : i32
      %add3A_582 = vector.broadcast %add3A_581 : i32 to vector<16xi32>
      %add3A_583 = arith.addi %mul3A_534, %add3A_582 : vector<16xi32>
      %gather3A_584 = tpu.vector_load_idx %arg12[%add3A_583] : memref<2176xf32, #tpu.memory_space<vmem>>[vector<16xi32>], vector<16xf32>,
      %add3A_585 = arith.addf %add3A_580, %gather3A_584 : vector<16xf32>
      %add3A_586 = arith.constant 11 : i32
      %add3A_587 = vector.broadcast %add3A_586 : i32 to vector<16xi32>
      %add3A_588 = arith.addi %mul3A_534, %add3A_587 : vector<16xi32>
      %gather3A_589 = tpu.vector_load_idx %arg12[%add3A_588] : memref<2176xf32, #tpu.memory_space<vmem>>[vector<16xi32>], vector<16xf32>,
      %add3A_590 = arith.addf %add3A_585, %gather3A_589 : vector<16xf32>
      %add3A_591 = arith.constant 12 : i32
      %add3A_592 = vector.broadcast %add3A_591 : i32 to vector<16xi32>
      %add3A_593 = arith.addi %mul3A_534, %add3A_592 : vector<16xi32>
      %gather3A_594 = tpu.vector_load_idx %arg12[%add3A_593] : memref<2176xf32, #tpu.memory_space<vmem>>[vector<16xi32>], vector<16xf32>,
      %add3A_595 = arith.addf %add3A_590, %gather3A_594 : vector<16xf32>
      %add3A_596 = arith.constant 13 : i32
      %add3A_597 = vector.broadcast %add3A_596 : i32 to vector<16xi32>
      %add3A_598 = arith.addi %mul3A_534, %add3A_597 : vector<16xi32>
      %gather3A_599 = tpu.vector_load_idx %arg12[%add3A_598] : memref<2176xf32, #tpu.memory_space<vmem>>[vector<16xi32>], vector<16xf32>,
      %add3A_600 = arith.addf %add3A_595, %gather3A_599 : vector<16xf32>
      %add3A_601 = arith.constant 14 : i32
      %add3A_602 = vector.broadcast %add3A_601 : i32 to vector<16xi32>
      %add3A_603 = arith.addi %mul3A_534, %add3A_602 : vector<16xi32>
      %gather3A_604 = tpu.vector_load_idx %arg12[%add3A_603] : memref<2176xf32, #tpu.memory_space<vmem>>[vector<16xi32>], vector<16xf32>,
      %add3A_605 = arith.addf %add3A_600, %gather3A_604 : vector<16xf32>
      %add3A_606 = arith.constant 15 : i32
      %add3A_607 = vector.broadcast %add3A_606 : i32 to vector<16xi32>
      %add3A_608 = arith.addi %mul3A_534, %add3A_607 : vector<16xi32>
      %gather3A_609 = tpu.vector_load_idx %arg12[%add3A_608] : memref<2176xf32, #tpu.memory_space<vmem>>[vector<16xi32>], vector<16xf32>,
      %add3A_610 = arith.addf %add3A_605, %gather3A_609 : vector<16xf32>
      %neg3A_611 = arith.constant 0.000000e+00 : f32
      %neg3A_612 = vector.broadcast %neg3A_611 : f32 to vector<16xf32>
      %neg3A_613 = arith.subf %neg3A_612, %add3A_610 : vector<16xf32>
      %exp3A_614 = math.exp %neg3A_613 : vector<16xf32>
      %add3A_615 = arith.constant 1.000000e+00 : f32
      %add3A_616 = vector.broadcast %add3A_615 : f32 to vector<16xf32>
      %add3A_617 = arith.addf %add3A_616, %exp3A_614 : vector<16xf32>
      %div3A_618 = arith.constant 1.000000e+00 : f32
      %div3A_619 = vector.broadcast %div3A_618 : f32 to vector<16xf32>
      %div3A_620 = arith.divf %div3A_619, %add3A_617 : vector<16xf32>
      %swap3A_621 = arith.constant 80 : index
      %swap3A_622 = tpu.vector_load %arg13[%swap3A_621] {strides = array<i32>} : memref<128xf32, #tpu.memory_space<vmem>>, vector<16xf32>,
      tpu.vector_store %arg13[%swap3A_621], %div3A_620 {strides = array<i32>} : memref<128xf32, #tpu.memory_space<vmem>>, vector<16xf32>,
      %add3A_623 = arith.constant 96 : i32
      %add3A_624 = vector.broadcast %add3A_623 : i32 to vector<16xi32>
      %add3A_625 = arith.addi %iota3A, %add3A_624 : vector<16xi32>
      %mul3A_626 = arith.constant 17 : i32
      %mul3A_627 = vector.broadcast %mul3A_626 : i32 to vector<16xi32>
      %mul3A_628 = arith.muli %add3A_625, %mul3A_627 : vector<16xi32>
      %gather3A_629 = tpu.vector_load_idx %arg12[%mul3A_628] : memref<2176xf32, #tpu.memory_space<vmem>>[vector<16xi32>], vector<16xf32>,
      %add3A_630 = arith.constant 1 : i32
      %add3A_631 = vector.broadcast %add3A_630 : i32 to vector<16xi32>
      %add3A_632 = arith.addi %mul3A_628, %add3A_631 : vector<16xi32>
      %gather3A_633 = tpu.vector_load_idx %arg12[%add3A_632] : memref<2176xf32, #tpu.memory_space<vmem>>[vector<16xi32>], vector<16xf32>,
      %add3A_634 = arith.addf %gather3A_629, %gather3A_633 : vector<16xf32>
      %add3A_635 = arith.constant 2 : i32
      %add3A_636 = vector.broadcast %add3A_635 : i32 to vector<16xi32>
      %add3A_637 = arith.addi %mul3A_628, %add3A_636 : vector<16xi32>
      %gather3A_638 = tpu.vector_load_idx %arg12[%add3A_637] : memref<2176xf32, #tpu.memory_space<vmem>>[vector<16xi32>], vector<16xf32>,
      %add3A_639 = arith.addf %add3A_634, %gather3A_638 : vector<16xf32>
      %add3A_640 = arith.constant 3 : i32
      %add3A_641 = vector.broadcast %add3A_640 : i32 to vector<16xi32>
      %add3A_642 = arith.addi %mul3A_628, %add3A_641 : vector<16xi32>
      %gather3A_643 = tpu.vector_load_idx %arg12[%add3A_642] : memref<2176xf32, #tpu.memory_space<vmem>>[vector<16xi32>], vector<16xf32>,
      %add3A_644 = arith.addf %add3A_639, %gather3A_643 : vector<16xf32>
      %add3A_645 = arith.constant 4 : i32
      %add3A_646 = vector.broadcast %add3A_645 : i32 to vector<16xi32>
      %add3A_647 = arith.addi %mul3A_628, %add3A_646 : vector<16xi32>
      %gather3A_648 = tpu.vector_load_idx %arg12[%add3A_647] : memref<2176xf32, #tpu.memory_space<vmem>>[vector<16xi32>], vector<16xf32>,
      %add3A_649 = arith.addf %add3A_644, %gather3A_648 : vector<16xf32>
      %add3A_650 = arith.constant 5 : i32
      %add3A_651 = vector.broadcast %add3A_650 : i32 to vector<16xi32>
      %add3A_652 = arith.addi %mul3A_628, %add3A_651 : vector<16xi32>
      %gather3A_653 = tpu.vector_load_idx %arg12[%add3A_652] : memref<2176xf32, #tpu.memory_space<vmem>>[vector<16xi32>], vector<16xf32>,
      %add3A_654 = arith.addf %add3A_649, %gather3A_653 : vector<16xf32>
      %add3A_655 = arith.constant 6 : i32
      %add3A_656 = vector.broadcast %add3A_655 : i32 to vector<16xi32>
      %add3A_657 = arith.addi %mul3A_628, %add3A_656 : vector<16xi32>
      %gather3A_658 = tpu.vector_load_idx %arg12[%add3A_657] : memref<2176xf32, #tpu.memory_space<vmem>>[vector<16xi32>], vector<16xf32>,
      %add3A_659 = arith.addf %add3A_654, %gather3A_658 : vector<16xf32>
      %add3A_660 = arith.constant 7 : i32
      %add3A_661 = vector.broadcast %add3A_660 : i32 to vector<16xi32>
      %add3A_662 = arith.addi %mul3A_628, %add3A_661 : vector<16xi32>
      %gather3A_663 = tpu.vector_load_idx %arg12[%add3A_662] : memref<2176xf32, #tpu.memory_space<vmem>>[vector<16xi32>], vector<16xf32>,
      %add3A_664 = arith.addf %add3A_659, %gather3A_663 : vector<16xf32>
      %add3A_665 = arith.constant 8 : i32
      %add3A_666 = vector.broadcast %add3A_665 : i32 to vector<16xi32>
      %add3A_667 = arith.addi %mul3A_628, %add3A_666 : vector<16xi32>
      %gather3A_668 = tpu.vector_load_idx %arg12[%add3A_667] : memref<2176xf32, #tpu.memory_space<vmem>>[vector<16xi32>], vector<16xf32>,
      %add3A_669 = arith.addf %add3A_664, %gather3A_668 : vector<16xf32>
      %add3A_670 = arith.constant 9 : i32
      %add3A_671 = vector.broadcast %add3A_670 : i32 to vector<16xi32>
      %add3A_672 = arith.addi %mul3A_628, %add3A_671 : vector<16xi32>
      %gather3A_673 = tpu.vector_load_idx %arg12[%add3A_672] : memref<2176xf32, #tpu.memory_space<vmem>>[vector<16xi32>], vector<16xf32>,
      %add3A_674 = arith.addf %add3A_669, %gather3A_673 : vector<16xf32>
      %add3A_675 = arith.constant 10 : i32
      %add3A_676 = vector.broadcast %add3A_675 : i32 to vector<16xi32>
      %add3A_677 = arith.addi %mul3A_628, %add3A_676 : vector<16xi32>
      %gather3A_678 = tpu.vector_load_idx %arg12[%add3A_677] : memref<2176xf32, #tpu.memory_space<vmem>>[vector<16xi32>], vector<16xf32>,
      %add3A_679 = arith.addf %add3A_674, %gather3A_678 : vector<16xf32>
      %add3A_680 = arith.constant 11 : i32
      %add3A_681 = vector.broadcast %add3A_680 : i32 to vector<16xi32>
      %add3A_682 = arith.addi %mul3A_628, %add3A_681 : vector<16xi32>
      %gather3A_683 = tpu.vector_load_idx %arg12[%add3A_682] : memref<2176xf32, #tpu.memory_space<vmem>>[vector<16xi32>], vector<16xf32>,
      %add3A_684 = arith.addf %add3A_679, %gather3A_683 : vector<16xf32>
      %add3A_685 = arith.constant 12 : i32
      %add3A_686 = vector.broadcast %add3A_685 : i32 to vector<16xi32>
      %add3A_687 = arith.addi %mul3A_628, %add3A_686 : vector<16xi32>
      %gather3A_688 = tpu.vector_load_idx %arg12[%add3A_687] : memref<2176xf32, #tpu.memory_space<vmem>>[vector<16xi32>], vector<16xf32>,
      %add3A_689 = arith.addf %add3A_684, %gather3A_688 : vector<16xf32>
      %add3A_690 = arith.constant 13 : i32
      %add3A_691 = vector.broadcast %add3A_690 : i32 to vector<16xi32>
      %add3A_692 = arith.addi %mul3A_628, %add3A_691 : vector<16xi32>
      %gather3A_693 = tpu.vector_load_idx %arg12[%add3A_692] : memref<2176xf32, #tpu.memory_space<vmem>>[vector<16xi32>], vector<16xf32>,
      %add3A_694 = arith.addf %add3A_689, %gather3A_693 : vector<16xf32>
      %add3A_695 = arith.constant 14 : i32
      %add3A_696 = vector.broadcast %add3A_695 : i32 to vector<16xi32>
      %add3A_697 = arith.addi %mul3A_628, %add3A_696 : vector<16xi32>
      %gather3A_698 = tpu.vector_load_idx %arg12[%add3A_697] : memref<2176xf32, #tpu.memory_space<vmem>>[vector<16xi32>], vector<16xf32>,
      %add3A_699 = arith.addf %add3A_694, %gather3A_698 : vector<16xf32>
      %add3A_700 = arith.constant 15 : i32
      %add3A_701 = vector.broadcast %add3A_700 : i32 to vector<16xi32>
      %add3A_702 = arith.addi %mul3A_628, %add3A_701 : vector<16xi32>
      %gather3A_703 = tpu.vector_load_idx %arg12[%add3A_702] : memref<2176xf32, #tpu.memory_space<vmem>>[vector<16xi32>], vector<16xf32>,
      %add3A_704 = arith.addf %add3A_699, %gather3A_703 : vector<16xf32>
      %neg3A_705 = arith.constant 0.000000e+00 : f32
      %neg3A_706 = vector.broadcast %neg3A_705 : f32 to vector<16xf32>
      %neg3A_707 = arith.subf %neg3A_706, %add3A_704 : vector<16xf32>
      %exp3A_708 = math.exp %neg3A_707 : vector<16xf32>
      %add3A_709 = arith.constant 1.000000e+00 : f32
      %add3A_710 = vector.broadcast %add3A_709 : f32 to vector<16xf32>
      %add3A_711 = arith.addf %add3A_710, %exp3A_708 : vector<16xf32>
      %div3A_712 = arith.constant 1.000000e+00 : f32
      %div3A_713 = vector.broadcast %div3A_712 : f32 to vector<16xf32>
      %div3A_714 = arith.divf %div3A_713, %add3A_711 : vector<16xf32>
      %swap3A_715 = arith.constant 96 : index
      %swap3A_716 = tpu.vector_load %arg13[%swap3A_715] {strides = array<i32>} : memref<128xf32, #tpu.memory_space<vmem>>, vector<16xf32>,
      tpu.vector_store %arg13[%swap3A_715], %div3A_714 {strides = array<i32>} : memref<128xf32, #tpu.memory_space<vmem>>, vector<16xf32>,
      %add3A_717 = arith.constant 112 : i32
      %add3A_718 = vector.broadcast %add3A_717 : i32 to vector<16xi32>
      %add3A_719 = arith.addi %iota3A, %add3A_718 : vector<16xi32>
      %mul3A_720 = arith.constant 17 : i32
      %mul3A_721 = vector.broadcast %mul3A_720 : i32 to vector<16xi32>
      %mul3A_722 = arith.muli %add3A_719, %mul3A_721 : vector<16xi32>
      %gather3A_723 = tpu.vector_load_idx %arg12[%mul3A_722] : memref<2176xf32, #tpu.memory_space<vmem>>[vector<16xi32>], vector<16xf32>,
      %add3A_724 = arith.constant 1 : i32
      %add3A_725 = vector.broadcast %add3A_724 : i32 to vector<16xi32>
      %add3A_726 = arith.addi %mul3A_722, %add3A_725 : vector<16xi32>
      %gather3A_727 = tpu.vector_load_idx %arg12[%add3A_726] : memref<2176xf32, #tpu.memory_space<vmem>>[vector<16xi32>], vector<16xf32>,
      %add3A_728 = arith.addf %gather3A_723, %gather3A_727 : vector<16xf32>
      %add3A_729 = arith.constant 2 : i32
      %add3A_730 = vector.broadcast %add3A_729 : i32 to vector<16xi32>
      %add3A_731 = arith.addi %mul3A_722, %add3A_730 : vector<16xi32>
      %gather3A_732 = tpu.vector_load_idx %arg12[%add3A_731] : memref<2176xf32, #tpu.memory_space<vmem>>[vector<16xi32>], vector<16xf32>,
      %add3A_733 = arith.addf %add3A_728, %gather3A_732 : vector<16xf32>
      %add3A_734 = arith.constant 3 : i32
      %add3A_735 = vector.broadcast %add3A_734 : i32 to vector<16xi32>
      %add3A_736 = arith.addi %mul3A_722, %add3A_735 : vector<16xi32>
      %gather3A_737 = tpu.vector_load_idx %arg12[%add3A_736] : memref<2176xf32, #tpu.memory_space<vmem>>[vector<16xi32>], vector<16xf32>,
      %add3A_738 = arith.addf %add3A_733, %gather3A_737 : vector<16xf32>
      %add3A_739 = arith.constant 4 : i32
      %add3A_740 = vector.broadcast %add3A_739 : i32 to vector<16xi32>
      %add3A_741 = arith.addi %mul3A_722, %add3A_740 : vector<16xi32>
      %gather3A_742 = tpu.vector_load_idx %arg12[%add3A_741] : memref<2176xf32, #tpu.memory_space<vmem>>[vector<16xi32>], vector<16xf32>,
      %add3A_743 = arith.addf %add3A_738, %gather3A_742 : vector<16xf32>
      %add3A_744 = arith.constant 5 : i32
      %add3A_745 = vector.broadcast %add3A_744 : i32 to vector<16xi32>
      %add3A_746 = arith.addi %mul3A_722, %add3A_745 : vector<16xi32>
      %gather3A_747 = tpu.vector_load_idx %arg12[%add3A_746] : memref<2176xf32, #tpu.memory_space<vmem>>[vector<16xi32>], vector<16xf32>,
      %add3A_748 = arith.addf %add3A_743, %gather3A_747 : vector<16xf32>
      %add3A_749 = arith.constant 6 : i32
      %add3A_750 = vector.broadcast %add3A_749 : i32 to vector<16xi32>
      %add3A_751 = arith.addi %mul3A_722, %add3A_750 : vector<16xi32>
      %gather3A_752 = tpu.vector_load_idx %arg12[%add3A_751] : memref<2176xf32, #tpu.memory_space<vmem>>[vector<16xi32>], vector<16xf32>,
      %add3A_753 = arith.addf %add3A_748, %gather3A_752 : vector<16xf32>
      %add3A_754 = arith.constant 7 : i32
      %add3A_755 = vector.broadcast %add3A_754 : i32 to vector<16xi32>
      %add3A_756 = arith.addi %mul3A_722, %add3A_755 : vector<16xi32>
      %gather3A_757 = tpu.vector_load_idx %arg12[%add3A_756] : memref<2176xf32, #tpu.memory_space<vmem>>[vector<16xi32>], vector<16xf32>,
      %add3A_758 = arith.addf %add3A_753, %gather3A_757 : vector<16xf32>
      %add3A_759 = arith.constant 8 : i32
      %add3A_760 = vector.broadcast %add3A_759 : i32 to vector<16xi32>
      %add3A_761 = arith.addi %mul3A_722, %add3A_760 : vector<16xi32>
      %gather3A_762 = tpu.vector_load_idx %arg12[%add3A_761] : memref<2176xf32, #tpu.memory_space<vmem>>[vector<16xi32>], vector<16xf32>,
      %add3A_763 = arith.addf %add3A_758, %gather3A_762 : vector<16xf32>
      %add3A_764 = arith.constant 9 : i32
      %add3A_765 = vector.broadcast %add3A_764 : i32 to vector<16xi32>
      %add3A_766 = arith.addi %mul3A_722, %add3A_765 : vector<16xi32>
      %gather3A_767 = tpu.vector_load_idx %arg12[%add3A_766] : memref<2176xf32, #tpu.memory_space<vmem>>[vector<16xi32>], vector<16xf32>,
      %add3A_768 = arith.addf %add3A_763, %gather3A_767 : vector<16xf32>
      %add3A_769 = arith.constant 10 : i32
      %add3A_770 = vector.broadcast %add3A_769 : i32 to vector<16xi32>
      %add3A_771 = arith.addi %mul3A_722, %add3A_770 : vector<16xi32>
      %gather3A_772 = tpu.vector_load_idx %arg12[%add3A_771] : memref<2176xf32, #tpu.memory_space<vmem>>[vector<16xi32>], vector<16xf32>,
      %add3A_773 = arith.addf %add3A_768, %gather3A_772 : vector<16xf32>
      %add3A_774 = arith.constant 11 : i32
      %add3A_775 = vector.broadcast %add3A_774 : i32 to vector<16xi32>
      %add3A_776 = arith.addi %mul3A_722, %add3A_775 : vector<16xi32>
      %gather3A_777 = tpu.vector_load_idx %arg12[%add3A_776] : memref<2176xf32, #tpu.memory_space<vmem>>[vector<16xi32>], vector<16xf32>,
      %add3A_778 = arith.addf %add3A_773, %gather3A_777 : vector<16xf32>
      %add3A_779 = arith.constant 12 : i32
      %add3A_780 = vector.broadcast %add3A_779 : i32 to vector<16xi32>
      %add3A_781 = arith.addi %mul3A_722, %add3A_780 : vector<16xi32>
      %gather3A_782 = tpu.vector_load_idx %arg12[%add3A_781] : memref<2176xf32, #tpu.memory_space<vmem>>[vector<16xi32>], vector<16xf32>,
      %add3A_783 = arith.addf %add3A_778, %gather3A_782 : vector<16xf32>
      %add3A_784 = arith.constant 13 : i32
      %add3A_785 = vector.broadcast %add3A_784 : i32 to vector<16xi32>
      %add3A_786 = arith.addi %mul3A_722, %add3A_785 : vector<16xi32>
      %gather3A_787 = tpu.vector_load_idx %arg12[%add3A_786] : memref<2176xf32, #tpu.memory_space<vmem>>[vector<16xi32>], vector<16xf32>,
      %add3A_788 = arith.addf %add3A_783, %gather3A_787 : vector<16xf32>
      %add3A_789 = arith.constant 14 : i32
      %add3A_790 = vector.broadcast %add3A_789 : i32 to vector<16xi32>
      %add3A_791 = arith.addi %mul3A_722, %add3A_790 : vector<16xi32>
      %gather3A_792 = tpu.vector_load_idx %arg12[%add3A_791] : memref<2176xf32, #tpu.memory_space<vmem>>[vector<16xi32>], vector<16xf32>,
      %add3A_793 = arith.addf %add3A_788, %gather3A_792 : vector<16xf32>
      %add3A_794 = arith.constant 15 : i32
      %add3A_795 = vector.broadcast %add3A_794 : i32 to vector<16xi32>
      %add3A_796 = arith.addi %mul3A_722, %add3A_795 : vector<16xi32>
      %gather3A_797 = tpu.vector_load_idx %arg12[%add3A_796] : memref<2176xf32, #tpu.memory_space<vmem>>[vector<16xi32>], vector<16xf32>,
      %add3A_798 = arith.addf %add3A_793, %gather3A_797 : vector<16xf32>
      %neg3A_799 = arith.constant 0.000000e+00 : f32
      %neg3A_800 = vector.broadcast %neg3A_799 : f32 to vector<16xf32>
      %neg3A_801 = arith.subf %neg3A_800, %add3A_798 : vector<16xf32>
      %exp3A_802 = math.exp %neg3A_801 : vector<16xf32>
      %add3A_803 = arith.constant 1.000000e+00 : f32
      %add3A_804 = vector.broadcast %add3A_803 : f32 to vector<16xf32>
      %add3A_805 = arith.addf %add3A_804, %exp3A_802 : vector<16xf32>
      %div3A_806 = arith.constant 1.000000e+00 : f32
      %div3A_807 = vector.broadcast %div3A_806 : f32 to vector<16xf32>
      %div3A_808 = arith.divf %div3A_807, %add3A_805 : vector<16xf32>
      %swap3A_809 = arith.constant 112 : index
      %swap3A_810 = tpu.vector_load %arg13[%swap3A_809] {strides = array<i32>} : memref<128xf32, #tpu.memory_space<vmem>>, vector<16xf32>,
      tpu.vector_store %arg13[%swap3A_809], %div3A_808 {strides = array<i32>} : memref<128xf32, #tpu.memory_space<vmem>>, vector<16xf32>,
      "tpu.region"() ({
        %run_scoped3A = tpu.sem_alloc : memref<!tpu.dma_semaphore, #tpu.memory_space<semaphore_mem>>
        %dma_start3A_1586 = tpu.memref_slice %arg5[%mul3A_61] : memref<160000xf32, #tpu.memory_space<hbm>> -> memref<128xf32, #tpu.memory_space<hbm>>
        %dma_start3A_1587 = tpu.memref_slice %arg5[%mul3A_61] : memref<160000xf32, #tpu.memory_space<hbm>> -> memref<128xf32, #tpu.memory_space<hbm>>
        tpu.enqueue_dma source(%arg13 : memref<128xf32, #tpu.memory_space<vmem>>) target(%dma_start3A_1587 : memref<128xf32, #tpu.memory_space<hbm>>) target_semaphore(%run_scoped3A : memref<!tpu.dma_semaphore, #tpu.memory_space<semaphore_mem>>)
        %dma_wait3A_1588 = tpu.memref_slice %arg5[%mul3A_61] : memref<160000xf32, #tpu.memory_space<hbm>> -> memref<128xf32, #tpu.memory_space<hbm>>
        %dma_wait3A_1589 = tpu.memref_slice %arg5[%mul3A_61] : memref<160000xf32, #tpu.memory_space<hbm>> -> memref<128xf32, #tpu.memory_space<hbm>>
        tpu.wait_dma2 semaphore(%run_scoped3A : memref<!tpu.dma_semaphore, #tpu.memory_space<semaphore_mem>>) src(%arg13 : memref<128xf32, #tpu.memory_space<vmem>>) dst(%dma_wait3A_1589 : memref<128xf32, #tpu.memory_space<hbm>>)
        tpu.yield
      }) : () -> ()
      %dma_wait3A_811 = arith.constant 0 : i32
      %dma_wait3A_812 = tpu.memref_slice %arg7[%dma_wait3A_811] : memref<256xi32, #tpu.memory_space<vmem>> -> memref<128xi32, #tpu.memory_space<vmem>>
      %dma_wait3A_813 = arith.constant 0 : i32
      %dma_wait3A_814 = arith.constant 0 : i32
      %dma_wait3A_815 = tpu.memref_slice %arg2[%dma_wait3A_813, %dma_wait3A_814] : memref<10000x128xi32, #tpu.memory_space<hbm>> -> memref<10000x128xi32, #tpu.memory_space<hbm>>
      tpu.wait_indirect_dma semaphore(%arg15 : memref<!tpu.dma_semaphore, #tpu.memory_space<semaphore_mem>>) src(%dma_wait3A_815 : memref<10000x128xi32, #tpu.memory_space<hbm>>) dst(%arg9 : memref<128x128xi32, #tpu.memory_space<vmem>>)
      %dma_wait3A_816 = arith.constant 128 : i32
      %dma_wait3A_817 = tpu.memref_slice %arg7[%dma_wait3A_816] : memref<256xi32, #tpu.memory_space<vmem>> -> memref<128xi32, #tpu.memory_space<vmem>>
      %dma_wait3A_818 = arith.constant 0 : i32
      %dma_wait3A_819 = arith.constant 0 : i32
      %dma_wait3A_820 = tpu.memref_slice %arg2[%dma_wait3A_818, %dma_wait3A_819] : memref<10000x128xi32, #tpu.memory_space<hbm>> -> memref<10000x128xi32, #tpu.memory_space<hbm>>
      tpu.wait_indirect_dma semaphore(%arg15 : memref<!tpu.dma_semaphore, #tpu.memory_space<semaphore_mem>>) src(%dma_wait3A_820 : memref<10000x128xi32, #tpu.memory_space<hbm>>) dst(%arg11 : memref<128x128xi32, #tpu.memory_space<vmem>>)
      %lt3A = arith.constant 39 : i32
      %lt3A_821 = arith.cmpi slt, %add3A_28, %lt3A : i32
      %convert_element_type3A = arith.extui %lt3A_821 : i1 to i32
      %cond3A = arith.constant 0 : i32
      %cond3A_822 = arith.cmpi ne, %convert_element_type3A, %cond3A : i32
      scf.if %cond3A_822 {
        %add3A_1586 = arith.constant 1 : i32
        %add3A_1587 = arith.addi %add3A_28, %add3A_1586 : i32
        %mul3A_1588 = arith.constant 32 : i32
        %mul3A_1589 = arith.muli %add3A_1587, %mul3A_1588 : i32
        %add3A_1590 = arith.addi %add3A, %mul3A_1589 : i32
        %min3A_1591 = arith.constant 1249 : i32
        %min3A_1592 = arith.minsi %add3A_1590, %min3A_1591 : i32
        %mul3A_1593 = arith.constant 128 : i32
        %mul3A_1594 = arith.muli %min3A_1592, %mul3A_1593 : i32
        "tpu.region"() ({
          %run_scoped3A = tpu.sem_alloc : memref<!tpu.dma_semaphore, #tpu.memory_space<semaphore_mem>>
          %dma_start3A_1605 = arith.constant 0 : i32
          %dma_start3A_1606 = tpu.memref_slice %arg6[%dma_start3A_1605] : memref<256xi32, #tpu.memory_space<vmem>> -> memref<128xi32, #tpu.memory_space<vmem>>
          %dma_start3A_1607 = tpu.memref_slice %arg3[%mul3A_1594] : memref<160000xi32, #tpu.memory_space<hbm>> -> memref<128xi32, #tpu.memory_space<hbm>>
          %dma_start3A_1608 = arith.constant 0 : i32
          %dma_start3A_1609 = tpu.memref_slice %arg6[%dma_start3A_1608] : memref<256xi32, #tpu.memory_space<vmem>> -> memref<128xi32, #tpu.memory_space<vmem>>
          %dma_start3A_1610 = tpu.memref_slice %arg3[%mul3A_1594] : memref<160000xi32, #tpu.memory_space<hbm>> -> memref<128xi32, #tpu.memory_space<hbm>>
          tpu.enqueue_dma source(%dma_start3A_1610 : memref<128xi32, #tpu.memory_space<hbm>>) target(%dma_start3A_1609 : memref<128xi32, #tpu.memory_space<vmem>>) target_semaphore(%run_scoped3A : memref<!tpu.dma_semaphore, #tpu.memory_space<semaphore_mem>>)
          %dma_wait3A_1611 = arith.constant 0 : i32
          %dma_wait3A_1612 = tpu.memref_slice %arg6[%dma_wait3A_1611] : memref<256xi32, #tpu.memory_space<vmem>> -> memref<128xi32, #tpu.memory_space<vmem>>
          %dma_wait3A_1613 = tpu.memref_slice %arg3[%mul3A_1594] : memref<160000xi32, #tpu.memory_space<hbm>> -> memref<128xi32, #tpu.memory_space<hbm>>
          %dma_wait3A_1614 = arith.constant 0 : i32
          %dma_wait3A_1615 = tpu.memref_slice %arg6[%dma_wait3A_1614] : memref<256xi32, #tpu.memory_space<vmem>> -> memref<128xi32, #tpu.memory_space<vmem>>
          %dma_wait3A_1616 = tpu.memref_slice %arg3[%mul3A_1594] : memref<160000xi32, #tpu.memory_space<hbm>> -> memref<128xi32, #tpu.memory_space<hbm>>
          tpu.wait_dma2 semaphore(%run_scoped3A : memref<!tpu.dma_semaphore, #tpu.memory_space<semaphore_mem>>) src(%dma_wait3A_1616 : memref<128xi32, #tpu.memory_space<hbm>>) dst(%dma_wait3A_1615 : memref<128xi32, #tpu.memory_space<vmem>>)
          tpu.yield
        }) : () -> ()
        "tpu.region"() ({
          %run_scoped3A = tpu.sem_alloc : memref<!tpu.dma_semaphore, #tpu.memory_space<semaphore_mem>>
          %dma_start3A_1605 = arith.constant 128 : i32
          %dma_start3A_1606 = tpu.memref_slice %arg6[%dma_start3A_1605] : memref<256xi32, #tpu.memory_space<vmem>> -> memref<128xi32, #tpu.memory_space<vmem>>
          %dma_start3A_1607 = tpu.memref_slice %arg4[%mul3A_1594] : memref<160000xi32, #tpu.memory_space<hbm>> -> memref<128xi32, #tpu.memory_space<hbm>>
          %dma_start3A_1608 = arith.constant 128 : i32
          %dma_start3A_1609 = tpu.memref_slice %arg6[%dma_start3A_1608] : memref<256xi32, #tpu.memory_space<vmem>> -> memref<128xi32, #tpu.memory_space<vmem>>
          %dma_start3A_1610 = tpu.memref_slice %arg4[%mul3A_1594] : memref<160000xi32, #tpu.memory_space<hbm>> -> memref<128xi32, #tpu.memory_space<hbm>>
          tpu.enqueue_dma source(%dma_start3A_1610 : memref<128xi32, #tpu.memory_space<hbm>>) target(%dma_start3A_1609 : memref<128xi32, #tpu.memory_space<vmem>>) target_semaphore(%run_scoped3A : memref<!tpu.dma_semaphore, #tpu.memory_space<semaphore_mem>>)
          %dma_wait3A_1611 = arith.constant 128 : i32
          %dma_wait3A_1612 = tpu.memref_slice %arg6[%dma_wait3A_1611] : memref<256xi32, #tpu.memory_space<vmem>> -> memref<128xi32, #tpu.memory_space<vmem>>
          %dma_wait3A_1613 = tpu.memref_slice %arg4[%mul3A_1594] : memref<160000xi32, #tpu.memory_space<hbm>> -> memref<128xi32, #tpu.memory_space<hbm>>
          %dma_wait3A_1614 = arith.constant 128 : i32
          %dma_wait3A_1615 = tpu.memref_slice %arg6[%dma_wait3A_1614] : memref<256xi32, #tpu.memory_space<vmem>> -> memref<128xi32, #tpu.memory_space<vmem>>
          %dma_wait3A_1616 = tpu.memref_slice %arg4[%mul3A_1594] : memref<160000xi32, #tpu.memory_space<hbm>> -> memref<128xi32, #tpu.memory_space<hbm>>
          tpu.wait_dma2 semaphore(%run_scoped3A : memref<!tpu.dma_semaphore, #tpu.memory_space<semaphore_mem>>) src(%dma_wait3A_1616 : memref<128xi32, #tpu.memory_space<hbm>>) dst(%dma_wait3A_1615 : memref<128xi32, #tpu.memory_space<vmem>>)
          tpu.yield
        }) : () -> ()
        %dma_start3A_1595 = arith.constant 0 : i32
        %dma_start3A_1596 = tpu.memref_slice %arg6[%dma_start3A_1595] : memref<256xi32, #tpu.memory_space<vmem>> -> memref<128xi32, #tpu.memory_space<vmem>>
        %dma_start3A_1597 = arith.constant 0 : i32
        %dma_start3A_1598 = arith.constant 0 : i32
        %dma_start3A_1599 = tpu.memref_slice %arg2[%dma_start3A_1597, %dma_start3A_1598] : memref<10000x128xi32, #tpu.memory_space<hbm>> -> memref<10000x128xi32, #tpu.memory_space<hbm>>
        tpu.enqueue_indirect_dma source(%dma_start3A_1599 : memref<10000x128xi32, #tpu.memory_space<hbm>>) target(%arg8 : memref<128x128xi32, #tpu.memory_space<vmem>>) offsets(%dma_start3A_1596 : memref<128xi32, #tpu.memory_space<vmem>>) semaphore(%arg14 : memref<!tpu.dma_semaphore, #tpu.memory_space<semaphore_mem>>)
        %dma_start3A_1600 = arith.constant 128 : i32
        %dma_start3A_1601 = tpu.memref_slice %arg6[%dma_start3A_1600] : memref<256xi32, #tpu.memory_space<vmem>> -> memref<128xi32, #tpu.memory_space<vmem>>
        %dma_start3A_1602 = arith.constant 0 : i32
        %dma_start3A_1603 = arith.constant 0 : i32
        %dma_start3A_1604 = tpu.memref_slice %arg2[%dma_start3A_1602, %dma_start3A_1603] : memref<10000x128xi32, #tpu.memory_space<hbm>> -> memref<10000x128xi32, #tpu.memory_space<hbm>>
        tpu.enqueue_indirect_dma source(%dma_start3A_1604 : memref<10000x128xi32, #tpu.memory_space<hbm>>) target(%arg10 : memref<128x128xi32, #tpu.memory_space<vmem>>) offsets(%dma_start3A_1601 : memref<128xi32, #tpu.memory_space<vmem>>) semaphore(%arg14 : memref<!tpu.dma_semaphore, #tpu.memory_space<semaphore_mem>>)
      } else {
      }
      %mul3A_823 = arith.constant 32 : i32
      %mul3A_824 = arith.muli %add3A_28, %mul3A_823 : i32
      %add3A_825 = arith.addi %add3A, %mul3A_824 : i32
      %min3A_826 = arith.constant 1249 : i32
      %min3A_827 = arith.minsi %add3A_825, %min3A_826 : i32
      %mul3A_828 = arith.constant 128 : i32
      %mul3A_829 = arith.muli %min3A_827, %mul3A_828 : i32
      %parallel_loop3A_830 = arith.constant 0 : i32
      %parallel_loop3A_831 = arith.constant 128 : i32
      %parallel_loop3A_832 = arith.constant 1 : i32
      scf.for %parallel_loop3A_1586 = %parallel_loop3A_830 to %parallel_loop3A_831 step %parallel_loop3A_832  : i32 {
        %parallel_loop3A_1587 = arith.index_cast %parallel_loop3A_1586 : i32 to index
        %parallel_loop3A_1588 = arith.constant 0 : index
        %parallel_loop3A_1589 = tpu.vector_load %arg9[%parallel_loop3A_1587, %parallel_loop3A_1588] {strides = array<i32>} : memref<128x128xi32, #tpu.memory_space<vmem>>, vector<16xi32>,
        %parallel_loop3A_1590 = vector.bitcast %parallel_loop3A_1589 : vector<16xi32> to vector<32xbf16>
        %parallel_loop3A_1591 = arith.index_cast %parallel_loop3A_1586 : i32 to index
        %parallel_loop3A_1592 = arith.constant 0 : index
        %parallel_loop3A_1593 = tpu.vector_load %arg11[%parallel_loop3A_1591, %parallel_loop3A_1592] {strides = array<i32>} : memref<128x128xi32, #tpu.memory_space<vmem>>, vector<16xi32>,
        %parallel_loop3A_1594 = vector.bitcast %parallel_loop3A_1593 : vector<16xi32> to vector<32xbf16>
        %parallel_loop3A_1595 = arith.mulf %parallel_loop3A_1590, %parallel_loop3A_1594 : vector<32xbf16>
        %parallel_loop3A_1596 = tpu.unpack_subelements %parallel_loop3A_1595, 0 {pack_format = #tpu.pack_format<interleaved>} : vector<32xbf16> -> vector<16xf32>
        %parallel_loop3A_1597 = tpu.unpack_subelements %parallel_loop3A_1595, 1 {pack_format = #tpu.pack_format<interleaved>} : vector<32xbf16> -> vector<16xf32>
        %parallel_loop3A_1598 = arith.addf %parallel_loop3A_1596, %parallel_loop3A_1597 : vector<16xf32>
        %parallel_loop3A_1599 = arith.index_cast %parallel_loop3A_1586 : i32 to index
        %parallel_loop3A_1600 = arith.constant 16 : index
        %parallel_loop3A_1601 = tpu.vector_load %arg9[%parallel_loop3A_1599, %parallel_loop3A_1600] {strides = array<i32>} : memref<128x128xi32, #tpu.memory_space<vmem>>, vector<16xi32>,
        %parallel_loop3A_1602 = vector.bitcast %parallel_loop3A_1601 : vector<16xi32> to vector<32xbf16>
        %parallel_loop3A_1603 = arith.index_cast %parallel_loop3A_1586 : i32 to index
        %parallel_loop3A_1604 = arith.constant 16 : index
        %parallel_loop3A_1605 = tpu.vector_load %arg11[%parallel_loop3A_1603, %parallel_loop3A_1604] {strides = array<i32>} : memref<128x128xi32, #tpu.memory_space<vmem>>, vector<16xi32>,
        %parallel_loop3A_1606 = vector.bitcast %parallel_loop3A_1605 : vector<16xi32> to vector<32xbf16>
        %parallel_loop3A_1607 = arith.mulf %parallel_loop3A_1602, %parallel_loop3A_1606 : vector<32xbf16>
        %parallel_loop3A_1608 = tpu.unpack_subelements %parallel_loop3A_1607, 0 {pack_format = #tpu.pack_format<interleaved>} : vector<32xbf16> -> vector<16xf32>
        %parallel_loop3A_1609 = tpu.unpack_subelements %parallel_loop3A_1607, 1 {pack_format = #tpu.pack_format<interleaved>} : vector<32xbf16> -> vector<16xf32>
        %parallel_loop3A_1610 = arith.addf %parallel_loop3A_1608, %parallel_loop3A_1609 : vector<16xf32>
        %parallel_loop3A_1611 = arith.index_cast %parallel_loop3A_1586 : i32 to index
        %parallel_loop3A_1612 = arith.constant 32 : index
        %parallel_loop3A_1613 = tpu.vector_load %arg9[%parallel_loop3A_1611, %parallel_loop3A_1612] {strides = array<i32>} : memref<128x128xi32, #tpu.memory_space<vmem>>, vector<16xi32>,
        %parallel_loop3A_1614 = vector.bitcast %parallel_loop3A_1613 : vector<16xi32> to vector<32xbf16>
        %parallel_loop3A_1615 = arith.index_cast %parallel_loop3A_1586 : i32 to index
        %parallel_loop3A_1616 = arith.constant 32 : index
        %parallel_loop3A_1617 = tpu.vector_load %arg11[%parallel_loop3A_1615, %parallel_loop3A_1616] {strides = array<i32>} : memref<128x128xi32, #tpu.memory_space<vmem>>, vector<16xi32>,
        %parallel_loop3A_1618 = vector.bitcast %parallel_loop3A_1617 : vector<16xi32> to vector<32xbf16>
        %parallel_loop3A_1619 = arith.mulf %parallel_loop3A_1614, %parallel_loop3A_1618 : vector<32xbf16>
        %parallel_loop3A_1620 = tpu.unpack_subelements %parallel_loop3A_1619, 0 {pack_format = #tpu.pack_format<interleaved>} : vector<32xbf16> -> vector<16xf32>
        %parallel_loop3A_1621 = tpu.unpack_subelements %parallel_loop3A_1619, 1 {pack_format = #tpu.pack_format<interleaved>} : vector<32xbf16> -> vector<16xf32>
        %parallel_loop3A_1622 = arith.addf %parallel_loop3A_1620, %parallel_loop3A_1621 : vector<16xf32>
        %parallel_loop3A_1623 = arith.index_cast %parallel_loop3A_1586 : i32 to index
        %parallel_loop3A_1624 = arith.constant 48 : index
        %parallel_loop3A_1625 = tpu.vector_load %arg9[%parallel_loop3A_1623, %parallel_loop3A_1624] {strides = array<i32>} : memref<128x128xi32, #tpu.memory_space<vmem>>, vector<16xi32>,
        %parallel_loop3A_1626 = vector.bitcast %parallel_loop3A_1625 : vector<16xi32> to vector<32xbf16>
        %parallel_loop3A_1627 = arith.index_cast %parallel_loop3A_1586 : i32 to index
        %parallel_loop3A_1628 = arith.constant 48 : index
        %parallel_loop3A_1629 = tpu.vector_load %arg11[%parallel_loop3A_1627, %parallel_loop3A_1628] {strides = array<i32>} : memref<128x128xi32, #tpu.memory_space<vmem>>, vector<16xi32>,
        %parallel_loop3A_1630 = vector.bitcast %parallel_loop3A_1629 : vector<16xi32> to vector<32xbf16>
        %parallel_loop3A_1631 = arith.mulf %parallel_loop3A_1626, %parallel_loop3A_1630 : vector<32xbf16>
        %parallel_loop3A_1632 = tpu.unpack_subelements %parallel_loop3A_1631, 0 {pack_format = #tpu.pack_format<interleaved>} : vector<32xbf16> -> vector<16xf32>
        %parallel_loop3A_1633 = tpu.unpack_subelements %parallel_loop3A_1631, 1 {pack_format = #tpu.pack_format<interleaved>} : vector<32xbf16> -> vector<16xf32>
        %parallel_loop3A_1634 = arith.addf %parallel_loop3A_1632, %parallel_loop3A_1633 : vector<16xf32>
        %parallel_loop3A_1635 = arith.index_cast %parallel_loop3A_1586 : i32 to index
        %parallel_loop3A_1636 = arith.constant 64 : index
        %parallel_loop3A_1637 = tpu.vector_load %arg9[%parallel_loop3A_1635, %parallel_loop3A_1636] {strides = array<i32>} : memref<128x128xi32, #tpu.memory_space<vmem>>, vector<16xi32>,
        %parallel_loop3A_1638 = vector.bitcast %parallel_loop3A_1637 : vector<16xi32> to vector<32xbf16>
        %parallel_loop3A_1639 = arith.index_cast %parallel_loop3A_1586 : i32 to index
        %parallel_loop3A_1640 = arith.constant 64 : index
        %parallel_loop3A_1641 = tpu.vector_load %arg11[%parallel_loop3A_1639, %parallel_loop3A_1640] {strides = array<i32>} : memref<128x128xi32, #tpu.memory_space<vmem>>, vector<16xi32>,
        %parallel_loop3A_1642 = vector.bitcast %parallel_loop3A_1641 : vector<16xi32> to vector<32xbf16>
        %parallel_loop3A_1643 = arith.mulf %parallel_loop3A_1638, %parallel_loop3A_1642 : vector<32xbf16>
        %parallel_loop3A_1644 = tpu.unpack_subelements %parallel_loop3A_1643, 0 {pack_format = #tpu.pack_format<interleaved>} : vector<32xbf16> -> vector<16xf32>
        %parallel_loop3A_1645 = tpu.unpack_subelements %parallel_loop3A_1643, 1 {pack_format = #tpu.pack_format<interleaved>} : vector<32xbf16> -> vector<16xf32>
        %parallel_loop3A_1646 = arith.addf %parallel_loop3A_1644, %parallel_loop3A_1645 : vector<16xf32>
        %parallel_loop3A_1647 = arith.index_cast %parallel_loop3A_1586 : i32 to index
        %parallel_loop3A_1648 = arith.constant 80 : index
        %parallel_loop3A_1649 = tpu.vector_load %arg9[%parallel_loop3A_1647, %parallel_loop3A_1648] {strides = array<i32>} : memref<128x128xi32, #tpu.memory_space<vmem>>, vector<16xi32>,
        %parallel_loop3A_1650 = vector.bitcast %parallel_loop3A_1649 : vector<16xi32> to vector<32xbf16>
        %parallel_loop3A_1651 = arith.index_cast %parallel_loop3A_1586 : i32 to index
        %parallel_loop3A_1652 = arith.constant 80 : index
        %parallel_loop3A_1653 = tpu.vector_load %arg11[%parallel_loop3A_1651, %parallel_loop3A_1652] {strides = array<i32>} : memref<128x128xi32, #tpu.memory_space<vmem>>, vector<16xi32>,
        %parallel_loop3A_1654 = vector.bitcast %parallel_loop3A_1653 : vector<16xi32> to vector<32xbf16>
        %parallel_loop3A_1655 = arith.mulf %parallel_loop3A_1650, %parallel_loop3A_1654 : vector<32xbf16>
        %parallel_loop3A_1656 = tpu.unpack_subelements %parallel_loop3A_1655, 0 {pack_format = #tpu.pack_format<interleaved>} : vector<32xbf16> -> vector<16xf32>
        %parallel_loop3A_1657 = tpu.unpack_subelements %parallel_loop3A_1655, 1 {pack_format = #tpu.pack_format<interleaved>} : vector<32xbf16> -> vector<16xf32>
        %parallel_loop3A_1658 = arith.addf %parallel_loop3A_1656, %parallel_loop3A_1657 : vector<16xf32>
        %parallel_loop3A_1659 = arith.index_cast %parallel_loop3A_1586 : i32 to index
        %parallel_loop3A_1660 = arith.constant 96 : index
        %parallel_loop3A_1661 = tpu.vector_load %arg9[%parallel_loop3A_1659, %parallel_loop3A_1660] {strides = array<i32>} : memref<128x128xi32, #tpu.memory_space<vmem>>, vector<16xi32>,
        %parallel_loop3A_1662 = vector.bitcast %parallel_loop3A_1661 : vector<16xi32> to vector<32xbf16>
        %parallel_loop3A_1663 = arith.index_cast %parallel_loop3A_1586 : i32 to index
        %parallel_loop3A_1664 = arith.constant 96 : index
        %parallel_loop3A_1665 = tpu.vector_load %arg11[%parallel_loop3A_1663, %parallel_loop3A_1664] {strides = array<i32>} : memref<128x128xi32, #tpu.memory_space<vmem>>, vector<16xi32>,
        %parallel_loop3A_1666 = vector.bitcast %parallel_loop3A_1665 : vector<16xi32> to vector<32xbf16>
        %parallel_loop3A_1667 = arith.mulf %parallel_loop3A_1662, %parallel_loop3A_1666 : vector<32xbf16>
        %parallel_loop3A_1668 = tpu.unpack_subelements %parallel_loop3A_1667, 0 {pack_format = #tpu.pack_format<interleaved>} : vector<32xbf16> -> vector<16xf32>
        %parallel_loop3A_1669 = tpu.unpack_subelements %parallel_loop3A_1667, 1 {pack_format = #tpu.pack_format<interleaved>} : vector<32xbf16> -> vector<16xf32>
        %parallel_loop3A_1670 = arith.addf %parallel_loop3A_1668, %parallel_loop3A_1669 : vector<16xf32>
        %parallel_loop3A_1671 = arith.index_cast %parallel_loop3A_1586 : i32 to index
        %parallel_loop3A_1672 = arith.constant 112 : index
        %parallel_loop3A_1673 = tpu.vector_load %arg9[%parallel_loop3A_1671, %parallel_loop3A_1672] {strides = array<i32>} : memref<128x128xi32, #tpu.memory_space<vmem>>, vector<16xi32>,
        %parallel_loop3A_1674 = vector.bitcast %parallel_loop3A_1673 : vector<16xi32> to vector<32xbf16>
        %parallel_loop3A_1675 = arith.index_cast %parallel_loop3A_1586 : i32 to index
        %parallel_loop3A_1676 = arith.constant 112 : index
        %parallel_loop3A_1677 = tpu.vector_load %arg11[%parallel_loop3A_1675, %parallel_loop3A_1676] {strides = array<i32>} : memref<128x128xi32, #tpu.memory_space<vmem>>, vector<16xi32>,
        %parallel_loop3A_1678 = vector.bitcast %parallel_loop3A_1677 : vector<16xi32> to vector<32xbf16>
        %parallel_loop3A_1679 = arith.mulf %parallel_loop3A_1674, %parallel_loop3A_1678 : vector<32xbf16>
        %parallel_loop3A_1680 = tpu.unpack_subelements %parallel_loop3A_1679, 0 {pack_format = #tpu.pack_format<interleaved>} : vector<32xbf16> -> vector<16xf32>
        %parallel_loop3A_1681 = tpu.unpack_subelements %parallel_loop3A_1679, 1 {pack_format = #tpu.pack_format<interleaved>} : vector<32xbf16> -> vector<16xf32>
        %parallel_loop3A_1682 = arith.addf %parallel_loop3A_1680, %parallel_loop3A_1681 : vector<16xf32>
        %parallel_loop3A_1683 = arith.addf %parallel_loop3A_1598, %parallel_loop3A_1610 : vector<16xf32>
        %parallel_loop3A_1684 = arith.addf %parallel_loop3A_1622, %parallel_loop3A_1634 : vector<16xf32>
        %parallel_loop3A_1685 = arith.addf %parallel_loop3A_1646, %parallel_loop3A_1658 : vector<16xf32>
        %parallel_loop3A_1686 = arith.addf %parallel_loop3A_1670, %parallel_loop3A_1682 : vector<16xf32>
        %parallel_loop3A_1687 = arith.addf %parallel_loop3A_1683, %parallel_loop3A_1684 : vector<16xf32>
        %parallel_loop3A_1688 = arith.addf %parallel_loop3A_1685, %parallel_loop3A_1686 : vector<16xf32>
        %parallel_loop3A_1689 = arith.addf %parallel_loop3A_1687, %parallel_loop3A_1688 : vector<16xf32>
        %parallel_loop3A_1690 = arith.constant 17 : i32
        %parallel_loop3A_1691 = arith.muli %parallel_loop3A_1586, %parallel_loop3A_1690 : i32
        %parallel_loop3A_1692 = vector.broadcast %parallel_loop3A_1691 : i32 to vector<16xi32>
        %parallel_loop3A_1693 = arith.addi %iota3A, %parallel_loop3A_1692 : vector<16xi32>
        tpu.vector_store_idx %arg12[%parallel_loop3A_1693], %parallel_loop3A_1689 : memref<2176xf32, #tpu.memory_space<vmem>>[vector<16xi32>], vector<16xf32>,
      } {sc.loop_unroll_factor = 8 : i64, sc.parallel_access}
      %add3A_833 = arith.constant 0 : i32
      %add3A_834 = vector.broadcast %add3A_833 : i32 to vector<16xi32>
      %add3A_835 = arith.addi %iota3A, %add3A_834 : vector<16xi32>
      %mul3A_836 = arith.constant 17 : i32
      %mul3A_837 = vector.broadcast %mul3A_836 : i32 to vector<16xi32>
      %mul3A_838 = arith.muli %add3A_835, %mul3A_837 : vector<16xi32>
      %gather3A_839 = tpu.vector_load_idx %arg12[%mul3A_838] : memref<2176xf32, #tpu.memory_space<vmem>>[vector<16xi32>], vector<16xf32>,
      %add3A_840 = arith.constant 1 : i32
      %add3A_841 = vector.broadcast %add3A_840 : i32 to vector<16xi32>
      %add3A_842 = arith.addi %mul3A_838, %add3A_841 : vector<16xi32>
      %gather3A_843 = tpu.vector_load_idx %arg12[%add3A_842] : memref<2176xf32, #tpu.memory_space<vmem>>[vector<16xi32>], vector<16xf32>,
      %add3A_844 = arith.addf %gather3A_839, %gather3A_843 : vector<16xf32>
      %add3A_845 = arith.constant 2 : i32
      %add3A_846 = vector.broadcast %add3A_845 : i32 to vector<16xi32>
      %add3A_847 = arith.addi %mul3A_838, %add3A_846 : vector<16xi32>
      %gather3A_848 = tpu.vector_load_idx %arg12[%add3A_847] : memref<2176xf32, #tpu.memory_space<vmem>>[vector<16xi32>], vector<16xf32>,
      %add3A_849 = arith.addf %add3A_844, %gather3A_848 : vector<16xf32>
      %add3A_850 = arith.constant 3 : i32
      %add3A_851 = vector.broadcast %add3A_850 : i32 to vector<16xi32>
      %add3A_852 = arith.addi %mul3A_838, %add3A_851 : vector<16xi32>
      %gather3A_853 = tpu.vector_load_idx %arg12[%add3A_852] : memref<2176xf32, #tpu.memory_space<vmem>>[vector<16xi32>], vector<16xf32>,
      %add3A_854 = arith.addf %add3A_849, %gather3A_853 : vector<16xf32>
      %add3A_855 = arith.constant 4 : i32
      %add3A_856 = vector.broadcast %add3A_855 : i32 to vector<16xi32>
      %add3A_857 = arith.addi %mul3A_838, %add3A_856 : vector<16xi32>
      %gather3A_858 = tpu.vector_load_idx %arg12[%add3A_857] : memref<2176xf32, #tpu.memory_space<vmem>>[vector<16xi32>], vector<16xf32>,
      %add3A_859 = arith.addf %add3A_854, %gather3A_858 : vector<16xf32>
      %add3A_860 = arith.constant 5 : i32
      %add3A_861 = vector.broadcast %add3A_860 : i32 to vector<16xi32>
      %add3A_862 = arith.addi %mul3A_838, %add3A_861 : vector<16xi32>
      %gather3A_863 = tpu.vector_load_idx %arg12[%add3A_862] : memref<2176xf32, #tpu.memory_space<vmem>>[vector<16xi32>], vector<16xf32>,
      %add3A_864 = arith.addf %add3A_859, %gather3A_863 : vector<16xf32>
      %add3A_865 = arith.constant 6 : i32
      %add3A_866 = vector.broadcast %add3A_865 : i32 to vector<16xi32>
      %add3A_867 = arith.addi %mul3A_838, %add3A_866 : vector<16xi32>
      %gather3A_868 = tpu.vector_load_idx %arg12[%add3A_867] : memref<2176xf32, #tpu.memory_space<vmem>>[vector<16xi32>], vector<16xf32>,
      %add3A_869 = arith.addf %add3A_864, %gather3A_868 : vector<16xf32>
      %add3A_870 = arith.constant 7 : i32
      %add3A_871 = vector.broadcast %add3A_870 : i32 to vector<16xi32>
      %add3A_872 = arith.addi %mul3A_838, %add3A_871 : vector<16xi32>
      %gather3A_873 = tpu.vector_load_idx %arg12[%add3A_872] : memref<2176xf32, #tpu.memory_space<vmem>>[vector<16xi32>], vector<16xf32>,
      %add3A_874 = arith.addf %add3A_869, %gather3A_873 : vector<16xf32>
      %add3A_875 = arith.constant 8 : i32
      %add3A_876 = vector.broadcast %add3A_875 : i32 to vector<16xi32>
      %add3A_877 = arith.addi %mul3A_838, %add3A_876 : vector<16xi32>
      %gather3A_878 = tpu.vector_load_idx %arg12[%add3A_877] : memref<2176xf32, #tpu.memory_space<vmem>>[vector<16xi32>], vector<16xf32>,
      %add3A_879 = arith.addf %add3A_874, %gather3A_878 : vector<16xf32>
      %add3A_880 = arith.constant 9 : i32
      %add3A_881 = vector.broadcast %add3A_880 : i32 to vector<16xi32>
      %add3A_882 = arith.addi %mul3A_838, %add3A_881 : vector<16xi32>
      %gather3A_883 = tpu.vector_load_idx %arg12[%add3A_882] : memref<2176xf32, #tpu.memory_space<vmem>>[vector<16xi32>], vector<16xf32>,
      %add3A_884 = arith.addf %add3A_879, %gather3A_883 : vector<16xf32>
      %add3A_885 = arith.constant 10 : i32
      %add3A_886 = vector.broadcast %add3A_885 : i32 to vector<16xi32>
      %add3A_887 = arith.addi %mul3A_838, %add3A_886 : vector<16xi32>
      %gather3A_888 = tpu.vector_load_idx %arg12[%add3A_887] : memref<2176xf32, #tpu.memory_space<vmem>>[vector<16xi32>], vector<16xf32>,
      %add3A_889 = arith.addf %add3A_884, %gather3A_888 : vector<16xf32>
      %add3A_890 = arith.constant 11 : i32
      %add3A_891 = vector.broadcast %add3A_890 : i32 to vector<16xi32>
      %add3A_892 = arith.addi %mul3A_838, %add3A_891 : vector<16xi32>
      %gather3A_893 = tpu.vector_load_idx %arg12[%add3A_892] : memref<2176xf32, #tpu.memory_space<vmem>>[vector<16xi32>], vector<16xf32>,
      %add3A_894 = arith.addf %add3A_889, %gather3A_893 : vector<16xf32>
      %add3A_895 = arith.constant 12 : i32
      %add3A_896 = vector.broadcast %add3A_895 : i32 to vector<16xi32>
      %add3A_897 = arith.addi %mul3A_838, %add3A_896 : vector<16xi32>
      %gather3A_898 = tpu.vector_load_idx %arg12[%add3A_897] : memref<2176xf32, #tpu.memory_space<vmem>>[vector<16xi32>], vector<16xf32>,
      %add3A_899 = arith.addf %add3A_894, %gather3A_898 : vector<16xf32>
      %add3A_900 = arith.constant 13 : i32
      %add3A_901 = vector.broadcast %add3A_900 : i32 to vector<16xi32>
      %add3A_902 = arith.addi %mul3A_838, %add3A_901 : vector<16xi32>
      %gather3A_903 = tpu.vector_load_idx %arg12[%add3A_902] : memref<2176xf32, #tpu.memory_space<vmem>>[vector<16xi32>], vector<16xf32>,
      %add3A_904 = arith.addf %add3A_899, %gather3A_903 : vector<16xf32>
      %add3A_905 = arith.constant 14 : i32
      %add3A_906 = vector.broadcast %add3A_905 : i32 to vector<16xi32>
      %add3A_907 = arith.addi %mul3A_838, %add3A_906 : vector<16xi32>
      %gather3A_908 = tpu.vector_load_idx %arg12[%add3A_907] : memref<2176xf32, #tpu.memory_space<vmem>>[vector<16xi32>], vector<16xf32>,
      %add3A_909 = arith.addf %add3A_904, %gather3A_908 : vector<16xf32>
      %add3A_910 = arith.constant 15 : i32
      %add3A_911 = vector.broadcast %add3A_910 : i32 to vector<16xi32>
      %add3A_912 = arith.addi %mul3A_838, %add3A_911 : vector<16xi32>
      %gather3A_913 = tpu.vector_load_idx %arg12[%add3A_912] : memref<2176xf32, #tpu.memory_space<vmem>>[vector<16xi32>], vector<16xf32>,
      %add3A_914 = arith.addf %add3A_909, %gather3A_913 : vector<16xf32>
      %neg3A_915 = arith.constant 0.000000e+00 : f32
      %neg3A_916 = vector.broadcast %neg3A_915 : f32 to vector<16xf32>
      %neg3A_917 = arith.subf %neg3A_916, %add3A_914 : vector<16xf32>
      %exp3A_918 = math.exp %neg3A_917 : vector<16xf32>
      %add3A_919 = arith.constant 1.000000e+00 : f32
      %add3A_920 = vector.broadcast %add3A_919 : f32 to vector<16xf32>
      %add3A_921 = arith.addf %add3A_920, %exp3A_918 : vector<16xf32>
      %div3A_922 = arith.constant 1.000000e+00 : f32
      %div3A_923 = vector.broadcast %div3A_922 : f32 to vector<16xf32>
      %div3A_924 = arith.divf %div3A_923, %add3A_921 : vector<16xf32>
      %swap3A_925 = arith.constant 0 : index
      %swap3A_926 = tpu.vector_load %arg13[%swap3A_925] {strides = array<i32>} : memref<128xf32, #tpu.memory_space<vmem>>, vector<16xf32>,
      tpu.vector_store %arg13[%swap3A_925], %div3A_924 {strides = array<i32>} : memref<128xf32, #tpu.memory_space<vmem>>, vector<16xf32>,
      %add3A_927 = arith.constant 16 : i32
      %add3A_928 = vector.broadcast %add3A_927 : i32 to vector<16xi32>
      %add3A_929 = arith.addi %iota3A, %add3A_928 : vector<16xi32>
      %mul3A_930 = arith.constant 17 : i32
      %mul3A_931 = vector.broadcast %mul3A_930 : i32 to vector<16xi32>
      %mul3A_932 = arith.muli %add3A_929, %mul3A_931 : vector<16xi32>
      %gather3A_933 = tpu.vector_load_idx %arg12[%mul3A_932] : memref<2176xf32, #tpu.memory_space<vmem>>[vector<16xi32>], vector<16xf32>,
      %add3A_934 = arith.constant 1 : i32
      %add3A_935 = vector.broadcast %add3A_934 : i32 to vector<16xi32>
      %add3A_936 = arith.addi %mul3A_932, %add3A_935 : vector<16xi32>
      %gather3A_937 = tpu.vector_load_idx %arg12[%add3A_936] : memref<2176xf32, #tpu.memory_space<vmem>>[vector<16xi32>], vector<16xf32>,
      %add3A_938 = arith.addf %gather3A_933, %gather3A_937 : vector<16xf32>
      %add3A_939 = arith.constant 2 : i32
      %add3A_940 = vector.broadcast %add3A_939 : i32 to vector<16xi32>
      %add3A_941 = arith.addi %mul3A_932, %add3A_940 : vector<16xi32>
      %gather3A_942 = tpu.vector_load_idx %arg12[%add3A_941] : memref<2176xf32, #tpu.memory_space<vmem>>[vector<16xi32>], vector<16xf32>,
      %add3A_943 = arith.addf %add3A_938, %gather3A_942 : vector<16xf32>
      %add3A_944 = arith.constant 3 : i32
      %add3A_945 = vector.broadcast %add3A_944 : i32 to vector<16xi32>
      %add3A_946 = arith.addi %mul3A_932, %add3A_945 : vector<16xi32>
      %gather3A_947 = tpu.vector_load_idx %arg12[%add3A_946] : memref<2176xf32, #tpu.memory_space<vmem>>[vector<16xi32>], vector<16xf32>,
      %add3A_948 = arith.addf %add3A_943, %gather3A_947 : vector<16xf32>
      %add3A_949 = arith.constant 4 : i32
      %add3A_950 = vector.broadcast %add3A_949 : i32 to vector<16xi32>
      %add3A_951 = arith.addi %mul3A_932, %add3A_950 : vector<16xi32>
      %gather3A_952 = tpu.vector_load_idx %arg12[%add3A_951] : memref<2176xf32, #tpu.memory_space<vmem>>[vector<16xi32>], vector<16xf32>,
      %add3A_953 = arith.addf %add3A_948, %gather3A_952 : vector<16xf32>
      %add3A_954 = arith.constant 5 : i32
      %add3A_955 = vector.broadcast %add3A_954 : i32 to vector<16xi32>
      %add3A_956 = arith.addi %mul3A_932, %add3A_955 : vector<16xi32>
      %gather3A_957 = tpu.vector_load_idx %arg12[%add3A_956] : memref<2176xf32, #tpu.memory_space<vmem>>[vector<16xi32>], vector<16xf32>,
      %add3A_958 = arith.addf %add3A_953, %gather3A_957 : vector<16xf32>
      %add3A_959 = arith.constant 6 : i32
      %add3A_960 = vector.broadcast %add3A_959 : i32 to vector<16xi32>
      %add3A_961 = arith.addi %mul3A_932, %add3A_960 : vector<16xi32>
      %gather3A_962 = tpu.vector_load_idx %arg12[%add3A_961] : memref<2176xf32, #tpu.memory_space<vmem>>[vector<16xi32>], vector<16xf32>,
      %add3A_963 = arith.addf %add3A_958, %gather3A_962 : vector<16xf32>
      %add3A_964 = arith.constant 7 : i32
      %add3A_965 = vector.broadcast %add3A_964 : i32 to vector<16xi32>
      %add3A_966 = arith.addi %mul3A_932, %add3A_965 : vector<16xi32>
      %gather3A_967 = tpu.vector_load_idx %arg12[%add3A_966] : memref<2176xf32, #tpu.memory_space<vmem>>[vector<16xi32>], vector<16xf32>,
      %add3A_968 = arith.addf %add3A_963, %gather3A_967 : vector<16xf32>
      %add3A_969 = arith.constant 8 : i32
      %add3A_970 = vector.broadcast %add3A_969 : i32 to vector<16xi32>
      %add3A_971 = arith.addi %mul3A_932, %add3A_970 : vector<16xi32>
      %gather3A_972 = tpu.vector_load_idx %arg12[%add3A_971] : memref<2176xf32, #tpu.memory_space<vmem>>[vector<16xi32>], vector<16xf32>,
      %add3A_973 = arith.addf %add3A_968, %gather3A_972 : vector<16xf32>
      %add3A_974 = arith.constant 9 : i32
      %add3A_975 = vector.broadcast %add3A_974 : i32 to vector<16xi32>
      %add3A_976 = arith.addi %mul3A_932, %add3A_975 : vector<16xi32>
      %gather3A_977 = tpu.vector_load_idx %arg12[%add3A_976] : memref<2176xf32, #tpu.memory_space<vmem>>[vector<16xi32>], vector<16xf32>,
      %add3A_978 = arith.addf %add3A_973, %gather3A_977 : vector<16xf32>
      %add3A_979 = arith.constant 10 : i32
      %add3A_980 = vector.broadcast %add3A_979 : i32 to vector<16xi32>
      %add3A_981 = arith.addi %mul3A_932, %add3A_980 : vector<16xi32>
      %gather3A_982 = tpu.vector_load_idx %arg12[%add3A_981] : memref<2176xf32, #tpu.memory_space<vmem>>[vector<16xi32>], vector<16xf32>,
      %add3A_983 = arith.addf %add3A_978, %gather3A_982 : vector<16xf32>
      %add3A_984 = arith.constant 11 : i32
      %add3A_985 = vector.broadcast %add3A_984 : i32 to vector<16xi32>
      %add3A_986 = arith.addi %mul3A_932, %add3A_985 : vector<16xi32>
      %gather3A_987 = tpu.vector_load_idx %arg12[%add3A_986] : memref<2176xf32, #tpu.memory_space<vmem>>[vector<16xi32>], vector<16xf32>,
      %add3A_988 = arith.addf %add3A_983, %gather3A_987 : vector<16xf32>
      %add3A_989 = arith.constant 12 : i32
      %add3A_990 = vector.broadcast %add3A_989 : i32 to vector<16xi32>
      %add3A_991 = arith.addi %mul3A_932, %add3A_990 : vector<16xi32>
      %gather3A_992 = tpu.vector_load_idx %arg12[%add3A_991] : memref<2176xf32, #tpu.memory_space<vmem>>[vector<16xi32>], vector<16xf32>,
      %add3A_993 = arith.addf %add3A_988, %gather3A_992 : vector<16xf32>
      %add3A_994 = arith.constant 13 : i32
      %add3A_995 = vector.broadcast %add3A_994 : i32 to vector<16xi32>
      %add3A_996 = arith.addi %mul3A_932, %add3A_995 : vector<16xi32>
      %gather3A_997 = tpu.vector_load_idx %arg12[%add3A_996] : memref<2176xf32, #tpu.memory_space<vmem>>[vector<16xi32>], vector<16xf32>,
      %add3A_998 = arith.addf %add3A_993, %gather3A_997 : vector<16xf32>
      %add3A_999 = arith.constant 14 : i32
      %add3A_1000 = vector.broadcast %add3A_999 : i32 to vector<16xi32>
      %add3A_1001 = arith.addi %mul3A_932, %add3A_1000 : vector<16xi32>
      %gather3A_1002 = tpu.vector_load_idx %arg12[%add3A_1001] : memref<2176xf32, #tpu.memory_space<vmem>>[vector<16xi32>], vector<16xf32>,
      %add3A_1003 = arith.addf %add3A_998, %gather3A_1002 : vector<16xf32>
      %add3A_1004 = arith.constant 15 : i32
      %add3A_1005 = vector.broadcast %add3A_1004 : i32 to vector<16xi32>
      %add3A_1006 = arith.addi %mul3A_932, %add3A_1005 : vector<16xi32>
      %gather3A_1007 = tpu.vector_load_idx %arg12[%add3A_1006] : memref<2176xf32, #tpu.memory_space<vmem>>[vector<16xi32>], vector<16xf32>,
      %add3A_1008 = arith.addf %add3A_1003, %gather3A_1007 : vector<16xf32>
      %neg3A_1009 = arith.constant 0.000000e+00 : f32
      %neg3A_1010 = vector.broadcast %neg3A_1009 : f32 to vector<16xf32>
      %neg3A_1011 = arith.subf %neg3A_1010, %add3A_1008 : vector<16xf32>
      %exp3A_1012 = math.exp %neg3A_1011 : vector<16xf32>
      %add3A_1013 = arith.constant 1.000000e+00 : f32
      %add3A_1014 = vector.broadcast %add3A_1013 : f32 to vector<16xf32>
      %add3A_1015 = arith.addf %add3A_1014, %exp3A_1012 : vector<16xf32>
      %div3A_1016 = arith.constant 1.000000e+00 : f32
      %div3A_1017 = vector.broadcast %div3A_1016 : f32 to vector<16xf32>
      %div3A_1018 = arith.divf %div3A_1017, %add3A_1015 : vector<16xf32>
      %swap3A_1019 = arith.constant 16 : index
      %swap3A_1020 = tpu.vector_load %arg13[%swap3A_1019] {strides = array<i32>} : memref<128xf32, #tpu.memory_space<vmem>>, vector<16xf32>,
      tpu.vector_store %arg13[%swap3A_1019], %div3A_1018 {strides = array<i32>} : memref<128xf32, #tpu.memory_space<vmem>>, vector<16xf32>,
      %add3A_1021 = arith.constant 32 : i32
      %add3A_1022 = vector.broadcast %add3A_1021 : i32 to vector<16xi32>
      %add3A_1023 = arith.addi %iota3A, %add3A_1022 : vector<16xi32>
      %mul3A_1024 = arith.constant 17 : i32
      %mul3A_1025 = vector.broadcast %mul3A_1024 : i32 to vector<16xi32>
      %mul3A_1026 = arith.muli %add3A_1023, %mul3A_1025 : vector<16xi32>
      %gather3A_1027 = tpu.vector_load_idx %arg12[%mul3A_1026] : memref<2176xf32, #tpu.memory_space<vmem>>[vector<16xi32>], vector<16xf32>,
      %add3A_1028 = arith.constant 1 : i32
      %add3A_1029 = vector.broadcast %add3A_1028 : i32 to vector<16xi32>
      %add3A_1030 = arith.addi %mul3A_1026, %add3A_1029 : vector<16xi32>
      %gather3A_1031 = tpu.vector_load_idx %arg12[%add3A_1030] : memref<2176xf32, #tpu.memory_space<vmem>>[vector<16xi32>], vector<16xf32>,
      %add3A_1032 = arith.addf %gather3A_1027, %gather3A_1031 : vector<16xf32>
      %add3A_1033 = arith.constant 2 : i32
      %add3A_1034 = vector.broadcast %add3A_1033 : i32 to vector<16xi32>
      %add3A_1035 = arith.addi %mul3A_1026, %add3A_1034 : vector<16xi32>
      %gather3A_1036 = tpu.vector_load_idx %arg12[%add3A_1035] : memref<2176xf32, #tpu.memory_space<vmem>>[vector<16xi32>], vector<16xf32>,
      %add3A_1037 = arith.addf %add3A_1032, %gather3A_1036 : vector<16xf32>
      %add3A_1038 = arith.constant 3 : i32
      %add3A_1039 = vector.broadcast %add3A_1038 : i32 to vector<16xi32>
      %add3A_1040 = arith.addi %mul3A_1026, %add3A_1039 : vector<16xi32>
      %gather3A_1041 = tpu.vector_load_idx %arg12[%add3A_1040] : memref<2176xf32, #tpu.memory_space<vmem>>[vector<16xi32>], vector<16xf32>,
      %add3A_1042 = arith.addf %add3A_1037, %gather3A_1041 : vector<16xf32>
      %add3A_1043 = arith.constant 4 : i32
      %add3A_1044 = vector.broadcast %add3A_1043 : i32 to vector<16xi32>
      %add3A_1045 = arith.addi %mul3A_1026, %add3A_1044 : vector<16xi32>
      %gather3A_1046 = tpu.vector_load_idx %arg12[%add3A_1045] : memref<2176xf32, #tpu.memory_space<vmem>>[vector<16xi32>], vector<16xf32>,
      %add3A_1047 = arith.addf %add3A_1042, %gather3A_1046 : vector<16xf32>
      %add3A_1048 = arith.constant 5 : i32
      %add3A_1049 = vector.broadcast %add3A_1048 : i32 to vector<16xi32>
      %add3A_1050 = arith.addi %mul3A_1026, %add3A_1049 : vector<16xi32>
      %gather3A_1051 = tpu.vector_load_idx %arg12[%add3A_1050] : memref<2176xf32, #tpu.memory_space<vmem>>[vector<16xi32>], vector<16xf32>,
      %add3A_1052 = arith.addf %add3A_1047, %gather3A_1051 : vector<16xf32>
      %add3A_1053 = arith.constant 6 : i32
      %add3A_1054 = vector.broadcast %add3A_1053 : i32 to vector<16xi32>
      %add3A_1055 = arith.addi %mul3A_1026, %add3A_1054 : vector<16xi32>
      %gather3A_1056 = tpu.vector_load_idx %arg12[%add3A_1055] : memref<2176xf32, #tpu.memory_space<vmem>>[vector<16xi32>], vector<16xf32>,
      %add3A_1057 = arith.addf %add3A_1052, %gather3A_1056 : vector<16xf32>
      %add3A_1058 = arith.constant 7 : i32
      %add3A_1059 = vector.broadcast %add3A_1058 : i32 to vector<16xi32>
      %add3A_1060 = arith.addi %mul3A_1026, %add3A_1059 : vector<16xi32>
      %gather3A_1061 = tpu.vector_load_idx %arg12[%add3A_1060] : memref<2176xf32, #tpu.memory_space<vmem>>[vector<16xi32>], vector<16xf32>,
      %add3A_1062 = arith.addf %add3A_1057, %gather3A_1061 : vector<16xf32>
      %add3A_1063 = arith.constant 8 : i32
      %add3A_1064 = vector.broadcast %add3A_1063 : i32 to vector<16xi32>
      %add3A_1065 = arith.addi %mul3A_1026, %add3A_1064 : vector<16xi32>
      %gather3A_1066 = tpu.vector_load_idx %arg12[%add3A_1065] : memref<2176xf32, #tpu.memory_space<vmem>>[vector<16xi32>], vector<16xf32>,
      %add3A_1067 = arith.addf %add3A_1062, %gather3A_1066 : vector<16xf32>
      %add3A_1068 = arith.constant 9 : i32
      %add3A_1069 = vector.broadcast %add3A_1068 : i32 to vector<16xi32>
      %add3A_1070 = arith.addi %mul3A_1026, %add3A_1069 : vector<16xi32>
      %gather3A_1071 = tpu.vector_load_idx %arg12[%add3A_1070] : memref<2176xf32, #tpu.memory_space<vmem>>[vector<16xi32>], vector<16xf32>,
      %add3A_1072 = arith.addf %add3A_1067, %gather3A_1071 : vector<16xf32>
      %add3A_1073 = arith.constant 10 : i32
      %add3A_1074 = vector.broadcast %add3A_1073 : i32 to vector<16xi32>
      %add3A_1075 = arith.addi %mul3A_1026, %add3A_1074 : vector<16xi32>
      %gather3A_1076 = tpu.vector_load_idx %arg12[%add3A_1075] : memref<2176xf32, #tpu.memory_space<vmem>>[vector<16xi32>], vector<16xf32>,
      %add3A_1077 = arith.addf %add3A_1072, %gather3A_1076 : vector<16xf32>
      %add3A_1078 = arith.constant 11 : i32
      %add3A_1079 = vector.broadcast %add3A_1078 : i32 to vector<16xi32>
      %add3A_1080 = arith.addi %mul3A_1026, %add3A_1079 : vector<16xi32>
      %gather3A_1081 = tpu.vector_load_idx %arg12[%add3A_1080] : memref<2176xf32, #tpu.memory_space<vmem>>[vector<16xi32>], vector<16xf32>,
      %add3A_1082 = arith.addf %add3A_1077, %gather3A_1081 : vector<16xf32>
      %add3A_1083 = arith.constant 12 : i32
      %add3A_1084 = vector.broadcast %add3A_1083 : i32 to vector<16xi32>
      %add3A_1085 = arith.addi %mul3A_1026, %add3A_1084 : vector<16xi32>
      %gather3A_1086 = tpu.vector_load_idx %arg12[%add3A_1085] : memref<2176xf32, #tpu.memory_space<vmem>>[vector<16xi32>], vector<16xf32>,
      %add3A_1087 = arith.addf %add3A_1082, %gather3A_1086 : vector<16xf32>
      %add3A_1088 = arith.constant 13 : i32
      %add3A_1089 = vector.broadcast %add3A_1088 : i32 to vector<16xi32>
      %add3A_1090 = arith.addi %mul3A_1026, %add3A_1089 : vector<16xi32>
      %gather3A_1091 = tpu.vector_load_idx %arg12[%add3A_1090] : memref<2176xf32, #tpu.memory_space<vmem>>[vector<16xi32>], vector<16xf32>,
      %add3A_1092 = arith.addf %add3A_1087, %gather3A_1091 : vector<16xf32>
      %add3A_1093 = arith.constant 14 : i32
      %add3A_1094 = vector.broadcast %add3A_1093 : i32 to vector<16xi32>
      %add3A_1095 = arith.addi %mul3A_1026, %add3A_1094 : vector<16xi32>
      %gather3A_1096 = tpu.vector_load_idx %arg12[%add3A_1095] : memref<2176xf32, #tpu.memory_space<vmem>>[vector<16xi32>], vector<16xf32>,
      %add3A_1097 = arith.addf %add3A_1092, %gather3A_1096 : vector<16xf32>
      %add3A_1098 = arith.constant 15 : i32
      %add3A_1099 = vector.broadcast %add3A_1098 : i32 to vector<16xi32>
      %add3A_1100 = arith.addi %mul3A_1026, %add3A_1099 : vector<16xi32>
      %gather3A_1101 = tpu.vector_load_idx %arg12[%add3A_1100] : memref<2176xf32, #tpu.memory_space<vmem>>[vector<16xi32>], vector<16xf32>,
      %add3A_1102 = arith.addf %add3A_1097, %gather3A_1101 : vector<16xf32>
      %neg3A_1103 = arith.constant 0.000000e+00 : f32
      %neg3A_1104 = vector.broadcast %neg3A_1103 : f32 to vector<16xf32>
      %neg3A_1105 = arith.subf %neg3A_1104, %add3A_1102 : vector<16xf32>
      %exp3A_1106 = math.exp %neg3A_1105 : vector<16xf32>
      %add3A_1107 = arith.constant 1.000000e+00 : f32
      %add3A_1108 = vector.broadcast %add3A_1107 : f32 to vector<16xf32>
      %add3A_1109 = arith.addf %add3A_1108, %exp3A_1106 : vector<16xf32>
      %div3A_1110 = arith.constant 1.000000e+00 : f32
      %div3A_1111 = vector.broadcast %div3A_1110 : f32 to vector<16xf32>
      %div3A_1112 = arith.divf %div3A_1111, %add3A_1109 : vector<16xf32>
      %swap3A_1113 = arith.constant 32 : index
      %swap3A_1114 = tpu.vector_load %arg13[%swap3A_1113] {strides = array<i32>} : memref<128xf32, #tpu.memory_space<vmem>>, vector<16xf32>,
      tpu.vector_store %arg13[%swap3A_1113], %div3A_1112 {strides = array<i32>} : memref<128xf32, #tpu.memory_space<vmem>>, vector<16xf32>,
      %add3A_1115 = arith.constant 48 : i32
      %add3A_1116 = vector.broadcast %add3A_1115 : i32 to vector<16xi32>
      %add3A_1117 = arith.addi %iota3A, %add3A_1116 : vector<16xi32>
      %mul3A_1118 = arith.constant 17 : i32
      %mul3A_1119 = vector.broadcast %mul3A_1118 : i32 to vector<16xi32>
      %mul3A_1120 = arith.muli %add3A_1117, %mul3A_1119 : vector<16xi32>
      %gather3A_1121 = tpu.vector_load_idx %arg12[%mul3A_1120] : memref<2176xf32, #tpu.memory_space<vmem>>[vector<16xi32>], vector<16xf32>,
      %add3A_1122 = arith.constant 1 : i32
      %add3A_1123 = vector.broadcast %add3A_1122 : i32 to vector<16xi32>
      %add3A_1124 = arith.addi %mul3A_1120, %add3A_1123 : vector<16xi32>
      %gather3A_1125 = tpu.vector_load_idx %arg12[%add3A_1124] : memref<2176xf32, #tpu.memory_space<vmem>>[vector<16xi32>], vector<16xf32>,
      %add3A_1126 = arith.addf %gather3A_1121, %gather3A_1125 : vector<16xf32>
      %add3A_1127 = arith.constant 2 : i32
      %add3A_1128 = vector.broadcast %add3A_1127 : i32 to vector<16xi32>
      %add3A_1129 = arith.addi %mul3A_1120, %add3A_1128 : vector<16xi32>
      %gather3A_1130 = tpu.vector_load_idx %arg12[%add3A_1129] : memref<2176xf32, #tpu.memory_space<vmem>>[vector<16xi32>], vector<16xf32>,
      %add3A_1131 = arith.addf %add3A_1126, %gather3A_1130 : vector<16xf32>
      %add3A_1132 = arith.constant 3 : i32
      %add3A_1133 = vector.broadcast %add3A_1132 : i32 to vector<16xi32>
      %add3A_1134 = arith.addi %mul3A_1120, %add3A_1133 : vector<16xi32>
      %gather3A_1135 = tpu.vector_load_idx %arg12[%add3A_1134] : memref<2176xf32, #tpu.memory_space<vmem>>[vector<16xi32>], vector<16xf32>,
      %add3A_1136 = arith.addf %add3A_1131, %gather3A_1135 : vector<16xf32>
      %add3A_1137 = arith.constant 4 : i32
      %add3A_1138 = vector.broadcast %add3A_1137 : i32 to vector<16xi32>
      %add3A_1139 = arith.addi %mul3A_1120, %add3A_1138 : vector<16xi32>
      %gather3A_1140 = tpu.vector_load_idx %arg12[%add3A_1139] : memref<2176xf32, #tpu.memory_space<vmem>>[vector<16xi32>], vector<16xf32>,
      %add3A_1141 = arith.addf %add3A_1136, %gather3A_1140 : vector<16xf32>
      %add3A_1142 = arith.constant 5 : i32
      %add3A_1143 = vector.broadcast %add3A_1142 : i32 to vector<16xi32>
      %add3A_1144 = arith.addi %mul3A_1120, %add3A_1143 : vector<16xi32>
      %gather3A_1145 = tpu.vector_load_idx %arg12[%add3A_1144] : memref<2176xf32, #tpu.memory_space<vmem>>[vector<16xi32>], vector<16xf32>,
      %add3A_1146 = arith.addf %add3A_1141, %gather3A_1145 : vector<16xf32>
      %add3A_1147 = arith.constant 6 : i32
      %add3A_1148 = vector.broadcast %add3A_1147 : i32 to vector<16xi32>
      %add3A_1149 = arith.addi %mul3A_1120, %add3A_1148 : vector<16xi32>
      %gather3A_1150 = tpu.vector_load_idx %arg12[%add3A_1149] : memref<2176xf32, #tpu.memory_space<vmem>>[vector<16xi32>], vector<16xf32>,
      %add3A_1151 = arith.addf %add3A_1146, %gather3A_1150 : vector<16xf32>
      %add3A_1152 = arith.constant 7 : i32
      %add3A_1153 = vector.broadcast %add3A_1152 : i32 to vector<16xi32>
      %add3A_1154 = arith.addi %mul3A_1120, %add3A_1153 : vector<16xi32>
      %gather3A_1155 = tpu.vector_load_idx %arg12[%add3A_1154] : memref<2176xf32, #tpu.memory_space<vmem>>[vector<16xi32>], vector<16xf32>,
      %add3A_1156 = arith.addf %add3A_1151, %gather3A_1155 : vector<16xf32>
      %add3A_1157 = arith.constant 8 : i32
      %add3A_1158 = vector.broadcast %add3A_1157 : i32 to vector<16xi32>
      %add3A_1159 = arith.addi %mul3A_1120, %add3A_1158 : vector<16xi32>
      %gather3A_1160 = tpu.vector_load_idx %arg12[%add3A_1159] : memref<2176xf32, #tpu.memory_space<vmem>>[vector<16xi32>], vector<16xf32>,
      %add3A_1161 = arith.addf %add3A_1156, %gather3A_1160 : vector<16xf32>
      %add3A_1162 = arith.constant 9 : i32
      %add3A_1163 = vector.broadcast %add3A_1162 : i32 to vector<16xi32>
      %add3A_1164 = arith.addi %mul3A_1120, %add3A_1163 : vector<16xi32>
      %gather3A_1165 = tpu.vector_load_idx %arg12[%add3A_1164] : memref<2176xf32, #tpu.memory_space<vmem>>[vector<16xi32>], vector<16xf32>,
      %add3A_1166 = arith.addf %add3A_1161, %gather3A_1165 : vector<16xf32>
      %add3A_1167 = arith.constant 10 : i32
      %add3A_1168 = vector.broadcast %add3A_1167 : i32 to vector<16xi32>
      %add3A_1169 = arith.addi %mul3A_1120, %add3A_1168 : vector<16xi32>
      %gather3A_1170 = tpu.vector_load_idx %arg12[%add3A_1169] : memref<2176xf32, #tpu.memory_space<vmem>>[vector<16xi32>], vector<16xf32>,
      %add3A_1171 = arith.addf %add3A_1166, %gather3A_1170 : vector<16xf32>
      %add3A_1172 = arith.constant 11 : i32
      %add3A_1173 = vector.broadcast %add3A_1172 : i32 to vector<16xi32>
      %add3A_1174 = arith.addi %mul3A_1120, %add3A_1173 : vector<16xi32>
      %gather3A_1175 = tpu.vector_load_idx %arg12[%add3A_1174] : memref<2176xf32, #tpu.memory_space<vmem>>[vector<16xi32>], vector<16xf32>,
      %add3A_1176 = arith.addf %add3A_1171, %gather3A_1175 : vector<16xf32>
      %add3A_1177 = arith.constant 12 : i32
      %add3A_1178 = vector.broadcast %add3A_1177 : i32 to vector<16xi32>
      %add3A_1179 = arith.addi %mul3A_1120, %add3A_1178 : vector<16xi32>
      %gather3A_1180 = tpu.vector_load_idx %arg12[%add3A_1179] : memref<2176xf32, #tpu.memory_space<vmem>>[vector<16xi32>], vector<16xf32>,
      %add3A_1181 = arith.addf %add3A_1176, %gather3A_1180 : vector<16xf32>
      %add3A_1182 = arith.constant 13 : i32
      %add3A_1183 = vector.broadcast %add3A_1182 : i32 to vector<16xi32>
      %add3A_1184 = arith.addi %mul3A_1120, %add3A_1183 : vector<16xi32>
      %gather3A_1185 = tpu.vector_load_idx %arg12[%add3A_1184] : memref<2176xf32, #tpu.memory_space<vmem>>[vector<16xi32>], vector<16xf32>,
      %add3A_1186 = arith.addf %add3A_1181, %gather3A_1185 : vector<16xf32>
      %add3A_1187 = arith.constant 14 : i32
      %add3A_1188 = vector.broadcast %add3A_1187 : i32 to vector<16xi32>
      %add3A_1189 = arith.addi %mul3A_1120, %add3A_1188 : vector<16xi32>
      %gather3A_1190 = tpu.vector_load_idx %arg12[%add3A_1189] : memref<2176xf32, #tpu.memory_space<vmem>>[vector<16xi32>], vector<16xf32>,
      %add3A_1191 = arith.addf %add3A_1186, %gather3A_1190 : vector<16xf32>
      %add3A_1192 = arith.constant 15 : i32
      %add3A_1193 = vector.broadcast %add3A_1192 : i32 to vector<16xi32>
      %add3A_1194 = arith.addi %mul3A_1120, %add3A_1193 : vector<16xi32>
      %gather3A_1195 = tpu.vector_load_idx %arg12[%add3A_1194] : memref<2176xf32, #tpu.memory_space<vmem>>[vector<16xi32>], vector<16xf32>,
      %add3A_1196 = arith.addf %add3A_1191, %gather3A_1195 : vector<16xf32>
      %neg3A_1197 = arith.constant 0.000000e+00 : f32
      %neg3A_1198 = vector.broadcast %neg3A_1197 : f32 to vector<16xf32>
      %neg3A_1199 = arith.subf %neg3A_1198, %add3A_1196 : vector<16xf32>
      %exp3A_1200 = math.exp %neg3A_1199 : vector<16xf32>
      %add3A_1201 = arith.constant 1.000000e+00 : f32
      %add3A_1202 = vector.broadcast %add3A_1201 : f32 to vector<16xf32>
      %add3A_1203 = arith.addf %add3A_1202, %exp3A_1200 : vector<16xf32>
      %div3A_1204 = arith.constant 1.000000e+00 : f32
      %div3A_1205 = vector.broadcast %div3A_1204 : f32 to vector<16xf32>
      %div3A_1206 = arith.divf %div3A_1205, %add3A_1203 : vector<16xf32>
      %swap3A_1207 = arith.constant 48 : index
      %swap3A_1208 = tpu.vector_load %arg13[%swap3A_1207] {strides = array<i32>} : memref<128xf32, #tpu.memory_space<vmem>>, vector<16xf32>,
      tpu.vector_store %arg13[%swap3A_1207], %div3A_1206 {strides = array<i32>} : memref<128xf32, #tpu.memory_space<vmem>>, vector<16xf32>,
      %add3A_1209 = arith.constant 64 : i32
      %add3A_1210 = vector.broadcast %add3A_1209 : i32 to vector<16xi32>
      %add3A_1211 = arith.addi %iota3A, %add3A_1210 : vector<16xi32>
      %mul3A_1212 = arith.constant 17 : i32
      %mul3A_1213 = vector.broadcast %mul3A_1212 : i32 to vector<16xi32>
      %mul3A_1214 = arith.muli %add3A_1211, %mul3A_1213 : vector<16xi32>
      %gather3A_1215 = tpu.vector_load_idx %arg12[%mul3A_1214] : memref<2176xf32, #tpu.memory_space<vmem>>[vector<16xi32>], vector<16xf32>,
      %add3A_1216 = arith.constant 1 : i32
      %add3A_1217 = vector.broadcast %add3A_1216 : i32 to vector<16xi32>
      %add3A_1218 = arith.addi %mul3A_1214, %add3A_1217 : vector<16xi32>
      %gather3A_1219 = tpu.vector_load_idx %arg12[%add3A_1218] : memref<2176xf32, #tpu.memory_space<vmem>>[vector<16xi32>], vector<16xf32>,
      %add3A_1220 = arith.addf %gather3A_1215, %gather3A_1219 : vector<16xf32>
      %add3A_1221 = arith.constant 2 : i32
      %add3A_1222 = vector.broadcast %add3A_1221 : i32 to vector<16xi32>
      %add3A_1223 = arith.addi %mul3A_1214, %add3A_1222 : vector<16xi32>
      %gather3A_1224 = tpu.vector_load_idx %arg12[%add3A_1223] : memref<2176xf32, #tpu.memory_space<vmem>>[vector<16xi32>], vector<16xf32>,
      %add3A_1225 = arith.addf %add3A_1220, %gather3A_1224 : vector<16xf32>
      %add3A_1226 = arith.constant 3 : i32
      %add3A_1227 = vector.broadcast %add3A_1226 : i32 to vector<16xi32>
      %add3A_1228 = arith.addi %mul3A_1214, %add3A_1227 : vector<16xi32>
      %gather3A_1229 = tpu.vector_load_idx %arg12[%add3A_1228] : memref<2176xf32, #tpu.memory_space<vmem>>[vector<16xi32>], vector<16xf32>,
      %add3A_1230 = arith.addf %add3A_1225, %gather3A_1229 : vector<16xf32>
      %add3A_1231 = arith.constant 4 : i32
      %add3A_1232 = vector.broadcast %add3A_1231 : i32 to vector<16xi32>
      %add3A_1233 = arith.addi %mul3A_1214, %add3A_1232 : vector<16xi32>
      %gather3A_1234 = tpu.vector_load_idx %arg12[%add3A_1233] : memref<2176xf32, #tpu.memory_space<vmem>>[vector<16xi32>], vector<16xf32>,
      %add3A_1235 = arith.addf %add3A_1230, %gather3A_1234 : vector<16xf32>
      %add3A_1236 = arith.constant 5 : i32
      %add3A_1237 = vector.broadcast %add3A_1236 : i32 to vector<16xi32>
      %add3A_1238 = arith.addi %mul3A_1214, %add3A_1237 : vector<16xi32>
      %gather3A_1239 = tpu.vector_load_idx %arg12[%add3A_1238] : memref<2176xf32, #tpu.memory_space<vmem>>[vector<16xi32>], vector<16xf32>,
      %add3A_1240 = arith.addf %add3A_1235, %gather3A_1239 : vector<16xf32>
      %add3A_1241 = arith.constant 6 : i32
      %add3A_1242 = vector.broadcast %add3A_1241 : i32 to vector<16xi32>
      %add3A_1243 = arith.addi %mul3A_1214, %add3A_1242 : vector<16xi32>
      %gather3A_1244 = tpu.vector_load_idx %arg12[%add3A_1243] : memref<2176xf32, #tpu.memory_space<vmem>>[vector<16xi32>], vector<16xf32>,
      %add3A_1245 = arith.addf %add3A_1240, %gather3A_1244 : vector<16xf32>
      %add3A_1246 = arith.constant 7 : i32
      %add3A_1247 = vector.broadcast %add3A_1246 : i32 to vector<16xi32>
      %add3A_1248 = arith.addi %mul3A_1214, %add3A_1247 : vector<16xi32>
      %gather3A_1249 = tpu.vector_load_idx %arg12[%add3A_1248] : memref<2176xf32, #tpu.memory_space<vmem>>[vector<16xi32>], vector<16xf32>,
      %add3A_1250 = arith.addf %add3A_1245, %gather3A_1249 : vector<16xf32>
      %add3A_1251 = arith.constant 8 : i32
      %add3A_1252 = vector.broadcast %add3A_1251 : i32 to vector<16xi32>
      %add3A_1253 = arith.addi %mul3A_1214, %add3A_1252 : vector<16xi32>
      %gather3A_1254 = tpu.vector_load_idx %arg12[%add3A_1253] : memref<2176xf32, #tpu.memory_space<vmem>>[vector<16xi32>], vector<16xf32>,
      %add3A_1255 = arith.addf %add3A_1250, %gather3A_1254 : vector<16xf32>
      %add3A_1256 = arith.constant 9 : i32
      %add3A_1257 = vector.broadcast %add3A_1256 : i32 to vector<16xi32>
      %add3A_1258 = arith.addi %mul3A_1214, %add3A_1257 : vector<16xi32>
      %gather3A_1259 = tpu.vector_load_idx %arg12[%add3A_1258] : memref<2176xf32, #tpu.memory_space<vmem>>[vector<16xi32>], vector<16xf32>,
      %add3A_1260 = arith.addf %add3A_1255, %gather3A_1259 : vector<16xf32>
      %add3A_1261 = arith.constant 10 : i32
      %add3A_1262 = vector.broadcast %add3A_1261 : i32 to vector<16xi32>
      %add3A_1263 = arith.addi %mul3A_1214, %add3A_1262 : vector<16xi32>
      %gather3A_1264 = tpu.vector_load_idx %arg12[%add3A_1263] : memref<2176xf32, #tpu.memory_space<vmem>>[vector<16xi32>], vector<16xf32>,
      %add3A_1265 = arith.addf %add3A_1260, %gather3A_1264 : vector<16xf32>
      %add3A_1266 = arith.constant 11 : i32
      %add3A_1267 = vector.broadcast %add3A_1266 : i32 to vector<16xi32>
      %add3A_1268 = arith.addi %mul3A_1214, %add3A_1267 : vector<16xi32>
      %gather3A_1269 = tpu.vector_load_idx %arg12[%add3A_1268] : memref<2176xf32, #tpu.memory_space<vmem>>[vector<16xi32>], vector<16xf32>,
      %add3A_1270 = arith.addf %add3A_1265, %gather3A_1269 : vector<16xf32>
      %add3A_1271 = arith.constant 12 : i32
      %add3A_1272 = vector.broadcast %add3A_1271 : i32 to vector<16xi32>
      %add3A_1273 = arith.addi %mul3A_1214, %add3A_1272 : vector<16xi32>
      %gather3A_1274 = tpu.vector_load_idx %arg12[%add3A_1273] : memref<2176xf32, #tpu.memory_space<vmem>>[vector<16xi32>], vector<16xf32>,
      %add3A_1275 = arith.addf %add3A_1270, %gather3A_1274 : vector<16xf32>
      %add3A_1276 = arith.constant 13 : i32
      %add3A_1277 = vector.broadcast %add3A_1276 : i32 to vector<16xi32>
      %add3A_1278 = arith.addi %mul3A_1214, %add3A_1277 : vector<16xi32>
      %gather3A_1279 = tpu.vector_load_idx %arg12[%add3A_1278] : memref<2176xf32, #tpu.memory_space<vmem>>[vector<16xi32>], vector<16xf32>,
      %add3A_1280 = arith.addf %add3A_1275, %gather3A_1279 : vector<16xf32>
      %add3A_1281 = arith.constant 14 : i32
      %add3A_1282 = vector.broadcast %add3A_1281 : i32 to vector<16xi32>
      %add3A_1283 = arith.addi %mul3A_1214, %add3A_1282 : vector<16xi32>
      %gather3A_1284 = tpu.vector_load_idx %arg12[%add3A_1283] : memref<2176xf32, #tpu.memory_space<vmem>>[vector<16xi32>], vector<16xf32>,
      %add3A_1285 = arith.addf %add3A_1280, %gather3A_1284 : vector<16xf32>
      %add3A_1286 = arith.constant 15 : i32
      %add3A_1287 = vector.broadcast %add3A_1286 : i32 to vector<16xi32>
      %add3A_1288 = arith.addi %mul3A_1214, %add3A_1287 : vector<16xi32>
      %gather3A_1289 = tpu.vector_load_idx %arg12[%add3A_1288] : memref<2176xf32, #tpu.memory_space<vmem>>[vector<16xi32>], vector<16xf32>,
      %add3A_1290 = arith.addf %add3A_1285, %gather3A_1289 : vector<16xf32>
      %neg3A_1291 = arith.constant 0.000000e+00 : f32
      %neg3A_1292 = vector.broadcast %neg3A_1291 : f32 to vector<16xf32>
      %neg3A_1293 = arith.subf %neg3A_1292, %add3A_1290 : vector<16xf32>
      %exp3A_1294 = math.exp %neg3A_1293 : vector<16xf32>
      %add3A_1295 = arith.constant 1.000000e+00 : f32
      %add3A_1296 = vector.broadcast %add3A_1295 : f32 to vector<16xf32>
      %add3A_1297 = arith.addf %add3A_1296, %exp3A_1294 : vector<16xf32>
      %div3A_1298 = arith.constant 1.000000e+00 : f32
      %div3A_1299 = vector.broadcast %div3A_1298 : f32 to vector<16xf32>
      %div3A_1300 = arith.divf %div3A_1299, %add3A_1297 : vector<16xf32>
      %swap3A_1301 = arith.constant 64 : index
      %swap3A_1302 = tpu.vector_load %arg13[%swap3A_1301] {strides = array<i32>} : memref<128xf32, #tpu.memory_space<vmem>>, vector<16xf32>,
      tpu.vector_store %arg13[%swap3A_1301], %div3A_1300 {strides = array<i32>} : memref<128xf32, #tpu.memory_space<vmem>>, vector<16xf32>,
      %add3A_1303 = arith.constant 80 : i32
      %add3A_1304 = vector.broadcast %add3A_1303 : i32 to vector<16xi32>
      %add3A_1305 = arith.addi %iota3A, %add3A_1304 : vector<16xi32>
      %mul3A_1306 = arith.constant 17 : i32
      %mul3A_1307 = vector.broadcast %mul3A_1306 : i32 to vector<16xi32>
      %mul3A_1308 = arith.muli %add3A_1305, %mul3A_1307 : vector<16xi32>
      %gather3A_1309 = tpu.vector_load_idx %arg12[%mul3A_1308] : memref<2176xf32, #tpu.memory_space<vmem>>[vector<16xi32>], vector<16xf32>,
      %add3A_1310 = arith.constant 1 : i32
      %add3A_1311 = vector.broadcast %add3A_1310 : i32 to vector<16xi32>
      %add3A_1312 = arith.addi %mul3A_1308, %add3A_1311 : vector<16xi32>
      %gather3A_1313 = tpu.vector_load_idx %arg12[%add3A_1312] : memref<2176xf32, #tpu.memory_space<vmem>>[vector<16xi32>], vector<16xf32>,
      %add3A_1314 = arith.addf %gather3A_1309, %gather3A_1313 : vector<16xf32>
      %add3A_1315 = arith.constant 2 : i32
      %add3A_1316 = vector.broadcast %add3A_1315 : i32 to vector<16xi32>
      %add3A_1317 = arith.addi %mul3A_1308, %add3A_1316 : vector<16xi32>
      %gather3A_1318 = tpu.vector_load_idx %arg12[%add3A_1317] : memref<2176xf32, #tpu.memory_space<vmem>>[vector<16xi32>], vector<16xf32>,
      %add3A_1319 = arith.addf %add3A_1314, %gather3A_1318 : vector<16xf32>
      %add3A_1320 = arith.constant 3 : i32
      %add3A_1321 = vector.broadcast %add3A_1320 : i32 to vector<16xi32>
      %add3A_1322 = arith.addi %mul3A_1308, %add3A_1321 : vector<16xi32>
      %gather3A_1323 = tpu.vector_load_idx %arg12[%add3A_1322] : memref<2176xf32, #tpu.memory_space<vmem>>[vector<16xi32>], vector<16xf32>,
      %add3A_1324 = arith.addf %add3A_1319, %gather3A_1323 : vector<16xf32>
      %add3A_1325 = arith.constant 4 : i32
      %add3A_1326 = vector.broadcast %add3A_1325 : i32 to vector<16xi32>
      %add3A_1327 = arith.addi %mul3A_1308, %add3A_1326 : vector<16xi32>
      %gather3A_1328 = tpu.vector_load_idx %arg12[%add3A_1327] : memref<2176xf32, #tpu.memory_space<vmem>>[vector<16xi32>], vector<16xf32>,
      %add3A_1329 = arith.addf %add3A_1324, %gather3A_1328 : vector<16xf32>
      %add3A_1330 = arith.constant 5 : i32
      %add3A_1331 = vector.broadcast %add3A_1330 : i32 to vector<16xi32>
      %add3A_1332 = arith.addi %mul3A_1308, %add3A_1331 : vector<16xi32>
      %gather3A_1333 = tpu.vector_load_idx %arg12[%add3A_1332] : memref<2176xf32, #tpu.memory_space<vmem>>[vector<16xi32>], vector<16xf32>,
      %add3A_1334 = arith.addf %add3A_1329, %gather3A_1333 : vector<16xf32>
      %add3A_1335 = arith.constant 6 : i32
      %add3A_1336 = vector.broadcast %add3A_1335 : i32 to vector<16xi32>
      %add3A_1337 = arith.addi %mul3A_1308, %add3A_1336 : vector<16xi32>
      %gather3A_1338 = tpu.vector_load_idx %arg12[%add3A_1337] : memref<2176xf32, #tpu.memory_space<vmem>>[vector<16xi32>], vector<16xf32>,
      %add3A_1339 = arith.addf %add3A_1334, %gather3A_1338 : vector<16xf32>
      %add3A_1340 = arith.constant 7 : i32
      %add3A_1341 = vector.broadcast %add3A_1340 : i32 to vector<16xi32>
      %add3A_1342 = arith.addi %mul3A_1308, %add3A_1341 : vector<16xi32>
      %gather3A_1343 = tpu.vector_load_idx %arg12[%add3A_1342] : memref<2176xf32, #tpu.memory_space<vmem>>[vector<16xi32>], vector<16xf32>,
      %add3A_1344 = arith.addf %add3A_1339, %gather3A_1343 : vector<16xf32>
      %add3A_1345 = arith.constant 8 : i32
      %add3A_1346 = vector.broadcast %add3A_1345 : i32 to vector<16xi32>
      %add3A_1347 = arith.addi %mul3A_1308, %add3A_1346 : vector<16xi32>
      %gather3A_1348 = tpu.vector_load_idx %arg12[%add3A_1347] : memref<2176xf32, #tpu.memory_space<vmem>>[vector<16xi32>], vector<16xf32>,
      %add3A_1349 = arith.addf %add3A_1344, %gather3A_1348 : vector<16xf32>
      %add3A_1350 = arith.constant 9 : i32
      %add3A_1351 = vector.broadcast %add3A_1350 : i32 to vector<16xi32>
      %add3A_1352 = arith.addi %mul3A_1308, %add3A_1351 : vector<16xi32>
      %gather3A_1353 = tpu.vector_load_idx %arg12[%add3A_1352] : memref<2176xf32, #tpu.memory_space<vmem>>[vector<16xi32>], vector<16xf32>,
      %add3A_1354 = arith.addf %add3A_1349, %gather3A_1353 : vector<16xf32>
      %add3A_1355 = arith.constant 10 : i32
      %add3A_1356 = vector.broadcast %add3A_1355 : i32 to vector<16xi32>
      %add3A_1357 = arith.addi %mul3A_1308, %add3A_1356 : vector<16xi32>
      %gather3A_1358 = tpu.vector_load_idx %arg12[%add3A_1357] : memref<2176xf32, #tpu.memory_space<vmem>>[vector<16xi32>], vector<16xf32>,
      %add3A_1359 = arith.addf %add3A_1354, %gather3A_1358 : vector<16xf32>
      %add3A_1360 = arith.constant 11 : i32
      %add3A_1361 = vector.broadcast %add3A_1360 : i32 to vector<16xi32>
      %add3A_1362 = arith.addi %mul3A_1308, %add3A_1361 : vector<16xi32>
      %gather3A_1363 = tpu.vector_load_idx %arg12[%add3A_1362] : memref<2176xf32, #tpu.memory_space<vmem>>[vector<16xi32>], vector<16xf32>,
      %add3A_1364 = arith.addf %add3A_1359, %gather3A_1363 : vector<16xf32>
      %add3A_1365 = arith.constant 12 : i32
      %add3A_1366 = vector.broadcast %add3A_1365 : i32 to vector<16xi32>
      %add3A_1367 = arith.addi %mul3A_1308, %add3A_1366 : vector<16xi32>
      %gather3A_1368 = tpu.vector_load_idx %arg12[%add3A_1367] : memref<2176xf32, #tpu.memory_space<vmem>>[vector<16xi32>], vector<16xf32>,
      %add3A_1369 = arith.addf %add3A_1364, %gather3A_1368 : vector<16xf32>
      %add3A_1370 = arith.constant 13 : i32
      %add3A_1371 = vector.broadcast %add3A_1370 : i32 to vector<16xi32>
      %add3A_1372 = arith.addi %mul3A_1308, %add3A_1371 : vector<16xi32>
      %gather3A_1373 = tpu.vector_load_idx %arg12[%add3A_1372] : memref<2176xf32, #tpu.memory_space<vmem>>[vector<16xi32>], vector<16xf32>,
      %add3A_1374 = arith.addf %add3A_1369, %gather3A_1373 : vector<16xf32>
      %add3A_1375 = arith.constant 14 : i32
      %add3A_1376 = vector.broadcast %add3A_1375 : i32 to vector<16xi32>
      %add3A_1377 = arith.addi %mul3A_1308, %add3A_1376 : vector<16xi32>
      %gather3A_1378 = tpu.vector_load_idx %arg12[%add3A_1377] : memref<2176xf32, #tpu.memory_space<vmem>>[vector<16xi32>], vector<16xf32>,
      %add3A_1379 = arith.addf %add3A_1374, %gather3A_1378 : vector<16xf32>
      %add3A_1380 = arith.constant 15 : i32
      %add3A_1381 = vector.broadcast %add3A_1380 : i32 to vector<16xi32>
      %add3A_1382 = arith.addi %mul3A_1308, %add3A_1381 : vector<16xi32>
      %gather3A_1383 = tpu.vector_load_idx %arg12[%add3A_1382] : memref<2176xf32, #tpu.memory_space<vmem>>[vector<16xi32>], vector<16xf32>,
      %add3A_1384 = arith.addf %add3A_1379, %gather3A_1383 : vector<16xf32>
      %neg3A_1385 = arith.constant 0.000000e+00 : f32
      %neg3A_1386 = vector.broadcast %neg3A_1385 : f32 to vector<16xf32>
      %neg3A_1387 = arith.subf %neg3A_1386, %add3A_1384 : vector<16xf32>
      %exp3A_1388 = math.exp %neg3A_1387 : vector<16xf32>
      %add3A_1389 = arith.constant 1.000000e+00 : f32
      %add3A_1390 = vector.broadcast %add3A_1389 : f32 to vector<16xf32>
      %add3A_1391 = arith.addf %add3A_1390, %exp3A_1388 : vector<16xf32>
      %div3A_1392 = arith.constant 1.000000e+00 : f32
      %div3A_1393 = vector.broadcast %div3A_1392 : f32 to vector<16xf32>
      %div3A_1394 = arith.divf %div3A_1393, %add3A_1391 : vector<16xf32>
      %swap3A_1395 = arith.constant 80 : index
      %swap3A_1396 = tpu.vector_load %arg13[%swap3A_1395] {strides = array<i32>} : memref<128xf32, #tpu.memory_space<vmem>>, vector<16xf32>,
      tpu.vector_store %arg13[%swap3A_1395], %div3A_1394 {strides = array<i32>} : memref<128xf32, #tpu.memory_space<vmem>>, vector<16xf32>,
      %add3A_1397 = arith.constant 96 : i32
      %add3A_1398 = vector.broadcast %add3A_1397 : i32 to vector<16xi32>
      %add3A_1399 = arith.addi %iota3A, %add3A_1398 : vector<16xi32>
      %mul3A_1400 = arith.constant 17 : i32
      %mul3A_1401 = vector.broadcast %mul3A_1400 : i32 to vector<16xi32>
      %mul3A_1402 = arith.muli %add3A_1399, %mul3A_1401 : vector<16xi32>
      %gather3A_1403 = tpu.vector_load_idx %arg12[%mul3A_1402] : memref<2176xf32, #tpu.memory_space<vmem>>[vector<16xi32>], vector<16xf32>,
      %add3A_1404 = arith.constant 1 : i32
      %add3A_1405 = vector.broadcast %add3A_1404 : i32 to vector<16xi32>
      %add3A_1406 = arith.addi %mul3A_1402, %add3A_1405 : vector<16xi32>
      %gather3A_1407 = tpu.vector_load_idx %arg12[%add3A_1406] : memref<2176xf32, #tpu.memory_space<vmem>>[vector<16xi32>], vector<16xf32>,
      %add3A_1408 = arith.addf %gather3A_1403, %gather3A_1407 : vector<16xf32>
      %add3A_1409 = arith.constant 2 : i32
      %add3A_1410 = vector.broadcast %add3A_1409 : i32 to vector<16xi32>
      %add3A_1411 = arith.addi %mul3A_1402, %add3A_1410 : vector<16xi32>
      %gather3A_1412 = tpu.vector_load_idx %arg12[%add3A_1411] : memref<2176xf32, #tpu.memory_space<vmem>>[vector<16xi32>], vector<16xf32>,
      %add3A_1413 = arith.addf %add3A_1408, %gather3A_1412 : vector<16xf32>
      %add3A_1414 = arith.constant 3 : i32
      %add3A_1415 = vector.broadcast %add3A_1414 : i32 to vector<16xi32>
      %add3A_1416 = arith.addi %mul3A_1402, %add3A_1415 : vector<16xi32>
      %gather3A_1417 = tpu.vector_load_idx %arg12[%add3A_1416] : memref<2176xf32, #tpu.memory_space<vmem>>[vector<16xi32>], vector<16xf32>,
      %add3A_1418 = arith.addf %add3A_1413, %gather3A_1417 : vector<16xf32>
      %add3A_1419 = arith.constant 4 : i32
      %add3A_1420 = vector.broadcast %add3A_1419 : i32 to vector<16xi32>
      %add3A_1421 = arith.addi %mul3A_1402, %add3A_1420 : vector<16xi32>
      %gather3A_1422 = tpu.vector_load_idx %arg12[%add3A_1421] : memref<2176xf32, #tpu.memory_space<vmem>>[vector<16xi32>], vector<16xf32>,
      %add3A_1423 = arith.addf %add3A_1418, %gather3A_1422 : vector<16xf32>
      %add3A_1424 = arith.constant 5 : i32
      %add3A_1425 = vector.broadcast %add3A_1424 : i32 to vector<16xi32>
      %add3A_1426 = arith.addi %mul3A_1402, %add3A_1425 : vector<16xi32>
      %gather3A_1427 = tpu.vector_load_idx %arg12[%add3A_1426] : memref<2176xf32, #tpu.memory_space<vmem>>[vector<16xi32>], vector<16xf32>,
      %add3A_1428 = arith.addf %add3A_1423, %gather3A_1427 : vector<16xf32>
      %add3A_1429 = arith.constant 6 : i32
      %add3A_1430 = vector.broadcast %add3A_1429 : i32 to vector<16xi32>
      %add3A_1431 = arith.addi %mul3A_1402, %add3A_1430 : vector<16xi32>
      %gather3A_1432 = tpu.vector_load_idx %arg12[%add3A_1431] : memref<2176xf32, #tpu.memory_space<vmem>>[vector<16xi32>], vector<16xf32>,
      %add3A_1433 = arith.addf %add3A_1428, %gather3A_1432 : vector<16xf32>
      %add3A_1434 = arith.constant 7 : i32
      %add3A_1435 = vector.broadcast %add3A_1434 : i32 to vector<16xi32>
      %add3A_1436 = arith.addi %mul3A_1402, %add3A_1435 : vector<16xi32>
      %gather3A_1437 = tpu.vector_load_idx %arg12[%add3A_1436] : memref<2176xf32, #tpu.memory_space<vmem>>[vector<16xi32>], vector<16xf32>,
      %add3A_1438 = arith.addf %add3A_1433, %gather3A_1437 : vector<16xf32>
      %add3A_1439 = arith.constant 8 : i32
      %add3A_1440 = vector.broadcast %add3A_1439 : i32 to vector<16xi32>
      %add3A_1441 = arith.addi %mul3A_1402, %add3A_1440 : vector<16xi32>
      %gather3A_1442 = tpu.vector_load_idx %arg12[%add3A_1441] : memref<2176xf32, #tpu.memory_space<vmem>>[vector<16xi32>], vector<16xf32>,
      %add3A_1443 = arith.addf %add3A_1438, %gather3A_1442 : vector<16xf32>
      %add3A_1444 = arith.constant 9 : i32
      %add3A_1445 = vector.broadcast %add3A_1444 : i32 to vector<16xi32>
      %add3A_1446 = arith.addi %mul3A_1402, %add3A_1445 : vector<16xi32>
      %gather3A_1447 = tpu.vector_load_idx %arg12[%add3A_1446] : memref<2176xf32, #tpu.memory_space<vmem>>[vector<16xi32>], vector<16xf32>,
      %add3A_1448 = arith.addf %add3A_1443, %gather3A_1447 : vector<16xf32>
      %add3A_1449 = arith.constant 10 : i32
      %add3A_1450 = vector.broadcast %add3A_1449 : i32 to vector<16xi32>
      %add3A_1451 = arith.addi %mul3A_1402, %add3A_1450 : vector<16xi32>
      %gather3A_1452 = tpu.vector_load_idx %arg12[%add3A_1451] : memref<2176xf32, #tpu.memory_space<vmem>>[vector<16xi32>], vector<16xf32>,
      %add3A_1453 = arith.addf %add3A_1448, %gather3A_1452 : vector<16xf32>
      %add3A_1454 = arith.constant 11 : i32
      %add3A_1455 = vector.broadcast %add3A_1454 : i32 to vector<16xi32>
      %add3A_1456 = arith.addi %mul3A_1402, %add3A_1455 : vector<16xi32>
      %gather3A_1457 = tpu.vector_load_idx %arg12[%add3A_1456] : memref<2176xf32, #tpu.memory_space<vmem>>[vector<16xi32>], vector<16xf32>,
      %add3A_1458 = arith.addf %add3A_1453, %gather3A_1457 : vector<16xf32>
      %add3A_1459 = arith.constant 12 : i32
      %add3A_1460 = vector.broadcast %add3A_1459 : i32 to vector<16xi32>
      %add3A_1461 = arith.addi %mul3A_1402, %add3A_1460 : vector<16xi32>
      %gather3A_1462 = tpu.vector_load_idx %arg12[%add3A_1461] : memref<2176xf32, #tpu.memory_space<vmem>>[vector<16xi32>], vector<16xf32>,
      %add3A_1463 = arith.addf %add3A_1458, %gather3A_1462 : vector<16xf32>
      %add3A_1464 = arith.constant 13 : i32
      %add3A_1465 = vector.broadcast %add3A_1464 : i32 to vector<16xi32>
      %add3A_1466 = arith.addi %mul3A_1402, %add3A_1465 : vector<16xi32>
      %gather3A_1467 = tpu.vector_load_idx %arg12[%add3A_1466] : memref<2176xf32, #tpu.memory_space<vmem>>[vector<16xi32>], vector<16xf32>,
      %add3A_1468 = arith.addf %add3A_1463, %gather3A_1467 : vector<16xf32>
      %add3A_1469 = arith.constant 14 : i32
      %add3A_1470 = vector.broadcast %add3A_1469 : i32 to vector<16xi32>
      %add3A_1471 = arith.addi %mul3A_1402, %add3A_1470 : vector<16xi32>
      %gather3A_1472 = tpu.vector_load_idx %arg12[%add3A_1471] : memref<2176xf32, #tpu.memory_space<vmem>>[vector<16xi32>], vector<16xf32>,
      %add3A_1473 = arith.addf %add3A_1468, %gather3A_1472 : vector<16xf32>
      %add3A_1474 = arith.constant 15 : i32
      %add3A_1475 = vector.broadcast %add3A_1474 : i32 to vector<16xi32>
      %add3A_1476 = arith.addi %mul3A_1402, %add3A_1475 : vector<16xi32>
      %gather3A_1477 = tpu.vector_load_idx %arg12[%add3A_1476] : memref<2176xf32, #tpu.memory_space<vmem>>[vector<16xi32>], vector<16xf32>,
      %add3A_1478 = arith.addf %add3A_1473, %gather3A_1477 : vector<16xf32>
      %neg3A_1479 = arith.constant 0.000000e+00 : f32
      %neg3A_1480 = vector.broadcast %neg3A_1479 : f32 to vector<16xf32>
      %neg3A_1481 = arith.subf %neg3A_1480, %add3A_1478 : vector<16xf32>
      %exp3A_1482 = math.exp %neg3A_1481 : vector<16xf32>
      %add3A_1483 = arith.constant 1.000000e+00 : f32
      %add3A_1484 = vector.broadcast %add3A_1483 : f32 to vector<16xf32>
      %add3A_1485 = arith.addf %add3A_1484, %exp3A_1482 : vector<16xf32>
      %div3A_1486 = arith.constant 1.000000e+00 : f32
      %div3A_1487 = vector.broadcast %div3A_1486 : f32 to vector<16xf32>
      %div3A_1488 = arith.divf %div3A_1487, %add3A_1485 : vector<16xf32>
      %swap3A_1489 = arith.constant 96 : index
      %swap3A_1490 = tpu.vector_load %arg13[%swap3A_1489] {strides = array<i32>} : memref<128xf32, #tpu.memory_space<vmem>>, vector<16xf32>,
      tpu.vector_store %arg13[%swap3A_1489], %div3A_1488 {strides = array<i32>} : memref<128xf32, #tpu.memory_space<vmem>>, vector<16xf32>,
      %add3A_1491 = arith.constant 112 : i32
      %add3A_1492 = vector.broadcast %add3A_1491 : i32 to vector<16xi32>
      %add3A_1493 = arith.addi %iota3A, %add3A_1492 : vector<16xi32>
      %mul3A_1494 = arith.constant 17 : i32
      %mul3A_1495 = vector.broadcast %mul3A_1494 : i32 to vector<16xi32>
      %mul3A_1496 = arith.muli %add3A_1493, %mul3A_1495 : vector<16xi32>
      %gather3A_1497 = tpu.vector_load_idx %arg12[%mul3A_1496] : memref<2176xf32, #tpu.memory_space<vmem>>[vector<16xi32>], vector<16xf32>,
      %add3A_1498 = arith.constant 1 : i32
      %add3A_1499 = vector.broadcast %add3A_1498 : i32 to vector<16xi32>
      %add3A_1500 = arith.addi %mul3A_1496, %add3A_1499 : vector<16xi32>
      %gather3A_1501 = tpu.vector_load_idx %arg12[%add3A_1500] : memref<2176xf32, #tpu.memory_space<vmem>>[vector<16xi32>], vector<16xf32>,
      %add3A_1502 = arith.addf %gather3A_1497, %gather3A_1501 : vector<16xf32>
      %add3A_1503 = arith.constant 2 : i32
      %add3A_1504 = vector.broadcast %add3A_1503 : i32 to vector<16xi32>
      %add3A_1505 = arith.addi %mul3A_1496, %add3A_1504 : vector<16xi32>
      %gather3A_1506 = tpu.vector_load_idx %arg12[%add3A_1505] : memref<2176xf32, #tpu.memory_space<vmem>>[vector<16xi32>], vector<16xf32>,
      %add3A_1507 = arith.addf %add3A_1502, %gather3A_1506 : vector<16xf32>
      %add3A_1508 = arith.constant 3 : i32
      %add3A_1509 = vector.broadcast %add3A_1508 : i32 to vector<16xi32>
      %add3A_1510 = arith.addi %mul3A_1496, %add3A_1509 : vector<16xi32>
      %gather3A_1511 = tpu.vector_load_idx %arg12[%add3A_1510] : memref<2176xf32, #tpu.memory_space<vmem>>[vector<16xi32>], vector<16xf32>,
      %add3A_1512 = arith.addf %add3A_1507, %gather3A_1511 : vector<16xf32>
      %add3A_1513 = arith.constant 4 : i32
      %add3A_1514 = vector.broadcast %add3A_1513 : i32 to vector<16xi32>
      %add3A_1515 = arith.addi %mul3A_1496, %add3A_1514 : vector<16xi32>
      %gather3A_1516 = tpu.vector_load_idx %arg12[%add3A_1515] : memref<2176xf32, #tpu.memory_space<vmem>>[vector<16xi32>], vector<16xf32>,
      %add3A_1517 = arith.addf %add3A_1512, %gather3A_1516 : vector<16xf32>
      %add3A_1518 = arith.constant 5 : i32
      %add3A_1519 = vector.broadcast %add3A_1518 : i32 to vector<16xi32>
      %add3A_1520 = arith.addi %mul3A_1496, %add3A_1519 : vector<16xi32>
      %gather3A_1521 = tpu.vector_load_idx %arg12[%add3A_1520] : memref<2176xf32, #tpu.memory_space<vmem>>[vector<16xi32>], vector<16xf32>,
      %add3A_1522 = arith.addf %add3A_1517, %gather3A_1521 : vector<16xf32>
      %add3A_1523 = arith.constant 6 : i32
      %add3A_1524 = vector.broadcast %add3A_1523 : i32 to vector<16xi32>
      %add3A_1525 = arith.addi %mul3A_1496, %add3A_1524 : vector<16xi32>
      %gather3A_1526 = tpu.vector_load_idx %arg12[%add3A_1525] : memref<2176xf32, #tpu.memory_space<vmem>>[vector<16xi32>], vector<16xf32>,
      %add3A_1527 = arith.addf %add3A_1522, %gather3A_1526 : vector<16xf32>
      %add3A_1528 = arith.constant 7 : i32
      %add3A_1529 = vector.broadcast %add3A_1528 : i32 to vector<16xi32>
      %add3A_1530 = arith.addi %mul3A_1496, %add3A_1529 : vector<16xi32>
      %gather3A_1531 = tpu.vector_load_idx %arg12[%add3A_1530] : memref<2176xf32, #tpu.memory_space<vmem>>[vector<16xi32>], vector<16xf32>,
      %add3A_1532 = arith.addf %add3A_1527, %gather3A_1531 : vector<16xf32>
      %add3A_1533 = arith.constant 8 : i32
      %add3A_1534 = vector.broadcast %add3A_1533 : i32 to vector<16xi32>
      %add3A_1535 = arith.addi %mul3A_1496, %add3A_1534 : vector<16xi32>
      %gather3A_1536 = tpu.vector_load_idx %arg12[%add3A_1535] : memref<2176xf32, #tpu.memory_space<vmem>>[vector<16xi32>], vector<16xf32>,
      %add3A_1537 = arith.addf %add3A_1532, %gather3A_1536 : vector<16xf32>
      %add3A_1538 = arith.constant 9 : i32
      %add3A_1539 = vector.broadcast %add3A_1538 : i32 to vector<16xi32>
      %add3A_1540 = arith.addi %mul3A_1496, %add3A_1539 : vector<16xi32>
      %gather3A_1541 = tpu.vector_load_idx %arg12[%add3A_1540] : memref<2176xf32, #tpu.memory_space<vmem>>[vector<16xi32>], vector<16xf32>,
      %add3A_1542 = arith.addf %add3A_1537, %gather3A_1541 : vector<16xf32>
      %add3A_1543 = arith.constant 10 : i32
      %add3A_1544 = vector.broadcast %add3A_1543 : i32 to vector<16xi32>
      %add3A_1545 = arith.addi %mul3A_1496, %add3A_1544 : vector<16xi32>
      %gather3A_1546 = tpu.vector_load_idx %arg12[%add3A_1545] : memref<2176xf32, #tpu.memory_space<vmem>>[vector<16xi32>], vector<16xf32>,
      %add3A_1547 = arith.addf %add3A_1542, %gather3A_1546 : vector<16xf32>
      %add3A_1548 = arith.constant 11 : i32
      %add3A_1549 = vector.broadcast %add3A_1548 : i32 to vector<16xi32>
      %add3A_1550 = arith.addi %mul3A_1496, %add3A_1549 : vector<16xi32>
      %gather3A_1551 = tpu.vector_load_idx %arg12[%add3A_1550] : memref<2176xf32, #tpu.memory_space<vmem>>[vector<16xi32>], vector<16xf32>,
      %add3A_1552 = arith.addf %add3A_1547, %gather3A_1551 : vector<16xf32>
      %add3A_1553 = arith.constant 12 : i32
      %add3A_1554 = vector.broadcast %add3A_1553 : i32 to vector<16xi32>
      %add3A_1555 = arith.addi %mul3A_1496, %add3A_1554 : vector<16xi32>
      %gather3A_1556 = tpu.vector_load_idx %arg12[%add3A_1555] : memref<2176xf32, #tpu.memory_space<vmem>>[vector<16xi32>], vector<16xf32>,
      %add3A_1557 = arith.addf %add3A_1552, %gather3A_1556 : vector<16xf32>
      %add3A_1558 = arith.constant 13 : i32
      %add3A_1559 = vector.broadcast %add3A_1558 : i32 to vector<16xi32>
      %add3A_1560 = arith.addi %mul3A_1496, %add3A_1559 : vector<16xi32>
      %gather3A_1561 = tpu.vector_load_idx %arg12[%add3A_1560] : memref<2176xf32, #tpu.memory_space<vmem>>[vector<16xi32>], vector<16xf32>,
      %add3A_1562 = arith.addf %add3A_1557, %gather3A_1561 : vector<16xf32>
      %add3A_1563 = arith.constant 14 : i32
      %add3A_1564 = vector.broadcast %add3A_1563 : i32 to vector<16xi32>
      %add3A_1565 = arith.addi %mul3A_1496, %add3A_1564 : vector<16xi32>
      %gather3A_1566 = tpu.vector_load_idx %arg12[%add3A_1565] : memref<2176xf32, #tpu.memory_space<vmem>>[vector<16xi32>], vector<16xf32>,
      %add3A_1567 = arith.addf %add3A_1562, %gather3A_1566 : vector<16xf32>
      %add3A_1568 = arith.constant 15 : i32
      %add3A_1569 = vector.broadcast %add3A_1568 : i32 to vector<16xi32>
      %add3A_1570 = arith.addi %mul3A_1496, %add3A_1569 : vector<16xi32>
      %gather3A_1571 = tpu.vector_load_idx %arg12[%add3A_1570] : memref<2176xf32, #tpu.memory_space<vmem>>[vector<16xi32>], vector<16xf32>,
      %add3A_1572 = arith.addf %add3A_1567, %gather3A_1571 : vector<16xf32>
      %neg3A_1573 = arith.constant 0.000000e+00 : f32
      %neg3A_1574 = vector.broadcast %neg3A_1573 : f32 to vector<16xf32>
      %neg3A_1575 = arith.subf %neg3A_1574, %add3A_1572 : vector<16xf32>
      %exp3A_1576 = math.exp %neg3A_1575 : vector<16xf32>
      %add3A_1577 = arith.constant 1.000000e+00 : f32
      %add3A_1578 = vector.broadcast %add3A_1577 : f32 to vector<16xf32>
      %add3A_1579 = arith.addf %add3A_1578, %exp3A_1576 : vector<16xf32>
      %div3A_1580 = arith.constant 1.000000e+00 : f32
      %div3A_1581 = vector.broadcast %div3A_1580 : f32 to vector<16xf32>
      %div3A_1582 = arith.divf %div3A_1581, %add3A_1579 : vector<16xf32>
      %swap3A_1583 = arith.constant 112 : index
      %swap3A_1584 = tpu.vector_load %arg13[%swap3A_1583] {strides = array<i32>} : memref<128xf32, #tpu.memory_space<vmem>>, vector<16xf32>,
      tpu.vector_store %arg13[%swap3A_1583], %div3A_1582 {strides = array<i32>} : memref<128xf32, #tpu.memory_space<vmem>>, vector<16xf32>,
      "tpu.region"() ({
        %run_scoped3A = tpu.sem_alloc : memref<!tpu.dma_semaphore, #tpu.memory_space<semaphore_mem>>
        %dma_start3A_1586 = tpu.memref_slice %arg5[%mul3A_829] : memref<160000xf32, #tpu.memory_space<hbm>> -> memref<128xf32, #tpu.memory_space<hbm>>
        %dma_start3A_1587 = tpu.memref_slice %arg5[%mul3A_829] : memref<160000xf32, #tpu.memory_space<hbm>> -> memref<128xf32, #tpu.memory_space<hbm>>
        tpu.enqueue_dma source(%arg13 : memref<128xf32, #tpu.memory_space<vmem>>) target(%dma_start3A_1587 : memref<128xf32, #tpu.memory_space<hbm>>) target_semaphore(%run_scoped3A : memref<!tpu.dma_semaphore, #tpu.memory_space<semaphore_mem>>)
        %dma_wait3A_1588 = tpu.memref_slice %arg5[%mul3A_829] : memref<160000xf32, #tpu.memory_space<hbm>> -> memref<128xf32, #tpu.memory_space<hbm>>
        %dma_wait3A_1589 = tpu.memref_slice %arg5[%mul3A_829] : memref<160000xf32, #tpu.memory_space<hbm>> -> memref<128xf32, #tpu.memory_space<hbm>>
        tpu.wait_dma2 semaphore(%run_scoped3A : memref<!tpu.dma_semaphore, #tpu.memory_space<semaphore_mem>>) src(%arg13 : memref<128xf32, #tpu.memory_space<vmem>>) dst(%dma_wait3A_1589 : memref<128xf32, #tpu.memory_space<hbm>>)
        tpu.yield
      }) : () -> ()
      %scan3A_1585 = arith.constant 0 : i32
      scf.yield %scan3A_1585 : i32
    }
    %scan3A_20 = arith.constant 20 : i32
    return
  }
}

module attributes {stable_mosaic.version = 14 : i64} {
  func.func @_normalize_body(%arg0: memref<10000x256xf32, #tpu.memory_space<vmem>>, %arg1: memref<10000x128xi32, #tpu.memory_space<vmem>>) attributes {dimension_semantics = [], scalar_prefetch = 0 : i64, scratch_operands = 0 : i64, tpu.core_type = #tpu.core_type<tc>} {
    %get3A = arith.constant 0 : index
    %get3A_0 = arith.constant 0 : index
    %get3A_1 = vector.load %arg0[%get3A, %get3A_0] : memref<10000x256xf32, #tpu.memory_space<vmem>>, vector<10000x256xf32>
    %mul3A = arith.mulf %get3A_1, %get3A_1 : vector<10000x256xf32>
    %reduce_sum3A = arith.constant dense<0.000000e+00> : vector<10000xf32>
    %reduce_sum3A_2 = vector.multi_reduction <add>, %mul3A, %reduce_sum3A [1] : vector<10000x256xf32> to vector<10000xf32>
    %broadcast_in_dim3A = vector.shape_cast %reduce_sum3A_2 : vector<10000xf32> to vector<10000x1xf32>
    %sqrt3A = math.sqrt %broadcast_in_dim3A : vector<10000x1xf32>
    %max3A = arith.constant 9.99999993E-9 : f32
    %max3A_3 = vector.broadcast %max3A : f32 to vector<10000x1xf32>
    %max3A_4 = arith.maximumf %sqrt3A, %max3A_3 : vector<10000x1xf32>
    %div3A = arith.constant 1.000000e+00 : f32
    %div3A_5 = vector.broadcast %div3A : f32 to vector<10000x1xf32>
    %div3A_6 = arith.divf %div3A_5, %max3A_4 : vector<10000x1xf32>
    %mul3A_7 = vector.broadcast %div3A_6 : vector<10000x1xf32> to vector<10000x256xf32>
    %mul3A_8 = arith.mulf %get3A_1, %mul3A_7 : vector<10000x256xf32>
    %convert_element_type3A = arith.truncf %mul3A_8 : vector<10000x256xf32> to vector<10000x256xbf16>
    %slice3A = vector.extract_strided_slice %convert_element_type3A {offsets = [0, 0], sizes = [10000, 128], strides = [1, 1]} : vector<10000x256xbf16> to vector<10000x128xbf16>
    %bitcast_convert_type3A = tpu.bitcast %slice3A : vector<10000x128xbf16> -> vector<10000x128xi16>
    %convert_element_type3A_9 = arith.extui %bitcast_convert_type3A : vector<10000x128xi16> to vector<10000x128xi32>
    %slice3A_10 = vector.extract_strided_slice %convert_element_type3A {offsets = [0, 128], sizes = [10000, 128], strides = [1, 1]} : vector<10000x256xbf16> to vector<10000x128xbf16>
    %bitcast_convert_type3A_11 = tpu.bitcast %slice3A_10 : vector<10000x128xbf16> -> vector<10000x128xi16>
    %convert_element_type3A_12 = arith.extui %bitcast_convert_type3A_11 : vector<10000x128xi16> to vector<10000x128xi32>
    %shift_left3A = arith.constant 16 : i32
    %shift_left3A_13 = vector.broadcast %shift_left3A : i32 to vector<10000x128xi32>
    %shift_left3A_14 = arith.shli %convert_element_type3A_12, %shift_left3A_13 : vector<10000x128xi32>
    %or3A = arith.ori %convert_element_type3A_9, %shift_left3A_14 : vector<10000x128xi32>
    %bitcast_convert_type3A_15 = tpu.bitcast %or3A : vector<10000x128xi32> -> vector<10000x128xi32>
    %swap3A = arith.constant 0 : index
    %swap3A_16 = arith.constant 0 : index
    %swap3A_17 = vector.load %arg1[%swap3A, %swap3A_16] : memref<10000x128xi32, #tpu.memory_space<vmem>>, vector<10000x128xi32>
    tpu.vector_store %arg1[%swap3A, %swap3A_16], %bitcast_convert_type3A_15 {strides = array<i32>} : memref<10000x128xi32, #tpu.memory_space<vmem>>, vector<10000x128xi32>,
    return
  }
}

</mosaic_0001>

<sc_bundles>
// kernel: kernel.4.cloned.1.call-start
scs
__scs_entry_jumppad:
0x0: {  	(pc) =	sbr.rel $0x88, $3  }
0x1: {  	(tag) =	ssettag $0x0;
	lr =	simm.s32 $0x1  }
0x2: {  	[smem:$0x3F9F] =	sst lr;
	_ =	strace $0xD0000000  }
0x3: {  	_ = 	snop  }
0x4: {  	_ = 	snop  }
0x5: {  	_ = 	snop  }
0x6: {  	_ = 	snop  }
0x7: {  	_ = 	snop  }
__scs_overlays_trampoline_lowered:
0x8: {  	[smem:$0x3FAE] =	sst s0  }
0x9: {  	[smem:$0x3FAF] =	sst s1  }
0xa: {  	[smem:$0x3FB0] =	sst s2  }
0xb: {  	[smem:$0x3FB1] =	sst s3  }
0xc: {  	[smem:$0x3FB2] =	sst s4  }
0xd: {  	[smem:$0x3FB3] =	sst s5  }
0xe: {  	[smem:$0x3FB4] =	sst s6  }
0xf: {  	[smem:$0x3FB5] =	sst s7  }
0x10: {  	[smem:$0x3FB6] =	sst s8  }
0x11: {  	[smem:$0x3FB7] =	sst s9;
	s0 =	simm.s32 @!p0 $0x0  }
0x12: {  	s1 =	sld [smem:$0x3F9D];
	s0 =	simm.s32 @p0 $0x1  }
0x13: {  	[smem:$0x3FB8] =	sst s0;
	s0 =	simm.s32 @!p1 $0x0  }
0x14: {  	s2 =	sld [smem:$0x3F9C];
	s0 =	simm.s32 @p1 $0x1  }
0x15: {  	[smem:$0x3FB9] =	sst s0;
	s0 =	simm.s32 @!p2 $0x0  }
0x16: {  	s3 =	sld [smem:$0x3FDB];
	s0 =	simm.s32 @p2 $0x1  }
0x17: {  	s4 =	simm.s32 $0x1BF5;
	[smem:$0x3FBB] =	sst s0  }
0x18: {  	s0 =	sld [smem:$0x3F9E];
	_ =	swait.ge [sflag:s4], $0x0  }
0x19: {  	s7 =	sld [smem:$0x3F9F]  }
0x1a: {  	s8 =	sadd.s32 $0xFFFFE003, lr  }
0x1b: {  	s9 =	sadd.s32 $0xFFFFFEF7, lr;
	s5 =	simm.s32 $0xFFFFFFFF;
	p2 =	slt.u32 s8, $0xFFFFF086  }
0x1c: {  	p1 =	slt.u32 s9, $0xF7A;
	s5 =	simm.s32 @!p2 $0x0  }
0x1d: {  	s5 =	simm.s32 @p1 $0x1;
	p0 =	seq.s32 s7, s2  }
0x1e: {  	s7 =	smul.u32 @!p0 $0xF7A, s2;
	p2 =	seq.s32 @!p0 s5, $0x0  }
0x1f: {  	s9 =	smul.u32 $0xF7A, s1;
	s8 =	simm.s32 @!p0 $0x1BF5;
	p2 =	por !p2, p0  }
0x20: {  	[sflag:s8] =	ssyncset.s32 @!p0 $0xFFFFF086;
	s6 =	sadd.s32 @!p0 s3, s7;
	s7 =	simm.s32 @!p0 $0x108  }
0x21: {  	s3 =	sadd.s32 s3, s9;
	s6 =	sadd.s32 @!p0 $0x88, s6;
	s7 =	simm.s32 @p2 $0x1082  }
0x22: {  	[simem:s7], [sflag:s8] =	dma.local @!p0 [hbm:s6], $0xF7A  }
0x23: {  	s9 =	sor.u32 $0xD0000000, s2;
	s6 =	simm.s32 $0x108;
	_ =	swait.ge @!p0 [sflag:s8], $0x0  }
0x24: {  	s3 =	sadd.s32 $0x88, s3;
	s6 =	simm.s32 @!p1 $0x1082;
	[sflag:s4] =	ssyncset.s32 $0xFFFFF086  }
0x25: {  	[simem:s6], [sflag:s4] =	dma.local [hbm:s3], $0xF7A  }
0x26: {  	[smem:$0x3F9F] =	sst s1;
	(tag) =	ssettag s2;
	_ =	strace s9  }
0x27: {  	s1 =	sld [smem:$0x3FAF]  }
0x28: {  	s2 =	sld [smem:$0x3FB0]  }
0x29: {  	s4 =	sld [smem:$0x3FB2]  }
0x2a: {  	p0 =	seq.s32 s5, $0x0;
	s5 =	sld [smem:$0x3FB3]  }
0x2b: {  	s6 =	sld [smem:$0x3FB4]  }
0x2c: {  	s7 =	sld [smem:$0x3FB5]  }
0x2d: {  	s3 =	simm.s32 $0x108;
	s8 =	sld [smem:$0x3FB6]  }
0x2e: {  	s3 =	simm.s32 @!p0 $0x1082;
	s9 =	sld [smem:$0x3FB7]  }
0x2f: {  	lr =	sadd.s32 s0, s3;
	s0 =	sld [smem:$0x3FAE]  }
0x30: {  	s3 =	sld [smem:$0x3FB1]  }
0x31: {  	[smem:$0x3FBA] =	sst s10  }
0x32: {  	s10 =	sld [smem:$0x3FB8];
	_ =	sdelay $0x3  }
0x33: {  	p0 =	seq.s32 s10, $0x1;
	s10 =	sld [smem:$0x3FBA];
	_ =	sdelay $0x3  }
0x34: {  	[smem:$0x3FBA] =	sst s10  }
0x35: {  	s10 =	sld [smem:$0x3FB9];
	_ =	sdelay $0x3  }
0x36: {  	p1 =	seq.s32 s10, $0x1;
	s10 =	sld [smem:$0x3FBA];
	_ =	sdelay $0x3  }
0x37: {  	[smem:$0x3FBA] =	sst s10  }
0x38: {  	s10 =	sld [smem:$0x3FBB]  }
0x39: {  	_ = 	snop;
	(pc) =	sbr.ind lr, $3  }
0x3a: {  	_ = 	snop  }
0x3b: {  	_ = 	snop  }
0x3c: {  	p2 =	seq.s32 s10, $0x1;
	s10 =	sld [smem:$0x3FBA]  }
0x3d: {  	_ =	shalt  }
0x3e: {  	_ =	shalt  }
0x3f: {  	_ =	shalt  }
0x40: {  	_ =	shalt  }
0x41: {  	_ =	shalt  }
0x42: {  	_ =	shalt  }
0x43: {  	_ =	shalt  }
0x44: {  	_ =	shalt  }
0x45: {  	_ =	shalt  }
0x46: {  	_ =	shalt  }
0x47: {  	_ =	shalt  }
0x48: {  	_ =	shalt  }
0x49: {  	_ =	shalt  }
0x4a: {  	_ =	shalt  }
0x4b: {  	_ =	shalt  }
0x4c: {  	_ =	shalt  }
0x4d: {  	_ =	shalt  }
0x4e: {  	_ =	shalt  }
0x4f: {  	_ =	shalt  }
0x50: {  	_ =	shalt  }
0x51: {  	_ =	shalt  }
0x52: {  	_ =	shalt  }
0x53: {  	_ =	shalt  }
0x54: {  	_ =	shalt  }
0x55: {  	_ =	shalt  }
0x56: {  	_ =	shalt  }
0x57: {  	_ =	shalt  }
0x58: {  	_ =	shalt  }
0x59: {  	_ =	shalt  }
0x5a: {  	_ =	shalt  }
0x5b: {  	_ =	shalt  }
0x5c: {  	_ =	shalt  }
0x5d: {  	_ =	shalt  }
0x5e: {  	_ =	shalt  }
0x5f: {  	_ =	shalt  }
0x60: {  	_ =	shalt  }
0x61: {  	_ =	shalt  }
0x62: {  	_ =	shalt  }
0x63: {  	_ =	shalt  }
0x64: {  	_ =	shalt  }
0x65: {  	_ =	shalt  }
0x66: {  	_ =	shalt  }
0x67: {  	_ =	shalt  }
0x68: {  	_ =	shalt  }
0x69: {  	_ =	shalt  }
0x6a: {  	_ =	shalt  }
0x6b: {  	_ =	shalt  }
0x6c: {  	_ =	shalt  }
0x6d: {  	_ =	shalt  }
0x6e: {  	_ =	shalt  }
0x6f: {  	_ =	shalt  }
0x70: {  	_ =	shalt  }
0x71: {  	_ =	shalt  }
0x72: {  	_ =	shalt  }
0x73: {  	_ =	shalt  }
0x74: {  	_ =	shalt  }
0x75: {  	_ =	shalt  }
0x76: {  	_ =	shalt  }
0x77: {  	_ =	shalt  }
0x78: {  	_ =	shalt  }
0x79: {  	_ =	shalt  }
0x7a: {  	_ =	shalt  }
0x7b: {  	_ =	shalt  }
0x7c: {  	_ =	shalt  }
0x7d: {  	_ =	shalt  }
0x7e: {  	_ =	shalt  }
0x7f: {  	_ =	shalt  }
0x80: {  	_ =	shalt  }
0x81: {  	_ =	shalt  }
0x82: {  	_ =	shalt  }
0x83: {  	_ =	shalt  }
0x84: {  	_ =	shalt  }
0x85: {  	_ =	shalt  }
0x86: {  	_ =	shalt  }
0x87: {  	_ =	shalt  }
.Lfunc_end0:
.L_simem_size_0:
called_computation_lowered:
.L_overlay_start_0:
0x88: {  	s2 =	sld [smem:$0x3FD9]  }
0x89: {  	s3 =	sld [smem:$0x3FFE];
	_ =	sdelay $0x1  }
0x8a: {  	s1 =	srdreg.scid  }
0x8b: {  	s0 =	sand.u32 $0x1, s1  }
0x8c: {  	s17 =	sshll.u32 s0, $0xA;
	s2 =	sadd.s32 s3, s2  }
0x8d: {  	s2 =	sadd.s32 s2, s17  }
0x8e: {  	[smem:$0x3FC6] =	sst s2  }
0x8f: {  	_ = 	snop  }
0x90: {  	s2 =	sld [smem:$0x3FD0];
	(tm) =	ssettm $0x1  }
0x91: {  	s18 =	sld [smem:$0x3FFB];
	_ =	sdelay $0x3  }
0x92: {  	_ =	strace s18  }
0x93: {  	s3 =	sld [smem:$0x3FFC];
	_ =	sdelay $0x3  }
0x94: {  	_ =	strace s3  }
0x95: {  	s3 =	sld [smem:$0x3FFD];
	_ =	sdelay $0x3  }
0x96: {  	_ =	strace s3  }
0x97: {  	_ =	strace $0x8FFFFFFF  }
0x98: {  	s19 =	sld [smem:$0x3FDB];
	_ =	sdelay $0x1  }
0x99: {  	s4 =	simm.s32 $_scs_section_size  }
0x9a: {  	s5 =	simm.s32 $_size__tile_overlayer_lowered;
	s6 =	simm.s32 $_tile_overlayer_lowered  }
0x9b: {  	s22 =	simm.s32 $0x1BFF;
	s21 =	sshll.u32 s6, $0x1;
	s3 =	sadd.s32 s4, s19  }
0x9c: {  	s7 =	simm.s32 $0x0;
	s20 =	sshll.u32 s5, $0x1;
	s5 =	sadd.s32 s21, s3  }
0x9d: {  	[timem:s7], [sflag:s22] =	dma.local [hbm:s5], s20  }
0x9e: {  	_ =	swait.ge [sflag:s22], s20  }
0x9f: {  	s4 =	ssub.s32 $0x0, s20;
	[sflag:s22] =	ssyncset.done $0x0  }
0xa0: {  	[sflag:s22] =	ssyncadd.s32 s4;
	_ =	sdelay $0x1  }
0xa1: {  	s23 =	simm.s32 $0x1B8B  }
0xa2: {  	_ =	swait.ge [sflag:s23], $0x1  }
0xa3: {  	[sflag:s23] =	ssyncset.done $0x0  }
0xa4: {  	s25 =	simm.s32 $0x1B8E;
	s24 =	sld [smem:$0x3FFE];
	[sflag:s23] =	ssyncadd.s32 $0xFFFFFFFF  }
0xa5: {  	s26 =	simm.s32 $execute0_lowered;
	[smem:$0x3FD2] =	sst s25  }
0xa6: {  	s5 =	sshll.u32 s26, $0x1;
	_ =	strace $0x80000046;
	[dreg:$0x1] =	wrdreg $0xFFFFFFFF  }
0xa7: {  	s28 =	simm.s32 $_size_execute0_lowered;
	s3 =	sadd.s32 s3, s5;
	[dreg:$0x0] =	wrdreg $0x0  }
0xa8: {  	s5 =	sshll.u32 s28, $0x1;
	[dreg:$0x2] =	wrdreg s3  }
0xa9: {  	[dreg:$0x3] =	wrdreg s5  }
0xaa: {  	[dreg:$0x4] =	wrdreg $0xC0  }
0xab: {  	_ =	task [dreg:s7], $0x5FFFF  }
0xac: {  	[dreg:$0x1] =	wrdreg $0xFFFFFFFF  }
0xad: {  	[dreg:$0x0] =	wrdreg $0x60  }
0xae: {  	[dreg:$0x2] =	wrdreg s24  }
0xaf: {  	[dreg:$0x3] =	wrdreg s2  }
0xb0: {  	[dreg:$0x4] =	wrdreg $0x9  }
0xb1: {  	_ =	task.clear_ibuf [dreg:s7], $0x5FFFF;
	_ =	strace $0x90000046  }
0xb2: {  	s29 =	simm.s32 $0x9;
	_ =	strace $0x80000048  }
0xb3: {  	_ =	swait.ge [sflag:s29], $0x1  }
0xb4: {  	[sflag:s29] =	ssyncadd.s32 $0xFFFFFFFF  }
0xb5: {  	_ =	strace $0x90000048  }
0xb6: {  	_ =	sfence  }
0xb7: {  	s30 =	sld [smem:$0x0];
	_ =	sdelay $0x2  }
0xb8: {  	s31 =	sshll.u32 s1, $0xD;
	s1 =	sshrl.u32 s1, $0x2  }
0xb9: {  	s3 =	sand.u32 $0x4000, s31;
	s1 =	sadd.s32 s1, s30  }
0xba: {  	s0 =	sor.u32 s3, s0;
	s1 =	sshll.u32 s1, $0x11  }
0xbb: {  	s0 =	sor.u32 s1, s0  }
0xbc: {  	s0 =	sadd.s32 $0x8F2B, s0  }
0xbd: {  	[sflag:s0] =	ssyncadd.remote.s32 $0x1  }
0xbe: {  	_ =	sfence.sel $0xFFFF  }
0xbf: {  	[dreg:$0x0] =	wrdreg $0xFFFFFFFF;
	(pc) =	sbr.abs _section_cstart, $3  }
0xc0: {  	[dreg:$0x1] =	wrdreg $0xFFFFFFFF  }
0xc1: {  	_ =	task.clear_ibuf [dreg:s7], $0x2FFFF;
	_ =	strace $0x9FFFFFFF  }
0xc2: {  	(tm) =	ssettm $0x7FFFFFFF  }
0xc3: {  	_ =	shalt  }
tec
execute0_lowered:
.L_overlay_start_1:
0x0: {  	(tag) =	ssettag $0x1  }
0x1: {  	s1 =	rddreg [dreg:$0x0]  }
0x2: {  	s2 =	rddreg [dreg:$0x1];
	s4 =	simm.s32 $0x0;
	s0 =	srdreg.scid  }
0x3: {  	s3 =	stileid.u32;
	s12 =	simm.s32 $0x3;
	s13 =	simm.s32 $0x80  }
0x4: {  	s16 =	simm.s32 $0x1;
	s17 =	simm.s32 $0x100;
	s18 =	simm.s32 $0x180  }
0x5: {  	s19 =	simm.s32 $0x4200;
	s20 =	simm.s32 $0xC200;
	s21 =	simm.s32 $0x10200  }
0x6: {  	s22 =	simm.s32 $0x10A80;
	s0 =	sand.u32 $0x1, s0;
	s3 =	sshll.u32 s3, $0x1  }
0x7: {  	s23 =	simm.s32 $0x2;
	[smem:$0x7FF] =	sst s4;
	s6 =	sor.u32 s0, s3  }
0x8: {  	s7 =	sadd.s32 $0x5000, s1;
	s8 =	ssub.s32 $0x2, s0;
	s3 =	sshll.u32 s6, $0x4  }
0x9: {  	_ =	strace $0x80000047;
	s30 =	sshrl.u32 s8, $0x1;
	s31 =	sadd.s32 s7, s3  }
0xa: {  	s0 =	ssub.s32 s8, s30;
	s3 =	sadd.s32 s1, s3;
	[dreg:$0x3] =	wrdreg s31  }
0xb: {  	s5 =	sadd.s32 $0xA000, s1;
	[dreg:$0x4] =	wrdreg s3;
	s0 =	smax.u32 s0, $0x1  }
0xc: {  	v0 =	vlaneseq.u32;
	s10 =	sor.u32 $0x40, s6;
	s3 =	simm.s32 $0x0;
	[dreg:$0x5] =	wrdreg s0  }
.LBB2_1:
0xd: {  	[dreg:$0x6] =	wrdreg s3  }
0xe: {  	s0 =	rddreg [dreg:$0x3]  }
0xf: {  	[tilespmem:s4], [sflag:$0x3] =	stream.linear.gather [hbm4b:s0+s4], $0x80, $0x38;
	[tilespmem:$0x10B00] =	vst v63  }
0x10: {  	_ =	swait.ge [sflag:s12], $0x80  }
0x11: {  	[sflag:s12] =	ssyncset.done $0x0  }
0x12: {  	s29 =	rddreg [dreg:$0x4];
	[sflag:s12] =	ssyncadd.s32 $0xFFFFFF80  }
0x13: {  	[tilespmem:s13], [sflag:$0x3] =	stream.linear.gather [hbm4b:s29+s4], $0x80, $0x38;
	[tilespmem:$0x10B00] =	vst v63  }
0x14: {  	_ =	swait.ge [sflag:s12], $0x80  }
0x15: {  	[sflag:s12] =	ssyncset.done $0x0  }
0x16: {  	s30 =	simm.s32 $0x200;
	[sflag:s12] =	ssyncadd.s32 $0xFFFFFF80  }
0x17: {  	[tilespmem:s30], [sflag:$0x1] =	stream.indirect.gather [hbm4b:s5+s13], $0x80, s4, s13, $0xb8;
	[tilespmem:$0x10B00] =	vst v63  }
0x18: {  	s31 =	simm.s32 $0x8200;
	s25 =	simm.s32 $0x0  }
0x19: {  	[tilespmem:s31], [sflag:$0x1] =	stream.indirect.gather [hbm4b:s5+s13], $0x80, s13, s13, $0xb8;
	[tilespmem:$0x10B00] =	vst v63  }
.LBB2_2:
0x1a: {  	s28 =	sshllo.u32 s25, $0x1;
	_ =	swait.ge [sflag:s16], $0x4000  }
0x1b: {  	[sflag:s16] =	ssyncset.done $0x0;
	s0 =	sshll.u32 s28, $0x5  }
0x1c: {  	[sflag:s16] =	ssyncadd.s32 $0xFFFFC000;
	s0 =	sor.u32 s6, s0  }
0x1d: {  	_ =	swait.ge [sflag:s16], $0x4000;
	s0 =	smin.u32 s0, $0x4E1  }
0x1e: {  	[sflag:s16] =	ssyncset.done $0x0;
	s26 =	sshll.u32 s0, $0x4  }
0x1f: {  	[sflag:s16] =	ssyncadd.s32 $0xFFFFC000;
	s0 =	sadd.s32 s7, s26  }
0x20: {  	[tilespmem:s17], [sflag:$0x3] =	stream.linear.gather [hbm4b:s0+s4], $0x80, $0x38;
	[tilespmem:$0x10B00] =	vst v63  }
0x21: {  	_ =	swait.ge [sflag:s12], $0x80  }
0x22: {  	[sflag:s12] =	ssyncset.done $0x0  }
0x23: {  	s3 =	sadd.s32 s1, s26;
	[sflag:s12] =	ssyncadd.s32 $0xFFFFFF80  }
0x24: {  	[tilespmem:s18], [sflag:$0x3] =	stream.linear.gather [hbm4b:s3+s4], $0x80, $0x38;
	[tilespmem:$0x10B00] =	vst v63  }
0x25: {  	_ =	swait.ge [sflag:s12], $0x80  }
0x26: {  	[sflag:s12] =	ssyncset.done $0x0  }
0x27: {  	[sflag:s12] =	ssyncadd.s32 $0xFFFFFF80  }
0x28: {  	[tilespmem:s19], [sflag:$0x2] =	stream.indirect.gather [hbm4b:s5+s13], $0x80, s17, s13, $0xb8;
	[tilespmem:$0x10B00] =	vst v63  }
0x29: {  	s0 =	simm.s32 $0x400  }
0x2a: {  	[tilespmem:s20], [sflag:$0x2] =	stream.indirect.gather [hbm4b:s5+s13], $0x80, s18, s13, $0xb8;
	[tilespmem:$0x10B00] =	vst v63  }
0x2b: {  	s29 =	simm.s32 $0x8400;
	v2 =	vld [tilespmem:s0+$0x180]  }
0x2c: {  	v3 =	vld [tilespmem:s29+$0x180]  }
0x2d: {  	v4 =	vld [tilespmem:s0+$0x190]  }
0x2e: {  	v5 =	vld [tilespmem:s29+$0x190]  }
0x2f: {  	v6 =	vld [tilespmem:s0+$0x1A0]  }
0x30: {  	v7 =	vld [tilespmem:s29+$0x1A0]  }
0x31: {  	v8 =	vld [tilespmem:s0+$0x1B0]  }
0x32: {  	v9 =	vld [tilespmem:s29+$0x1B0]  }
0x33: {  	v10 =	vld [tilespmem:s0+$0x1C0]  }
0x34: {  	v11 =	vld [tilespmem:s29+$0x1C0]  }
0x35: {  	v12 =	vld [tilespmem:s0+$0x1D0]  }
0x36: {  	v13 =	vld [tilespmem:s29+$0x1D0]  }
0x37: {  	v14 =	vld [tilespmem:s0+$0x1E0]  }
0x38: {  	v15 =	vld [tilespmem:s29+$0x1E0]  }
0x39: {  	v16 =	vld [tilespmem:s0+$0x1F0]  }
0x3a: {  	v17 =	vld [tilespmem:s29+$0x1F0]  }
0x3b: {  	v18 =	vld [tilespmem:s0+$0xFFFFFE10]  }
0x3c: {  	v19 =	vld [tilespmem:s29+$0xFFFFFE10]  }
0x3d: {  	v21 =	vld [tilespmem:s29+$0xFFFFFE40];
	v2 =	vmul.bf16 v3, v2  }
0x3e: {  	v23 =	vld [tilespmem:s0+$0xFFFFFE50];
	v3 =	vmul.bf16 v5, v4;
	v5 =	vmul.bf16 v7, v6  }
0x3f: {  	v26 =	vld [tilespmem:s29+$0xFFFFFE50];
	v6 =	vmul.bf16 v9, v8;
	v8 =	vmul.bf16 v11, v10  }
0x40: {  	v4 =	vld [tilespmem:s0+$0xFFFFFE20];
	v9 =	vmul.bf16 v13, v12;
	v12 =	vmul.bf16 v15, v14  }
0x41: {  	v7 =	vld [tilespmem:s29+$0xFFFFFE20];
	v13 =	vmul.bf16 v17, v16;
	v18 =	vmul.bf16 v19, v18;
	v11 =	vunpack.i.u.bf16.f32 v2  }
0x42: {  	v10 =	vld [tilespmem:s0+$0xFFFFFE30];
	v2 =	vunpack.i.l.bf16.f32 v2;
	v15 =	vunpack.i.u.bf16.f32 v3;
	v3 =	vunpack.i.l.bf16.f32 v3  }
0x43: {  	v14 =	vld [tilespmem:s29+$0xFFFFFE30];
	v17 =	vunpack.i.u.bf16.f32 v5;
	v5 =	vunpack.i.l.bf16.f32 v5;
	v20 =	vunpack.i.u.bf16.f32 v6  }
0x44: {  	v16 =	vld [tilespmem:s0+$0xFFFFFE40];
	v6 =	vunpack.i.l.bf16.f32 v6;
	v22 =	vunpack.i.u.bf16.f32 v8;
	v8 =	vunpack.i.l.bf16.f32 v8  }
0x45: {  	v25 =	vunpack.i.u.bf16.f32 v12;
	v2 =	vadd.f32 v2, v11;
	v11 =	vunpack.i.l.bf16.f32 v12;
	v12 =	vld [tilespmem:s0+$0xFFFFFE60]  }
0x46: {  	v24 =	vunpack.i.u.bf16.f32 v9;
	v9 =	vunpack.i.l.bf16.f32 v9;
	v5 =	vadd.f32 v5, v17;
	v17 =	vld [tilespmem:s29+$0xFFFFFE60]  }
0x47: {  	v3 =	vadd.f32 v3, v15;
	v6 =	vadd.f32 v6, v20;
	v15 =	vunpack.i.u.bf16.f32 v13;
	v20 =	vld [tilespmem:s0+$0xFFFFFE70]  }
0x48: {  	v8 =	vadd.f32 v8, v22;
	v9 =	vadd.f32 v9, v24;
	v13 =	vunpack.i.l.bf16.f32 v13;
	v24 =	vld [tilespmem:s29+$0xFFFFFEB0]  }
0x49: {  	v11 =	vadd.f32 v11, v25;
	v13 =	vadd.f32 v13, v15;
	v15 =	vld [tilespmem:s29+$0xFFFFFE70];
	v4 =	vmul.bf16 v7, v4  }
0x4a: {  	v2 =	vadd.f32 v3, v2;
	v3 =	vadd.f32 v6, v5;
	v5 =	vld [tilespmem:s0+$0xFFFFFE80];
	v6 =	vmul.bf16 v14, v10  }
0x4b: {  	v7 =	vadd.f32 v9, v8;
	v9 =	vld [tilespmem:s29+$0xFFFFFE80];
	v10 =	vmul.bf16 v21, v16;
	v8 =	vadd.f32 v13, v11  }
0x4c: {  	v14 =	vld [tilespmem:s0+$0xFFFFFE90];
	v11 =	vmul.bf16 v26, v23;
	v13 =	vunpack.i.u.bf16.f32 v18;
	v2 =	vadd.f32 v3, v2  }
0x4d: {  	v16 =	vld [tilespmem:s29+$0xFFFFFE90];
	v19 =	vunpack.i.u.bf16.f32 v6;
	v21 =	vunpack.i.u.bf16.f32 v10;
	v10 =	vunpack.i.l.bf16.f32 v10  }
0x4e: {  	v3 =	vadd.f32 v8, v7;
	v7 =	vunpack.i.l.bf16.f32 v18;
	v12 =	vmul.bf16 v17, v12;
	v17 =	vld [tilespmem:s0+$0xFFFFFEA0]  }
0x4f: {  	v18 =	vunpack.i.u.bf16.f32 v4;
	v4 =	vunpack.i.l.bf16.f32 v4;
	v10 =	vadd.f32 v10, v21;
	v21 =	vld [tilespmem:s0+$0xFFFFFEE0]  }
0x50: {  	v22 =	vunpack.i.u.bf16.f32 v11;
	v11 =	vunpack.i.l.bf16.f32 v11;
	v15 =	vmul.bf16 v15, v20;
	v20 =	vld [tilespmem:s0+$0xFFFFFEB0]  }
0x51: {  	v4 =	vadd.f32 v4, v18;
	v8 =	vadd.f32 v3, v2;
	v3 =	vunpack.i.l.bf16.f32 v6;
	v6 =	vld [tilespmem:s29+$0xFFFFFEA0]  }
0x52: {  	v11 =	vadd.f32 v11, v22;
	v2 =	vadd.f32 v7, v13;
	v7 =	vld [tilespmem:s0+$0xFFFFFEC0]  }
0x53: {  	v5 =	vmul.bf16 v9, v5;
	v9 =	vunpack.i.u.bf16.f32 v15;
	v13 =	vunpack.i.l.bf16.f32 v15;
	v15 =	vld [tilespmem:s29+$0xFFFFFEC0]  }
0x54: {  	v18 =	vld [tilespmem:s0+$0xFFFFFED0];
	v23 =	vunpack.i.u.bf16.f32 v12;
	v12 =	vunpack.i.l.bf16.f32 v12;
	v3 =	vadd.f32 v3, v19  }
0x55: {  	v14 =	vmul.bf16 v16, v14;
	v12 =	vadd.f32 v12, v23;
	v9 =	vadd.f32 v13, v9;
	v13 =	vld [tilespmem:s0+$0xFFFFFEF0]  }
0x56: {  	v16 =	vunpack.i.u.bf16.f32 v5;
	v5 =	vunpack.i.l.bf16.f32 v5;
	v6 =	vmul.bf16 v6, v17;
	v17 =	vld [tilespmem:s29+$0xFFFFFED0]  }
0x57: {  	v19 =	vunpack.i.u.bf16.f32 v14;
	v14 =	vunpack.i.l.bf16.f32 v14;
	v20 =	vmul.bf16 v24, v20;
	v24 =	vld [tilespmem:s29+$0xFFFFFEE0]  }
0x58: {  	v5 =	vadd.f32 v5, v16;
	v16 =	vld [tilespmem:s29+$0xFFFFFEF0];
	v14 =	vadd.f32 v14, v19;
	v7 =	vmul.bf16 v15, v7  }
0x59: {  	v23 =	vld [tilespmem:s0+$0xFFFFFF10];
	v15 =	vunpack.i.u.bf16.f32 v20;
	v20 =	vunpack.i.l.bf16.f32 v20;
	v22 =	vunpack.i.u.bf16.f32 v6  }
0x5a: {  	v15 =	vadd.f32 v20, v15;
	v20 =	vld [tilespmem:s29+$0xFFFFFF00];
	v19 =	vunpack.i.u.bf16.f32 v7;
	v7 =	vunpack.i.l.bf16.f32 v7  }
0x5b: {  	v6 =	vunpack.i.l.bf16.f32 v6;
	v7 =	vadd.f32 v7, v19;
	v19 =	vld [tilespmem:s29+$0xFFFFFF10];
	v17 =	vmul.bf16 v17, v18  }
0x5c: {  	v6 =	vadd.f32 v6, v22;
	v21 =	vmul.bf16 v24, v21;
	v18 =	vld [tilespmem:s0+$0xFFFFFF00]  }
0x5d: {  	v13 =	vmul.bf16 v16, v13;
	v22 =	vunpack.i.u.bf16.f32 v17;
	v17 =	vunpack.i.l.bf16.f32 v17  }
0x5e: {  	v16 =	vld [tilespmem:s0+$0xFFFFFF20];
	v17 =	vadd.f32 v17, v22;
	v22 =	vunpack.i.u.bf16.f32 v21;
	v21 =	vunpack.i.l.bf16.f32 v21  }
0x5f: {  	v3 =	vadd.f32 v3, v4;
	v4 =	vadd.f32 v21, v22;
	v21 =	vld [tilespmem:s29+$0xFFFFFF20]  }
0x60: {  	v10 =	vadd.f32 v11, v10;
	v19 =	vmul.bf16 v19, v23;
	v23 =	vld [tilespmem:s0+$0xFFFFFF40]  }
0x61: {  	v22 =	vunpack.i.u.bf16.f32 v13;
	v13 =	vunpack.i.l.bf16.f32 v13;
	v18 =	vmul.bf16 v20, v18;
	v20 =	vld [tilespmem:s0+$0xFFFFFF30]  }
0x62: {  	v9 =	vadd.f32 v9, v12;
	v11 =	vadd.f32 v13, v22;
	v13 =	vld [tilespmem:s29+$0xFFFFFF30]  }
0x63: {  	v7 =	vadd.f32 v17, v7;
	v17 =	vld [tilespmem:s29+$0xFFFFFF70];
	v22 =	vunpack.i.u.bf16.f32 v18;
	v18 =	vunpack.i.l.bf16.f32 v18  }
0x64: {  	v14 =	vadd.f32 v14, v5;
	v12 =	vadd.f32 v18, v22;
	v18 =	vld [tilespmem:s29+$0xFFFFFF40]  }
0x65: {  	v22 =	vunpack.i.u.bf16.f32 v19;
	v19 =	vunpack.i.l.bf16.f32 v19;
	v16 =	vmul.bf16 v21, v16;
	v21 =	vld [tilespmem:s0+$0xFFFFFF50]  }
0x66: {  	v6 =	vadd.f32 v15, v6;
	v5 =	vadd.f32 v19, v22;
	v19 =	vld [tilespmem:s29+$0xFFFFFF50]  }
0x67: {  	v13 =	vmul.bf16 v13, v20;
	v20 =	vld [tilespmem:s0+$0xFFFFFF60];
	v22 =	vunpack.i.u.bf16.f32 v16;
	v16 =	vunpack.i.l.bf16.f32 v16  }
0x68: {  	v12 =	vadd.f32 v5, v12;
	v15 =	vadd.f32 v16, v22;
	v16 =	vld [tilespmem:s29+$0xFFFFFF60]  }
0x69: {  	v5 =	vld [tilespmem:s29+$0xFFFFFF90];
	v22 =	vunpack.i.u.bf16.f32 v13;
	v13 =	vunpack.i.l.bf16.f32 v13;
	v18 =	vmul.bf16 v18, v23  }
0x6a: {  	v4 =	vadd.f32 v11, v4;
	v23 =	vld [tilespmem:s0+$0xFFFFFF70];
	v13 =	vadd.f32 v13, v22  }
0x6b: {  	v19 =	vmul.bf16 v19, v21;
	v21 =	vld [tilespmem:s0+$0xFFFFFF80];
	v22 =	vunpack.i.u.bf16.f32 v18;
	v18 =	vunpack.i.l.bf16.f32 v18  }
0x6c: {  	v13 =	vadd.f32 v13, v15;
	v11 =	vadd.f32 v18, v22;
	v18 =	vld [tilespmem:s29+$0xFFFFFF80]  }
0x6d: {  	v15 =	vld [tilespmem:s29+$0xFFFFFFA0];
	v22 =	vunpack.i.u.bf16.f32 v19;
	v19 =	vunpack.i.l.bf16.f32 v19;
	v16 =	vmul.bf16 v16, v20  }
0x6e: {  	v20 =	vld [tilespmem:s0+$0xFFFFFF90];
	v19 =	vadd.f32 v19, v22  }
0x6f: {  	v17 =	vmul.bf16 v17, v23;
	v23 =	vld [tilespmem:s0+$0xFFFFFFA0];
	v22 =	vunpack.i.u.bf16.f32 v16;
	v16 =	vunpack.i.l.bf16.f32 v16  }
0x70: {  	v11 =	vadd.f32 v19, v11;
	v16 =	vadd.f32 v16, v22  }
0x71: {  	v19 =	vld [tilespmem:s29+$0xFFFFFFB0];
	v22 =	vunpack.i.u.bf16.f32 v17;
	v17 =	vunpack.i.l.bf16.f32 v17;
	v18 =	vmul.bf16 v18, v21  }
0x72: {  	v21 =	vld [tilespmem:s0+$0xFFFFFFB0];
	v17 =	vadd.f32 v17, v22  }
0x73: {  	v5 =	vmul.bf16 v5, v20;
	v20 =	vld [tilespmem:s0+$0xFFFFFFC0];
	v22 =	vunpack.i.u.bf16.f32 v18  }
0x74: {  	v18 =	vunpack.i.l.bf16.f32 v18;
	v16 =	vadd.f32 v17, v16;
	v15 =	vmul.bf16 v15, v23;
	v23 =	vld [tilespmem:s0+$0xFFFFFFD0]  }
0x75: {  	v17 =	vadd.f32 v18, v22;
	v18 =	vld [tilespmem:s29+$0xFFFFFFC0];
	v22 =	vunpack.i.u.bf16.f32 v5;
	v24 =	vunpack.i.l.bf16.f32 v5  }
0x76: {  	v5 =	vadd.f32 v9, v10;
	v10 =	vld [tilespmem:s29+$0xFFFFFFD0];
	v9 =	vadd.f32 v24, v22  }
0x77: {  	v22 =	vunpack.i.u.bf16.f32 v15;
	v15 =	vunpack.i.l.bf16.f32 v15;
	v19 =	vmul.bf16 v19, v21;
	v21 =	vld [tilespmem:s0+$0xFFFFFFE0]  }
0x78: {  	v15 =	vadd.f32 v15, v22;
	v22 =	vld [tilespmem:s29+$0xFFFFFFE0]  }
0x79: {  	v29 =	vld [tilespmem:s29+$0x140];
	v9 =	vadd.f32 v9, v17  }
0x7a: {  	v17 =	vunpack.i.u.bf16.f32 v19;
	v19 =	vunpack.i.l.bf16.f32 v19;
	v18 =	vmul.bf16 v18, v20;
	v20 =	vld [tilespmem:s0+$0xFFFFFFF0]  }
0x7b: {  	v6 =	vadd.f32 v6, v14;
	v14 =	vadd.f32 v19, v17;
	v17 =	vld [tilespmem:s29+$0xFFFFFFF0]  }
0x7c: {  	v4 =	vadd.f32 v4, v7;
	v10 =	vmul.bf16 v10, v23;
	v23 =	vld [tilespmem:s0+$0x0];
	v19 =	vunpack.i.u.bf16.f32 v18  }
0x7d: {  	v18 =	vunpack.i.l.bf16.f32 v18;
	v14 =	vadd.f32 v14, v15;
	v15 =	vld [tilespmem:s29+$0x0];
	v21 =	vmul.bf16 v22, v21  }
0x7e: {  	v22 =	vld [tilespmem:s0+$0x10];
	v18 =	vadd.f32 v18, v19;
	v19 =	vunpack.i.u.bf16.f32 v10;
	v10 =	vunpack.i.l.bf16.f32 v10  }
0x7f: {  	v24 =	vadd.f32 v13, v12;
	v7 =	vadd.f32 v10, v19;
	v10 =	vld [tilespmem:s29+$0x10]  }
0x80: {  	v19 =	vunpack.i.u.bf16.f32 v21;
	v21 =	vunpack.i.l.bf16.f32 v21;
	v17 =	vmul.bf16 v17, v20;
	v20 =	vld [tilespmem:s0+$0x20]  }
0x81: {  	v19 =	vadd.f32 v21, v19;
	v7 =	vadd.f32 v7, v18;
	v18 =	vld [tilespmem:s29+$0x20]  }
0x82: {  	v13 =	vld [tilespmem:s29+$0x30];
	v21 =	vunpack.i.u.bf16.f32 v17;
	v17 =	vunpack.i.l.bf16.f32 v17;
	v15 =	vmul.bf16 v15, v23  }
0x83: {  	v16 =	vadd.f32 v16, v11;
	v23 =	vld [tilespmem:s0+$0x30];
	v12 =	vadd.f32 v17, v21  }
0x84: {  	v21 =	vld [tilespmem:s0+$0x40];
	v17 =	vunpack.i.u.bf16.f32 v15;
	v15 =	vunpack.i.l.bf16.f32 v15;
	v10 =	vmul.bf16 v10, v22  }
0x85: {  	v12 =	vadd.f32 v12, v19;
	v15 =	vadd.f32 v15, v17;
	v17 =	vld [tilespmem:s29+$0x40]  }
0x86: {  	v11 =	vld [tilespmem:s29+$0x50];
	v19 =	vunpack.i.u.bf16.f32 v10;
	v10 =	vunpack.i.l.bf16.f32 v10;
	v18 =	vmul.bf16 v18, v20  }
0x87: {  	v20 =	vld [tilespmem:s0+$0x50];
	v10 =	vadd.f32 v10, v19  }
0x88: {  	v22 =	vld [tilespmem:s0+$0x60];
	v13 =	vmul.bf16 v13, v23;
	v19 =	vunpack.i.u.bf16.f32 v18;
	v18 =	vunpack.i.l.bf16.f32 v18  }
0x89: {  	v18 =	vadd.f32 v18, v19;
	v19 =	vld [tilespmem:s29+$0x60];
	v15 =	vadd.f32 v10, v15  }
0x8a: {  	v23 =	vunpack.i.u.bf16.f32 v13;
	v13 =	vunpack.i.l.bf16.f32 v13;
	v17 =	vmul.bf16 v17, v21;
	v21 =	vld [tilespmem:s0+$0x70]  }
0x8b: {  	v10 =	vadd.f32 v14, v9;
	v9 =	vadd.f32 v13, v23;
	v13 =	vld [tilespmem:s29+$0x70]  }
0x8c: {  	v11 =	vmul.bf16 v11, v20;
	v20 =	vld [tilespmem:s0+$0x80];
	v14 =	vunpack.i.u.bf16.f32 v17;
	v17 =	vunpack.i.l.bf16.f32 v17  }
0x8d: {  	v9 =	vadd.f32 v9, v18;
	v14 =	vadd.f32 v17, v14;
	v17 =	vld [tilespmem:s29+$0x80]  }
0x8e: {  	v18 =	vunpack.i.u.bf16.f32 v11;
	v11 =	vunpack.i.l.bf16.f32 v11;
	v19 =	vmul.bf16 v19, v22;
	v22 =	vld [tilespmem:s0+$0x90]  }
0x8f: {  	v23 =	vadd.f32 v12, v7;
	v7 =	vadd.f32 v11, v18;
	v11 =	vld [tilespmem:s29+$0x90]  }
0x90: {  	v31 =	vld [tilespmem:s0+$0x150]  }
0x91: {  	v13 =	vmul.bf16 v13, v21;
	v12 =	vunpack.i.u.bf16.f32 v19;
	v18 =	vunpack.i.l.bf16.f32 v19;
	v19 =	vld [tilespmem:s0+$0xA0]  }
0x92: {  	v7 =	vadd.f32 v7, v14;
	v14 =	vld [tilespmem:s29+$0xA0];
	v18 =	vadd.f32 v18, v12  }
0x93: {  	v12 =	vunpack.i.u.bf16.f32 v13;
	v13 =	vunpack.i.l.bf16.f32 v13;
	v17 =	vmul.bf16 v17, v20;
	v20 =	vld [tilespmem:s0+$0xB0]  }
0x94: {  	v13 =	vadd.f32 v13, v12;
	v12 =	vadd.f32 v9, v15;
	v9 =	vld [tilespmem:s29+$0xB0];
	v11 =	vmul.bf16 v11, v22  }
0x95: {  	v21 =	vld [tilespmem:s0+$0xC0];
	v22 =	vadd.f32 v4, v6;
	v15 =	vunpack.i.u.bf16.f32 v17;
	v17 =	vunpack.i.l.bf16.f32 v17  }
0x96: {  	v13 =	vadd.f32 v13, v18;
	v15 =	vadd.f32 v17, v15;
	v17 =	vld [tilespmem:s29+$0xC0]  }
0x97: {  	v18 =	vunpack.i.u.bf16.f32 v11;
	v11 =	vunpack.i.l.bf16.f32 v11;
	v14 =	vmul.bf16 v14, v19;
	v19 =	vld [tilespmem:s0+$0xD0]  }
0x98: {  	v13 =	vadd.f32 v13, v7;
	v7 =	vadd.f32 v11, v18;
	v11 =	vld [tilespmem:s29+$0xD0]  }
0x99: {  	v18 =	vunpack.i.u.bf16.f32 v14;
	v14 =	vunpack.i.l.bf16.f32 v14;
	v9 =	vmul.bf16 v9, v20;
	v20 =	vld [tilespmem:s0+$0xE0]  }
0x9a: {  	v14 =	vadd.f32 v14, v18;
	v18 =	vld [tilespmem:s29+$0xE0];
	v7 =	vadd.f32 v7, v15  }
0x9b: {  	v6 =	vld [tilespmem:s29+$0xF0];
	v15 =	vunpack.i.u.bf16.f32 v9;
	v9 =	vunpack.i.l.bf16.f32 v9;
	v17 =	vmul.bf16 v17, v21  }
0x9c: {  	v24 =	vadd.f32 v16, v24;
	v21 =	vld [tilespmem:s0+$0xF0];
	v4 =	vadd.f32 v9, v15  }
0x9d: {  	v11 =	vmul.bf16 v11, v19;
	v9 =	vunpack.i.u.bf16.f32 v17;
	v15 =	vunpack.i.l.bf16.f32 v17;
	v17 =	vld [tilespmem:s0+$0x100]  }
0x9e: {  	v14 =	vadd.f32 v4, v14;
	v9 =	vadd.f32 v15, v9;
	v15 =	vld [tilespmem:s29+$0x100]  }
0x9f: {  	s30 =	simm.s32 $0x77;
	v19 =	vunpack.i.u.bf16.f32 v11;
	v11 =	vunpack.i.l.bf16.f32 v11;
	v18 =	vmul.bf16 v18, v20;
	v20 =	vld [tilespmem:s0+$0x110]  }
0xa0: {  	v25 =	vadd.s32 s30, v0;
	v19 =	vadd.f32 v11, v19;
	v11 =	vadd.f32 v14, v7;
	v7 =	vld [tilespmem:s29+$0x110]  }
0xa1: {  	s9 =	simm.s32 $0x22;
	v14 =	vunpack.i.u.bf16.f32 v18;
	v18 =	vunpack.i.l.bf16.f32 v18;
	v6 =	vmul.bf16 v6, v21;
	v21 =	vld [tilespmem:s0+$0x120]  }
0xa2: {  	v27 =	vadd.s32 s9, v0;
	v14 =	vadd.f32 v18, v14;
	v18 =	vadd.f32 v19, v9;
	v19 =	vld [tilespmem:s29+$0x120]  }
0xa3: {  	s8 =	simm.s32 $0x11;
	v16 =	vld [tilespmem:s29+$0x130];
	v9 =	vunpack.i.u.bf16.f32 v6;
	v6 =	vunpack.i.l.bf16.f32 v6;
	v15 =	vmul.bf16 v15, v17  }
0xa4: {  	v26 =	vadd.s32 s8, v0;
	v10 =	vadd.f32 v23, v10;
	v17 =	vld [tilespmem:s0+$0x130];
	v6 =	vadd.f32 v6, v9  }
0xa5: {  	s24 =	simm.s32 $0x66;
	v63 =	vld [tilespmem:s29+$0x150];
	v7 =	vmul.bf16 v7, v20;
	v28 =	vunpack.i.u.bf16.f32 v15;
	v15 =	vunpack.i.l.bf16.f32 v15  }
0xa6: {  	[tilespmem:v25+s21+$0x0] =	vst.idx.msk $0xffff, v8;
	v8 =	vadd.s32 s24, v0;
	v20 =	vld [tilespmem:s0+$0x140];
	v14 =	vadd.f32 v6, v14;
	v28 =	vadd.f32 v15, v28  }
0xa7: {  	s11 =	simm.s32 $0x33;
	v30 =	vunpack.i.u.bf16.f32 v7;
	v7 =	vunpack.i.l.bf16.f32 v7;
	v19 =	vmul.bf16 v19, v21  }
0xa8: {  	v1 =	vld [tilespmem:s29+$0xFFFFFE00];
	v9 =	vadd.s32 s11, v0;
	v15 =	vadd.f32 v14, v18;
	v14 =	vadd.f32 v7, v30  }
0xa9: {  	[tilespmem:v27+s21+$0x0] =	vst.idx.msk $0xffff, v24;
	v18 =	vld [tilespmem:s0+$0x160];
	v7 =	vunpack.i.u.bf16.f32 v19;
	v19 =	vunpack.i.l.bf16.f32 v19;
	v21 =	vmul.bf16 v16, v17  }
0xaa: {  	v24 =	vmul.bf16 v63, v31;
	v17 =	vadd.f32 v19, v7;
	v16 =	vadd.f32 v14, v28;
	v19 =	vld [tilespmem:s29+$0x160]  }
0xab: {  	s14 =	simm.s32 $0x44;
	s3 =	simm.s32 $0x0;
	v25 =	vmul.bf16 v29, v20;
	v20 =	vld [tilespmem:s0+$0x170];
	v14 =	vunpack.i.u.bf16.f32 v21;
	v21 =	vunpack.i.l.bf16.f32 v21  }
0xac: {  	s15 =	simm.s32 $0x55;
	[tilespmem:v26+s21+$0x0] =	vst.idx.msk $0xffff, v22;
	v4 =	vadd.s32 s3, v0;
	v6 =	vadd.s32 s14, v0;
	v22 =	vadd.f32 v21, v14;
	v21 =	vld [tilespmem:s29+$0x170]  }
0xad: {  	s31 =	simm.s32 $0x0;
	v7 =	vadd.s32 s15, v0;
	v14 =	vld [tilespmem:s0+$0xFFFFFE00];
	v23 =	vunpack.i.u.bf16.f32 v25;
	v25 =	vunpack.i.l.bf16.f32 v25;
	s0 =	simm.s32 $0x800  }
.LBB2_3:
0xae: {  	v26 =	vld [tilespmem:s0+$0x180];
	[tilespmem:v9+s21+$0x0] =	vst.idx.msk $0xffff, v10;
	v9 =	vadd.f32 v25, v23;
	v10 =	vadd.f32 v22, v17;
	s29 =	sadd.s32 $0x400, s29  }
0xaf: {  	v17 =	vld [tilespmem:s29+$0x180];
	v22 =	vunpack.i.u.bf16.f32 v24;
	v23 =	vunpack.i.l.bf16.f32 v24;
	v18 =	vmul.bf16 v19, v18  }
0xb0: {  	v19 =	vld [tilespmem:s0+$0x190];
	v22 =	vadd.f32 v23, v22;
	v10 =	vadd.f32 v10, v16  }
0xb1: {  	v16 =	vld [tilespmem:s29+$0x190];
	v23 =	vunpack.i.u.bf16.f32 v18;
	v18 =	vunpack.i.l.bf16.f32 v18;
	v20 =	vmul.bf16 v21, v20  }
0xb2: {  	v21 =	vld [tilespmem:s0+$0x1A0];
	v1 =	vmul.bf16 v1, v14;
	v14 =	vadd.f32 v18, v23;
	v9 =	vadd.f32 v22, v9  }
0xb3: {  	v12 =	vadd.f32 v13, v12;
	v18 =	vld [tilespmem:s29+$0x1A0];
	v13 =	vunpack.i.u.bf16.f32 v20;
	v20 =	vunpack.i.l.bf16.f32 v20  }
0xb4: {  	v22 =	vld [tilespmem:s0+$0x1B0];
	v23 =	vunpack.i.u.bf16.f32 v1;
	v1 =	vunpack.i.l.bf16.f32 v1;
	v13 =	vadd.f32 v20, v13  }
0xb5: {  	v20 =	vld [tilespmem:s29+$0x1B0];
	v1 =	vadd.f32 v1, v23;
	[tilespmem:v6+s21+$0x0] =	vst.idx.msk $0xffff, v12;
	v6 =	vadd.f32 v15, v11  }
0xb6: {  	v11 =	vld [tilespmem:s0+$0x1C0];
	v12 =	vadd.f32 v13, v14  }
0xb7: {  	v13 =	vld [tilespmem:s29+$0x1C0];
	v1 =	vadd.f32 v2, v1;
	[tilespmem:v7+s21+$0x0] =	vst.idx.msk $0xffff, v6  }
0xb8: {  	v2 =	vld [tilespmem:s0+$0x1D0];
	v6 =	vadd.f32 v12, v9  }
0xb9: {  	v7 =	vld [tilespmem:s29+$0x1D0];
	v1 =	vadd.f32 v3, v1  }
0xba: {  	v3 =	vld [tilespmem:s0+$0x1E0];
	v6 =	vadd.f32 v6, v10  }
0xbb: {  	v9 =	vld [tilespmem:s29+$0x1E0];
	v1 =	vadd.f32 v5, v1  }
0xbc: {  	v5 =	vld [tilespmem:s0+$0x1F0];
	[tilespmem:v8+s21+$0x0] =	vst.idx.msk $0xffff, v6  }
0xbd: {  	v6 =	vld [tilespmem:s29+$0x1F0];
	[tilespmem:v4+s21+$0x0] =	vst.idx.msk $0xffff, v1  }
0xbe: {  	v1 =	vld [tilespmem:s29+$0xFFFFFE00]  }
0xbf: {  	v10 =	vmul.bf16 v16, v19;
	v8 =	vmul.bf16 v17, v26;
	v4 =	vld [tilespmem:s0+$0xFFFFFE10]  }
0xc0: {  	v14 =	vmul.bf16 v18, v21;
	v15 =	vmul.bf16 v20, v22;
	v12 =	vld [tilespmem:s29+$0xFFFFFE10]  }
0xc1: {  	v11 =	vmul.bf16 v13, v11;
	v2 =	vmul.bf16 v7, v2;
	v16 =	vld [tilespmem:s0+$0xFFFFFE20]  }
0xc2: {  	s31 =	sadd.s32 $0x8, s31;
	v13 =	vunpack.i.u.bf16.f32 v8;
	v3 =	vmul.bf16 v9, v3;
	v7 =	vld [tilespmem:s29+$0xFFFFFE20];
	v5 =	vmul.bf16 v6, v5  }
0xc3: {  	p0 =	slt.u32 s31, $0x78;
	v8 =	vunpack.i.l.bf16.f32 v8;
	v9 =	vunpack.i.u.bf16.f32 v10;
	v10 =	vunpack.i.l.bf16.f32 v10;
	v6 =	vld [tilespmem:s0+$0xFFFFFE30]  }
0xc4: {  	v18 =	vunpack.i.u.bf16.f32 v14;
	v14 =	vunpack.i.l.bf16.f32 v14;
	v19 =	vunpack.i.u.bf16.f32 v15;
	v17 =	vld [tilespmem:s29+$0xFFFFFE30]  }
0xc5: {  	v15 =	vunpack.i.l.bf16.f32 v15;
	v21 =	vunpack.i.u.bf16.f32 v11;
	v11 =	vunpack.i.l.bf16.f32 v11;
	v20 =	vld [tilespmem:s0+$0xFFFFFE40]  }
0xc6: {  	v23 =	vunpack.i.u.bf16.f32 v2;
	v2 =	vunpack.i.l.bf16.f32 v2;
	v24 =	vunpack.i.u.bf16.f32 v3;
	v22 =	vld [tilespmem:s29+$0xFFFFFE40]  }
0xc7: {  	v8 =	vadd.f32 v8, v13;
	v9 =	vadd.f32 v10, v9;
	v3 =	vunpack.i.l.bf16.f32 v3;
	v25 =	vld [tilespmem:s0+$0xFFFFFE50]  }
0xc8: {  	v13 =	vadd.f32 v14, v18;
	v14 =	vadd.f32 v15, v19;
	v15 =	vunpack.i.u.bf16.f32 v5;
	v10 =	vld [tilespmem:s29+$0xFFFFFE50]  }
0xc9: {  	v11 =	vadd.f32 v11, v21;
	v2 =	vadd.f32 v2, v23;
	v5 =	vunpack.i.l.bf16.f32 v5;
	v18 =	vld [tilespmem:s0+$0xFFFFFE60]  }
0xca: {  	v3 =	vadd.f32 v3, v24;
	v4 =	vmul.bf16 v12, v4;
	v5 =	vadd.f32 v5, v15;
	v12 =	vld [tilespmem:s29+$0xFFFFFE60]  }
0xcb: {  	v8 =	vadd.f32 v9, v8;
	v9 =	vadd.f32 v14, v13;
	v7 =	vmul.bf16 v7, v16;
	v15 =	vld [tilespmem:s0+$0xFFFFFE70]  }
0xcc: {  	s30 =	sadd.s32 $0x88, s30;
	v2 =	vadd.f32 v2, v11;
	v3 =	vadd.f32 v5, v3;
	v6 =	vmul.bf16 v17, v6;
	v13 =	vld [tilespmem:s29+$0xFFFFFE70]  }
0xcd: {  	s11 =	sadd.s32 $0xFFFFFF89, s30;
	s24 =	sadd.s32 $0xFFFFFF9A, s30;
	s9 =	sadd.s32 $0xFFFFFFAB, s30;
	v14 =	vadd.s32 s30, v0;
	v5 =	vmul.bf16 v22, v20;
	v10 =	vmul.bf16 v10, v25;
	v11 =	vld [tilespmem:s0+$0xFFFFFE80]  }
0xce: {  	s8 =	sadd.s32 $0xFFFFFFBC, s30;
	s15 =	sadd.s32 $0xFFFFFFCD, s30;
	s14 =	sadd.s32 $0xFFFFFFDE, s30;
	v8 =	vadd.f32 v9, v8;
	v16 =	vunpack.i.u.bf16.f32 v4;
	v2 =	vadd.f32 v3, v2;
	v17 =	vld [tilespmem:s29+$0xFFFFFE80]  }
0xcf: {  	s3 =	sadd.s32 $0xFFFFFFEF, s30;
	v3 =	vunpack.i.l.bf16.f32 v4;
	v4 =	vunpack.i.u.bf16.f32 v7;
	v9 =	vmul.bf16 v12, v18;
	v12 =	vld [tilespmem:s0+$0xFFFFFE90]  }
0xd0: {  	v7 =	vunpack.i.l.bf16.f32 v7;
	v2 =	vadd.f32 v2, v8;
	v18 =	vunpack.i.u.bf16.f32 v6;
	v19 =	vld [tilespmem:s29+$0xFFFFFE90]  }
0xd1: {  	v8 =	vunpack.i.u.bf16.f32 v5;
	v6 =	vunpack.i.l.bf16.f32 v6;
	v13 =	vmul.bf16 v13, v15;
	v15 =	vld [tilespmem:s0+$0xFFFFFEA0]  }
0xd2: {  	v5 =	vunpack.i.l.bf16.f32 v5;
	v20 =	vunpack.i.u.bf16.f32 v10;
	v10 =	vunpack.i.l.bf16.f32 v10;
	v21 =	vld [tilespmem:s29+$0xFFFFFEA0];
	[tilespmem:v14+s21+$0x0] =	vst.idx.msk $0xffff, v2  }
0xd3: {  	v14 =	vunpack.i.u.bf16.f32 v9;
	v9 =	vunpack.i.l.bf16.f32 v9;
	v11 =	vmul.bf16 v17, v11;
	v17 =	vld [tilespmem:s0+$0xFFFFFEB0]  }
0xd4: {  	v2 =	vadd.f32 v3, v16;
	v3 =	vunpack.i.u.bf16.f32 v13;
	v13 =	vunpack.i.l.bf16.f32 v13;
	v16 =	vld [tilespmem:s29+$0xFFFFFEB0]  }
0xd5: {  	v22 =	vunpack.i.u.bf16.f32 v11;
	v23 =	vunpack.i.l.bf16.f32 v11;
	v11 =	vmul.bf16 v19, v12;
	v12 =	vld [tilespmem:s0+$0xFFFFFEC0]  }
0xd6: {  	v18 =	vadd.f32 v6, v18;
	v19 =	vadd.f32 v7, v4;
	v4 =	vadd.s32 s11, v0;
	v6 =	vld [tilespmem:s29+$0xFFFFFEC0]  }
0xd7: {  	v7 =	vunpack.i.u.bf16.f32 v11;
	v24 =	vunpack.i.l.bf16.f32 v11;
	v15 =	vmul.bf16 v21, v15;
	v21 =	vld [tilespmem:s0+$0xFFFFFED0]  }
0xd8: {  	v5 =	vadd.f32 v5, v8;
	v20 =	vadd.f32 v10, v20;
	v11 =	vadd.s32 s24, v0;
	v8 =	vld [tilespmem:s29+$0xFFFFFED0]  }
0xd9: {  	v25 =	vunpack.i.u.bf16.f32 v15;
	v15 =	vunpack.i.l.bf16.f32 v15;
	v16 =	vmul.bf16 v16, v17;
	v17 =	vld [tilespmem:s0+$0xFFFFFEE0]  }
0xda: {  	v10 =	vadd.s32 s9, v0;
	v14 =	vadd.f32 v9, v14;
	v13 =	vadd.f32 v13, v3;
	v3 =	vld [tilespmem:s29+$0xFFFFFEE0]  }
0xdb: {  	v26 =	vunpack.i.u.bf16.f32 v16;
	v16 =	vunpack.i.l.bf16.f32 v16;
	v6 =	vmul.bf16 v6, v12;
	v12 =	vld [tilespmem:s0+$0xFFFFFEF0]  }
0xdc: {  	v9 =	vadd.s32 s8, v0;
	v22 =	vadd.f32 v23, v22;
	v23 =	vadd.f32 v24, v7;
	v24 =	vld [tilespmem:s29+$0xFFFFFEF0]  }
0xdd: {  	v7 =	vunpack.i.u.bf16.f32 v6;
	v27 =	vunpack.i.l.bf16.f32 v6;
	v8 =	vmul.bf16 v8, v21;
	v21 =	vld [tilespmem:s0+$0xFFFFFF00]  }
0xde: {  	v15 =	vadd.f32 v15, v25;
	v16 =	vadd.f32 v16, v26;
	v6 =	vadd.s32 s15, v0;
	v25 =	vld [tilespmem:s29+$0xFFFFFF00]  }
0xdf: {  	v26 =	vunpack.i.u.bf16.f32 v8;
	v8 =	vunpack.i.l.bf16.f32 v8;
	v3 =	vmul.bf16 v3, v17;
	v17 =	vld [tilespmem:s0+$0xFFFFFF10]  }
0xe0: {  	v27 =	vadd.f32 v27, v7;
	v7 =	vadd.s32 s14, v0;
	v26 =	vadd.f32 v8, v26;
	v28 =	vld [tilespmem:s29+$0xFFFFFF10]  }
0xe1: {  	v8 =	vunpack.i.u.bf16.f32 v3;
	v29 =	vunpack.i.l.bf16.f32 v3;
	v12 =	vmul.bf16 v24, v12;
	v24 =	vld [tilespmem:s0+$0xFFFFFF20]  }
0xe2: {  	v3 =	vadd.f32 v18, v19;
	v18 =	vadd.f32 v29, v8;
	v19 =	vld [tilespmem:s29+$0xFFFFFF20];
	v8 =	vadd.s32 s3, v0  }
0xe3: {  	v29 =	vunpack.i.u.bf16.f32 v12;
	v12 =	vunpack.i.l.bf16.f32 v12;
	v21 =	vmul.bf16 v25, v21;
	v25 =	vld [tilespmem:s0+$0xFFFFFF30]  }
0xe4: {  	v5 =	vadd.f32 v20, v5;
	v12 =	vadd.f32 v12, v29;
	v20 =	vld [tilespmem:s29+$0xFFFFFF30]  }
0xe5: {  	v29 =	vunpack.i.u.bf16.f32 v21;
	v21 =	vunpack.i.l.bf16.f32 v21;
	v17 =	vmul.bf16 v28, v17;
	v28 =	vld [tilespmem:s0+$0xFFFFFF40]  }
0xe6: {  	v13 =	vadd.f32 v13, v14;
	v14 =	vadd.f32 v21, v29;
	v21 =	vld [tilespmem:s29+$0xFFFFFF40]  }
0xe7: {  	v29 =	vunpack.i.u.bf16.f32 v17;
	v17 =	vunpack.i.l.bf16.f32 v17;
	v19 =	vmul.bf16 v19, v24;
	v24 =	vld [tilespmem:s0+$0xFFFFFF50]  }
0xe8: {  	v22 =	vadd.f32 v23, v22;
	v17 =	vadd.f32 v17, v29;
	v23 =	vld [tilespmem:s29+$0xFFFFFF50]  }
0xe9: {  	v29 =	vunpack.i.u.bf16.f32 v19;
	v19 =	vunpack.i.l.bf16.f32 v19;
	v20 =	vmul.bf16 v20, v25;
	v25 =	vld [tilespmem:s0+$0xFFFFFF60]  }
0xea: {  	v15 =	vadd.f32 v16, v15;
	v16 =	vadd.f32 v19, v29;
	v19 =	vld [tilespmem:s29+$0xFFFFFF60]  }
0xeb: {  	v29 =	vunpack.i.u.bf16.f32 v20;
	v20 =	vunpack.i.l.bf16.f32 v20;
	v21 =	vmul.bf16 v21, v28;
	v28 =	vld [tilespmem:s0+$0xFFFFFF70]  }
0xec: {  	v26 =	vadd.f32 v26, v27;
	v20 =	vadd.f32 v20, v29;
	v27 =	vld [tilespmem:s29+$0xFFFFFF70]  }
0xed: {  	v29 =	vunpack.i.u.bf16.f32 v21;
	v21 =	vunpack.i.l.bf16.f32 v21;
	v23 =	vmul.bf16 v23, v24;
	v24 =	vld [tilespmem:s0+$0xFFFFFF80]  }
0xee: {  	v12 =	vadd.f32 v12, v18;
	v18 =	vadd.f32 v21, v29;
	v21 =	vld [tilespmem:s29+$0xFFFFFF80]  }
0xef: {  	v29 =	vunpack.i.u.bf16.f32 v23;
	v23 =	vunpack.i.l.bf16.f32 v23;
	v19 =	vmul.bf16 v19, v25;
	v25 =	vld [tilespmem:s0+$0xFFFFFF90]  }
0xf0: {  	v14 =	vadd.f32 v17, v14;
	v23 =	vadd.f32 v23, v29;
	v17 =	vld [tilespmem:s29+$0xFFFFFF90]  }
0xf1: {  	v29 =	vunpack.i.u.bf16.f32 v19;
	v19 =	vunpack.i.l.bf16.f32 v19;
	v27 =	vmul.bf16 v27, v28;
	v28 =	vld [tilespmem:s0+$0xFFFFFFA0]  }
0xf2: {  	v20 =	vadd.f32 v20, v16;
	v19 =	vadd.f32 v19, v29;
	v16 =	vld [tilespmem:s29+$0xFFFFFFA0]  }
0xf3: {  	v29 =	vunpack.i.u.bf16.f32 v27;
	v27 =	vunpack.i.l.bf16.f32 v27;
	v21 =	vmul.bf16 v21, v24;
	v24 =	vld [tilespmem:s0+$0xFFFFFFB0]  }
0xf4: {  	v18 =	vadd.f32 v23, v18;
	v27 =	vadd.f32 v27, v29;
	v23 =	vld [tilespmem:s29+$0xFFFFFFB0]  }
0xf5: {  	v29 =	vunpack.i.u.bf16.f32 v21;
	v21 =	vunpack.i.l.bf16.f32 v21;
	v17 =	vmul.bf16 v17, v25;
	v25 =	vld [tilespmem:s0+$0xFFFFFFC0]  }
0xf6: {  	v19 =	vadd.f32 v27, v19;
	v21 =	vadd.f32 v21, v29;
	v27 =	vld [tilespmem:s29+$0xFFFFFFC0]  }
0xf7: {  	v29 =	vunpack.i.u.bf16.f32 v17;
	v17 =	vunpack.i.l.bf16.f32 v17;
	v16 =	vmul.bf16 v16, v28;
	v28 =	vld [tilespmem:s0+$0xFFFFFFD0]  }
0xf8: {  	v5 =	vadd.f32 v13, v5;
	v13 =	vadd.f32 v17, v29;
	v17 =	vld [tilespmem:s29+$0xFFFFFFD0]  }
0xf9: {  	v29 =	vunpack.i.u.bf16.f32 v16;
	v16 =	vunpack.i.l.bf16.f32 v16;
	v23 =	vmul.bf16 v23, v24;
	v24 =	vld [tilespmem:s0+$0xFFFFFFE0]  }
0xfa: {  	v29 =	vadd.f32 v16, v29;
	v30 =	vld [tilespmem:s29+$0xFFFFFFE0];
	v13 =	vadd.f32 v13, v21  }
0xfb: {  	v21 =	vunpack.i.u.bf16.f32 v23;
	v23 =	vunpack.i.l.bf16.f32 v23;
	v25 =	vmul.bf16 v27, v25;
	v27 =	vld [tilespmem:s0+$0xFFFFFFF0]  }
0xfc: {  	v16 =	vadd.f32 v15, v22;
	v15 =	vadd.f32 v23, v21;
	v21 =	vld [tilespmem:s29+$0xFFFFFFF0]  }
0xfd: {  	v22 =	vunpack.i.u.bf16.f32 v25;
	v23 =	vunpack.i.l.bf16.f32 v25;
	v17 =	vmul.bf16 v17, v28;
	v25 =	vld [tilespmem:s0+$0x0]  }
0xfe: {  	v22 =	vadd.f32 v23, v22;
	v23 =	vadd.f32 v15, v29;
	v15 =	vld [tilespmem:s29+$0x0]  }
0xff: {  	v28 =	vunpack.i.u.bf16.f32 v17;
	v17 =	vunpack.i.l.bf16.f32 v17;
	v24 =	vmul.bf16 v30, v24;
	v29 =	vld [tilespmem:s0+$0x10]  }
0x100: {  	v26 =	vadd.f32 v12, v26;
	v12 =	vadd.f32 v17, v28;
	v17 =	vld [tilespmem:s29+$0x10]  }
0x101: {  	v28 =	vunpack.i.u.bf16.f32 v24;
	v24 =	vunpack.i.l.bf16.f32 v24;
	v21 =	vmul.bf16 v21, v27;
	v27 =	vld [tilespmem:s0+$0x20]  }
0x102: {  	v24 =	vadd.f32 v24, v28;
	v12 =	vadd.f32 v12, v22;
	v22 =	vld [tilespmem:s29+$0x20]  }
0x103: {  	v28 =	vunpack.i.u.bf16.f32 v21;
	v21 =	vunpack.i.l.bf16.f32 v21;
	v25 =	vmul.bf16 v15, v25;
	v30 =	vld [tilespmem:s0+$0x30]  }
0x104: {  	v15 =	vadd.f32 v20, v14;
	v14 =	vadd.f32 v21, v28;
	v20 =	vld [tilespmem:s29+$0x30]  }
0x105: {  	v21 =	vunpack.i.u.bf16.f32 v25;
	v25 =	vunpack.i.l.bf16.f32 v25;
	v17 =	vmul.bf16 v17, v29;
	v28 =	vld [tilespmem:s0+$0x40]  }
0x106: {  	v24 =	vadd.f32 v14, v24;
	v14 =	vadd.f32 v25, v21;
	v21 =	vld [tilespmem:s29+$0x40]  }
0x107: {  	v25 =	vunpack.i.u.bf16.f32 v17;
	v17 =	vunpack.i.l.bf16.f32 v17;
	v22 =	vmul.bf16 v22, v27;
	v27 =	vld [tilespmem:s0+$0x50]  }
0x108: {  	v18 =	vadd.f32 v19, v18;
	v17 =	vadd.f32 v17, v25;
	v19 =	vld [tilespmem:s29+$0x50]  }
0x109: {  	v25 =	vunpack.i.u.bf16.f32 v22;
	v22 =	vunpack.i.l.bf16.f32 v22;
	v20 =	vmul.bf16 v20, v30;
	v29 =	vld [tilespmem:s0+$0x60]  }
0x10a: {  	v22 =	vadd.f32 v22, v25;
	v25 =	vld [tilespmem:s29+$0x60];
	v17 =	vadd.f32 v17, v14  }
0x10b: {  	v30 =	vunpack.i.u.bf16.f32 v20;
	v20 =	vunpack.i.l.bf16.f32 v20;
	v21 =	vmul.bf16 v21, v28;
	v28 =	vld [tilespmem:s0+$0x70]  }
0x10c: {  	v14 =	vadd.f32 v23, v13;
	v13 =	vadd.f32 v20, v30;
	v20 =	vld [tilespmem:s29+$0x70]  }
0x10d: {  	v23 =	vunpack.i.u.bf16.f32 v21;
	v21 =	vunpack.i.l.bf16.f32 v21;
	v19 =	vmul.bf16 v19, v27;
	v27 =	vld [tilespmem:s0+$0x80]  }
0x10e: {  	v21 =	vadd.f32 v21, v23;
	v13 =	vadd.f32 v13, v22;
	v22 =	vld [tilespmem:s29+$0x80]  }
0x10f: {  	v23 =	vunpack.i.u.bf16.f32 v19;
	v19 =	vunpack.i.l.bf16.f32 v19;
	v25 =	vmul.bf16 v25, v29;
	v29 =	vld [tilespmem:s0+$0x90]  }
0x110: {  	v24 =	vadd.f32 v24, v12;
	v12 =	vadd.f32 v19, v23;
	v19 =	vld [tilespmem:s29+$0x90]  }
0x111: {  	v23 =	vunpack.i.u.bf16.f32 v25;
	v25 =	vunpack.i.l.bf16.f32 v25;
	v20 =	vmul.bf16 v20, v28;
	v28 =	vld [tilespmem:s0+$0xA0]  }
0x112: {  	v23 =	vadd.f32 v25, v23;
	v21 =	vadd.f32 v12, v21;
	v25 =	vld [tilespmem:s29+$0xA0]  }
0x113: {  	v12 =	vunpack.i.u.bf16.f32 v20;
	v20 =	vunpack.i.l.bf16.f32 v20;
	v22 =	vmul.bf16 v22, v27;
	v27 =	vld [tilespmem:s0+$0xB0]  }
0x114: {  	v20 =	vadd.f32 v20, v12;
	v12 =	vadd.f32 v13, v17;
	v17 =	vld [tilespmem:s29+$0xB0]  }
0x115: {  	v13 =	vunpack.i.u.bf16.f32 v22;
	v22 =	vunpack.i.l.bf16.f32 v22;
	v19 =	vmul.bf16 v19, v29;
	v29 =	vld [tilespmem:s0+$0xC0]  }
0x116: {  	v20 =	vadd.f32 v20, v23;
	v22 =	vadd.f32 v22, v13;
	v23 =	vld [tilespmem:s29+$0xC0]  }
0x117: {  	v30 =	vunpack.i.u.bf16.f32 v19;
	v19 =	vunpack.i.l.bf16.f32 v19;
	v25 =	vmul.bf16 v25, v28;
	v28 =	vld [tilespmem:s0+$0xD0]  }
0x118: {  	v13 =	vadd.f32 v20, v21;
	v19 =	vadd.f32 v19, v30;
	v20 =	vld [tilespmem:s29+$0xD0]  }
0x119: {  	v21 =	vunpack.i.u.bf16.f32 v25;
	v25 =	vunpack.i.l.bf16.f32 v25;
	v17 =	vmul.bf16 v17, v27;
	v27 =	vld [tilespmem:s0+$0xE0]  }
0x11a: {  	v21 =	vadd.f32 v25, v21;
	v25 =	vld [tilespmem:s29+$0xE0];
	v19 =	vadd.f32 v19, v22  }
0x11b: {  	v22 =	vunpack.i.u.bf16.f32 v17;
	v17 =	vunpack.i.l.bf16.f32 v17;
	v23 =	vmul.bf16 v23, v29;
	v29 =	vld [tilespmem:s0+$0xF0]  }
0x11c: {  	v16 =	vadd.f32 v26, v16;
	v17 =	vadd.f32 v17, v22;
	v22 =	vld [tilespmem:s29+$0xF0]  }
0x11d: {  	v26 =	vunpack.i.u.bf16.f32 v23;
	v23 =	vunpack.i.l.bf16.f32 v23;
	v20 =	vmul.bf16 v20, v28;
	v28 =	vld [tilespmem:s0+$0x100]  }
0x11e: {  	[tilespmem:v11+s21+$0x0] =	vst.idx.msk $0xffff, v16;
	v16 =	vadd.f32 v23, v26;
	v11 =	vadd.f32 v17, v21;
	v17 =	vld [tilespmem:s29+$0x100]  }
0x11f: {  	v21 =	vunpack.i.u.bf16.f32 v20;
	v20 =	vunpack.i.l.bf16.f32 v20;
	v23 =	vmul.bf16 v25, v27;
	v25 =	vld [tilespmem:s0+$0x110]  }
0x120: {  	v20 =	vadd.f32 v20, v21;
	v11 =	vadd.f32 v11, v19;
	v19 =	vld [tilespmem:s29+$0x110]  }
0x121: {  	v21 =	vunpack.i.u.bf16.f32 v23;
	v23 =	vunpack.i.l.bf16.f32 v23;
	v22 =	vmul.bf16 v22, v29;
	v26 =	vld [tilespmem:s0+$0x120]  }
0x122: {  	v21 =	vadd.f32 v23, v21;
	v16 =	vadd.f32 v20, v16;
	v20 =	vld [tilespmem:s29+$0x120]  }
0x123: {  	v23 =	vunpack.i.u.bf16.f32 v22;
	v22 =	vunpack.i.l.bf16.f32 v22;
	v17 =	vmul.bf16 v17, v28;
	v27 =	vld [tilespmem:s0+$0x130]  }
0x124: {  	v15 =	vadd.f32 v18, v15;
	v18 =	vadd.f32 v22, v23;
	v22 =	vld [tilespmem:s29+$0x130]  }
0x125: {  	v23 =	vunpack.i.u.bf16.f32 v17;
	v17 =	vunpack.i.l.bf16.f32 v17;
	v19 =	vmul.bf16 v19, v25;
	v25 =	vld [tilespmem:s0+$0x140]  }
0x126: {  	[tilespmem:v10+s21+$0x0] =	vst.idx.msk $0xffff, v15;
	v10 =	vadd.f32 v18, v21;
	v21 =	vadd.f32 v17, v23;
	v23 =	vld [tilespmem:s29+$0x140]  }
0x127: {  	v17 =	vunpack.i.u.bf16.f32 v19;
	v18 =	vunpack.i.l.bf16.f32 v19;
	v19 =	vmul.bf16 v20, v26;
	v26 =	vld [tilespmem:s0+$0x150]  }
0x128: {  	v15 =	vadd.f32 v10, v16;
	v10 =	vadd.f32 v18, v17;
	v28 =	vld [tilespmem:s29+$0x150]  }
.Ltmp0:
0x129: {  	v16 =	vunpack.i.u.bf16.f32 v19;
	v17 =	vunpack.i.l.bf16.f32 v19;
	v20 =	vmul.bf16 v22, v27;
	v18 =	vld [tilespmem:s0+$0x160];
	(pc) =	sbr.rel @p0 .LBB2_3-.Ltmp0, $4  }
0x12a: {  	v17 =	vadd.f32 v17, v16;
	v19 =	vld [tilespmem:s29+$0x160];
	v16 =	vadd.f32 v10, v21  }
0x12b: {  	v21 =	vunpack.i.u.bf16.f32 v20;
	v22 =	vunpack.i.l.bf16.f32 v20;
	v25 =	vmul.bf16 v23, v25;
	v20 =	vld [tilespmem:s0+$0x170]  }
0x12c: {  	v10 =	vadd.f32 v24, v14;
	v22 =	vadd.f32 v22, v21;
	v21 =	vld [tilespmem:s29+$0x170]  }
0x12d: {  	v14 =	vld [tilespmem:s0+$0xFFFFFE00];
	v23 =	vunpack.i.u.bf16.f32 v25;
	v25 =	vunpack.i.l.bf16.f32 v25;
	v24 =	vmul.bf16 v28, v26;
	s0 =	sadd.s32 $0x400, s0  }
0x12e: {  	_ =	sdelay $0x1  }
0x12f: {  	v26 =	vunpack.i.u.bf16.f32 v24;
	v24 =	vunpack.i.l.bf16.f32 v24;
	v18 =	vmul.bf16 v19, v18  }
0x130: {  	v19 =	vadd.f32 v25, v23;
	v23 =	vadd.f32 v24, v26;
	v20 =	vmul.bf16 v21, v20  }
0x131: {  	v21 =	vunpack.i.u.bf16.f32 v18;
	v18 =	vunpack.i.l.bf16.f32 v18;
	v1 =	vmul.bf16 v1, v14  }
0x132: {  	v14 =	vadd.f32 v18, v21;
	v18 =	vunpack.i.u.bf16.f32 v20;
	v20 =	vunpack.i.l.bf16.f32 v20  }
0x133: {  	v21 =	vunpack.i.u.bf16.f32 v1;
	v1 =	vunpack.i.l.bf16.f32 v1;
	v18 =	vadd.f32 v20, v18  }
0x134: {  	v17 =	vadd.f32 v22, v17;
	v1 =	vadd.f32 v1, v21  }
0x135: {  	v19 =	vadd.f32 v23, v19;
	v14 =	vadd.f32 v18, v14  }
0x136: {  	v12 =	vadd.f32 v13, v12;
	v2 =	vadd.f32 v2, v1  }
0x137: {  	v16 =	vadd.f32 v17, v16;
	v1 =	vmul.u32 $0x11, v0;
	v13 =	vadd.f32 v14, v19  }
0x138: {  	[tilespmem:v9+s21+$0x0] =	vst.idx.msk $0xffff, v10;
	v9 =	vadd.f32 v15, v11;
	v2 =	vadd.f32 v3, v2  }
0x139: {  	[tilespmem:v6+s21+$0x0] =	vst.idx.msk $0xffff, v12;
	v6 =	vadd.s32 $0x1, v1;
	v3 =	vadd.f32 v13, v16  }
0x13a: {  	[tilespmem:v7+s21+$0x0] =	vst.idx.msk $0xffff, v9;
	v2 =	vadd.f32 v5, v2  }
0x13b: {  	v5 =	vadd.s32 $0x2, v1;
	[tilespmem:v8+s21+$0x0] =	vst.idx.msk $0xffff, v3  }
0x13c: {  	[tilespmem:v4+s21+$0x0] =	vst.idx.msk $0xffff, v2  }
0x13d: {  	v7 =	vadd.s32 $0x3, v1;
	v2 =	vld.idx.msk [tilespmem:v1+s21+$0x0], $0xffff  }
0x13e: {  	v3 =	vld.idx.msk [tilespmem:v6+s21+$0x0], $0xffff  }
0x13f: {  	[tilespmem:$0x1FA10] =	vst v6;
	v6 =	vadd.s32 $0x4, v1  }
0x140: {  	v4 =	vld.idx.msk [tilespmem:v5+s21+$0x0], $0xffff  }
0x141: {  	v8 =	vadd.s32 $0x5, v1  }
0x142: {  	[tilespmem:$0x1FA20] =	vst v5;
	v5 =	vld.idx.msk [tilespmem:v7+s21+$0x0], $0xffff  }
0x143: {  	[tilespmem:$0x1FA30] =	vst v7;
	v7 =	vadd.s32 $0x6, v1;
	v2 =	vadd.f32 v3, v2  }
0x144: {  	v3 =	vld.idx.msk [tilespmem:v6+s21+$0x0], $0xffff  }
0x145: {  	[tilespmem:$0x1FA40] =	vst v6;
	v6 =	vadd.s32 $0x7, v1;
	v2 =	vadd.f32 v4, v2  }
0x146: {  	v4 =	vld.idx.msk [tilespmem:v8+s21+$0x0], $0xffff  }
0x147: {  	[tilespmem:$0x1FA50] =	vst v8;
	v8 =	vadd.s32 $0x8, v1;
	v2 =	vadd.f32 v5, v2  }
0x148: {  	v5 =	vld.idx.msk [tilespmem:v7+s21+$0x0], $0xffff  }
0x149: {  	[tilespmem:$0x1FA60] =	vst v7;
	v7 =	vadd.s32 $0x9, v1;
	v2 =	vadd.f32 v3, v2  }
0x14a: {  	v3 =	vld.idx.msk [tilespmem:v6+s21+$0x0], $0xffff  }
0x14b: {  	[tilespmem:$0x1FA70] =	vst v6;
	v6 =	vadd.s32 $0xA, v1;
	v2 =	vadd.f32 v4, v2  }
0x14c: {  	v4 =	vld.idx.msk [tilespmem:v8+s21+$0x0], $0xffff  }
0x14d: {  	[tilespmem:$0x1FA80] =	vst v8;
	v8 =	vadd.s32 $0xB, v1;
	v2 =	vadd.f32 v5, v2  }
0x14e: {  	v5 =	vld.idx.msk [tilespmem:v7+s21+$0x0], $0xffff  }
0x14f: {  	[tilespmem:$0x1FA90] =	vst v7;
	v7 =	vadd.s32 $0xC, v1;
	v2 =	vadd.f32 v3, v2  }
0x150: {  	v3 =	vld.idx.msk [tilespmem:v6+s21+$0x0], $0xffff  }
0x151: {  	[tilespmem:$0x1FAA0] =	vst v6;
	v6 =	vadd.s32 $0xD, v1;
	v2 =	vadd.f32 v4, v2  }
0x152: {  	v4 =	vld.idx.msk [tilespmem:v8+s21+$0x0], $0xffff  }
0x153: {  	[tilespmem:$0x1FAB0] =	vst v8;
	v8 =	vadd.s32 $0xE, v1;
	v2 =	vadd.f32 v5, v2  }
0x154: {  	v5 =	vld.idx.msk [tilespmem:v7+s21+$0x0], $0xffff  }
0x155: {  	[tilespmem:$0x1FAC0] =	vst v7;
	v7 =	vadd.s32 $0xF, v1;
	v2 =	vadd.f32 v3, v2  }
0x156: {  	v3 =	vld.idx.msk [tilespmem:v6+s21+$0x0], $0xffff  }
0x157: {  	v2 =	vadd.f32 v4, v2  }
0x158: {  	v4 =	vld.idx.msk [tilespmem:v8+s21+$0x0], $0xffff  }
0x159: {  	v2 =	vadd.f32 v5, v2  }
0x15a: {  	v5 =	vld.idx.msk [tilespmem:v7+s21+$0x0], $0xffff  }
0x15b: {  	v2 =	vadd.f32 v3, v2;
	_ =	sdelay $0x1  }
0x15c: {  	v2 =	vadd.f32 v4, v2;
	_ =	sdelay $0x1  }
0x15d: {  	v2 =	vadd.f32 v5, v2;
	_ =	sdelay $0x1  }
0x15e: {  	v2 =	vsub.f32 $0.0e+00, v2;
	_ =	sdelay $0x1  }
0x15f: {  	v2 =	vmul.f32 $1.442695020e+00, v2;
	_ =	sdelay $0x1  }
0x160: {  	(erf) = vpow2.f32 v2;
	_ =	sdelay $0x8  }
0x161: {  	v2 =	vpop (erf)  }
0x162: {  	v2 =	vadd.f32 $1.000000000e+00, v2;
	_ =	sdelay $0x1  }
0x163: {  	(erf) = vrcp.f32 v2;
	_ =	sdelay $0x5  }
0x164: {  	v3 =	vadd.s32 $0x110, v1  }
0x165: {  	v4 =	vadd.s32 $0x111, v1;
	_ =	sdelay $0x1  }
0x166: {  	v5 =	vadd.s32 $0x112, v1;
	v2 =	vpop (erf)  }
0x167: {  	[tilespmem:$0x10A80] =	vst v2  }
0x168: {  	[tilespmem:$0x1FAD0] =	vst v6;
	v6 =	vadd.s32 $0x113, v1;
	v2 =	vld.idx.msk [tilespmem:v3+s21+$0x0], $0xffff  }
0x169: {  	[tilespmem:$0x1FB00] =	vst v3;
	v3 =	vld.idx.msk [tilespmem:v4+s21+$0x0], $0xffff  }
0x16a: {  	[tilespmem:$0x1FAF0] =	vst v7;
	v7 =	vadd.s32 $0x114, v1  }
0x16b: {  	[tilespmem:$0x1FB10] =	vst v4;
	v4 =	vld.idx.msk [tilespmem:v5+s21+$0x0], $0xffff  }
0x16c: {  	[tilespmem:$0x1FAE0] =	vst v8;
	v8 =	vadd.s32 $0x115, v1  }
0x16d: {  	[tilespmem:$0x1FB20] =	vst v5;
	v5 =	vld.idx.msk [tilespmem:v6+s21+$0x0], $0xffff  }
0x16e: {  	[tilespmem:$0x1FB30] =	vst v6;
	v6 =	vadd.s32 $0x116, v1;
	v2 =	vadd.f32 v3, v2  }
0x16f: {  	v3 =	vld.idx.msk [tilespmem:v7+s21+$0x0], $0xffff  }
0x170: {  	[tilespmem:$0x1FB40] =	vst v7;
	v7 =	vadd.s32 $0x117, v1;
	v2 =	vadd.f32 v4, v2  }
0x171: {  	v4 =	vld.idx.msk [tilespmem:v8+s21+$0x0], $0xffff  }
0x172: {  	[tilespmem:$0x1FB50] =	vst v8;
	v8 =	vadd.s32 $0x118, v1;
	v2 =	vadd.f32 v5, v2  }
0x173: {  	v5 =	vld.idx.msk [tilespmem:v6+s21+$0x0], $0xffff  }
0x174: {  	[tilespmem:$0x1FB60] =	vst v6;
	v6 =	vadd.s32 $0x119, v1;
	v2 =	vadd.f32 v3, v2  }
0x175: {  	v3 =	vld.idx.msk [tilespmem:v7+s21+$0x0], $0xffff  }
0x176: {  	[tilespmem:$0x1FB70] =	vst v7;
	v7 =	vadd.s32 $0x11A, v1;
	v2 =	vadd.f32 v4, v2  }
0x177: {  	v4 =	vld.idx.msk [tilespmem:v8+s21+$0x0], $0xffff  }
0x178: {  	[tilespmem:$0x1FB80] =	vst v8;
	v8 =	vadd.s32 $0x11B, v1;
	v2 =	vadd.f32 v5, v2  }
0x179: {  	v5 =	vld.idx.msk [tilespmem:v6+s21+$0x0], $0xffff  }
0x17a: {  	[tilespmem:$0x1FB90] =	vst v6;
	v6 =	vadd.s32 $0x11C, v1;
	v2 =	vadd.f32 v3, v2  }
0x17b: {  	v3 =	vld.idx.msk [tilespmem:v7+s21+$0x0], $0xffff  }
0x17c: {  	[tilespmem:$0x1FBA0] =	vst v7;
	v7 =	vadd.s32 $0x11D, v1;
	v2 =	vadd.f32 v4, v2  }
0x17d: {  	v4 =	vld.idx.msk [tilespmem:v8+s21+$0x0], $0xffff  }
0x17e: {  	[tilespmem:$0x1FBB0] =	vst v8;
	v8 =	vadd.s32 $0x11E, v1;
	v2 =	vadd.f32 v5, v2  }
0x17f: {  	v5 =	vld.idx.msk [tilespmem:v6+s21+$0x0], $0xffff  }
0x180: {  	[tilespmem:$0x1FBC0] =	vst v6;
	v6 =	vadd.s32 $0x11F, v1;
	v2 =	vadd.f32 v3, v2  }
0x181: {  	v3 =	vld.idx.msk [tilespmem:v7+s21+$0x0], $0xffff  }
0x182: {  	v2 =	vadd.f32 v4, v2  }
0x183: {  	v4 =	vld.idx.msk [tilespmem:v8+s21+$0x0], $0xffff  }
0x184: {  	v2 =	vadd.f32 v5, v2  }
0x185: {  	v5 =	vld.idx.msk [tilespmem:v6+s21+$0x0], $0xffff  }
0x186: {  	v2 =	vadd.f32 v3, v2;
	_ =	sdelay $0x1  }
0x187: {  	v2 =	vadd.f32 v4, v2;
	_ =	sdelay $0x1  }
0x188: {  	v2 =	vadd.f32 v5, v2;
	_ =	sdelay $0x1  }
0x189: {  	v2 =	vsub.f32 $0.0e+00, v2;
	_ =	sdelay $0x1  }
0x18a: {  	v2 =	vmul.f32 $1.442695020e+00, v2;
	_ =	sdelay $0x1  }
0x18b: {  	(erf) = vpow2.f32 v2;
	_ =	sdelay $0x8  }
0x18c: {  	v2 =	vpop (erf)  }
0x18d: {  	v2 =	vadd.f32 $1.000000000e+00, v2;
	_ =	sdelay $0x1  }
0x18e: {  	(erf) = vrcp.f32 v2;
	_ =	sdelay $0x5  }
0x18f: {  	v3 =	vadd.s32 $0x220, v1  }
0x190: {  	v4 =	vadd.s32 $0x221, v1;
	_ =	sdelay $0x1  }
0x191: {  	v5 =	vadd.s32 $0x222, v1;
	v2 =	vpop (erf)  }
0x192: {  	[tilespmem:$0x10A90] =	vst v2  }
0x193: {  	[tilespmem:$0x1FBF0] =	vst v6;
	v6 =	vadd.s32 $0x223, v1;
	v2 =	vld.idx.msk [tilespmem:v3+s21+$0x0], $0xffff  }
0x194: {  	[tilespmem:$0x1FC00] =	vst v3;
	v3 =	vld.idx.msk [tilespmem:v4+s21+$0x0], $0xffff  }
0x195: {  	[tilespmem:$0x1FBD0] =	vst v7;
	v7 =	vadd.s32 $0x224, v1  }
0x196: {  	[tilespmem:$0x1FC10] =	vst v4;
	v4 =	vld.idx.msk [tilespmem:v5+s21+$0x0], $0xffff  }
0x197: {  	[tilespmem:$0x1FBE0] =	vst v8;
	v8 =	vadd.s32 $0x225, v1  }
0x198: {  	[tilespmem:$0x1FC20] =	vst v5;
	v5 =	vld.idx.msk [tilespmem:v6+s21+$0x0], $0xffff  }
0x199: {  	[tilespmem:$0x1FC30] =	vst v6;
	v6 =	vadd.s32 $0x226, v1;
	v2 =	vadd.f32 v3, v2  }
0x19a: {  	v3 =	vld.idx.msk [tilespmem:v7+s21+$0x0], $0xffff  }
0x19b: {  	[tilespmem:$0x1FC40] =	vst v7;
	v7 =	vadd.s32 $0x227, v1;
	v2 =	vadd.f32 v4, v2  }
0x19c: {  	v4 =	vld.idx.msk [tilespmem:v8+s21+$0x0], $0xffff  }
0x19d: {  	[tilespmem:$0x1FC50] =	vst v8;
	v8 =	vadd.s32 $0x228, v1;
	v2 =	vadd.f32 v5, v2  }
0x19e: {  	v5 =	vld.idx.msk [tilespmem:v6+s21+$0x0], $0xffff  }
0x19f: {  	[tilespmem:$0x1FC60] =	vst v6;
	v6 =	vadd.s32 $0x229, v1;
	v2 =	vadd.f32 v3, v2  }
0x1a0: {  	v3 =	vld.idx.msk [tilespmem:v7+s21+$0x0], $0xffff  }
0x1a1: {  	[tilespmem:$0x1FC70] =	vst v7;
	v7 =	vadd.s32 $0x22A, v1;
	v2 =	vadd.f32 v4, v2  }
0x1a2: {  	v4 =	vld.idx.msk [tilespmem:v8+s21+$0x0], $0xffff  }
0x1a3: {  	[tilespmem:$0x1FC80] =	vst v8;
	v8 =	vadd.s32 $0x22B, v1;
	v2 =	vadd.f32 v5, v2  }
0x1a4: {  	v5 =	vld.idx.msk [tilespmem:v6+s21+$0x0], $0xffff  }
0x1a5: {  	[tilespmem:$0x1FC90] =	vst v6;
	v6 =	vadd.s32 $0x22C, v1;
	v2 =	vadd.f32 v3, v2  }
0x1a6: {  	v3 =	vld.idx.msk [tilespmem:v7+s21+$0x0], $0xffff  }
0x1a7: {  	[tilespmem:$0x1FCA0] =	vst v7;
	v7 =	vadd.s32 $0x22D, v1;
	v2 =	vadd.f32 v4, v2  }
0x1a8: {  	v4 =	vld.idx.msk [tilespmem:v8+s21+$0x0], $0xffff  }
0x1a9: {  	[tilespmem:$0x1FCB0] =	vst v8;
	v8 =	vadd.s32 $0x22E, v1;
	v2 =	vadd.f32 v5, v2  }
0x1aa: {  	v5 =	vld.idx.msk [tilespmem:v6+s21+$0x0], $0xffff  }
0x1ab: {  	[tilespmem:$0x1FCC0] =	vst v6;
	v6 =	vadd.s32 $0x22F, v1;
	v2 =	vadd.f32 v3, v2  }
0x1ac: {  	v3 =	vld.idx.msk [tilespmem:v7+s21+$0x0], $0xffff  }
0x1ad: {  	v2 =	vadd.f32 v4, v2  }
0x1ae: {  	v4 =	vld.idx.msk [tilespmem:v8+s21+$0x0], $0xffff  }
0x1af: {  	v2 =	vadd.f32 v5, v2  }
0x1b0: {  	v5 =	vld.idx.msk [tilespmem:v6+s21+$0x0], $0xffff  }
0x1b1: {  	v2 =	vadd.f32 v3, v2;
	_ =	sdelay $0x1  }
0x1b2: {  	v2 =	vadd.f32 v4, v2;
	_ =	sdelay $0x1  }
0x1b3: {  	v2 =	vadd.f32 v5, v2;
	_ =	sdelay $0x1  }
0x1b4: {  	v2 =	vsub.f32 $0.0e+00, v2;
	_ =	sdelay $0x1  }
0x1b5: {  	v2 =	vmul.f32 $1.442695020e+00, v2;
	_ =	sdelay $0x1  }
0x1b6: {  	(erf) = vpow2.f32 v2;
	_ =	sdelay $0x8  }
0x1b7: {  	v2 =	vpop (erf)  }
0x1b8: {  	v2 =	vadd.f32 $1.000000000e+00, v2;
	_ =	sdelay $0x1  }
0x1b9: {  	(erf) = vrcp.f32 v2;
	_ =	sdelay $0x5  }
0x1ba: {  	v3 =	vadd.s32 $0x330, v1  }
0x1bb: {  	v4 =	vadd.s32 $0x331, v1;
	_ =	sdelay $0x1  }
0x1bc: {  	v5 =	vadd.s32 $0x332, v1;
	v2 =	vpop (erf)  }
0x1bd: {  	[tilespmem:$0x10AA0] =	vst v2  }
0x1be: {  	[tilespmem:$0x1FCF0] =	vst v6;
	v6 =	vadd.s32 $0x333, v1;
	v2 =	vld.idx.msk [tilespmem:v3+s21+$0x0], $0xffff  }
0x1bf: {  	[tilespmem:$0x1FD00] =	vst v3;
	v3 =	vld.idx.msk [tilespmem:v4+s21+$0x0], $0xffff  }
0x1c0: {  	[tilespmem:$0x1FCD0] =	vst v7;
	v7 =	vadd.s32 $0x334, v1  }
0x1c1: {  	[tilespmem:$0x1FD10] =	vst v4;
	v4 =	vld.idx.msk [tilespmem:v5+s21+$0x0], $0xffff  }
0x1c2: {  	[tilespmem:$0x1FCE0] =	vst v8;
	v8 =	vadd.s32 $0x335, v1  }
0x1c3: {  	[tilespmem:$0x1FD20] =	vst v5;
	v5 =	vld.idx.msk [tilespmem:v6+s21+$0x0], $0xffff  }
0x1c4: {  	[tilespmem:$0x1FD30] =	vst v6;
	v6 =	vadd.s32 $0x336, v1;
	v2 =	vadd.f32 v3, v2  }
0x1c5: {  	v3 =	vld.idx.msk [tilespmem:v7+s21+$0x0], $0xffff  }
0x1c6: {  	[tilespmem:$0x1FD40] =	vst v7;
	v7 =	vadd.s32 $0x337, v1;
	v2 =	vadd.f32 v4, v2  }
0x1c7: {  	v4 =	vld.idx.msk [tilespmem:v8+s21+$0x0], $0xffff  }
0x1c8: {  	[tilespmem:$0x1FD50] =	vst v8;
	v8 =	vadd.s32 $0x338, v1;
	v2 =	vadd.f32 v5, v2  }
0x1c9: {  	v5 =	vld.idx.msk [tilespmem:v6+s21+$0x0], $0xffff  }
0x1ca: {  	[tilespmem:$0x1FD60] =	vst v6;
	v6 =	vadd.s32 $0x339, v1;
	v2 =	vadd.f32 v3, v2  }
0x1cb: {  	v3 =	vld.idx.msk [tilespmem:v7+s21+$0x0], $0xffff  }
0x1cc: {  	[tilespmem:$0x1FD70] =	vst v7;
	v7 =	vadd.s32 $0x33A, v1;
	v2 =	vadd.f32 v4, v2  }
0x1cd: {  	v4 =	vld.idx.msk [tilespmem:v8+s21+$0x0], $0xffff  }
0x1ce: {  	[tilespmem:$0x1FD80] =	vst v8;
	v8 =	vadd.s32 $0x33B, v1;
	v2 =	vadd.f32 v5, v2  }
0x1cf: {  	v5 =	vld.idx.msk [tilespmem:v6+s21+$0x0], $0xffff  }
0x1d0: {  	[tilespmem:$0x1FD90] =	vst v6;
	v6 =	vadd.s32 $0x33C, v1;
	v2 =	vadd.f32 v3, v2  }
0x1d1: {  	v3 =	vld.idx.msk [tilespmem:v7+s21+$0x0], $0xffff  }
0x1d2: {  	[tilespmem:$0x1FDA0] =	vst v7;
	v7 =	vadd.s32 $0x33D, v1;
	v2 =	vadd.f32 v4, v2  }
0x1d3: {  	v4 =	vld.idx.msk [tilespmem:v8+s21+$0x0], $0xffff  }
0x1d4: {  	[tilespmem:$0x1FDB0] =	vst v8;
	v8 =	vadd.s32 $0x33E, v1;
	v2 =	vadd.f32 v5, v2  }
0x1d5: {  	v5 =	vld.idx.msk [tilespmem:v6+s21+$0x0], $0xffff  }
0x1d6: {  	[tilespmem:$0x1FDC0] =	vst v6;
	v6 =	vadd.s32 $0x33F, v1;
	v2 =	vadd.f32 v3, v2  }
0x1d7: {  	v3 =	vld.idx.msk [tilespmem:v7+s21+$0x0], $0xffff  }
0x1d8: {  	v2 =	vadd.f32 v4, v2  }
0x1d9: {  	v4 =	vld.idx.msk [tilespmem:v8+s21+$0x0], $0xffff  }
0x1da: {  	v2 =	vadd.f32 v5, v2  }
0x1db: {  	v5 =	vld.idx.msk [tilespmem:v6+s21+$0x0], $0xffff  }
0x1dc: {  	v2 =	vadd.f32 v3, v2;
	_ =	sdelay $0x1  }
0x1dd: {  	v2 =	vadd.f32 v4, v2;
	_ =	sdelay $0x1  }
0x1de: {  	v2 =	vadd.f32 v5, v2;
	_ =	sdelay $0x1  }
0x1df: {  	v2 =	vsub.f32 $0.0e+00, v2;
	_ =	sdelay $0x1  }
0x1e0: {  	v2 =	vmul.f32 $1.442695020e+00, v2;
	_ =	sdelay $0x1  }
0x1e1: {  	(erf) = vpow2.f32 v2;
	_ =	sdelay $0x8  }
0x1e2: {  	v2 =	vpop (erf)  }
0x1e3: {  	v2 =	vadd.f32 $1.000000000e+00, v2;
	_ =	sdelay $0x1  }
0x1e4: {  	(erf) = vrcp.f32 v2;
	_ =	sdelay $0x5  }
0x1e5: {  	v3 =	vadd.s32 $0x440, v1  }
0x1e6: {  	v4 =	vadd.s32 $0x441, v1;
	_ =	sdelay $0x1  }
0x1e7: {  	v5 =	vadd.s32 $0x442, v1;
	v2 =	vpop (erf)  }
0x1e8: {  	[tilespmem:$0x10AB0] =	vst v2  }
0x1e9: {  	[tilespmem:$0x1FDF0] =	vst v6;
	v6 =	vadd.s32 $0x443, v1;
	v2 =	vld.idx.msk [tilespmem:v3+s21+$0x0], $0xffff  }
0x1ea: {  	[tilespmem:$0x1FE00] =	vst v3;
	v3 =	vld.idx.msk [tilespmem:v4+s21+$0x0], $0xffff  }
0x1eb: {  	[tilespmem:$0x1FDD0] =	vst v7;
	v7 =	vadd.s32 $0x444, v1  }
0x1ec: {  	[tilespmem:$0x1FE10] =	vst v4;
	v4 =	vld.idx.msk [tilespmem:v5+s21+$0x0], $0xffff  }
0x1ed: {  	[tilespmem:$0x1FDE0] =	vst v8;
	v8 =	vadd.s32 $0x445, v1  }
0x1ee: {  	[tilespmem:$0x1FE20] =	vst v5;
	v5 =	vld.idx.msk [tilespmem:v6+s21+$0x0], $0xffff  }
0x1ef: {  	[tilespmem:$0x1FE30] =	vst v6;
	v6 =	vadd.s32 $0x446, v1;
	v2 =	vadd.f32 v3, v2  }
0x1f0: {  	v3 =	vld.idx.msk [tilespmem:v7+s21+$0x0], $0xffff  }
0x1f1: {  	[tilespmem:$0x1FE40] =	vst v7;
	v7 =	vadd.s32 $0x447, v1;
	v2 =	vadd.f32 v4, v2  }
0x1f2: {  	v4 =	vld.idx.msk [tilespmem:v8+s21+$0x0], $0xffff  }
0x1f3: {  	[tilespmem:$0x1FE50] =	vst v8;
	v8 =	vadd.s32 $0x448, v1;
	v2 =	vadd.f32 v5, v2  }
0x1f4: {  	v5 =	vld.idx.msk [tilespmem:v6+s21+$0x0], $0xffff  }
0x1f5: {  	[tilespmem:$0x1FE60] =	vst v6;
	v6 =	vadd.s32 $0x449, v1;
	v2 =	vadd.f32 v3, v2  }
0x1f6: {  	v3 =	vld.idx.msk [tilespmem:v7+s21+$0x0], $0xffff  }
0x1f7: {  	[tilespmem:$0x1FE70] =	vst v7;
	v7 =	vadd.s32 $0x44A, v1;
	v2 =	vadd.f32 v4, v2  }
0x1f8: {  	v4 =	vld.idx.msk [tilespmem:v8+s21+$0x0], $0xffff  }
0x1f9: {  	[tilespmem:$0x1FE80] =	vst v8;
	v8 =	vadd.s32 $0x44B, v1;
	v2 =	vadd.f32 v5, v2  }
0x1fa: {  	v5 =	vld.idx.msk [tilespmem:v6+s21+$0x0], $0xffff  }
0x1fb: {  	[tilespmem:$0x1FE90] =	vst v6;
	v6 =	vadd.s32 $0x44C, v1;
	v2 =	vadd.f32 v3, v2  }
0x1fc: {  	v3 =	vld.idx.msk [tilespmem:v7+s21+$0x0], $0xffff  }
0x1fd: {  	[tilespmem:$0x1FEA0] =	vst v7;
	v7 =	vadd.s32 $0x44D, v1;
	v2 =	vadd.f32 v4, v2  }
0x1fe: {  	v4 =	vld.idx.msk [tilespmem:v8+s21+$0x0], $0xffff  }
0x1ff: {  	[tilespmem:$0x1FEB0] =	vst v8;
	v8 =	vadd.s32 $0x44E, v1;
	v2 =	vadd.f32 v5, v2  }
0x200: {  	v5 =	vld.idx.msk [tilespmem:v6+s21+$0x0], $0xffff  }
0x201: {  	[tilespmem:$0x1FEC0] =	vst v6;
	v6 =	vadd.s32 $0x44F, v1;
	v2 =	vadd.f32 v3, v2  }
0x202: {  	v3 =	vld.idx.msk [tilespmem:v7+s21+$0x0], $0xffff  }
0x203: {  	v2 =	vadd.f32 v4, v2  }
0x204: {  	v4 =	vld.idx.msk [tilespmem:v8+s21+$0x0], $0xffff  }
0x205: {  	v2 =	vadd.f32 v5, v2  }
0x206: {  	v5 =	vld.idx.msk [tilespmem:v6+s21+$0x0], $0xffff  }
0x207: {  	v2 =	vadd.f32 v3, v2;
	_ =	sdelay $0x1  }
0x208: {  	v2 =	vadd.f32 v4, v2;
	_ =	sdelay $0x1  }
0x209: {  	v2 =	vadd.f32 v5, v2;
	_ =	sdelay $0x1  }
0x20a: {  	v2 =	vsub.f32 $0.0e+00, v2;
	_ =	sdelay $0x1  }
0x20b: {  	v2 =	vmul.f32 $1.442695020e+00, v2;
	_ =	sdelay $0x1  }
0x20c: {  	(erf) = vpow2.f32 v2;
	_ =	sdelay $0x8  }
0x20d: {  	v2 =	vpop (erf)  }
0x20e: {  	v2 =	vadd.f32 $1.000000000e+00, v2;
	_ =	sdelay $0x1  }
0x20f: {  	(erf) = vrcp.f32 v2;
	_ =	sdelay $0x5  }
0x210: {  	v3 =	vadd.s32 $0x550, v1  }
0x211: {  	v4 =	vadd.s32 $0x551, v1;
	_ =	sdelay $0x1  }
0x212: {  	v5 =	vadd.s32 $0x552, v1;
	v2 =	vpop (erf)  }
0x213: {  	[tilespmem:$0x10AC0] =	vst v2  }
0x214: {  	[tilespmem:$0x1FEF0] =	vst v6;
	v6 =	vadd.s32 $0x553, v1;
	v2 =	vld.idx.msk [tilespmem:v3+s21+$0x0], $0xffff  }
0x215: {  	[tilespmem:$0x1FF00] =	vst v3;
	v3 =	vld.idx.msk [tilespmem:v4+s21+$0x0], $0xffff  }
0x216: {  	[tilespmem:$0x1FED0] =	vst v7;
	v7 =	vadd.s32 $0x554, v1  }
0x217: {  	[tilespmem:$0x1FF10] =	vst v4;
	v4 =	vld.idx.msk [tilespmem:v5+s21+$0x0], $0xffff  }
0x218: {  	[tilespmem:$0x1FEE0] =	vst v8;
	v8 =	vadd.s32 $0x555, v1  }
0x219: {  	[tilespmem:$0x1FF20] =	vst v5;
	v5 =	vld.idx.msk [tilespmem:v6+s21+$0x0], $0xffff  }
0x21a: {  	[tilespmem:$0x1FF30] =	vst v6;
	v6 =	vadd.s32 $0x556, v1;
	v2 =	vadd.f32 v3, v2  }
0x21b: {  	v3 =	vld.idx.msk [tilespmem:v7+s21+$0x0], $0xffff  }
0x21c: {  	[tilespmem:$0x1FF40] =	vst v7;
	v7 =	vadd.s32 $0x557, v1;
	v2 =	vadd.f32 v4, v2  }
0x21d: {  	v4 =	vld.idx.msk [tilespmem:v8+s21+$0x0], $0xffff  }
0x21e: {  	[tilespmem:$0x1FF50] =	vst v8;
	v8 =	vadd.s32 $0x558, v1;
	v2 =	vadd.f32 v5, v2  }
0x21f: {  	v5 =	vld.idx.msk [tilespmem:v6+s21+$0x0], $0xffff  }
0x220: {  	[tilespmem:$0x1FF60] =	vst v6;
	v6 =	vadd.s32 $0x559, v1;
	v2 =	vadd.f32 v3, v2  }
0x221: {  	v3 =	vld.idx.msk [tilespmem:v7+s21+$0x0], $0xffff  }
0x222: {  	[tilespmem:$0x1FF70] =	vst v7;
	v7 =	vadd.s32 $0x55A, v1;
	v2 =	vadd.f32 v4, v2  }
0x223: {  	v4 =	vld.idx.msk [tilespmem:v8+s21+$0x0], $0xffff  }
0x224: {  	[tilespmem:$0x1FF80] =	vst v8;
	v8 =	vadd.s32 $0x55B, v1;
	v2 =	vadd.f32 v5, v2  }
0x225: {  	v5 =	vld.idx.msk [tilespmem:v6+s21+$0x0], $0xffff  }
0x226: {  	[tilespmem:$0x1FF90] =	vst v6;
	v6 =	vadd.s32 $0x55C, v1;
	v2 =	vadd.f32 v3, v2  }
0x227: {  	v3 =	vld.idx.msk [tilespmem:v7+s21+$0x0], $0xffff  }
0x228: {  	[tilespmem:$0x1FFA0] =	vst v7;
	v7 =	vadd.s32 $0x55D, v1;
	v2 =	vadd.f32 v4, v2  }
0x229: {  	v4 =	vld.idx.msk [tilespmem:v8+s21+$0x0], $0xffff  }
0x22a: {  	[tilespmem:$0x1FFB0] =	vst v8;
	v8 =	vadd.s32 $0x55E, v1;
	v2 =	vadd.f32 v5, v2  }
0x22b: {  	v5 =	vld.idx.msk [tilespmem:v6+s21+$0x0], $0xffff  }
0x22c: {  	[tilespmem:$0x1FFC0] =	vst v6;
	v6 =	vadd.s32 $0x55F, v1;
	v2 =	vadd.f32 v3, v2  }
0x22d: {  	v3 =	vld.idx.msk [tilespmem:v7+s21+$0x0], $0xffff  }
0x22e: {  	v2 =	vadd.f32 v4, v2  }
0x22f: {  	v4 =	vld.idx.msk [tilespmem:v8+s21+$0x0], $0xffff  }
0x230: {  	v2 =	vadd.f32 v5, v2  }
0x231: {  	v5 =	vld.idx.msk [tilespmem:v6+s21+$0x0], $0xffff  }
0x232: {  	v2 =	vadd.f32 v3, v2;
	_ =	sdelay $0x1  }
0x233: {  	v2 =	vadd.f32 v4, v2;
	_ =	sdelay $0x1  }
0x234: {  	v2 =	vadd.f32 v5, v2;
	_ =	sdelay $0x1  }
0x235: {  	v2 =	vsub.f32 $0.0e+00, v2;
	_ =	sdelay $0x1  }
0x236: {  	v2 =	vmul.f32 $1.442695020e+00, v2;
	_ =	sdelay $0x1  }
0x237: {  	(erf) = vpow2.f32 v2;
	_ =	sdelay $0x8  }
0x238: {  	v2 =	vpop (erf)  }
0x239: {  	v2 =	vadd.f32 $1.000000000e+00, v2;
	_ =	sdelay $0x1  }
0x23a: {  	(erf) = vrcp.f32 v2;
	_ =	sdelay $0x5  }
0x23b: {  	v35 =	vadd.s32 $0x660, v1  }
0x23c: {  	v36 =	vadd.s32 $0x661, v1;
	_ =	sdelay $0x1  }
0x23d: {  	v37 =	vadd.s32 $0x662, v1;
	v2 =	vpop (erf)  }
0x23e: {  	[tilespmem:$0x10AD0] =	vst v2  }
0x23f: {  	v38 =	vadd.s32 $0x663, v1;
	v2 =	vld.idx.msk [tilespmem:v35+s21+$0x0], $0xffff  }
0x240: {  	v3 =	vld.idx.msk [tilespmem:v36+s21+$0x0], $0xffff  }
0x241: {  	v39 =	vadd.s32 $0x664, v1  }
0x242: {  	v4 =	vld.idx.msk [tilespmem:v37+s21+$0x0], $0xffff  }
0x243: {  	v40 =	vadd.s32 $0x665, v1  }
0x244: {  	v5 =	vld.idx.msk [tilespmem:v38+s21+$0x0], $0xffff  }
0x245: {  	v41 =	vadd.s32 $0x666, v1;
	v2 =	vadd.f32 v3, v2  }
0x246: {  	v3 =	vld.idx.msk [tilespmem:v39+s21+$0x0], $0xffff  }
0x247: {  	v42 =	vadd.s32 $0x667, v1;
	v2 =	vadd.f32 v4, v2  }
0x248: {  	v4 =	vld.idx.msk [tilespmem:v40+s21+$0x0], $0xffff  }
0x249: {  	v43 =	vadd.s32 $0x668, v1;
	v2 =	vadd.f32 v5, v2  }
0x24a: {  	v5 =	vld.idx.msk [tilespmem:v41+s21+$0x0], $0xffff  }
0x24b: {  	v44 =	vadd.s32 $0x669, v1;
	v2 =	vadd.f32 v3, v2  }
0x24c: {  	v3 =	vld.idx.msk [tilespmem:v42+s21+$0x0], $0xffff  }
0x24d: {  	v45 =	vadd.s32 $0x66A, v1;
	v2 =	vadd.f32 v4, v2  }
0x24e: {  	v4 =	vld.idx.msk [tilespmem:v43+s21+$0x0], $0xffff  }
0x24f: {  	v46 =	vadd.s32 $0x66B, v1;
	v2 =	vadd.f32 v5, v2  }
0x250: {  	v5 =	vld.idx.msk [tilespmem:v44+s21+$0x0], $0xffff  }
0x251: {  	v47 =	vadd.s32 $0x66C, v1;
	v2 =	vadd.f32 v3, v2  }
0x252: {  	v3 =	vld.idx.msk [tilespmem:v45+s21+$0x0], $0xffff  }
0x253: {  	v48 =	vadd.s32 $0x66D, v1;
	v2 =	vadd.f32 v4, v2  }
0x254: {  	v4 =	vld.idx.msk [tilespmem:v46+s21+$0x0], $0xffff  }
0x255: {  	v49 =	vadd.s32 $0x66E, v1;
	v2 =	vadd.f32 v5, v2  }
0x256: {  	v5 =	vld.idx.msk [tilespmem:v47+s21+$0x0], $0xffff  }
0x257: {  	v50 =	vadd.s32 $0x66F, v1;
	v2 =	vadd.f32 v3, v2  }
0x258: {  	v3 =	vld.idx.msk [tilespmem:v48+s21+$0x0], $0xffff  }
0x259: {  	v2 =	vadd.f32 v4, v2  }
0x25a: {  	v4 =	vld.idx.msk [tilespmem:v49+s21+$0x0], $0xffff  }
0x25b: {  	v2 =	vadd.f32 v5, v2  }
0x25c: {  	v5 =	vld.idx.msk [tilespmem:v50+s21+$0x0], $0xffff  }
0x25d: {  	v2 =	vadd.f32 v3, v2;
	_ =	sdelay $0x1  }
0x25e: {  	v2 =	vadd.f32 v4, v2;
	_ =	sdelay $0x1  }
0x25f: {  	v2 =	vadd.f32 v5, v2;
	_ =	sdelay $0x1  }
0x260: {  	v2 =	vsub.f32 $0.0e+00, v2;
	_ =	sdelay $0x1  }
0x261: {  	v2 =	vmul.f32 $1.442695020e+00, v2;
	_ =	sdelay $0x1  }
0x262: {  	(erf) = vpow2.f32 v2;
	_ =	sdelay $0x8  }
0x263: {  	v2 =	vpop (erf)  }
0x264: {  	v2 =	vadd.f32 $1.000000000e+00, v2;
	_ =	sdelay $0x1  }
0x265: {  	(erf) = vrcp.f32 v2;
	_ =	sdelay $0x5  }
0x266: {  	v51 =	vadd.s32 $0x770, v1  }
0x267: {  	v52 =	vadd.s32 $0x771, v1;
	_ =	sdelay $0x1  }
0x268: {  	v53 =	vadd.s32 $0x772, v1;
	v2 =	vpop (erf)  }
0x269: {  	[tilespmem:$0x10AE0] =	vst v2  }
0x26a: {  	v54 =	vadd.s32 $0x773, v1;
	v2 =	vld.idx.msk [tilespmem:v51+s21+$0x0], $0xffff  }
0x26b: {  	v3 =	vld.idx.msk [tilespmem:v52+s21+$0x0], $0xffff  }
0x26c: {  	v55 =	vadd.s32 $0x774, v1  }
0x26d: {  	v4 =	vld.idx.msk [tilespmem:v53+s21+$0x0], $0xffff  }
0x26e: {  	v56 =	vadd.s32 $0x775, v1  }
0x26f: {  	v5 =	vld.idx.msk [tilespmem:v54+s21+$0x0], $0xffff  }
0x270: {  	v57 =	vadd.s32 $0x776, v1;
	v2 =	vadd.f32 v3, v2  }
0x271: {  	v3 =	vld.idx.msk [tilespmem:v55+s21+$0x0], $0xffff  }
0x272: {  	v58 =	vadd.s32 $0x777, v1;
	v2 =	vadd.f32 v4, v2  }
0x273: {  	v4 =	vld.idx.msk [tilespmem:v56+s21+$0x0], $0xffff  }
0x274: {  	v59 =	vadd.s32 $0x778, v1;
	v2 =	vadd.f32 v5, v2  }
0x275: {  	v5 =	vld.idx.msk [tilespmem:v57+s21+$0x0], $0xffff  }
0x276: {  	v60 =	vadd.s32 $0x779, v1;
	v2 =	vadd.f32 v3, v2  }
0x277: {  	v3 =	vld.idx.msk [tilespmem:v58+s21+$0x0], $0xffff  }
0x278: {  	v61 =	vadd.s32 $0x77A, v1;
	v2 =	vadd.f32 v4, v2  }
0x279: {  	v4 =	vld.idx.msk [tilespmem:v59+s21+$0x0], $0xffff  }
0x27a: {  	v62 =	vadd.s32 $0x77B, v1;
	v2 =	vadd.f32 v5, v2  }
0x27b: {  	v5 =	vld.idx.msk [tilespmem:v60+s21+$0x0], $0xffff  }
0x27c: {  	v63 =	vadd.s32 $0x77C, v1;
	v2 =	vadd.f32 v3, v2  }
0x27d: {  	[tilespmem:$0x1FFF0] =	vst v6;
	v6 =	vld.idx.msk [tilespmem:v61+s21+$0x0], $0xffff  }
0x27e: {  	v3 =	vadd.f32 v4, v2;
	v2 =	vadd.s32 $0x77D, v1  }
0x27f: {  	[tilespmem:$0x1FFD0] =	vst v7;
	v7 =	vld.idx.msk [tilespmem:v62+s21+$0x0], $0xffff  }
0x280: {  	v4 =	vadd.f32 v5, v3;
	v3 =	vadd.s32 $0x77E, v1  }
0x281: {  	v5 =	vld.idx.msk [tilespmem:v63+s21+$0x0], $0xffff  }
0x282: {  	v6 =	vadd.f32 v6, v4;
	v4 =	vadd.s32 $0x77F, v1  }
0x283: {  	[tilespmem:$0x1FFE0] =	vst v8;
	v8 =	vld.idx.msk [tilespmem:v2+s21+$0x0], $0xffff  }
0x284: {  	v6 =	vadd.f32 v7, v6  }
0x285: {  	v7 =	vld.idx.msk [tilespmem:v3+s21+$0x0], $0xffff  }
0x286: {  	v5 =	vadd.f32 v5, v6  }
0x287: {  	v6 =	vld.idx.msk [tilespmem:v4+s21+$0x0], $0xffff  }
0x288: {  	v5 =	vadd.f32 v8, v5;
	_ =	sdelay $0x1  }
0x289: {  	v5 =	vadd.f32 v7, v5;
	_ =	sdelay $0x1  }
0x28a: {  	v5 =	vadd.f32 v6, v5;
	_ =	sdelay $0x1  }
0x28b: {  	v5 =	vsub.f32 $0.0e+00, v5;
	_ =	sdelay $0x1  }
0x28c: {  	v5 =	vmul.f32 $1.442695020e+00, v5;
	_ =	sdelay $0x1  }
0x28d: {  	(erf) = vpow2.f32 v5;
	_ =	sdelay $0x8  }
0x28e: {  	v5 =	vpop (erf)  }
0x28f: {  	v5 =	vadd.f32 $1.000000000e+00, v5;
	_ =	sdelay $0x1  }
0x290: {  	(erf) = vrcp.f32 v5;
	_ =	sdelay $0x6  }
0x291: {  	s0 =	sshll.u32 s25, $0x6  }
0x292: {  	s3 =	sor.u32 s6, s0  }
0x293: {  	s3 =	sshll.u32 s3, $0x4;
	v5 =	vpop (erf)  }
0x294: {  	s3 =	sadd.s32 s2, s3;
	[tilespmem:$0x10AF0] =	vst v5  }
0x295: {  	[hbm4b:s3+s4] =	stream.linear.scatter [tilespmem:s22], [sflag:$0x3], $0x80, $0x38;
	[tilespmem:$0x10B00] =	vst v63  }
0x296: {  	_ =	swait.ge [sflag:s12], $0x80  }
0x297: {  	[sflag:s12] =	ssyncset.done $0x0  }
0x298: {  	[sflag:s12] =	ssyncadd.s32 $0xFFFFFF80  }
0x299: {  	_ =	swait.ge [sflag:s23], $0x4000  }
0x29a: {  	p0 =	sgt.u32 s28, $0x26;
	[sflag:s23] =	ssyncset.done $0x0  }
0x29b: {  	s0 =	sadd.s32 @!p0 s10, s0;
	[sflag:s23] =	ssyncadd.s32 $0xFFFFC000  }
0x29c: {  	s0 =	smin.u32 @!p0 s0, $0x4E1;
	_ =	swait.ge [sflag:s23], $0x4000  }
0x29d: {  	s0 =	sshll.u32 @!p0 s0, $0x4;
	[sflag:s23] =	ssyncset.done $0x0  }
0x29e: {  	s8 =	simm.s32 @!p0 $0x0;
	s3 =	sadd.s32 @!p0 s7, s0;
	[sflag:s23] =	ssyncadd.s32 $0xFFFFC000  }
0x29f: {  	[tilespmem:s8], [sflag:$0x3] =	stream.linear.gather @!p0 [hbm4b:s3+s8], $0x80, $0x38;
	[tilespmem:$0x10B00] =	vst v63  }
0x2a0: {  	s3 =	simm.s32 @!p0 $0x3  }
0x2a1: {  	_ =	swait.ge @!p0 [sflag:s3], $0x80  }
0x2a2: {  	[sflag:s3] =	ssyncset.done @!p0 $0x0  }
0x2a3: {  	s9 =	simm.s32 @!p0 $0x80;
	s0 =	sadd.s32 @!p0 s1, s0;
	[sflag:s3] =	ssyncadd.s32 @!p0 $0xFFFFFF80  }
0x2a4: {  	[tilespmem:s9], [sflag:$0x3] =	stream.linear.gather @!p0 [hbm4b:s0+s8], $0x80, $0x38;
	[tilespmem:$0x10B00] =	vst v63  }
0x2a5: {  	_ =	swait.ge @!p0 [sflag:s3], $0x80  }
0x2a6: {  	[sflag:s3] =	ssyncset.done @!p0 $0x0  }
0x2a7: {  	s0 =	simm.s32 @!p0 $0x200;
	[sflag:s3] =	ssyncadd.s32 @!p0 $0xFFFFFF80  }
0x2a8: {  	[tilespmem:s0], [sflag:$0x1] =	stream.indirect.gather @!p0 [hbm4b:s5+s9], $0x80, s8, s9, $0xb8;
	[tilespmem:$0x10B00] =	vst v63  }
0x2a9: {  	s0 =	simm.s32 @!p0 $0x8200  }
0x2aa: {  	[tilespmem:s0], [sflag:$0x1] =	stream.indirect.gather @!p0 [hbm4b:s5+s9], $0x80, s9, s9, $0xb8;
	[tilespmem:$0x10B00] =	vst v63  }
0x2ab: {  	s0 =	simm.s32 $0x4400  }
0x2ac: {  	s28 =	simm.s32 $0xC400;
	v5 =	vld [tilespmem:s0+$0x180]  }
0x2ad: {  	v6 =	vld [tilespmem:s28+$0x180]  }
0x2ae: {  	v7 =	vld [tilespmem:s0+$0x190]  }
0x2af: {  	v8 =	vld [tilespmem:s28+$0x190]  }
0x2b0: {  	v9 =	vld [tilespmem:s0+$0x1A0]  }
0x2b1: {  	v10 =	vld [tilespmem:s28+$0x1A0]  }
0x2b2: {  	v11 =	vld [tilespmem:s0+$0x1B0]  }
0x2b3: {  	v12 =	vld [tilespmem:s28+$0x1B0]  }
0x2b4: {  	v13 =	vld [tilespmem:s0+$0x1C0]  }
0x2b5: {  	v14 =	vld [tilespmem:s28+$0x1C0]  }
0x2b6: {  	v15 =	vld [tilespmem:s0+$0x1D0]  }
0x2b7: {  	v16 =	vld [tilespmem:s28+$0x1D0]  }
0x2b8: {  	v17 =	vld [tilespmem:s0+$0x1E0]  }
0x2b9: {  	v18 =	vld [tilespmem:s28+$0x1E0]  }
0x2ba: {  	v19 =	vld [tilespmem:s0+$0x1F0]  }
0x2bb: {  	v20 =	vld [tilespmem:s28+$0x1F0]  }
0x2bc: {  	v21 =	vld [tilespmem:s0+$0xFFFFFE10]  }
0x2bd: {  	v22 =	vld [tilespmem:s28+$0xFFFFFE10]  }
0x2be: {  	v23 =	vld [tilespmem:s0+$0xFFFFFE50];
	v5 =	vmul.bf16 v6, v5;
	v6 =	vmul.bf16 v8, v7  }
0x2bf: {  	v25 =	vld [tilespmem:s0+$0xFFFFFE60];
	v8 =	vmul.bf16 v10, v9;
	v9 =	vmul.bf16 v12, v11  }
0x2c0: {  	v27 =	vld [tilespmem:s0+$0xFFFFFE70];
	v11 =	vmul.bf16 v14, v13;
	v12 =	vmul.bf16 v16, v15  }
0x2c1: {  	v7 =	vld [tilespmem:s0+$0xFFFFFE20];
	v14 =	vmul.bf16 v18, v17;
	v15 =	vmul.bf16 v20, v19;
	v16 =	vunpack.i.u.bf16.f32 v5  }
0x2c2: {  	v10 =	vld [tilespmem:s28+$0xFFFFFE20];
	v5 =	vunpack.i.l.bf16.f32 v5;
	v18 =	vunpack.i.u.bf16.f32 v6;
	v6 =	vunpack.i.l.bf16.f32 v6  }
0x2c3: {  	v13 =	vld [tilespmem:s0+$0xFFFFFE30];
	v20 =	vunpack.i.u.bf16.f32 v9;
	v9 =	vunpack.i.l.bf16.f32 v9;
	v24 =	vunpack.i.u.bf16.f32 v12  }
0x2c4: {  	v17 =	vld [tilespmem:s28+$0xFFFFFE30];
	v12 =	vunpack.i.l.bf16.f32 v12;
	v26 =	vunpack.i.u.bf16.f32 v15;
	v15 =	vunpack.i.l.bf16.f32 v15  }
0x2c5: {  	v19 =	vld [tilespmem:s0+$0xFFFFFE40];
	v5 =	vadd.f32 v5, v16;
	v6 =	vadd.f32 v6, v18;
	v16 =	vunpack.i.u.bf16.f32 v8  }
0x2c6: {  	v18 =	vld [tilespmem:s28+$0xFFFFFE40];
	v8 =	vunpack.i.l.bf16.f32 v8;
	v9 =	vadd.f32 v9, v20;
	v12 =	vadd.f32 v12, v24  }
0x2c7: {  	v20 =	vld [tilespmem:s28+$0xFFFFFE50];
	v8 =	vadd.f32 v8, v16;
	v16 =	vunpack.i.u.bf16.f32 v11;
	v11 =	vunpack.i.l.bf16.f32 v11  }
0x2c8: {  	v24 =	vld [tilespmem:s28+$0xFFFFFE60];
	v11 =	vadd.f32 v11, v16;
	v16 =	vunpack.i.u.bf16.f32 v14;
	v14 =	vunpack.i.l.bf16.f32 v14  }
0x2c9: {  	v15 =	vadd.f32 v15, v26;
	v14 =	vadd.f32 v14, v16;
	v16 =	vld [tilespmem:s28+$0xFFFFFE70]  }
0x2ca: {  	v5 =	vadd.f32 v6, v5;
	v6 =	vadd.f32 v9, v8;
	v8 =	vld [tilespmem:s0+$0xFFFFFE80]  }
0x2cb: {  	v9 =	vadd.f32 v12, v11;
	v12 =	vld [tilespmem:s28+$0xFFFFFE80];
	v11 =	vadd.f32 v15, v14  }
0x2cc: {  	v7 =	vmul.bf16 v10, v7;
	v10 =	vld [tilespmem:s28+$0xFFFFFE90];
	v14 =	vmul.bf16 v22, v21  }
0x2cd: {  	v15 =	vld [tilespmem:s0+$0xFFFFFE90];
	v5 =	vadd.f32 v6, v5;
	v6 =	vadd.f32 v11, v9;
	v11 =	vmul.bf16 v17, v13  }
0x2ce: {  	v13 =	vmul.bf16 v18, v19;
	v18 =	vmul.bf16 v20, v23  }
0x2cf: {  	v26 =	vld [tilespmem:s28+$0xFFFFFEF0];
	v19 =	vmul.bf16 v24, v25;
	v16 =	vmul.bf16 v16, v27;
	v9 =	vadd.f32 v6, v5  }
0x2d0: {  	v22 =	vld [tilespmem:s0+$0xFFFFFEC0];
	v5 =	vunpack.i.u.bf16.f32 v14;
	v14 =	vunpack.i.l.bf16.f32 v14;
	v8 =	vmul.bf16 v12, v8  }
0x2d1: {  	v17 =	vld [tilespmem:s0+$0xFFFFFEA0];
	v12 =	vunpack.i.u.bf16.f32 v7;
	v7 =	vunpack.i.l.bf16.f32 v7;
	v21 =	vunpack.i.u.bf16.f32 v11  }
0x2d2: {  	v20 =	vld [tilespmem:s0+$0xFFFFFEB0];
	v11 =	vunpack.i.l.bf16.f32 v11;
	v5 =	vadd.f32 v14, v5;
	v10 =	vmul.bf16 v10, v15  }
0x2d3: {  	v6 =	vld [tilespmem:s28+$0xFFFFFEA0];
	v7 =	vadd.f32 v7, v12;
	v11 =	vadd.f32 v11, v21;
	v15 =	vunpack.i.u.bf16.f32 v13  }
0x2d4: {  	v14 =	vld [tilespmem:s28+$0xFFFFFEB0];
	v13 =	vunpack.i.l.bf16.f32 v13;
	v23 =	vunpack.i.u.bf16.f32 v16;
	v16 =	vunpack.i.l.bf16.f32 v16  }
0x2d5: {  	v12 =	vld [tilespmem:s28+$0xFFFFFEC0];
	v13 =	vadd.f32 v13, v15;
	v15 =	vunpack.i.u.bf16.f32 v18;
	v18 =	vunpack.i.l.bf16.f32 v18  }
0x2d6: {  	v21 =	vld [tilespmem:s28+$0xFFFFFED0];
	v15 =	vadd.f32 v18, v15;
	v18 =	vunpack.i.u.bf16.f32 v19;
	v19 =	vunpack.i.l.bf16.f32 v19  }
0x2d7: {  	v16 =	vadd.f32 v16, v23;
	v23 =	vld [tilespmem:s0+$0xFFFFFEF0];
	v18 =	vadd.f32 v19, v18  }
0x2d8: {  	v19 =	vunpack.i.u.bf16.f32 v8;
	v8 =	vunpack.i.l.bf16.f32 v8;
	v6 =	vmul.bf16 v6, v17;
	v17 =	vld [tilespmem:s0+$0xFFFFFED0]  }
0x2d9: {  	v8 =	vadd.f32 v8, v19;
	v19 =	vld [tilespmem:s0+$0xFFFFFF00]  }
0x2da: {  	v12 =	vmul.bf16 v12, v22;
	v22 =	vld [tilespmem:s28+$0xFFFFFF00]  }
0x2db: {  	v24 =	vld [tilespmem:s28+$0xFFFFFEE0];
	v25 =	vunpack.i.u.bf16.f32 v10;
	v10 =	vunpack.i.l.bf16.f32 v10  }
0x2dc: {  	v10 =	vadd.f32 v10, v25;
	v14 =	vmul.bf16 v14, v20;
	v20 =	vld [tilespmem:s0+$0xFFFFFEE0]  }
0x2dd: {  	v17 =	vmul.bf16 v21, v17;
	v21 =	vunpack.i.u.bf16.f32 v6;
	v6 =	vunpack.i.l.bf16.f32 v6  }
0x2de: {  	v28 =	vld [tilespmem:s0+$0xFFFFFF20];
	v13 =	vadd.f32 v15, v13;
	v23 =	vmul.bf16 v26, v23;
	v21 =	vadd.f32 v6, v21  }
0x2df: {  	v29 =	vld [tilespmem:s0+$0xFFFFFF30];
	v6 =	vunpack.i.u.bf16.f32 v14;
	v14 =	vunpack.i.l.bf16.f32 v14;
	v19 =	vmul.bf16 v22, v19  }
0x2e0: {  	v25 =	vld [tilespmem:s0+$0xFFFFFF10];
	v22 =	vunpack.i.u.bf16.f32 v23;
	v23 =	vunpack.i.l.bf16.f32 v23;
	v14 =	vadd.f32 v14, v6  }
0x2e1: {  	v6 =	vmul.bf16 v24, v20;
	v20 =	vunpack.i.u.bf16.f32 v12;
	v24 =	vld [tilespmem:s28+$0xFFFFFF10];
	v12 =	vunpack.i.l.bf16.f32 v12  }
0x2e2: {  	v27 =	vunpack.i.u.bf16.f32 v17;
	v17 =	vunpack.i.l.bf16.f32 v17;
	v15 =	vadd.f32 v23, v22;
	v22 =	vld [tilespmem:s28+$0xFFFFFF40]  }
0x2e3: {  	v12 =	vadd.f32 v12, v20;
	v17 =	vadd.f32 v17, v27;
	v20 =	vld [tilespmem:s28+$0xFFFFFF20]  }
0x2e4: {  	v26 =	vunpack.i.u.bf16.f32 v6;
	v27 =	vunpack.i.l.bf16.f32 v6;
	v6 =	vadd.f32 v11, v7;
	v11 =	vld [tilespmem:s28+$0xFFFFFF30]  }
0x2e5: {  	v14 =	vadd.f32 v14, v21;
	v21 =	vld [tilespmem:s28+$0xFFFFFF70]  }
0x2e6: {  	v7 =	vadd.f32 v27, v26;
	v26 =	vld [tilespmem:s0+$0xFFFFFF40]  }
0x2e7: {  	v27 =	vld [tilespmem:s0+$0xFFFFFF60]  }
0x2e8: {  	v12 =	vadd.f32 v17, v12;
	v17 =	vld [tilespmem:s28+$0xFFFFFF80]  }
0x2e9: {  	v23 =	vmul.bf16 v24, v25;
	v24 =	vunpack.i.u.bf16.f32 v19;
	v19 =	vunpack.i.l.bf16.f32 v19;
	v25 =	vld [tilespmem:s0+$0xFFFFFF50]  }
0x2ea: {  	v16 =	vadd.f32 v16, v18;
	v18 =	vadd.f32 v19, v24;
	v19 =	vld [tilespmem:s28+$0xFFFFFF50]  }
0x2eb: {  	v20 =	vmul.bf16 v20, v28;
	v28 =	vld [tilespmem:s0+$0xFFFFFF70];
	v24 =	vunpack.i.u.bf16.f32 v23;
	v23 =	vunpack.i.l.bf16.f32 v23  }
0x2ec: {  	v10 =	vadd.f32 v10, v8;
	v11 =	vmul.bf16 v11, v29;
	v29 =	vld [tilespmem:s0+$0xFFFFFFE0];
	v8 =	vadd.f32 v23, v24  }
0x2ed: {  	v23 =	vld [tilespmem:s28+$0xFFFFFF60];
	v24 =	vunpack.i.u.bf16.f32 v20;
	v20 =	vunpack.i.l.bf16.f32 v20;
	v22 =	vmul.bf16 v22, v26  }
0x2ee: {  	v26 =	vld [tilespmem:s0+$0xFFFFFF80];
	v20 =	vadd.f32 v20, v24;
	v24 =	vunpack.i.u.bf16.f32 v11;
	v11 =	vunpack.i.l.bf16.f32 v11  }
0x2ef: {  	v11 =	vadd.f32 v11, v24;
	v18 =	vadd.f32 v8, v18;
	v8 =	vld [tilespmem:s28+$0xFFFFFFA0]  }
0x2f0: {  	v24 =	vunpack.i.u.bf16.f32 v22;
	v22 =	vunpack.i.l.bf16.f32 v22;
	v19 =	vmul.bf16 v19, v25;
	v25 =	vld [tilespmem:s0+$0xFFFFFF90]  }
0x2f1: {  	v7 =	vadd.f32 v15, v7;
	v15 =	vadd.f32 v22, v24;
	v22 =	vld [tilespmem:s28+$0xFFFFFF90]  }
0x2f2: {  	v21 =	vmul.bf16 v21, v28;
	v28 =	vld [tilespmem:s0+$0xFFFFFFB0];
	v11 =	vadd.f32 v11, v20;
	v23 =	vmul.bf16 v23, v27  }
0x2f3: {  	v24 =	vunpack.i.u.bf16.f32 v19;
	v19 =	vunpack.i.l.bf16.f32 v19;
	v27 =	vld [tilespmem:s0+$0xFFFFFFA0];
	v17 =	vmul.bf16 v17, v26  }
0x2f4: {  	v20 =	vld [tilespmem:s28+$0xFFFFFFB0];
	v19 =	vadd.f32 v19, v24;
	v24 =	vunpack.i.u.bf16.f32 v23;
	v23 =	vunpack.i.l.bf16.f32 v23  }
0x2f5: {  	v26 =	vld [tilespmem:s0+$0xFFFFFFC0];
	v11 =	vadd.f32 v11, v18;
	v23 =	vadd.f32 v23, v24;
	v24 =	vunpack.i.u.bf16.f32 v21  }
0x2f6: {  	v18 =	vld [tilespmem:s28+$0x40];
	v21 =	vunpack.i.l.bf16.f32 v21;
	v15 =	vadd.f32 v19, v15;
	v22 =	vmul.bf16 v22, v25  }
0x2f7: {  	v19 =	vld [tilespmem:s28+$0xFFFFFFC0];
	v21 =	vadd.f32 v21, v24;
	v24 =	vunpack.i.u.bf16.f32 v17;
	v17 =	vunpack.i.l.bf16.f32 v17  }
0x2f8: {  	v25 =	vld [tilespmem:s0+$0xFFFFFFD0];
	v17 =	vadd.f32 v17, v24;
	v24 =	vmul.bf16 v8, v27  }
0x2f9: {  	v27 =	vunpack.i.u.bf16.f32 v22;
	v22 =	vunpack.i.l.bf16.f32 v22;
	v8 =	vadd.f32 v16, v13;
	v16 =	vld [tilespmem:s28+$0xFFFFFFE0]  }
0x2fa: {  	v21 =	vadd.f32 v21, v23;
	v23 =	vld [tilespmem:s28+$0xFFFFFFD0];
	v13 =	vadd.f32 v22, v27  }
0x2fb: {  	v20 =	vmul.bf16 v20, v28;
	v27 =	vld [tilespmem:s0+$0xFFFFFFF0];
	v22 =	vunpack.i.u.bf16.f32 v24;
	v24 =	vunpack.i.l.bf16.f32 v24  }
0x2fc: {  	v22 =	vadd.f32 v24, v22;
	v13 =	vadd.f32 v13, v17;
	v17 =	vld [tilespmem:s28+$0xFFFFFFF0]  }
0x2fd: {  	v19 =	vmul.bf16 v19, v26;
	v24 =	vunpack.i.u.bf16.f32 v20;
	v20 =	vunpack.i.l.bf16.f32 v20;
	v26 =	vld [tilespmem:s0+$0x0]  }
0x2fe: {  	v10 =	vadd.f32 v14, v10;
	v14 =	vadd.f32 v20, v24;
	v20 =	vld [tilespmem:s28+$0x0]  }
0x2ff: {  	v28 =	vld [tilespmem:s0+$0x20];
	v24 =	vunpack.i.u.bf16.f32 v19;
	v19 =	vunpack.i.l.bf16.f32 v19;
	v23 =	vmul.bf16 v23, v25  }
0x300: {  	v16 =	vmul.bf16 v16, v29;
	v25 =	vld [tilespmem:s0+$0x10];
	v19 =	vadd.f32 v19, v24  }
0x301: {  	v14 =	vadd.f32 v14, v22;
	v22 =	vld [tilespmem:s28+$0x10];
	v24 =	vunpack.i.u.bf16.f32 v23;
	v23 =	vunpack.i.l.bf16.f32 v23  }
0x302: {  	v7 =	vadd.f32 v7, v12;
	v17 =	vmul.bf16 v17, v27;
	v27 =	vld [tilespmem:s0+$0x30];
	v12 =	vadd.f32 v23, v24  }
0x303: {  	v23 =	vld [tilespmem:s28+$0x20];
	v24 =	vunpack.i.u.bf16.f32 v16;
	v16 =	vunpack.i.l.bf16.f32 v16;
	v20 =	vmul.bf16 v20, v26  }
0x304: {  	v26 =	vld [tilespmem:s0+$0x40];
	v16 =	vadd.f32 v16, v24;
	v24 =	vunpack.i.u.bf16.f32 v17;
	v17 =	vunpack.i.l.bf16.f32 v17  }
0x305: {  	v12 =	vadd.f32 v12, v19;
	v19 =	vld [tilespmem:s28+$0x30];
	v17 =	vadd.f32 v17, v24  }
0x306: {  	v22 =	vmul.bf16 v22, v25;
	v24 =	vunpack.i.u.bf16.f32 v20;
	v20 =	vunpack.i.l.bf16.f32 v20;
	v25 =	vld [tilespmem:s0+$0x50]  }
0x307: {  	v16 =	vadd.f32 v17, v16;
	v17 =	vadd.f32 v20, v24;
	v20 =	vld [tilespmem:s28+$0x50]  }
0x308: {  	v24 =	vunpack.i.u.bf16.f32 v22;
	v22 =	vunpack.i.l.bf16.f32 v22;
	v23 =	vmul.bf16 v23, v28;
	v28 =	vld [tilespmem:s0+$0x60]  }
0x309: {  	v21 =	vadd.f32 v21, v15;
	v15 =	vadd.f32 v22, v24;
	v22 =	vld [tilespmem:s28+$0x60]  }
0x30a: {  	v13 =	vadd.f32 v14, v13;
	v18 =	vmul.bf16 v18, v26;
	v26 =	vld [tilespmem:s0+$0x80]  }
0x30b: {  	v19 =	vmul.bf16 v19, v27;
	v24 =	vunpack.i.u.bf16.f32 v23;
	v23 =	vunpack.i.l.bf16.f32 v23;
	v27 =	vld [tilespmem:s0+$0x70]  }
0x30c: {  	v15 =	vadd.f32 v15, v17;
	v17 =	vld [tilespmem:s28+$0x70];
	v23 =	vadd.f32 v23, v24  }
0x30d: {  	v24 =	vunpack.i.u.bf16.f32 v19;
	v19 =	vunpack.i.l.bf16.f32 v19;
	v20 =	vmul.bf16 v20, v25;
	v25 =	vld [tilespmem:s0+$0x90]  }
0x30e: {  	v14 =	vadd.f32 v19, v24;
	v19 =	vld [tilespmem:s28+$0x80];
	v24 =	vunpack.i.u.bf16.f32 v18;
	v18 =	vunpack.i.l.bf16.f32 v18  }
0x30f: {  	v22 =	vmul.bf16 v22, v28;
	v28 =	vld [tilespmem:s0+$0xA0];
	v18 =	vadd.f32 v18, v24  }
0x310: {  	v24 =	vunpack.i.u.bf16.f32 v20;
	v20 =	vunpack.i.l.bf16.f32 v20;
	v14 =	vadd.f32 v14, v23;
	v23 =	vld [tilespmem:s28+$0x90]  }
0x311: {  	v12 =	vadd.f32 v16, v12;
	v16 =	vadd.f32 v20, v24;
	v20 =	vld [tilespmem:s28+$0xA0]  }
0x312: {  	v17 =	vmul.bf16 v17, v27;
	v24 =	vunpack.i.u.bf16.f32 v22;
	v22 =	vunpack.i.l.bf16.f32 v22;
	v27 =	vld [tilespmem:s0+$0xB0]  }
0x313: {  	v22 =	vadd.f32 v22, v24;
	v24 =	vld [tilespmem:s28+$0xB0];
	v18 =	vadd.f32 v16, v18  }
0x314: {  	v16 =	vunpack.i.u.bf16.f32 v17;
	v17 =	vunpack.i.l.bf16.f32 v17;
	v19 =	vmul.bf16 v19, v26;
	v26 =	vld [tilespmem:s0+$0xC0]  }
0x315: {  	v17 =	vadd.f32 v17, v16;
	v16 =	vadd.f32 v14, v15;
	v14 =	vld [tilespmem:s28+$0xC0]  }
0x316: {  	v15 =	vmul.bf16 v23, v25;
	v23 =	vunpack.i.u.bf16.f32 v19;
	v25 =	vld [tilespmem:s0+$0xD0]  }
0x317: {  	v19 =	vunpack.i.l.bf16.f32 v19;
	v17 =	vadd.f32 v17, v22;
	v22 =	vld [tilespmem:s28+$0xD0];
	v20 =	vmul.bf16 v20, v28  }
0x318: {  	v28 =	vld [tilespmem:s0+$0xE0];
	v19 =	vadd.f32 v19, v23;
	v23 =	vunpack.i.u.bf16.f32 v15;
	v15 =	vunpack.i.l.bf16.f32 v15  }
0x319: {  	v17 =	vadd.f32 v17, v18;
	v18 =	vld [tilespmem:s28+$0xE0];
	v15 =	vadd.f32 v15, v23  }
0x31a: {  	v23 =	vmul.bf16 v24, v27;
	v24 =	vunpack.i.u.bf16.f32 v20;
	v27 =	vld [tilespmem:s0+$0xF0]  }
0x31b: {  	v20 =	vunpack.i.l.bf16.f32 v20;
	v14 =	vmul.bf16 v14, v26;
	v15 =	vadd.f32 v15, v19;
	v19 =	vld [tilespmem:s28+$0xF0]  }
0x31c: {  	v26 =	vld [tilespmem:s0+$0x100];
	v20 =	vadd.f32 v20, v24;
	v24 =	vunpack.i.u.bf16.f32 v23;
	v23 =	vunpack.i.l.bf16.f32 v23  }
0x31d: {  	v10 =	vadd.f32 v7, v10;
	v22 =	vmul.bf16 v22, v25;
	v25 =	vld [tilespmem:s0+$0x110];
	v7 =	vadd.f32 v23, v24  }
0x31e: {  	v23 =	vld [tilespmem:s28+$0x100];
	v24 =	vunpack.i.u.bf16.f32 v14;
	v14 =	vunpack.i.l.bf16.f32 v14  }
0x31f: {  	v14 =	vadd.f32 v14, v24;
	v18 =	vmul.bf16 v18, v28;
	v7 =	vadd.f32 v7, v20;
	v20 =	vld [tilespmem:s28+$0x110]  }
0x320: {  	v24 =	vunpack.i.u.bf16.f32 v22;
	v22 =	vunpack.i.l.bf16.f32 v22;
	v19 =	vmul.bf16 v19, v27  }
0x321: {  	v22 =	vadd.f32 v22, v24;
	v24 =	vld [tilespmem:s28+$0x120];
	v15 =	vadd.f32 v7, v15;
	v7 =	vunpack.i.u.bf16.f32 v18  }
0x322: {  	v27 =	vld [tilespmem:s0+$0x120];
	v18 =	vunpack.i.l.bf16.f32 v18;
	v28 =	vunpack.i.u.bf16.f32 v19;
	v19 =	vunpack.i.l.bf16.f32 v19  }
0x323: {  	s24 =	simm.s32 $0x22;
	v29 =	vld [tilespmem:s0+$0x130];
	v7 =	vadd.f32 v18, v7;
	v18 =	vmul.bf16 v23, v26;
	v19 =	vadd.f32 v19, v28  }
0x324: {  	v30 =	vadd.s32 s24, v0;
	v11 =	vadd.f32 v21, v11;
	v21 =	vld [tilespmem:s0+$0x140];
	v20 =	vmul.bf16 v20, v25  }
0x325: {  	v14 =	vadd.f32 v22, v14;
	v23 =	vld [tilespmem:s28+$0x130];
	v7 =	vadd.f32 v19, v7;
	v19 =	vunpack.i.u.bf16.f32 v18  }
0x326: {  	s29 =	simm.s32 $0x77;
	v22 =	vld [tilespmem:s28+$0x140];
	v18 =	vunpack.i.l.bf16.f32 v18;
	v26 =	vunpack.i.u.bf16.f32 v20;
	v20 =	vunpack.i.l.bf16.f32 v20  }
0x327: {  	s15 =	simm.s32 $0x11;
	v25 =	vld [tilespmem:s0+$0x150];
	v18 =	vadd.f32 v18, v19;
	v19 =	vmul.bf16 v24, v27;
	v24 =	vadd.s32 s29, v0  }
0x328: {  	v28 =	vld [tilespmem:s28+$0x150];
	v27 =	vadd.s32 s15, v0;
	v26 =	vadd.f32 v20, v26  }
0x329: {  	v14 =	vadd.f32 v7, v14;
	v20 =	vunpack.i.u.bf16.f32 v19;
	v19 =	vunpack.i.l.bf16.f32 v19  }
0x32a: {  	v23 =	vmul.bf16 v23, v29;
	s15 =	simm.s32 $0x33;
	v7 =	vld [tilespmem:s28+$0xFFFFFE00];
	v20 =	vadd.f32 v19, v20;
	v19 =	vadd.f32 v26, v18  }
0x32b: {  	[tilespmem:v30+s21+$0x0] =	vst.idx.msk $0xffff, v11;
	v26 =	vmul.bf16 v22, v21;
	v21 =	vld [tilespmem:s0+$0x160];
	v18 =	vadd.f32 v12, v13;
	v13 =	vadd.s32 s15, v0  }
0x32c: {  	s24 =	simm.s32 $0x44;
	v12 =	vunpack.i.l.bf16.f32 v23;
	[tilespmem:v24+s21+$0x0] =	vst.idx.msk $0xffff, v9;
	v9 =	vunpack.i.u.bf16.f32 v23;
	v23 =	vld [tilespmem:s28+$0x160]  }
0x32d: {  	v11 =	vadd.s32 s24, v0;
	v22 =	vld [tilespmem:s0+$0x170];
	[tilespmem:v27+s21+$0x0] =	vst.idx.msk $0xffff, v10;
	v27 =	vmul.bf16 v28, v25  }
0x32e: {  	s11 =	simm.s32 $0x55;
	s14 =	simm.s32 $0x66;
	s9 =	simm.s32 $0x0;
	v28 =	vunpack.i.u.bf16.f32 v26;
	v29 =	vunpack.i.l.bf16.f32 v26;
	v25 =	vld [tilespmem:s28+$0x170];
	v24 =	vadd.f32 v12, v9  }
0x32f: {  	s30 =	simm.s32 $0x0;
	s31 =	simm.s32 $0x4800;
	v10 =	vadd.s32 s14, v0;
	v26 =	vld [tilespmem:s0+$0xFFFFFE00];
	v9 =	vadd.s32 s9, v0;
	v12 =	vadd.s32 s11, v0  }
.LBB2_5:
0x330: {  	v30 =	vld [tilespmem:s31+$0x180];
	[tilespmem:v13+s21+$0x0] =	vst.idx.msk $0xffff, v18;
	v13 =	vadd.f32 v29, v28;
	v18 =	vadd.f32 v24, v20;
	s28 =	sadd.s32 $0x400, s28  }
0x331: {  	v20 =	vld [tilespmem:s28+$0x180];
	v24 =	vunpack.i.u.bf16.f32 v27;
	v27 =	vunpack.i.l.bf16.f32 v27;
	v21 =	vmul.bf16 v23, v21  }
0x332: {  	v23 =	vld [tilespmem:s31+$0x190];
	v24 =	vadd.f32 v27, v24;
	v18 =	vadd.f32 v18, v19  }
0x333: {  	v19 =	vld [tilespmem:s28+$0x190];
	v27 =	vunpack.i.u.bf16.f32 v21;
	v21 =	vunpack.i.l.bf16.f32 v21;
	v22 =	vmul.bf16 v25, v22  }
0x334: {  	v25 =	vld [tilespmem:s31+$0x1A0];
	v7 =	vmul.bf16 v7, v26;
	v21 =	vadd.f32 v21, v27;
	v13 =	vadd.f32 v24, v13  }
0x335: {  	v16 =	vadd.f32 v17, v16;
	v24 =	vld [tilespmem:s28+$0x1A0];
	v17 =	vunpack.i.u.bf16.f32 v22;
	v22 =	vunpack.i.l.bf16.f32 v22  }
0x336: {  	v26 =	vld [tilespmem:s31+$0x1B0];
	v27 =	vunpack.i.u.bf16.f32 v7;
	v7 =	vunpack.i.l.bf16.f32 v7;
	v17 =	vadd.f32 v22, v17  }
0x337: {  	v22 =	vld [tilespmem:s28+$0x1B0];
	v7 =	vadd.f32 v7, v27;
	[tilespmem:v11+s21+$0x0] =	vst.idx.msk $0xffff, v16;
	v11 =	vadd.f32 v14, v15  }
0x338: {  	v14 =	vld [tilespmem:s31+$0x1C0];
	v15 =	vadd.f32 v17, v21  }
0x339: {  	v16 =	vld [tilespmem:s28+$0x1C0];
	v5 =	vadd.f32 v5, v7;
	[tilespmem:v12+s21+$0x0] =	vst.idx.msk $0xffff, v11  }
0x33a: {  	v11 =	vld [tilespmem:s31+$0x1D0];
	v7 =	vadd.f32 v15, v13  }
0x33b: {  	v12 =	vld [tilespmem:s28+$0x1D0];
	v5 =	vadd.f32 v6, v5  }
0x33c: {  	v6 =	vld [tilespmem:s31+$0x1E0];
	v7 =	vadd.f32 v7, v18  }
0x33d: {  	v13 =	vld [tilespmem:s28+$0x1E0];
	v5 =	vadd.f32 v8, v5  }
0x33e: {  	v8 =	vld [tilespmem:s31+$0x1F0];
	[tilespmem:v10+s21+$0x0] =	vst.idx.msk $0xffff, v7  }
0x33f: {  	v10 =	vld [tilespmem:s28+$0x1F0];
	[tilespmem:v9+s21+$0x0] =	vst.idx.msk $0xffff, v5  }
0x340: {  	v7 =	vld [tilespmem:s28+$0xFFFFFE00]  }
0x341: {  	v15 =	vmul.bf16 v19, v23;
	v9 =	vmul.bf16 v20, v30;
	v5 =	vld [tilespmem:s31+$0xFFFFFE10]  }
0x342: {  	v18 =	vmul.bf16 v24, v25;
	v19 =	vmul.bf16 v22, v26;
	v17 =	vld [tilespmem:s28+$0xFFFFFE10]  }
0x343: {  	v14 =	vmul.bf16 v16, v14;
	v11 =	vmul.bf16 v12, v11;
	v20 =	vld [tilespmem:s31+$0xFFFFFE20]  }
0x344: {  	s30 =	sadd.s32 $0x8, s30;
	v16 =	vunpack.i.u.bf16.f32 v9;
	v6 =	vmul.bf16 v13, v6;
	v12 =	vld [tilespmem:s28+$0xFFFFFE20];
	v8 =	vmul.bf16 v10, v8  }
0x345: {  	p0 =	slt.u32 s30, $0x78;
	v9 =	vunpack.i.l.bf16.f32 v9;
	v13 =	vunpack.i.u.bf16.f32 v15;
	v15 =	vunpack.i.l.bf16.f32 v15;
	v10 =	vld [tilespmem:s31+$0xFFFFFE30]  }
0x346: {  	v22 =	vunpack.i.u.bf16.f32 v18;
	v18 =	vunpack.i.l.bf16.f32 v18;
	v23 =	vunpack.i.u.bf16.f32 v19;
	v21 =	vld [tilespmem:s28+$0xFFFFFE30]  }
0x347: {  	v19 =	vunpack.i.l.bf16.f32 v19;
	v25 =	vunpack.i.u.bf16.f32 v14;
	v14 =	vunpack.i.l.bf16.f32 v14;
	v24 =	vld [tilespmem:s31+$0xFFFFFE40]  }
0x348: {  	v27 =	vunpack.i.u.bf16.f32 v11;
	v11 =	vunpack.i.l.bf16.f32 v11;
	v28 =	vunpack.i.u.bf16.f32 v6;
	v26 =	vld [tilespmem:s28+$0xFFFFFE40]  }
0x349: {  	v9 =	vadd.f32 v9, v16;
	v13 =	vadd.f32 v15, v13;
	v6 =	vunpack.i.l.bf16.f32 v6;
	v29 =	vld [tilespmem:s31+$0xFFFFFE50]  }
0x34a: {  	v16 =	vadd.f32 v18, v22;
	v18 =	vadd.f32 v19, v23;
	v19 =	vunpack.i.u.bf16.f32 v8;
	v15 =	vld [tilespmem:s28+$0xFFFFFE50]  }
0x34b: {  	v14 =	vadd.f32 v14, v25;
	v11 =	vadd.f32 v11, v27;
	v8 =	vunpack.i.l.bf16.f32 v8;
	v22 =	vld [tilespmem:s31+$0xFFFFFE60]  }
0x34c: {  	v6 =	vadd.f32 v6, v28;
	v5 =	vmul.bf16 v17, v5;
	v8 =	vadd.f32 v8, v19;
	v17 =	vld [tilespmem:s28+$0xFFFFFE60]  }
0x34d: {  	v9 =	vadd.f32 v13, v9;
	v13 =	vadd.f32 v18, v16;
	v12 =	vmul.bf16 v12, v20;
	v19 =	vld [tilespmem:s31+$0xFFFFFE70]  }
0x34e: {  	s29 =	sadd.s32 $0x88, s29;
	v11 =	vadd.f32 v11, v14;
	v6 =	vadd.f32 v8, v6;
	v10 =	vmul.bf16 v21, v10;
	v16 =	vld [tilespmem:s28+$0xFFFFFE70]  }
0x34f: {  	s11 =	sadd.s32 $0xFFFFFF89, s29;
	s15 =	sadd.s32 $0xFFFFFF9A, s29;
	s9 =	sadd.s32 $0xFFFFFFAB, s29;
	v18 =	vadd.s32 s29, v0;
	v8 =	vmul.bf16 v26, v24;
	v14 =	vmul.bf16 v15, v29;
	v15 =	vld [tilespmem:s31+$0xFFFFFE80]  }
0x350: {  	s8 =	sadd.s32 $0xFFFFFFBC, s29;
	s14 =	sadd.s32 $0xFFFFFFCD, s29;
	s3 =	sadd.s32 $0xFFFFFFDE, s29;
	v9 =	vadd.f32 v13, v9;
	v20 =	vunpack.i.u.bf16.f32 v5;
	v6 =	vadd.f32 v6, v11;
	v21 =	vld [tilespmem:s28+$0xFFFFFE80]  }
0x351: {  	s0 =	sadd.s32 $0xFFFFFFEF, s29;
	v5 =	vunpack.i.l.bf16.f32 v5;
	v11 =	vunpack.i.u.bf16.f32 v12;
	v13 =	vmul.bf16 v17, v22;
	v17 =	vld [tilespmem:s31+$0xFFFFFE90]  }
0x352: {  	v12 =	vunpack.i.l.bf16.f32 v12;
	v6 =	vadd.f32 v6, v9;
	v22 =	vunpack.i.u.bf16.f32 v10;
	v23 =	vld [tilespmem:s28+$0xFFFFFE90]  }
0x353: {  	v9 =	vunpack.i.l.bf16.f32 v10;
	v10 =	vunpack.i.u.bf16.f32 v8;
	v16 =	vmul.bf16 v16, v19;
	v19 =	vld [tilespmem:s31+$0xFFFFFEA0]  }
0x354: {  	v8 =	vunpack.i.l.bf16.f32 v8;
	v24 =	vunpack.i.u.bf16.f32 v14;
	v14 =	vunpack.i.l.bf16.f32 v14;
	v25 =	vld [tilespmem:s28+$0xFFFFFEA0];
	[tilespmem:v18+s21+$0x0] =	vst.idx.msk $0xffff, v6  }
0x355: {  	v6 =	vunpack.i.u.bf16.f32 v13;
	v13 =	vunpack.i.l.bf16.f32 v13;
	v15 =	vmul.bf16 v21, v15;
	v18 =	vld [tilespmem:s31+$0xFFFFFEB0]  }
0x356: {  	v5 =	vadd.f32 v5, v20;
	v20 =	vunpack.i.u.bf16.f32 v16;
	v16 =	vunpack.i.l.bf16.f32 v16;
	v21 =	vld [tilespmem:s28+$0xFFFFFEB0]  }
0x357: {  	v26 =	vunpack.i.u.bf16.f32 v15;
	v27 =	vunpack.i.l.bf16.f32 v15;
	v15 =	vmul.bf16 v23, v17;
	v17 =	vld [tilespmem:s31+$0xFFFFFEC0]  }
0x358: {  	v22 =	vadd.f32 v9, v22;
	v9 =	vadd.s32 s11, v0;
	v23 =	vadd.f32 v12, v11;
	v11 =	vld [tilespmem:s28+$0xFFFFFEC0]  }
0x359: {  	v12 =	vunpack.i.u.bf16.f32 v15;
	v28 =	vunpack.i.l.bf16.f32 v15;
	v19 =	vmul.bf16 v25, v19;
	v25 =	vld [tilespmem:s31+$0xFFFFFED0]  }
0x35a: {  	v8 =	vadd.f32 v8, v10;
	v24 =	vadd.f32 v14, v24;
	v15 =	vadd.s32 s15, v0;
	v10 =	vld [tilespmem:s28+$0xFFFFFED0]  }
0x35b: {  	v29 =	vunpack.i.u.bf16.f32 v19;
	v19 =	vunpack.i.l.bf16.f32 v19;
	v18 =	vmul.bf16 v21, v18;
	v21 =	vld [tilespmem:s31+$0xFFFFFEE0]  }
0x35c: {  	v14 =	vadd.s32 s9, v0;
	v30 =	vadd.f32 v13, v6;
	v16 =	vadd.f32 v16, v20;
	v6 =	vld [tilespmem:s28+$0xFFFFFEE0]  }
0x35d: {  	v20 =	vunpack.i.u.bf16.f32 v18;
	v18 =	vunpack.i.l.bf16.f32 v18;
	v11 =	vmul.bf16 v11, v17;
	v17 =	vld [tilespmem:s31+$0xFFFFFEF0]  }
0x35e: {  	v13 =	vadd.s32 s8, v0;
	v26 =	vadd.f32 v27, v26;
	v27 =	vadd.f32 v28, v12;
	v28 =	vld [tilespmem:s28+$0xFFFFFEF0]  }
0x35f: {  	v12 =	vunpack.i.u.bf16.f32 v11;
	v31 =	vunpack.i.l.bf16.f32 v11;
	v10 =	vmul.bf16 v10, v25;
	v25 =	vld [tilespmem:s31+$0xFFFFFF00]  }
0x360: {  	v19 =	vadd.f32 v19, v29;
	v18 =	vadd.f32 v18, v20;
	v11 =	vadd.s32 s14, v0;
	v20 =	vld [tilespmem:s28+$0xFFFFFF00]  }
0x361: {  	v29 =	vunpack.i.u.bf16.f32 v10;
	v10 =	vunpack.i.l.bf16.f32 v10;
	v6 =	vmul.bf16 v6, v21;
	v21 =	vld [tilespmem:s31+$0xFFFFFF10]  }
0x362: {  	v31 =	vadd.f32 v31, v12;
	v12 =	vadd.s32 s3, v0;
	v29 =	vadd.f32 v10, v29;
	v32 =	vld [tilespmem:s28+$0xFFFFFF10]  }
0x363: {  	v10 =	vunpack.i.u.bf16.f32 v6;
	v33 =	vunpack.i.l.bf16.f32 v6;
	v17 =	vmul.bf16 v28, v17;
	v28 =	vld [tilespmem:s31+$0xFFFFFF20]  }
0x364: {  	v6 =	vadd.f32 v22, v23;
	v22 =	vadd.f32 v33, v10;
	v23 =	vld [tilespmem:s28+$0xFFFFFF20];
	v10 =	vadd.s32 s0, v0  }
0x365: {  	v33 =	vunpack.i.u.bf16.f32 v17;
	v17 =	vunpack.i.l.bf16.f32 v17;
	v20 =	vmul.bf16 v20, v25;
	v25 =	vld [tilespmem:s31+$0xFFFFFF30]  }
0x366: {  	v8 =	vadd.f32 v24, v8;
	v17 =	vadd.f32 v17, v33;
	v24 =	vld [tilespmem:s28+$0xFFFFFF30]  }
0x367: {  	v33 =	vunpack.i.u.bf16.f32 v20;
	v20 =	vunpack.i.l.bf16.f32 v20;
	v21 =	vmul.bf16 v32, v21;
	v32 =	vld [tilespmem:s31+$0xFFFFFF40]  }
0x368: {  	v16 =	vadd.f32 v16, v30;
	v20 =	vadd.f32 v20, v33;
	v30 =	vld [tilespmem:s28+$0xFFFFFF40]  }
0x369: {  	v33 =	vunpack.i.u.bf16.f32 v21;
	v21 =	vunpack.i.l.bf16.f32 v21;
	v23 =	vmul.bf16 v23, v28;
	v28 =	vld [tilespmem:s31+$0xFFFFFF50]  }
0x36a: {  	v26 =	vadd.f32 v27, v26;
	v21 =	vadd.f32 v21, v33;
	v27 =	vld [tilespmem:s28+$0xFFFFFF50]  }
0x36b: {  	v33 =	vunpack.i.u.bf16.f32 v23;
	v23 =	vunpack.i.l.bf16.f32 v23;
	v24 =	vmul.bf16 v24, v25;
	v25 =	vld [tilespmem:s31+$0xFFFFFF60]  }
0x36c: {  	v18 =	vadd.f32 v18, v19;
	v19 =	vadd.f32 v23, v33;
	v23 =	vld [tilespmem:s28+$0xFFFFFF60]  }
0x36d: {  	v33 =	vunpack.i.u.bf16.f32 v24;
	v24 =	vunpack.i.l.bf16.f32 v24;
	v30 =	vmul.bf16 v30, v32;
	v32 =	vld [tilespmem:s31+$0xFFFFFF70]  }
0x36e: {  	v29 =	vadd.f32 v29, v31;
	v24 =	vadd.f32 v24, v33;
	v31 =	vld [tilespmem:s28+$0xFFFFFF70]  }
0x36f: {  	v33 =	vunpack.i.u.bf16.f32 v30;
	v30 =	vunpack.i.l.bf16.f32 v30;
	v27 =	vmul.bf16 v27, v28;
	v28 =	vld [tilespmem:s31+$0xFFFFFF80]  }
0x370: {  	v17 =	vadd.f32 v17, v22;
	v22 =	vadd.f32 v30, v33;
	v30 =	vld [tilespmem:s28+$0xFFFFFF80]  }
0x371: {  	v33 =	vunpack.i.u.bf16.f32 v27;
	v27 =	vunpack.i.l.bf16.f32 v27;
	v23 =	vmul.bf16 v23, v25;
	v25 =	vld [tilespmem:s31+$0xFFFFFF90]  }
0x372: {  	v21 =	vadd.f32 v21, v20;
	v27 =	vadd.f32 v27, v33;
	v20 =	vld [tilespmem:s28+$0xFFFFFF90]  }
0x373: {  	v33 =	vunpack.i.u.bf16.f32 v23;
	v23 =	vunpack.i.l.bf16.f32 v23;
	v31 =	vmul.bf16 v31, v32;
	v32 =	vld [tilespmem:s31+$0xFFFFFFA0]  }
0x374: {  	v19 =	vadd.f32 v24, v19;
	v23 =	vadd.f32 v23, v33;
	v24 =	vld [tilespmem:s28+$0xFFFFFFA0]  }
0x375: {  	v33 =	vunpack.i.u.bf16.f32 v31;
	v31 =	vunpack.i.l.bf16.f32 v31;
	v28 =	vmul.bf16 v30, v28;
	v30 =	vld [tilespmem:s31+$0xFFFFFFB0]  }
0x376: {  	v22 =	vadd.f32 v27, v22;
	v31 =	vadd.f32 v31, v33;
	v27 =	vld [tilespmem:s28+$0xFFFFFFB0]  }
0x377: {  	v33 =	vunpack.i.u.bf16.f32 v28;
	v28 =	vunpack.i.l.bf16.f32 v28;
	v20 =	vmul.bf16 v20, v25;
	v25 =	vld [tilespmem:s31+$0xFFFFFFC0]  }
0x378: {  	v23 =	vadd.f32 v31, v23;
	v28 =	vadd.f32 v28, v33;
	v31 =	vld [tilespmem:s28+$0xFFFFFFC0]  }
0x379: {  	v33 =	vunpack.i.u.bf16.f32 v20;
	v20 =	vunpack.i.l.bf16.f32 v20;
	v24 =	vmul.bf16 v24, v32;
	v32 =	vld [tilespmem:s31+$0xFFFFFFD0]  }
0x37a: {  	v8 =	vadd.f32 v16, v8;
	v16 =	vadd.f32 v20, v33;
	v33 =	vld [tilespmem:s28+$0xFFFFFFD0]  }
0x37b: {  	v20 =	vunpack.i.u.bf16.f32 v24;
	v24 =	vunpack.i.l.bf16.f32 v24;
	v27 =	vmul.bf16 v27, v30;
	v30 =	vld [tilespmem:s31+$0xFFFFFFE0]  }
0x37c: {  	v24 =	vadd.f32 v24, v20;
	v34 =	vld [tilespmem:s28+$0xFFFFFFE0];
	v16 =	vadd.f32 v16, v28  }
0x37d: {  	v28 =	vunpack.i.u.bf16.f32 v27;
	v27 =	vunpack.i.l.bf16.f32 v27;
	v25 =	vmul.bf16 v31, v25;
	v31 =	vld [tilespmem:s31+$0xFFFFFFF0]  }
0x37e: {  	v20 =	vadd.f32 v18, v26;
	v18 =	vadd.f32 v27, v28;
	v26 =	vld [tilespmem:s28+$0xFFFFFFF0]  }
0x37f: {  	v27 =	vunpack.i.u.bf16.f32 v25;
	v25 =	vunpack.i.l.bf16.f32 v25;
	v28 =	vmul.bf16 v33, v32;
	v32 =	vld [tilespmem:s31+$0x0]  }
0x380: {  	v25 =	vadd.f32 v25, v27;
	v18 =	vadd.f32 v18, v24;
	v24 =	vld [tilespmem:s28+$0x0]  }
0x381: {  	v27 =	vunpack.i.u.bf16.f32 v28;
	v28 =	vunpack.i.l.bf16.f32 v28;
	v30 =	vmul.bf16 v34, v30;
	v33 =	vld [tilespmem:s31+$0x10]  }
0x382: {  	v29 =	vadd.f32 v17, v29;
	v17 =	vadd.f32 v28, v27;
	v27 =	vld [tilespmem:s28+$0x10]  }
0x383: {  	v28 =	vunpack.i.u.bf16.f32 v30;
	v30 =	vunpack.i.l.bf16.f32 v30;
	v26 =	vmul.bf16 v26, v31;
	v31 =	vld [tilespmem:s31+$0x20]  }
0x384: {  	v28 =	vadd.f32 v30, v28;
	v17 =	vadd.f32 v17, v25;
	v25 =	vld [tilespmem:s28+$0x20]  }
0x385: {  	v30 =	vunpack.i.u.bf16.f32 v26;
	v26 =	vunpack.i.l.bf16.f32 v26;
	v24 =	vmul.bf16 v24, v32;
	v32 =	vld [tilespmem:s31+$0x30]  }
0x386: {  	v19 =	vadd.f32 v19, v21;
	v21 =	vadd.f32 v26, v30;
	v26 =	vld [tilespmem:s28+$0x30]  }
0x387: {  	v30 =	vunpack.i.u.bf16.f32 v24;
	v24 =	vunpack.i.l.bf16.f32 v24;
	v27 =	vmul.bf16 v27, v33;
	v33 =	vld [tilespmem:s31+$0x40]  }
0x388: {  	v21 =	vadd.f32 v21, v28;
	v24 =	vadd.f32 v24, v30;
	v28 =	vld [tilespmem:s28+$0x40]  }
0x389: {  	v30 =	vunpack.i.u.bf16.f32 v27;
	v27 =	vunpack.i.l.bf16.f32 v27;
	v25 =	vmul.bf16 v25, v31;
	v31 =	vld [tilespmem:s31+$0x50]  }
0x38a: {  	v22 =	vadd.f32 v23, v22;
	v23 =	vadd.f32 v27, v30;
	v27 =	vld [tilespmem:s28+$0x50]  }
0x38b: {  	v30 =	vunpack.i.u.bf16.f32 v25;
	v25 =	vunpack.i.l.bf16.f32 v25;
	v26 =	vmul.bf16 v26, v32;
	v32 =	vld [tilespmem:s31+$0x60]  }
0x38c: {  	v25 =	vadd.f32 v25, v30;
	v30 =	vld [tilespmem:s28+$0x60];
	v23 =	vadd.f32 v23, v24  }
0x38d: {  	v24 =	vunpack.i.u.bf16.f32 v26;
	v26 =	vunpack.i.l.bf16.f32 v26;
	v28 =	vmul.bf16 v28, v33;
	v33 =	vld [tilespmem:s31+$0x70]  }
0x38e: {  	v18 =	vadd.f32 v18, v16;
	v16 =	vadd.f32 v26, v24;
	v24 =	vld [tilespmem:s28+$0x70]  }
0x38f: {  	v26 =	vunpack.i.u.bf16.f32 v28;
	v28 =	vunpack.i.l.bf16.f32 v28;
	v27 =	vmul.bf16 v27, v31;
	v31 =	vld [tilespmem:s31+$0x80]  }
0x390: {  	v26 =	vadd.f32 v28, v26;
	v16 =	vadd.f32 v16, v25;
	v25 =	vld [tilespmem:s28+$0x80]  }
0x391: {  	v28 =	vunpack.i.u.bf16.f32 v27;
	v27 =	vunpack.i.l.bf16.f32 v27;
	v30 =	vmul.bf16 v30, v32;
	v32 =	vld [tilespmem:s31+$0x90]  }
0x392: {  	v34 =	vadd.f32 v21, v17;
	v17 =	vadd.f32 v27, v28;
	v21 =	vld [tilespmem:s28+$0x90]  }
0x393: {  	v27 =	vunpack.i.u.bf16.f32 v30;
	v28 =	vunpack.i.l.bf16.f32 v30;
	v24 =	vmul.bf16 v24, v33;
	v30 =	vld [tilespmem:s31+$0xA0]  }
0x394: {  	v27 =	vadd.f32 v28, v27;
	v17 =	vadd.f32 v17, v26;
	v26 =	vld [tilespmem:s28+$0xA0]  }
0x395: {  	v28 =	vunpack.i.u.bf16.f32 v24;
	v24 =	vunpack.i.l.bf16.f32 v24;
	v25 =	vmul.bf16 v25, v31;
	v31 =	vld [tilespmem:s31+$0xB0]  }
0x396: {  	v16 =	vadd.f32 v16, v23;
	v24 =	vadd.f32 v24, v28;
	v23 =	vld [tilespmem:s28+$0xB0]  }
0x397: {  	v28 =	vunpack.i.u.bf16.f32 v25;
	v25 =	vunpack.i.l.bf16.f32 v25;
	v21 =	vmul.bf16 v21, v32;
	v32 =	vld [tilespmem:s31+$0xC0]  }
0x398: {  	v24 =	vadd.f32 v24, v27;
	v25 =	vadd.f32 v25, v28;
	v27 =	vld [tilespmem:s28+$0xC0]  }
0x399: {  	v28 =	vunpack.i.u.bf16.f32 v21;
	v21 =	vunpack.i.l.bf16.f32 v21;
	v26 =	vmul.bf16 v26, v30;
	v30 =	vld [tilespmem:s31+$0xD0]  }
0x39a: {  	v17 =	vadd.f32 v24, v17;
	v21 =	vadd.f32 v21, v28;
	v24 =	vld [tilespmem:s28+$0xD0]  }
0x39b: {  	v28 =	vunpack.i.u.bf16.f32 v26;
	v26 =	vunpack.i.l.bf16.f32 v26;
	v23 =	vmul.bf16 v23, v31;
	v31 =	vld [tilespmem:s31+$0xE0]  }
0x39c: {  	v26 =	vadd.f32 v26, v28;
	v28 =	vld [tilespmem:s28+$0xE0];
	v21 =	vadd.f32 v21, v25  }
0x39d: {  	v25 =	vunpack.i.u.bf16.f32 v23;
	v23 =	vunpack.i.l.bf16.f32 v23;
	v27 =	vmul.bf16 v27, v32;
	v32 =	vld [tilespmem:s31+$0xF0]  }
0x39e: {  	v20 =	vadd.f32 v29, v20;
	v23 =	vadd.f32 v23, v25;
	v25 =	vld [tilespmem:s28+$0xF0]  }
0x39f: {  	v29 =	vunpack.i.u.bf16.f32 v27;
	v27 =	vunpack.i.l.bf16.f32 v27;
	v24 =	vmul.bf16 v24, v30;
	v30 =	vld [tilespmem:s31+$0x100]  }
0x3a0: {  	[tilespmem:v15+s21+$0x0] =	vst.idx.msk $0xffff, v20;
	v20 =	vadd.f32 v27, v29;
	v15 =	vadd.f32 v23, v26;
	v23 =	vld [tilespmem:s28+$0x100]  }
0x3a1: {  	v26 =	vunpack.i.u.bf16.f32 v24;
	v24 =	vunpack.i.l.bf16.f32 v24;
	v27 =	vmul.bf16 v28, v31;
	v28 =	vld [tilespmem:s31+$0x110]  }
0x3a2: {  	v24 =	vadd.f32 v24, v26;
	v15 =	vadd.f32 v15, v21;
	v21 =	vld [tilespmem:s28+$0x110]  }
0x3a3: {  	v26 =	vunpack.i.u.bf16.f32 v27;
	v27 =	vunpack.i.l.bf16.f32 v27;
	v25 =	vmul.bf16 v25, v32;
	v29 =	vld [tilespmem:s31+$0x120]  }
0x3a4: {  	v26 =	vadd.f32 v27, v26;
	v20 =	vadd.f32 v24, v20;
	v24 =	vld [tilespmem:s28+$0x120]  }
0x3a5: {  	v27 =	vunpack.i.u.bf16.f32 v25;
	v25 =	vunpack.i.l.bf16.f32 v25;
	v23 =	vmul.bf16 v23, v30;
	v30 =	vld [tilespmem:s31+$0x130]  }
0x3a6: {  	v19 =	vadd.f32 v22, v19;
	v22 =	vadd.f32 v25, v27;
	v25 =	vld [tilespmem:s28+$0x130]  }
0x3a7: {  	v27 =	vunpack.i.u.bf16.f32 v23;
	v23 =	vunpack.i.l.bf16.f32 v23;
	v21 =	vmul.bf16 v21, v28;
	v28 =	vld [tilespmem:s31+$0x140]  }
0x3a8: {  	[tilespmem:v14+s21+$0x0] =	vst.idx.msk $0xffff, v19;
	v14 =	vadd.f32 v22, v26;
	v19 =	vadd.f32 v23, v27;
	v22 =	vld [tilespmem:s28+$0x140]  }
0x3a9: {  	v23 =	vunpack.i.u.bf16.f32 v21;
	v21 =	vunpack.i.l.bf16.f32 v21;
	v24 =	vmul.bf16 v24, v29;
	v27 =	vld [tilespmem:s31+$0x150]  }
0x3aa: {  	v14 =	vadd.f32 v14, v20;
	v26 =	vadd.f32 v21, v23;
	v31 =	vld [tilespmem:s28+$0x150]  }
.Ltmp1:
0x3ab: {  	v20 =	vunpack.i.u.bf16.f32 v24;
	v23 =	vunpack.i.l.bf16.f32 v24;
	v24 =	vmul.bf16 v25, v30;
	v21 =	vld [tilespmem:s31+$0x160];
	(pc) =	sbr.rel @p0 .LBB2_5-.Ltmp1, $4  }
0x3ac: {  	v20 =	vadd.f32 v23, v20;
	v23 =	vld [tilespmem:s28+$0x160];
	v19 =	vadd.f32 v26, v19  }
0x3ad: {  	v25 =	vunpack.i.u.bf16.f32 v24;
	v24 =	vunpack.i.l.bf16.f32 v24;
	v29 =	vmul.bf16 v22, v28;
	v22 =	vld [tilespmem:s31+$0x170]  }
0x3ae: {  	v18 =	vadd.f32 v34, v18;
	v24 =	vadd.f32 v24, v25;
	v25 =	vld [tilespmem:s28+$0x170]  }
0x3af: {  	v26 =	vld [tilespmem:s31+$0xFFFFFE00];
	v28 =	vunpack.i.u.bf16.f32 v29;
	v29 =	vunpack.i.l.bf16.f32 v29;
	v27 =	vmul.bf16 v31, v27;
	s31 =	sadd.s32 $0x400, s31  }
0x3b0: {  	_ =	sdelay $0x1  }
0x3b1: {  	v21 =	vmul.bf16 v23, v21;
	v33 =	vunpack.i.u.bf16.f32 v27;
	v34 =	vunpack.i.l.bf16.f32 v27  }
0x3b2: {  	v28 =	vadd.f32 v29, v28;
	v23 =	vadd.f32 v34, v33;
	v22 =	vmul.bf16 v25, v22  }
0x3b3: {  	v32 =	vunpack.i.u.bf16.f32 v21;
	v21 =	vunpack.i.l.bf16.f32 v21;
	v7 =	vmul.bf16 v7, v26  }
0x3b4: {  	v21 =	vadd.f32 v21, v32;
	v33 =	vunpack.i.u.bf16.f32 v22;
	v22 =	vunpack.i.l.bf16.f32 v22  }
0x3b5: {  	v22 =	vadd.f32 v22, v33;
	v34 =	vunpack.i.u.bf16.f32 v7;
	v7 =	vunpack.i.l.bf16.f32 v7  }
0x3b6: {  	v20 =	vadd.f32 v24, v20;
	v7 =	vadd.f32 v7, v34  }
0x3b7: {  	v23 =	vadd.f32 v23, v28;
	v21 =	vadd.f32 v22, v21  }
0x3b8: {  	v27 =	vadd.f32 v14, v15;
	v5 =	vadd.f32 v5, v7  }
0x3b9: {  	v19 =	vadd.f32 v20, v19;
	v26 =	vadd.f32 v21, v23  }
0x3ba: {  	[tilespmem:v13+s21+$0x0] =	vst.idx.msk $0xffff, v18;
	v25 =	vadd.f32 v17, v16;
	v5 =	vadd.f32 v6, v5  }
0x3bb: {  	[tilespmem:v12+s21+$0x0] =	vst.idx.msk $0xffff, v27;
	v28 =	vadd.f32 v26, v19  }
0x3bc: {  	[tilespmem:v11+s21+$0x0] =	vst.idx.msk $0xffff, v25;
	v5 =	vadd.f32 v8, v5  }
0x3bd: {  	[tilespmem:v10+s21+$0x0] =	vst.idx.msk $0xffff, v28  }
0x3be: {  	[tilespmem:v9+s21+$0x0] =	vst.idx.msk $0xffff, v5  }
0x3bf: {  	v5 =	vld [tilespmem:$0x1FA10];
	_ =	sdelay $0x1  }
0x3c0: {  	v6 =	vld [tilespmem:$0x1FA20];
	_ =	sdelay $0x1  }
0x3c1: {  	v7 =	vld [tilespmem:$0x1FA30]  }
0x3c2: {  	v1 =	vld.idx.msk [tilespmem:v1+s21+$0x0], $0xffff  }
0x3c3: {  	v29 =	vld [tilespmem:$0x1FA40]  }
0x3c4: {  	v30 =	vld [tilespmem:$0x1FA50]  }
0x3c5: {  	v5 =	vld.idx.msk [tilespmem:v5+s21+$0x0], $0xffff  }
0x3c6: {  	v31 =	vld [tilespmem:$0x1FA60]  }
0x3c7: {  	v6 =	vld.idx.msk [tilespmem:v6+s21+$0x0], $0xffff  }
0x3c8: {  	v32 =	vld [tilespmem:$0x1FA70]  }
0x3c9: {  	v7 =	vld.idx.msk [tilespmem:v7+s21+$0x0], $0xffff  }
0x3ca: {  	v33 =	vld [tilespmem:$0x1FA80];
	v1 =	vadd.f32 v5, v1  }
0x3cb: {  	v5 =	vld.idx.msk [tilespmem:v29+s21+$0x0], $0xffff  }
0x3cc: {  	v34 =	vld [tilespmem:$0x1FA90];
	v1 =	vadd.f32 v6, v1  }
0x3cd: {  	v6 =	vld.idx.msk [tilespmem:v30+s21+$0x0], $0xffff  }
0x3ce: {  	v8 =	vld [tilespmem:$0x1FAA0];
	v1 =	vadd.f32 v7, v1  }
0x3cf: {  	v7 =	vld.idx.msk [tilespmem:v31+s21+$0x0], $0xffff  }
0x3d0: {  	v9 =	vld [tilespmem:$0x1FAB0];
	v1 =	vadd.f32 v5, v1  }
0x3d1: {  	v5 =	vld.idx.msk [tilespmem:v32+s21+$0x0], $0xffff  }
0x3d2: {  	v10 =	vld [tilespmem:$0x1FAC0];
	v1 =	vadd.f32 v6, v1  }
0x3d3: {  	v6 =	vld.idx.msk [tilespmem:v33+s21+$0x0], $0xffff  }
0x3d4: {  	v11 =	vld [tilespmem:$0x1FAD0];
	v1 =	vadd.f32 v7, v1  }
0x3d5: {  	v7 =	vld.idx.msk [tilespmem:v34+s21+$0x0], $0xffff  }
0x3d6: {  	v12 =	vld [tilespmem:$0x1FAE0];
	v1 =	vadd.f32 v5, v1  }
0x3d7: {  	v5 =	vld.idx.msk [tilespmem:v8+s21+$0x0], $0xffff  }
0x3d8: {  	v13 =	vld [tilespmem:$0x1FAF0];
	v1 =	vadd.f32 v6, v1  }
0x3d9: {  	v6 =	vld.idx.msk [tilespmem:v9+s21+$0x0], $0xffff  }
0x3da: {  	v1 =	vadd.f32 v7, v1  }
0x3db: {  	v7 =	vld.idx.msk [tilespmem:v10+s21+$0x0], $0xffff  }
0x3dc: {  	v1 =	vadd.f32 v5, v1  }
0x3dd: {  	v5 =	vld.idx.msk [tilespmem:v11+s21+$0x0], $0xffff  }
0x3de: {  	v1 =	vadd.f32 v6, v1  }
0x3df: {  	v6 =	vld.idx.msk [tilespmem:v12+s21+$0x0], $0xffff  }
0x3e0: {  	v1 =	vadd.f32 v7, v1  }
0x3e1: {  	v7 =	vld.idx.msk [tilespmem:v13+s21+$0x0], $0xffff  }
0x3e2: {  	v1 =	vadd.f32 v5, v1;
	_ =	sdelay $0x1  }
0x3e3: {  	v1 =	vadd.f32 v6, v1;
	_ =	sdelay $0x1  }
0x3e4: {  	v1 =	vadd.f32 v7, v1;
	_ =	sdelay $0x1  }
0x3e5: {  	v1 =	vsub.f32 $0.0e+00, v1;
	_ =	sdelay $0x1  }
0x3e6: {  	v1 =	vmul.f32 $1.442695020e+00, v1;
	_ =	sdelay $0x1  }
0x3e7: {  	(erf) = vpow2.f32 v1;
	_ =	sdelay $0x8  }
0x3e8: {  	v1 =	vpop (erf)  }
0x3e9: {  	v1 =	vadd.f32 $1.000000000e+00, v1;
	_ =	sdelay $0x1  }
0x3ea: {  	(erf) = vrcp.f32 v1;
	_ =	sdelay $0x8  }
0x3eb: {  	v14 =	vld [tilespmem:$0x1FB10];
	v1 =	vpop (erf)  }
0x3ec: {  	[tilespmem:$0x10A80] =	vst v1;
	v1 =	vld [tilespmem:$0x1FB00];
	_ =	sdelay $0x1  }
0x3ed: {  	v15 =	vld [tilespmem:$0x1FB20];
	_ =	sdelay $0x1  }
0x3ee: {  	v16 =	vld [tilespmem:$0x1FB30]  }
0x3ef: {  	v17 =	vld [tilespmem:$0x1FB40]  }
0x3f0: {  	v18 =	vld [tilespmem:$0x1FB50]  }
0x3f1: {  	v5 =	vld.idx.msk [tilespmem:v14+s21+$0x0], $0xffff  }
0x3f2: {  	v1 =	vld.idx.msk [tilespmem:v1+s21+$0x0], $0xffff  }
0x3f3: {  	v19 =	vld [tilespmem:$0x1FB60]  }
0x3f4: {  	v6 =	vld.idx.msk [tilespmem:v15+s21+$0x0], $0xffff  }
0x3f5: {  	v20 =	vld [tilespmem:$0x1FB70]  }
0x3f6: {  	v7 =	vld.idx.msk [tilespmem:v16+s21+$0x0], $0xffff  }
0x3f7: {  	v21 =	vld [tilespmem:$0x1FB80];
	v1 =	vadd.f32 v5, v1  }
0x3f8: {  	v5 =	vld.idx.msk [tilespmem:v17+s21+$0x0], $0xffff  }
0x3f9: {  	v22 =	vld [tilespmem:$0x1FB90];
	v1 =	vadd.f32 v6, v1  }
0x3fa: {  	v6 =	vld.idx.msk [tilespmem:v18+s21+$0x0], $0xffff  }
0x3fb: {  	v23 =	vld [tilespmem:$0x1FBA0];
	v1 =	vadd.f32 v7, v1  }
0x3fc: {  	v7 =	vld.idx.msk [tilespmem:v19+s21+$0x0], $0xffff  }
0x3fd: {  	v24 =	vld [tilespmem:$0x1FBB0];
	v1 =	vadd.f32 v5, v1  }
0x3fe: {  	v5 =	vld.idx.msk [tilespmem:v20+s21+$0x0], $0xffff  }
0x3ff: {  	v25 =	vld [tilespmem:$0x1FBC0];
	v1 =	vadd.f32 v6, v1  }
0x400: {  	v6 =	vld.idx.msk [tilespmem:v21+s21+$0x0], $0xffff  }
0x401: {  	v26 =	vld [tilespmem:$0x1FBD0];
	v1 =	vadd.f32 v7, v1  }
0x402: {  	v7 =	vld.idx.msk [tilespmem:v22+s21+$0x0], $0xffff  }
0x403: {  	v27 =	vld [tilespmem:$0x1FBE0];
	v1 =	vadd.f32 v5, v1  }
0x404: {  	v5 =	vld.idx.msk [tilespmem:v23+s21+$0x0], $0xffff  }
0x405: {  	v28 =	vld [tilespmem:$0x1FBF0];
	v1 =	vadd.f32 v6, v1  }
0x406: {  	v6 =	vld.idx.msk [tilespmem:v24+s21+$0x0], $0xffff  }
0x407: {  	v1 =	vadd.f32 v7, v1  }
0x408: {  	v7 =	vld.idx.msk [tilespmem:v25+s21+$0x0], $0xffff  }
0x409: {  	v1 =	vadd.f32 v5, v1  }
0x40a: {  	v5 =	vld.idx.msk [tilespmem:v26+s21+$0x0], $0xffff  }
0x40b: {  	v1 =	vadd.f32 v6, v1  }
0x40c: {  	v6 =	vld.idx.msk [tilespmem:v27+s21+$0x0], $0xffff  }
0x40d: {  	v1 =	vadd.f32 v7, v1  }
0x40e: {  	v7 =	vld.idx.msk [tilespmem:v28+s21+$0x0], $0xffff  }
0x40f: {  	v1 =	vadd.f32 v5, v1;
	_ =	sdelay $0x1  }
0x410: {  	v1 =	vadd.f32 v6, v1;
	_ =	sdelay $0x1  }
0x411: {  	v1 =	vadd.f32 v7, v1;
	_ =	sdelay $0x1  }
0x412: {  	v1 =	vsub.f32 $0.0e+00, v1;
	_ =	sdelay $0x1  }
0x413: {  	v1 =	vmul.f32 $1.442695020e+00, v1;
	_ =	sdelay $0x1  }
0x414: {  	(erf) = vpow2.f32 v1;
	_ =	sdelay $0x8  }
0x415: {  	v1 =	vpop (erf)  }
0x416: {  	v1 =	vadd.f32 $1.000000000e+00, v1;
	_ =	sdelay $0x1  }
0x417: {  	(erf) = vrcp.f32 v1;
	_ =	sdelay $0x8  }
0x418: {  	v29 =	vld [tilespmem:$0x1FC10];
	v1 =	vpop (erf)  }
0x419: {  	[tilespmem:$0x10A90] =	vst v1;
	v1 =	vld [tilespmem:$0x1FC00];
	_ =	sdelay $0x1  }
0x41a: {  	v30 =	vld [tilespmem:$0x1FC20];
	_ =	sdelay $0x1  }
0x41b: {  	v31 =	vld [tilespmem:$0x1FC30]  }
0x41c: {  	v32 =	vld [tilespmem:$0x1FC40]  }
0x41d: {  	v33 =	vld [tilespmem:$0x1FC50]  }
0x41e: {  	v5 =	vld.idx.msk [tilespmem:v29+s21+$0x0], $0xffff  }
0x41f: {  	v1 =	vld.idx.msk [tilespmem:v1+s21+$0x0], $0xffff  }
0x420: {  	v34 =	vld [tilespmem:$0x1FC60]  }
0x421: {  	v6 =	vld.idx.msk [tilespmem:v30+s21+$0x0], $0xffff  }
0x422: {  	v8 =	vld [tilespmem:$0x1FC70]  }
0x423: {  	v7 =	vld.idx.msk [tilespmem:v31+s21+$0x0], $0xffff  }
0x424: {  	v9 =	vld [tilespmem:$0x1FC80];
	v1 =	vadd.f32 v5, v1  }
0x425: {  	v5 =	vld.idx.msk [tilespmem:v32+s21+$0x0], $0xffff  }
0x426: {  	v10 =	vld [tilespmem:$0x1FC90];
	v1 =	vadd.f32 v6, v1  }
0x427: {  	v6 =	vld.idx.msk [tilespmem:v33+s21+$0x0], $0xffff  }
0x428: {  	v11 =	vld [tilespmem:$0x1FCA0];
	v1 =	vadd.f32 v7, v1  }
0x429: {  	v7 =	vld.idx.msk [tilespmem:v34+s21+$0x0], $0xffff  }
0x42a: {  	v12 =	vld [tilespmem:$0x1FCB0];
	v1 =	vadd.f32 v5, v1  }
0x42b: {  	v5 =	vld.idx.msk [tilespmem:v8+s21+$0x0], $0xffff  }
0x42c: {  	v13 =	vld [tilespmem:$0x1FCC0];
	v1 =	vadd.f32 v6, v1  }
0x42d: {  	v6 =	vld.idx.msk [tilespmem:v9+s21+$0x0], $0xffff  }
0x42e: {  	v14 =	vld [tilespmem:$0x1FCD0];
	v1 =	vadd.f32 v7, v1  }
0x42f: {  	v7 =	vld.idx.msk [tilespmem:v10+s21+$0x0], $0xffff  }
0x430: {  	v15 =	vld [tilespmem:$0x1FCE0];
	v1 =	vadd.f32 v5, v1  }
0x431: {  	v5 =	vld.idx.msk [tilespmem:v11+s21+$0x0], $0xffff  }
0x432: {  	v16 =	vld [tilespmem:$0x1FCF0];
	v1 =	vadd.f32 v6, v1  }
0x433: {  	v6 =	vld.idx.msk [tilespmem:v12+s21+$0x0], $0xffff  }
0x434: {  	v1 =	vadd.f32 v7, v1  }
0x435: {  	v7 =	vld.idx.msk [tilespmem:v13+s21+$0x0], $0xffff  }
0x436: {  	v1 =	vadd.f32 v5, v1  }
0x437: {  	v5 =	vld.idx.msk [tilespmem:v14+s21+$0x0], $0xffff  }
0x438: {  	v1 =	vadd.f32 v6, v1  }
0x439: {  	v6 =	vld.idx.msk [tilespmem:v15+s21+$0x0], $0xffff  }
0x43a: {  	v1 =	vadd.f32 v7, v1  }
0x43b: {  	v7 =	vld.idx.msk [tilespmem:v16+s21+$0x0], $0xffff  }
0x43c: {  	v1 =	vadd.f32 v5, v1;
	_ =	sdelay $0x1  }
0x43d: {  	v1 =	vadd.f32 v6, v1;
	_ =	sdelay $0x1  }
0x43e: {  	v1 =	vadd.f32 v7, v1;
	_ =	sdelay $0x1  }
0x43f: {  	v1 =	vsub.f32 $0.0e+00, v1;
	_ =	sdelay $0x1  }
0x440: {  	v1 =	vmul.f32 $1.442695020e+00, v1;
	_ =	sdelay $0x1  }
0x441: {  	(erf) = vpow2.f32 v1;
	_ =	sdelay $0x8  }
0x442: {  	v1 =	vpop (erf)  }
0x443: {  	v1 =	vadd.f32 $1.000000000e+00, v1;
	_ =	sdelay $0x1  }
0x444: {  	(erf) = vrcp.f32 v1;
	_ =	sdelay $0x8  }
0x445: {  	v17 =	vld [tilespmem:$0x1FD10];
	v1 =	vpop (erf)  }
0x446: {  	[tilespmem:$0x10AA0] =	vst v1;
	v1 =	vld [tilespmem:$0x1FD00];
	_ =	sdelay $0x1  }
0x447: {  	v18 =	vld [tilespmem:$0x1FD20];
	_ =	sdelay $0x1  }
0x448: {  	v19 =	vld [tilespmem:$0x1FD30]  }
0x449: {  	v20 =	vld [tilespmem:$0x1FD40]  }
0x44a: {  	v21 =	vld [tilespmem:$0x1FD50]  }
0x44b: {  	v5 =	vld.idx.msk [tilespmem:v17+s21+$0x0], $0xffff  }
0x44c: {  	v1 =	vld.idx.msk [tilespmem:v1+s21+$0x0], $0xffff  }
0x44d: {  	v22 =	vld [tilespmem:$0x1FD60]  }
0x44e: {  	v6 =	vld.idx.msk [tilespmem:v18+s21+$0x0], $0xffff  }
0x44f: {  	v23 =	vld [tilespmem:$0x1FD70]  }
0x450: {  	v7 =	vld.idx.msk [tilespmem:v19+s21+$0x0], $0xffff  }
0x451: {  	v24 =	vld [tilespmem:$0x1FD80];
	v1 =	vadd.f32 v5, v1  }
0x452: {  	v5 =	vld.idx.msk [tilespmem:v20+s21+$0x0], $0xffff  }
0x453: {  	v25 =	vld [tilespmem:$0x1FD90];
	v1 =	vadd.f32 v6, v1  }
0x454: {  	v6 =	vld.idx.msk [tilespmem:v21+s21+$0x0], $0xffff  }
0x455: {  	v26 =	vld [tilespmem:$0x1FDA0];
	v1 =	vadd.f32 v7, v1  }
0x456: {  	v7 =	vld.idx.msk [tilespmem:v22+s21+$0x0], $0xffff  }
0x457: {  	v27 =	vld [tilespmem:$0x1FDB0];
	v1 =	vadd.f32 v5, v1  }
0x458: {  	v5 =	vld.idx.msk [tilespmem:v23+s21+$0x0], $0xffff  }
0x459: {  	v28 =	vld [tilespmem:$0x1FDC0];
	v1 =	vadd.f32 v6, v1  }
0x45a: {  	v6 =	vld.idx.msk [tilespmem:v24+s21+$0x0], $0xffff  }
0x45b: {  	v29 =	vld [tilespmem:$0x1FDD0];
	v1 =	vadd.f32 v7, v1  }
0x45c: {  	v7 =	vld.idx.msk [tilespmem:v25+s21+$0x0], $0xffff  }
0x45d: {  	v30 =	vld [tilespmem:$0x1FDE0];
	v1 =	vadd.f32 v5, v1  }
0x45e: {  	v5 =	vld.idx.msk [tilespmem:v26+s21+$0x0], $0xffff  }
0x45f: {  	v31 =	vld [tilespmem:$0x1FDF0];
	v1 =	vadd.f32 v6, v1  }
0x460: {  	v6 =	vld.idx.msk [tilespmem:v27+s21+$0x0], $0xffff  }
0x461: {  	v1 =	vadd.f32 v7, v1  }
0x462: {  	v7 =	vld.idx.msk [tilespmem:v28+s21+$0x0], $0xffff  }
0x463: {  	v1 =	vadd.f32 v5, v1  }
0x464: {  	v5 =	vld.idx.msk [tilespmem:v29+s21+$0x0], $0xffff  }
0x465: {  	v1 =	vadd.f32 v6, v1  }
0x466: {  	v6 =	vld.idx.msk [tilespmem:v30+s21+$0x0], $0xffff  }
0x467: {  	v1 =	vadd.f32 v7, v1  }
0x468: {  	v7 =	vld.idx.msk [tilespmem:v31+s21+$0x0], $0xffff  }
0x469: {  	v1 =	vadd.f32 v5, v1;
	_ =	sdelay $0x1  }
0x46a: {  	v1 =	vadd.f32 v6, v1;
	_ =	sdelay $0x1  }
0x46b: {  	v1 =	vadd.f32 v7, v1;
	_ =	sdelay $0x1  }
0x46c: {  	v1 =	vsub.f32 $0.0e+00, v1;
	_ =	sdelay $0x1  }
0x46d: {  	v1 =	vmul.f32 $1.442695020e+00, v1;
	_ =	sdelay $0x1  }
0x46e: {  	(erf) = vpow2.f32 v1;
	_ =	sdelay $0x8  }
0x46f: {  	v1 =	vpop (erf)  }
0x470: {  	v1 =	vadd.f32 $1.000000000e+00, v1;
	_ =	sdelay $0x1  }
0x471: {  	(erf) = vrcp.f32 v1;
	_ =	sdelay $0x8  }
0x472: {  	v32 =	vld [tilespmem:$0x1FE10];
	v1 =	vpop (erf)  }
0x473: {  	[tilespmem:$0x10AB0] =	vst v1;
	v1 =	vld [tilespmem:$0x1FE00];
	_ =	sdelay $0x1  }
0x474: {  	v33 =	vld [tilespmem:$0x1FE20];
	_ =	sdelay $0x1  }
0x475: {  	v34 =	vld [tilespmem:$0x1FE30]  }
0x476: {  	v8 =	vld [tilespmem:$0x1FE40]  }
0x477: {  	v9 =	vld [tilespmem:$0x1FE50]  }
0x478: {  	v5 =	vld.idx.msk [tilespmem:v32+s21+$0x0], $0xffff  }
0x479: {  	v1 =	vld.idx.msk [tilespmem:v1+s21+$0x0], $0xffff  }
0x47a: {  	v10 =	vld [tilespmem:$0x1FE60]  }
0x47b: {  	v6 =	vld.idx.msk [tilespmem:v33+s21+$0x0], $0xffff  }
0x47c: {  	v11 =	vld [tilespmem:$0x1FE70]  }
0x47d: {  	v7 =	vld.idx.msk [tilespmem:v34+s21+$0x0], $0xffff  }
0x47e: {  	v12 =	vld [tilespmem:$0x1FE80];
	v1 =	vadd.f32 v5, v1  }
0x47f: {  	v5 =	vld.idx.msk [tilespmem:v8+s21+$0x0], $0xffff  }
0x480: {  	v13 =	vld [tilespmem:$0x1FE90];
	v1 =	vadd.f32 v6, v1  }
0x481: {  	v6 =	vld.idx.msk [tilespmem:v9+s21+$0x0], $0xffff  }
0x482: {  	v14 =	vld [tilespmem:$0x1FEA0];
	v1 =	vadd.f32 v7, v1  }
0x483: {  	v7 =	vld.idx.msk [tilespmem:v10+s21+$0x0], $0xffff  }
0x484: {  	v15 =	vld [tilespmem:$0x1FEB0];
	v1 =	vadd.f32 v5, v1  }
0x485: {  	v5 =	vld.idx.msk [tilespmem:v11+s21+$0x0], $0xffff  }
0x486: {  	v16 =	vld [tilespmem:$0x1FEC0];
	v1 =	vadd.f32 v6, v1  }
0x487: {  	v6 =	vld.idx.msk [tilespmem:v12+s21+$0x0], $0xffff  }
0x488: {  	v17 =	vld [tilespmem:$0x1FED0];
	v1 =	vadd.f32 v7, v1  }
0x489: {  	v7 =	vld.idx.msk [tilespmem:v13+s21+$0x0], $0xffff  }
0x48a: {  	v18 =	vld [tilespmem:$0x1FEE0];
	v1 =	vadd.f32 v5, v1  }
0x48b: {  	v5 =	vld.idx.msk [tilespmem:v14+s21+$0x0], $0xffff  }
0x48c: {  	v19 =	vld [tilespmem:$0x1FEF0];
	v1 =	vadd.f32 v6, v1  }
0x48d: {  	v6 =	vld.idx.msk [tilespmem:v15+s21+$0x0], $0xffff  }
0x48e: {  	v1 =	vadd.f32 v7, v1  }
0x48f: {  	v7 =	vld.idx.msk [tilespmem:v16+s21+$0x0], $0xffff  }
0x490: {  	v1 =	vadd.f32 v5, v1  }
0x491: {  	v5 =	vld.idx.msk [tilespmem:v17+s21+$0x0], $0xffff  }
0x492: {  	v1 =	vadd.f32 v6, v1  }
0x493: {  	v6 =	vld.idx.msk [tilespmem:v18+s21+$0x0], $0xffff  }
0x494: {  	v1 =	vadd.f32 v7, v1  }
0x495: {  	v7 =	vld.idx.msk [tilespmem:v19+s21+$0x0], $0xffff  }
0x496: {  	v1 =	vadd.f32 v5, v1;
	_ =	sdelay $0x1  }
0x497: {  	v1 =	vadd.f32 v6, v1;
	_ =	sdelay $0x1  }
0x498: {  	v1 =	vadd.f32 v7, v1;
	_ =	sdelay $0x1  }
0x499: {  	v1 =	vsub.f32 $0.0e+00, v1;
	_ =	sdelay $0x1  }
0x49a: {  	v1 =	vmul.f32 $1.442695020e+00, v1;
	_ =	sdelay $0x1  }
0x49b: {  	(erf) = vpow2.f32 v1;
	_ =	sdelay $0x8  }
0x49c: {  	v1 =	vpop (erf)  }
0x49d: {  	v1 =	vadd.f32 $1.000000000e+00, v1;
	_ =	sdelay $0x1  }
0x49e: {  	(erf) = vrcp.f32 v1;
	_ =	sdelay $0x8  }
0x49f: {  	v20 =	vld [tilespmem:$0x1FF10];
	v1 =	vpop (erf)  }
0x4a0: {  	[tilespmem:$0x10AC0] =	vst v1;
	v1 =	vld [tilespmem:$0x1FF00];
	_ =	sdelay $0x1  }
0x4a1: {  	v21 =	vld [tilespmem:$0x1FF20];
	_ =	sdelay $0x1  }
0x4a2: {  	v22 =	vld [tilespmem:$0x1FF30]  }
0x4a3: {  	v23 =	vld [tilespmem:$0x1FF40]  }
0x4a4: {  	v24 =	vld [tilespmem:$0x1FF50]  }
0x4a5: {  	v5 =	vld.idx.msk [tilespmem:v20+s21+$0x0], $0xffff  }
0x4a6: {  	v1 =	vld.idx.msk [tilespmem:v1+s21+$0x0], $0xffff  }
0x4a7: {  	v25 =	vld [tilespmem:$0x1FF60]  }
0x4a8: {  	v6 =	vld.idx.msk [tilespmem:v21+s21+$0x0], $0xffff  }
0x4a9: {  	v26 =	vld [tilespmem:$0x1FF70]  }
0x4aa: {  	v7 =	vld.idx.msk [tilespmem:v22+s21+$0x0], $0xffff  }
0x4ab: {  	v27 =	vld [tilespmem:$0x1FF80];
	v1 =	vadd.f32 v5, v1  }
0x4ac: {  	v5 =	vld.idx.msk [tilespmem:v23+s21+$0x0], $0xffff  }
0x4ad: {  	v28 =	vld [tilespmem:$0x1FF90];
	v1 =	vadd.f32 v6, v1  }
0x4ae: {  	v6 =	vld.idx.msk [tilespmem:v24+s21+$0x0], $0xffff  }
0x4af: {  	v29 =	vld [tilespmem:$0x1FFA0];
	v1 =	vadd.f32 v7, v1  }
0x4b0: {  	v7 =	vld.idx.msk [tilespmem:v25+s21+$0x0], $0xffff  }
0x4b1: {  	v30 =	vld [tilespmem:$0x1FFB0];
	v1 =	vadd.f32 v5, v1  }
0x4b2: {  	v5 =	vld.idx.msk [tilespmem:v26+s21+$0x0], $0xffff  }
0x4b3: {  	v31 =	vld [tilespmem:$0x1FFC0];
	v1 =	vadd.f32 v6, v1  }
0x4b4: {  	v6 =	vld.idx.msk [tilespmem:v27+s21+$0x0], $0xffff  }
0x4b5: {  	v32 =	vld [tilespmem:$0x1FFD0];
	v1 =	vadd.f32 v7, v1  }
0x4b6: {  	v7 =	vld.idx.msk [tilespmem:v28+s21+$0x0], $0xffff  }
0x4b7: {  	v33 =	vld [tilespmem:$0x1FFE0];
	v1 =	vadd.f32 v5, v1  }
0x4b8: {  	v5 =	vld.idx.msk [tilespmem:v29+s21+$0x0], $0xffff  }
0x4b9: {  	v34 =	vld [tilespmem:$0x1FFF0];
	v1 =	vadd.f32 v6, v1  }
0x4ba: {  	v6 =	vld.idx.msk [tilespmem:v30+s21+$0x0], $0xffff  }
0x4bb: {  	v1 =	vadd.f32 v7, v1  }
0x4bc: {  	v7 =	vld.idx.msk [tilespmem:v31+s21+$0x0], $0xffff  }
0x4bd: {  	v1 =	vadd.f32 v5, v1  }
0x4be: {  	v5 =	vld.idx.msk [tilespmem:v32+s21+$0x0], $0xffff  }
0x4bf: {  	v1 =	vadd.f32 v6, v1  }
0x4c0: {  	v6 =	vld.idx.msk [tilespmem:v33+s21+$0x0], $0xffff  }
0x4c1: {  	v1 =	vadd.f32 v7, v1  }
0x4c2: {  	v7 =	vld.idx.msk [tilespmem:v34+s21+$0x0], $0xffff  }
0x4c3: {  	v1 =	vadd.f32 v5, v1;
	_ =	sdelay $0x1  }
0x4c4: {  	v1 =	vadd.f32 v6, v1;
	_ =	sdelay $0x1  }
0x4c5: {  	v1 =	vadd.f32 v7, v1;
	_ =	sdelay $0x1  }
0x4c6: {  	v1 =	vsub.f32 $0.0e+00, v1;
	_ =	sdelay $0x1  }
0x4c7: {  	v1 =	vmul.f32 $1.442695020e+00, v1;
	_ =	sdelay $0x1  }
0x4c8: {  	(erf) = vpow2.f32 v1;
	_ =	sdelay $0x8  }
0x4c9: {  	v1 =	vpop (erf)  }
0x4ca: {  	v1 =	vadd.f32 $1.000000000e+00, v1;
	_ =	sdelay $0x1  }
0x4cb: {  	(erf) = vrcp.f32 v1;
	_ =	sdelay $0x8  }
0x4cc: {  	v1 =	vpop (erf)  }
0x4cd: {  	[tilespmem:$0x10AD0] =	vst v1  }
0x4ce: {  	v1 =	vld.idx.msk [tilespmem:v35+s21+$0x0], $0xffff  }
0x4cf: {  	v36 =	vld.idx.msk [tilespmem:v36+s21+$0x0], $0xffff;
	_ =	sdelay $0x1  }
0x4d0: {  	v37 =	vld.idx.msk [tilespmem:v37+s21+$0x0], $0xffff;
	_ =	sdelay $0x1  }
0x4d1: {  	v38 =	vld.idx.msk [tilespmem:v38+s21+$0x0], $0xffff  }
0x4d2: {  	v1 =	vadd.f32 v36, v1  }
0x4d3: {  	v39 =	vld.idx.msk [tilespmem:v39+s21+$0x0], $0xffff  }
0x4d4: {  	v1 =	vadd.f32 v37, v1  }
0x4d5: {  	v40 =	vld.idx.msk [tilespmem:v40+s21+$0x0], $0xffff  }
0x4d6: {  	v1 =	vadd.f32 v38, v1  }
0x4d7: {  	v41 =	vld.idx.msk [tilespmem:v41+s21+$0x0], $0xffff  }
0x4d8: {  	v1 =	vadd.f32 v39, v1  }
0x4d9: {  	v42 =	vld.idx.msk [tilespmem:v42+s21+$0x0], $0xffff  }
0x4da: {  	v1 =	vadd.f32 v40, v1  }
0x4db: {  	v43 =	vld.idx.msk [tilespmem:v43+s21+$0x0], $0xffff  }
0x4dc: {  	v1 =	vadd.f32 v41, v1  }
0x4dd: {  	v44 =	vld.idx.msk [tilespmem:v44+s21+$0x0], $0xffff  }
0x4de: {  	v1 =	vadd.f32 v42, v1  }
0x4df: {  	v45 =	vld.idx.msk [tilespmem:v45+s21+$0x0], $0xffff  }
0x4e0: {  	v1 =	vadd.f32 v43, v1  }
0x4e1: {  	v46 =	vld.idx.msk [tilespmem:v46+s21+$0x0], $0xffff  }
0x4e2: {  	v1 =	vadd.f32 v44, v1  }
0x4e3: {  	v47 =	vld.idx.msk [tilespmem:v47+s21+$0x0], $0xffff  }
0x4e4: {  	v1 =	vadd.f32 v45, v1  }
0x4e5: {  	v48 =	vld.idx.msk [tilespmem:v48+s21+$0x0], $0xffff  }
0x4e6: {  	v1 =	vadd.f32 v46, v1  }
0x4e7: {  	v49 =	vld.idx.msk [tilespmem:v49+s21+$0x0], $0xffff  }
0x4e8: {  	v1 =	vadd.f32 v47, v1  }
0x4e9: {  	v50 =	vld.idx.msk [tilespmem:v50+s21+$0x0], $0xffff  }
0x4ea: {  	v1 =	vadd.f32 v48, v1;
	_ =	sdelay $0x1  }
0x4eb: {  	v1 =	vadd.f32 v49, v1;
	_ =	sdelay $0x1  }
0x4ec: {  	v1 =	vadd.f32 v50, v1;
	_ =	sdelay $0x1  }
0x4ed: {  	v1 =	vsub.f32 $0.0e+00, v1;
	_ =	sdelay $0x1  }
0x4ee: {  	v1 =	vmul.f32 $1.442695020e+00, v1;
	_ =	sdelay $0x1  }
0x4ef: {  	(erf) = vpow2.f32 v1;
	_ =	sdelay $0x8  }
0x4f0: {  	v1 =	vpop (erf)  }
0x4f1: {  	v1 =	vadd.f32 $1.000000000e+00, v1;
	_ =	sdelay $0x1  }
0x4f2: {  	(erf) = vrcp.f32 v1;
	_ =	sdelay $0x8  }
0x4f3: {  	v1 =	vpop (erf)  }
0x4f4: {  	[tilespmem:$0x10AE0] =	vst v1  }
0x4f5: {  	v1 =	vld.idx.msk [tilespmem:v51+s21+$0x0], $0xffff  }
0x4f6: {  	v52 =	vld.idx.msk [tilespmem:v52+s21+$0x0], $0xffff;
	_ =	sdelay $0x1  }
0x4f7: {  	v53 =	vld.idx.msk [tilespmem:v53+s21+$0x0], $0xffff;
	_ =	sdelay $0x1  }
0x4f8: {  	v54 =	vld.idx.msk [tilespmem:v54+s21+$0x0], $0xffff  }
0x4f9: {  	v1 =	vadd.f32 v52, v1  }
0x4fa: {  	v55 =	vld.idx.msk [tilespmem:v55+s21+$0x0], $0xffff  }
0x4fb: {  	v1 =	vadd.f32 v53, v1  }
0x4fc: {  	v56 =	vld.idx.msk [tilespmem:v56+s21+$0x0], $0xffff  }
0x4fd: {  	v1 =	vadd.f32 v54, v1  }
0x4fe: {  	v57 =	vld.idx.msk [tilespmem:v57+s21+$0x0], $0xffff  }
0x4ff: {  	v1 =	vadd.f32 v55, v1  }
0x500: {  	v58 =	vld.idx.msk [tilespmem:v58+s21+$0x0], $0xffff  }
0x501: {  	v1 =	vadd.f32 v56, v1  }
0x502: {  	v59 =	vld.idx.msk [tilespmem:v59+s21+$0x0], $0xffff  }
0x503: {  	v1 =	vadd.f32 v57, v1  }
0x504: {  	v60 =	vld.idx.msk [tilespmem:v60+s21+$0x0], $0xffff  }
0x505: {  	v1 =	vadd.f32 v58, v1  }
0x506: {  	v61 =	vld.idx.msk [tilespmem:v61+s21+$0x0], $0xffff  }
0x507: {  	v1 =	vadd.f32 v59, v1  }
0x508: {  	v62 =	vld.idx.msk [tilespmem:v62+s21+$0x0], $0xffff  }
0x509: {  	v1 =	vadd.f32 v60, v1  }
0x50a: {  	v63 =	vld.idx.msk [tilespmem:v63+s21+$0x0], $0xffff  }
0x50b: {  	v1 =	vadd.f32 v61, v1  }
0x50c: {  	v2 =	vld.idx.msk [tilespmem:v2+s21+$0x0], $0xffff  }
0x50d: {  	v1 =	vadd.f32 v62, v1  }
0x50e: {  	v3 =	vld.idx.msk [tilespmem:v3+s21+$0x0], $0xffff  }
0x50f: {  	v1 =	vadd.f32 v63, v1  }
0x510: {  	v4 =	vld.idx.msk [tilespmem:v4+s21+$0x0], $0xffff  }
0x511: {  	v1 =	vadd.f32 v2, v1;
	_ =	sdelay $0x1  }
0x512: {  	v1 =	vadd.f32 v3, v1;
	_ =	sdelay $0x1  }
0x513: {  	v1 =	vadd.f32 v4, v1;
	_ =	sdelay $0x1  }
0x514: {  	v1 =	vsub.f32 $0.0e+00, v1;
	_ =	sdelay $0x1  }
0x515: {  	v1 =	vmul.f32 $1.442695020e+00, v1;
	_ =	sdelay $0x1  }
0x516: {  	(erf) = vpow2.f32 v1;
	_ =	sdelay $0x8  }
0x517: {  	v1 =	vpop (erf)  }
0x518: {  	v1 =	vadd.f32 $1.000000000e+00, v1;
	_ =	sdelay $0x1  }
0x519: {  	(erf) = vrcp.f32 v1;
	_ =	sdelay $0x7  }
0x51a: {  	s25 =	sadd.s32 $0x1, s25  }
0x51b: {  	p0 =	sne.s32 s25, $0x14;
	v1 =	vpop (erf)  }
.Ltmp2:
0x51c: {  	s0 =	sadd.s32 s2, s26;
	[tilespmem:$0x10AF0] =	vst v1;
	(pc) =	sbr.rel @p0 .LBB2_2-.Ltmp2, $4  }
0x51d: {  	[hbm4b:s0+s4] =	stream.linear.scatter [tilespmem:s22], [sflag:$0x3], $0x80, $0x38;
	[tilespmem:$0x10B00] =	vst v63  }
0x51e: {  	_ =	swait.ge [sflag:s12], $0x80  }
0x51f: {  	[sflag:s12] =	ssyncset.done $0x0  }
0x520: {  	[sflag:s12] =	ssyncadd.s32 $0xFFFFFF80  }
0x521: {  	s3 =	rddreg [dreg:$0x6]  }
0x522: {  	s0 =	rddreg [dreg:$0x5];
	s3 =	sadd.s32 $0x1, s3  }
0x523: {  	p0 =	sne.s32 s3, s0  }
.Ltmp3:
0x524: {  	_ = 	snop;
	(pc) =	sbr.rel @p0 .LBB2_1-.Ltmp3, $1  }
0x525: {  	_ =	sdelay $0x3  }
0x526: {  	_ =	sfence.sel $0x180000  }
0x527: {  	[bflag:$0x0] =	sbarrier.arrive $0xFFFF  }
0x528: {  	_ =	strace $0x90000047  }
0x529: {  	s0 =	stileid.u32;
	[bflag:$0x2] =	sbarrier.arrive $0xFFFF  }
0x52a: {  	p0 =	sne.s32 s0, $0x0;
	s0 =	rddreg [dreg:$0x2]  }
0x52b: {  	s0 =	sadd.s32 @!p0 $0x100000, s0  }
0x52c: {  	[sflag:s0] =	ssyncadd.tile.s32 @!p0 $0x1;
	_ =	shalt  }
.Lfunc_end2:
_tile_overlayer_lowered:
.L_overlay_start_2:
0x52d: {  	(tag) =	ssettag $0x2  }
0x52e: {  	s0 =	rddreg [dreg:$0x0];
	s2 =	stileid.u32  }
0x52f: {  	s1 =	rddreg [dreg:$0x1];
	p0 =	sne.s32 s2, $0x0  }
0x530: {  	s3 =	rddreg [dreg:$0x2];
	[bflag:$0x3] =	sbarrier.arrive $0xFFFF;
	s2 =	simm.s32 @!p0 $0x1C03  }
0x531: {  	[timem:s3], [sflag:s2] =	dma.local @!p0 [hbm:s0], s1  }
0x532: {  	s0 =	simm.s32 @!p0 $0x3  }
0x533: {  	_ =	swait.ge @!p0 [sflag:s0], s1  }
0x534: {  	s1 =	ssub.s32 @!p0 $0x0, s1;
	[sflag:s0] =	ssyncset.done @!p0 $0x0  }
0x535: {  	[sflag:s0] =	ssyncadd.s32 @!p0 s1  }
0x536: {  	[bflag:$0x3] =	sbarrier.arrive $0xFFFF  }
0x537: {  	_ =	shalt  }

</sc_bundles>
